<compile_context>
chip_gen: v7x
topology: tpu7x:2x2x1
jax: 0.10.2.dev20260603
libtpu: 0.0.44.dev20260713+nightly
codegen_flags: <defaults>
</compile_context>

<pallas_src>
import functools

import jax
import jax.numpy as jnp
from jax import lax
from jax.experimental import pallas as pl
from jax.experimental.pallas import tpu as pltpu
from jax.experimental.pallas import tpu_sc as plsc

EMBED = 500
B_TOTAL = 4096 * 50
NW = 32
PER_W = B_TOTAL // NW
GRP = 16
NBANK = 4
NITER = PER_W // (GRP * NBANK)


def _sc_embedding_lookup(idx2, table):
    mesh = plsc.VectorSubcoreMesh(core_axis_name="c", subcore_axis_name="s")

    @functools.partial(
        pl.kernel,
        mesh=mesh,
        compiler_params=pltpu.CompilerParams(
            use_tc_tiling_on_sc=False, needs_layout_passes=False
        ),
        out_type=jax.ShapeDtypeStruct((B_TOTAL, EMBED), jnp.float32),
        scratch_types=[
            pltpu.VMEM((PER_W,), jnp.int32),
        ]
        + [pltpu.VMEM((GRP, EMBED), jnp.float32) for _ in range(NBANK)]
        + [pltpu.SemaphoreType.DMA for _ in range(2 * NBANK)],
    )
    def k(idx_hbm, table_hbm, out_hbm, idx_v, *bufs_and_sems):
        banks = bufs_and_sems[:NBANK]
        sem_i = bufs_and_sems[NBANK:2 * NBANK]
        sem_o = bufs_and_sems[2 * NBANK:]
        wid = lax.axis_index("s") * 2 + lax.axis_index("c")
        base = wid * PER_W
        lanes = lax.iota(jnp.int32, GRP)

        pltpu.sync_copy(idx_hbm.at[wid], idx_v)

        def fire_in(t, u):
            iv = idx_v[pl.ds(t * GRP, GRP)]
            for j in range(GRP):
                i = jnp.sum(jnp.where(lanes == j, iv, 0))
                pltpu.async_copy(table_hbm.at[i], banks[u].at[j], sem_i[u])

        def wait_in(u):
            for _ in range(GRP):
                pltpu.make_async_copy(
                    table_hbm.at[0], banks[u].at[0], sem_i[u]
                ).wait()

        def fire_out(t, u):
            pltpu.async_copy(
                banks[u], out_hbm.at[pl.ds(base + t * GRP, GRP)], sem_o[u]
            )

        def wait_out(u):
            pltpu.make_async_copy(
                banks[u], out_hbm.at[pl.ds(0, GRP)], sem_o[u]
            ).wait()

        def body(it, carry):
            for u in range(NBANK):
                t = NBANK * it + u

                @pl.when(it > 0)
                def _():
                    wait_out(u)

                fire_in(t, u)

            for u in range(NBANK):
                t = NBANK * it + u
                wait_in(u)
                fire_out(t, u)

            return carry

        lax.fori_loop(0, NITER, body, 0)
        for u in range(NBANK):
            wait_out(u)

    return k(idx2, table)


def kernel(x, mask, embed_table):
    del mask
    idx2 = x.reshape(NW, PER_W)
    out = _sc_embedding_lookup(idx2, embed_table)
    return out.reshape(x.shape[0], x.shape[1], EMBED)

# --- scband reference (transcript-rebuilt; emitter-appended) ---
"""Pipeline reference for scband-transformer-40303973106162 (READ-ONLY COPY).

The authoritative reference and input builder live on the scoring server;
editing this copy changes nothing except your own understanding.
"""

import jax, jax.numpy as jnp
import numpy as np

EMBED_SIZE = 500
PAD_IDX = 0
VOCAB = 100000


def setup_inputs(seed: int = 0) -> dict:
    key = jax.random.key(seed)
    kx, kt = jax.random.split(key)
    x = jax.random.randint(kx, (4096, 50), 0, VOCAB, dtype=jnp.int32)
    mask = jnp.ones((4096, 50), dtype=bool)
    embed_table = jax.random.normal(kt, (VOCAB, EMBED_SIZE), dtype=jnp.float32)
    embed_table = embed_table.at[PAD_IDX].set(0.0)
    return {"x": x, "mask": mask, "embed_table": embed_table}


def reference(x, mask, embed_table):
    # Faithful translation of transformer.forward -> encoder.forward:
    # the only real computation is nn.Embedding(vocab_size, EMBED_SIZE, padding_idx=PAD_IDX).
    # The enc_layer / attn stack is an identity pass-through (attn returns x unchanged,
    # enc_layer returns x unchanged), so the effective output is the embedded sequence.
    t = embed_table.at[PAD_IDX].set(0.0)  # padding_idx row is forced to zero
    h = jnp.take(t, x, axis=0)            # embedding lookup (gather)
    # identity layers (NUM_LAYERS = 6, each is a no-op on the tensor)
    for _ in range(6):
        h = h
    return h

if __name__ == "__main__":
    import jax
    _d = setup_inputs()
    print(jax.jit(kernel)(*tuple(_d.values())))

</pallas_src>

<mosaic_0001>
#map = affine_map<(d0, d1) -> (0, 0)>
module attributes {stable_mosaic.version = 14 : i64} {
  func.func @k(%arg0: i32, %arg1: i32, %arg2: memref<32x6400xi32, #tpu.memory_space<hbm>>, %arg3: memref<100000x500xf32, #tpu.memory_space<hbm>>, %arg4: memref<204800x500xf32, #tpu.memory_space<hbm>>, %arg5: memref<6400xi32, #tpu.memory_space<vmem>>, %arg6: memref<16x500xf32, #tpu.memory_space<vmem>>, %arg7: memref<16x500xf32, #tpu.memory_space<vmem>>, %arg8: memref<16x500xf32, #tpu.memory_space<vmem>>, %arg9: memref<16x500xf32, #tpu.memory_space<vmem>>, %arg10: memref<!tpu.dma_semaphore, #tpu.memory_space<semaphore_mem>>, %arg11: memref<!tpu.dma_semaphore, #tpu.memory_space<semaphore_mem>>, %arg12: memref<!tpu.dma_semaphore, #tpu.memory_space<semaphore_mem>>, %arg13: memref<!tpu.dma_semaphore, #tpu.memory_space<semaphore_mem>>, %arg14: memref<!tpu.dma_semaphore, #tpu.memory_space<semaphore_mem>>, %arg15: memref<!tpu.dma_semaphore, #tpu.memory_space<semaphore_mem>>, %arg16: memref<!tpu.dma_semaphore, #tpu.memory_space<semaphore_mem>>, %arg17: memref<!tpu.dma_semaphore, #tpu.memory_space<semaphore_mem>>) attributes {dimension_semantics = [#tpu.dimension_semantics<core_parallel>, #tpu.dimension_semantics<subcore_parallel>], iteration_bounds = array<i64: 2, 16>, scalar_prefetch = 0 : i64, scratch_operands = 13 : i64, tpu.core_type = #tpu.core_type<sc_vector_subcore>, window_params = [{transform_indices = #map}, {transform_indices = #map}, {transform_indices = #map}]} {
    %mul3A = arith.constant 2 : i32
    %mul3A_0 = arith.muli %arg1, %mul3A : i32
    %add3A = arith.addi %mul3A_0, %arg0 : i32
    %mul3A_1 = arith.constant 6400 : i32
    %mul3A_2 = arith.muli %add3A, %mul3A_1 : i32
    %iota3A = tpu.iota {dimensions = array<i32: 0>} : vector<16xi32>
    "tpu.region"() ({
      %run_scoped3A = tpu.sem_alloc : memref<!tpu.dma_semaphore, #tpu.memory_space<semaphore_mem>>
      %dma_start3A = arith.constant 0 : i32
      %dma_start3A_31 = tpu.memref_slice %arg2[%add3A, %dma_start3A] : memref<32x6400xi32, #tpu.memory_space<hbm>> -> memref<1x6400xi32, #tpu.memory_space<hbm>>
      %dma_start3A_32 = tpu.memref_squeeze %dma_start3A_31 : memref<1x6400xi32, #tpu.memory_space<hbm>> -> memref<6400xi32, #tpu.memory_space<hbm>>
      %dma_start3A_33 = arith.constant 0 : i32
      %dma_start3A_34 = tpu.memref_slice %arg2[%add3A, %dma_start3A_33] : memref<32x6400xi32, #tpu.memory_space<hbm>> -> memref<1x6400xi32, #tpu.memory_space<hbm>>
      %dma_start3A_35 = tpu.memref_squeeze %dma_start3A_34 : memref<1x6400xi32, #tpu.memory_space<hbm>> -> memref<6400xi32, #tpu.memory_space<hbm>>
      tpu.enqueue_dma source(%dma_start3A_35 : memref<6400xi32, #tpu.memory_space<hbm>>) target(%arg5 : memref<6400xi32, #tpu.memory_space<vmem>>) target_semaphore(%run_scoped3A : memref<!tpu.dma_semaphore, #tpu.memory_space<semaphore_mem>>)
      %dma_wait3A_36 = arith.constant 0 : i32
      %dma_wait3A_37 = tpu.memref_slice %arg2[%add3A, %dma_wait3A_36] : memref<32x6400xi32, #tpu.memory_space<hbm>> -> memref<1x6400xi32, #tpu.memory_space<hbm>>
      %dma_wait3A_38 = tpu.memref_squeeze %dma_wait3A_37 : memref<1x6400xi32, #tpu.memory_space<hbm>> -> memref<6400xi32, #tpu.memory_space<hbm>>
      %dma_wait3A_39 = arith.constant 0 : i32
      %dma_wait3A_40 = tpu.memref_slice %arg2[%add3A, %dma_wait3A_39] : memref<32x6400xi32, #tpu.memory_space<hbm>> -> memref<1x6400xi32, #tpu.memory_space<hbm>>
      %dma_wait3A_41 = tpu.memref_squeeze %dma_wait3A_40 : memref<1x6400xi32, #tpu.memory_space<hbm>> -> memref<6400xi32, #tpu.memory_space<hbm>>
      tpu.wait_dma2 semaphore(%run_scoped3A : memref<!tpu.dma_semaphore, #tpu.memory_space<semaphore_mem>>) src(%dma_wait3A_41 : memref<6400xi32, #tpu.memory_space<hbm>>) dst(%arg5 : memref<6400xi32, #tpu.memory_space<vmem>>)
      tpu.yield
    }) : () -> ()
    %scan3A = arith.constant 0 : i32
    %scan3A_3 = arith.constant 0 : i32
    %scan3A_4 = arith.constant 100 : i32
    %scan3A_5 = arith.addi %scan3A_3, %scan3A_4 : i32
    %scan3A_6 = arith.constant 1 : i32
    scf.for %scan3A_31 = %scan3A_3 to %scan3A_5 step %scan3A_6  : i32 {
      %mul3A_32 = arith.constant 4 : i32
      %mul3A_33 = arith.muli %mul3A_32, %scan3A_31 : i32
      %add3A_34 = arith.constant 0 : i32
      %add3A_35 = arith.addi %mul3A_33, %add3A_34 : i32
      %gt3A = arith.constant 0 : i32
      %gt3A_36 = arith.cmpi sgt, %scan3A_31, %gt3A : i32
      %convert_element_type3A = arith.extui %gt3A_36 : i1 to i32
      %cond3A = arith.constant 0 : i32
      %cond3A_37 = arith.cmpi ne, %convert_element_type3A, %cond3A : i32
      scf.if %cond3A_37 {
        %dma_wait3A_2486 = arith.constant 0 : i32
        %dma_wait3A_2487 = arith.constant 0 : i32
        %dma_wait3A_2488 = tpu.memref_slice %arg4[%dma_wait3A_2486, %dma_wait3A_2487] : memref<204800x500xf32, #tpu.memory_space<hbm>> -> memref<16x500xf32, #tpu.memory_space<hbm>>
        %dma_wait3A_2489 = arith.constant 0 : i32
        %dma_wait3A_2490 = arith.constant 0 : i32
        %dma_wait3A_2491 = tpu.memref_slice %arg4[%dma_wait3A_2489, %dma_wait3A_2490] : memref<204800x500xf32, #tpu.memory_space<hbm>> -> memref<16x500xf32, #tpu.memory_space<hbm>>
        tpu.wait_dma2 semaphore(%arg14 : memref<!tpu.dma_semaphore, #tpu.memory_space<semaphore_mem>>) src(%arg6 : memref<16x500xf32, #tpu.memory_space<vmem>>) dst(%dma_wait3A_2491 : memref<16x500xf32, #tpu.memory_space<hbm>>)
      } else {
      }
      %mul3A_38 = arith.constant 16 : i32
      %mul3A_39 = arith.muli %add3A_35, %mul3A_38 : i32
      %get3A = arith.index_cast %mul3A_39 : i32 to index
      %get3A_40 = tpu.vector_load %arg5[%get3A] {strides = array<i32>} : memref<6400xi32, #tpu.memory_space<vmem>>, vector<16xi32>,
      %eq3A = arith.constant 0 : i32
      %eq3A_41 = vector.broadcast %eq3A : i32 to vector<16xi32>
      %eq3A_42 = arith.cmpi eq, %iota3A, %eq3A_41 : vector<16xi32>
      %jit3A = arith.constant 0 : i32
      %broadcast_in_dim3A = vector.broadcast %jit3A : i32 to vector<16xi32>
      %select_n3A = arith.select %eq3A_42, %get3A_40, %broadcast_in_dim3A : vector<16xi1>, vector<16xi32>
      %reduce_sum3A = arith.constant true
      %reduce_sum3A_43 = vector.broadcast %reduce_sum3A : i1 to vector<16xi1>
      %reduce_sum3A_44 = tpu.scan <sum>, %select_n3A masked %reduce_sum3A_43 : vector<16xi32>, vector<16xi1> -> vector<16xi32>
      %reduce_sum3A_45 = vector.extract %reduce_sum3A_44[15] : i32 from vector<16xi32>
      %dma_start3A = arith.constant 0 : i32
      %dma_start3A_46 = arith.constant 0 : i32
      %dma_start3A_47 = tpu.memref_slice %arg6[%dma_start3A, %dma_start3A_46] : memref<16x500xf32, #tpu.memory_space<vmem>> -> memref<1x500xf32, #tpu.memory_space<vmem>>
      %dma_start3A_48 = tpu.memref_squeeze %dma_start3A_47 : memref<1x500xf32, #tpu.memory_space<vmem>> -> memref<500xf32, #tpu.memory_space<vmem>>
      %dma_start3A_49 = arith.constant 0 : i32
      %dma_start3A_50 = tpu.memref_slice %arg3[%reduce_sum3A_45, %dma_start3A_49] : memref<100000x500xf32, #tpu.memory_space<hbm>> -> memref<1x500xf32, #tpu.memory_space<hbm>>
      %dma_start3A_51 = tpu.memref_squeeze %dma_start3A_50 : memref<1x500xf32, #tpu.memory_space<hbm>> -> memref<500xf32, #tpu.memory_space<hbm>>
      %dma_start3A_52 = arith.constant 0 : i32
      %dma_start3A_53 = tpu.memref_slice %arg6[%dma_start3A, %dma_start3A_52] : memref<16x500xf32, #tpu.memory_space<vmem>> -> memref<1x500xf32, #tpu.memory_space<vmem>>
      %dma_start3A_54 = tpu.memref_squeeze %dma_start3A_53 : memref<1x500xf32, #tpu.memory_space<vmem>> -> memref<500xf32, #tpu.memory_space<vmem>>
      %dma_start3A_55 = arith.constant 0 : i32
      %dma_start3A_56 = tpu.memref_slice %arg3[%reduce_sum3A_45, %dma_start3A_55] : memref<100000x500xf32, #tpu.memory_space<hbm>> -> memref<1x500xf32, #tpu.memory_space<hbm>>
      %dma_start3A_57 = tpu.memref_squeeze %dma_start3A_56 : memref<1x500xf32, #tpu.memory_space<hbm>> -> memref<500xf32, #tpu.memory_space<hbm>>
      tpu.enqueue_dma source(%dma_start3A_57 : memref<500xf32, #tpu.memory_space<hbm>>) target(%dma_start3A_54 : memref<500xf32, #tpu.memory_space<vmem>>) target_semaphore(%arg10 : memref<!tpu.dma_semaphore, #tpu.memory_space<semaphore_mem>>)
      %eq3A_58 = arith.constant 1 : i32
      %eq3A_59 = vector.broadcast %eq3A_58 : i32 to vector<16xi32>
      %eq3A_60 = arith.cmpi eq, %iota3A, %eq3A_59 : vector<16xi32>
      %jit3A_61 = arith.constant 0 : i32
      %broadcast_in_dim3A_62 = vector.broadcast %jit3A_61 : i32 to vector<16xi32>
      %select_n3A_63 = arith.select %eq3A_60, %get3A_40, %broadcast_in_dim3A_62 : vector<16xi1>, vector<16xi32>
      %reduce_sum3A_64 = arith.constant true
      %reduce_sum3A_65 = vector.broadcast %reduce_sum3A_64 : i1 to vector<16xi1>
      %reduce_sum3A_66 = tpu.scan <sum>, %select_n3A_63 masked %reduce_sum3A_65 : vector<16xi32>, vector<16xi1> -> vector<16xi32>
      %reduce_sum3A_67 = vector.extract %reduce_sum3A_66[15] : i32 from vector<16xi32>
      %dma_start3A_68 = arith.constant 1 : i32
      %dma_start3A_69 = arith.constant 0 : i32
      %dma_start3A_70 = tpu.memref_slice %arg6[%dma_start3A_68, %dma_start3A_69] : memref<16x500xf32, #tpu.memory_space<vmem>> -> memref<1x500xf32, #tpu.memory_space<vmem>>
      %dma_start3A_71 = tpu.memref_squeeze %dma_start3A_70 : memref<1x500xf32, #tpu.memory_space<vmem>> -> memref<500xf32, #tpu.memory_space<vmem>>
      %dma_start3A_72 = arith.constant 0 : i32
      %dma_start3A_73 = tpu.memref_slice %arg3[%reduce_sum3A_67, %dma_start3A_72] : memref<100000x500xf32, #tpu.memory_space<hbm>> -> memref<1x500xf32, #tpu.memory_space<hbm>>
      %dma_start3A_74 = tpu.memref_squeeze %dma_start3A_73 : memref<1x500xf32, #tpu.memory_space<hbm>> -> memref<500xf32, #tpu.memory_space<hbm>>
      %dma_start3A_75 = arith.constant 0 : i32
      %dma_start3A_76 = tpu.memref_slice %arg6[%dma_start3A_68, %dma_start3A_75] : memref<16x500xf32, #tpu.memory_space<vmem>> -> memref<1x500xf32, #tpu.memory_space<vmem>>
      %dma_start3A_77 = tpu.memref_squeeze %dma_start3A_76 : memref<1x500xf32, #tpu.memory_space<vmem>> -> memref<500xf32, #tpu.memory_space<vmem>>
      %dma_start3A_78 = arith.constant 0 : i32
      %dma_start3A_79 = tpu.memref_slice %arg3[%reduce_sum3A_67, %dma_start3A_78] : memref<100000x500xf32, #tpu.memory_space<hbm>> -> memref<1x500xf32, #tpu.memory_space<hbm>>
      %dma_start3A_80 = tpu.memref_squeeze %dma_start3A_79 : memref<1x500xf32, #tpu.memory_space<hbm>> -> memref<500xf32, #tpu.memory_space<hbm>>
      tpu.enqueue_dma source(%dma_start3A_80 : memref<500xf32, #tpu.memory_space<hbm>>) target(%dma_start3A_77 : memref<500xf32, #tpu.memory_space<vmem>>) target_semaphore(%arg10 : memref<!tpu.dma_semaphore, #tpu.memory_space<semaphore_mem>>)
      %eq3A_81 = arith.constant 2 : i32
      %eq3A_82 = vector.broadcast %eq3A_81 : i32 to vector<16xi32>
      %eq3A_83 = arith.cmpi eq, %iota3A, %eq3A_82 : vector<16xi32>
      %jit3A_84 = arith.constant 0 : i32
      %broadcast_in_dim3A_85 = vector.broadcast %jit3A_84 : i32 to vector<16xi32>
      %select_n3A_86 = arith.select %eq3A_83, %get3A_40, %broadcast_in_dim3A_85 : vector<16xi1>, vector<16xi32>
      %reduce_sum3A_87 = arith.constant true
      %reduce_sum3A_88 = vector.broadcast %reduce_sum3A_87 : i1 to vector<16xi1>
      %reduce_sum3A_89 = tpu.scan <sum>, %select_n3A_86 masked %reduce_sum3A_88 : vector<16xi32>, vector<16xi1> -> vector<16xi32>
      %reduce_sum3A_90 = vector.extract %reduce_sum3A_89[15] : i32 from vector<16xi32>
      %dma_start3A_91 = arith.constant 2 : i32
      %dma_start3A_92 = arith.constant 0 : i32
      %dma_start3A_93 = tpu.memref_slice %arg6[%dma_start3A_91, %dma_start3A_92] : memref<16x500xf32, #tpu.memory_space<vmem>> -> memref<1x500xf32, #tpu.memory_space<vmem>>
      %dma_start3A_94 = tpu.memref_squeeze %dma_start3A_93 : memref<1x500xf32, #tpu.memory_space<vmem>> -> memref<500xf32, #tpu.memory_space<vmem>>
      %dma_start3A_95 = arith.constant 0 : i32
      %dma_start3A_96 = tpu.memref_slice %arg3[%reduce_sum3A_90, %dma_start3A_95] : memref<100000x500xf32, #tpu.memory_space<hbm>> -> memref<1x500xf32, #tpu.memory_space<hbm>>
      %dma_start3A_97 = tpu.memref_squeeze %dma_start3A_96 : memref<1x500xf32, #tpu.memory_space<hbm>> -> memref<500xf32, #tpu.memory_space<hbm>>
      %dma_start3A_98 = arith.constant 0 : i32
      %dma_start3A_99 = tpu.memref_slice %arg6[%dma_start3A_91, %dma_start3A_98] : memref<16x500xf32, #tpu.memory_space<vmem>> -> memref<1x500xf32, #tpu.memory_space<vmem>>
      %dma_start3A_100 = tpu.memref_squeeze %dma_start3A_99 : memref<1x500xf32, #tpu.memory_space<vmem>> -> memref<500xf32, #tpu.memory_space<vmem>>
      %dma_start3A_101 = arith.constant 0 : i32
      %dma_start3A_102 = tpu.memref_slice %arg3[%reduce_sum3A_90, %dma_start3A_101] : memref<100000x500xf32, #tpu.memory_space<hbm>> -> memref<1x500xf32, #tpu.memory_space<hbm>>
      %dma_start3A_103 = tpu.memref_squeeze %dma_start3A_102 : memref<1x500xf32, #tpu.memory_space<hbm>> -> memref<500xf32, #tpu.memory_space<hbm>>
      tpu.enqueue_dma source(%dma_start3A_103 : memref<500xf32, #tpu.memory_space<hbm>>) target(%dma_start3A_100 : memref<500xf32, #tpu.memory_space<vmem>>) target_semaphore(%arg10 : memref<!tpu.dma_semaphore, #tpu.memory_space<semaphore_mem>>)
      %eq3A_104 = arith.constant 3 : i32
      %eq3A_105 = vector.broadcast %eq3A_104 : i32 to vector<16xi32>
      %eq3A_106 = arith.cmpi eq, %iota3A, %eq3A_105 : vector<16xi32>
      %jit3A_107 = arith.constant 0 : i32
      %broadcast_in_dim3A_108 = vector.broadcast %jit3A_107 : i32 to vector<16xi32>
      %select_n3A_109 = arith.select %eq3A_106, %get3A_40, %broadcast_in_dim3A_108 : vector<16xi1>, vector<16xi32>
      %reduce_sum3A_110 = arith.constant true
      %reduce_sum3A_111 = vector.broadcast %reduce_sum3A_110 : i1 to vector<16xi1>
      %reduce_sum3A_112 = tpu.scan <sum>, %select_n3A_109 masked %reduce_sum3A_111 : vector<16xi32>, vector<16xi1> -> vector<16xi32>
      %reduce_sum3A_113 = vector.extract %reduce_sum3A_112[15] : i32 from vector<16xi32>
      %dma_start3A_114 = arith.constant 3 : i32
      %dma_start3A_115 = arith.constant 0 : i32
      %dma_start3A_116 = tpu.memref_slice %arg6[%dma_start3A_114, %dma_start3A_115] : memref<16x500xf32, #tpu.memory_space<vmem>> -> memref<1x500xf32, #tpu.memory_space<vmem>>
      %dma_start3A_117 = tpu.memref_squeeze %dma_start3A_116 : memref<1x500xf32, #tpu.memory_space<vmem>> -> memref<500xf32, #tpu.memory_space<vmem>>
      %dma_start3A_118 = arith.constant 0 : i32
      %dma_start3A_119 = tpu.memref_slice %arg3[%reduce_sum3A_113, %dma_start3A_118] : memref<100000x500xf32, #tpu.memory_space<hbm>> -> memref<1x500xf32, #tpu.memory_space<hbm>>
      %dma_start3A_120 = tpu.memref_squeeze %dma_start3A_119 : memref<1x500xf32, #tpu.memory_space<hbm>> -> memref<500xf32, #tpu.memory_space<hbm>>
      %dma_start3A_121 = arith.constant 0 : i32
      %dma_start3A_122 = tpu.memref_slice %arg6[%dma_start3A_114, %dma_start3A_121] : memref<16x500xf32, #tpu.memory_space<vmem>> -> memref<1x500xf32, #tpu.memory_space<vmem>>
      %dma_start3A_123 = tpu.memref_squeeze %dma_start3A_122 : memref<1x500xf32, #tpu.memory_space<vmem>> -> memref<500xf32, #tpu.memory_space<vmem>>
      %dma_start3A_124 = arith.constant 0 : i32
      %dma_start3A_125 = tpu.memref_slice %arg3[%reduce_sum3A_113, %dma_start3A_124] : memref<100000x500xf32, #tpu.memory_space<hbm>> -> memref<1x500xf32, #tpu.memory_space<hbm>>
      %dma_start3A_126 = tpu.memref_squeeze %dma_start3A_125 : memref<1x500xf32, #tpu.memory_space<hbm>> -> memref<500xf32, #tpu.memory_space<hbm>>
      tpu.enqueue_dma source(%dma_start3A_126 : memref<500xf32, #tpu.memory_space<hbm>>) target(%dma_start3A_123 : memref<500xf32, #tpu.memory_space<vmem>>) target_semaphore(%arg10 : memref<!tpu.dma_semaphore, #tpu.memory_space<semaphore_mem>>)
      %eq3A_127 = arith.constant 4 : i32
      %eq3A_128 = vector.broadcast %eq3A_127 : i32 to vector<16xi32>
      %eq3A_129 = arith.cmpi eq, %iota3A, %eq3A_128 : vector<16xi32>
      %jit3A_130 = arith.constant 0 : i32
      %broadcast_in_dim3A_131 = vector.broadcast %jit3A_130 : i32 to vector<16xi32>
      %select_n3A_132 = arith.select %eq3A_129, %get3A_40, %broadcast_in_dim3A_131 : vector<16xi1>, vector<16xi32>
      %reduce_sum3A_133 = arith.constant true
      %reduce_sum3A_134 = vector.broadcast %reduce_sum3A_133 : i1 to vector<16xi1>
      %reduce_sum3A_135 = tpu.scan <sum>, %select_n3A_132 masked %reduce_sum3A_134 : vector<16xi32>, vector<16xi1> -> vector<16xi32>
      %reduce_sum3A_136 = vector.extract %reduce_sum3A_135[15] : i32 from vector<16xi32>
      %dma_start3A_137 = arith.constant 4 : i32
      %dma_start3A_138 = arith.constant 0 : i32
      %dma_start3A_139 = tpu.memref_slice %arg6[%dma_start3A_137, %dma_start3A_138] : memref<16x500xf32, #tpu.memory_space<vmem>> -> memref<1x500xf32, #tpu.memory_space<vmem>>
      %dma_start3A_140 = tpu.memref_squeeze %dma_start3A_139 : memref<1x500xf32, #tpu.memory_space<vmem>> -> memref<500xf32, #tpu.memory_space<vmem>>
      %dma_start3A_141 = arith.constant 0 : i32
      %dma_start3A_142 = tpu.memref_slice %arg3[%reduce_sum3A_136, %dma_start3A_141] : memref<100000x500xf32, #tpu.memory_space<hbm>> -> memref<1x500xf32, #tpu.memory_space<hbm>>
      %dma_start3A_143 = tpu.memref_squeeze %dma_start3A_142 : memref<1x500xf32, #tpu.memory_space<hbm>> -> memref<500xf32, #tpu.memory_space<hbm>>
      %dma_start3A_144 = arith.constant 0 : i32
      %dma_start3A_145 = tpu.memref_slice %arg6[%dma_start3A_137, %dma_start3A_144] : memref<16x500xf32, #tpu.memory_space<vmem>> -> memref<1x500xf32, #tpu.memory_space<vmem>>
      %dma_start3A_146 = tpu.memref_squeeze %dma_start3A_145 : memref<1x500xf32, #tpu.memory_space<vmem>> -> memref<500xf32, #tpu.memory_space<vmem>>
      %dma_start3A_147 = arith.constant 0 : i32
      %dma_start3A_148 = tpu.memref_slice %arg3[%reduce_sum3A_136, %dma_start3A_147] : memref<100000x500xf32, #tpu.memory_space<hbm>> -> memref<1x500xf32, #tpu.memory_space<hbm>>
      %dma_start3A_149 = tpu.memref_squeeze %dma_start3A_148 : memref<1x500xf32, #tpu.memory_space<hbm>> -> memref<500xf32, #tpu.memory_space<hbm>>
      tpu.enqueue_dma source(%dma_start3A_149 : memref<500xf32, #tpu.memory_space<hbm>>) target(%dma_start3A_146 : memref<500xf32, #tpu.memory_space<vmem>>) target_semaphore(%arg10 : memref<!tpu.dma_semaphore, #tpu.memory_space<semaphore_mem>>)
      %eq3A_150 = arith.constant 5 : i32
      %eq3A_151 = vector.broadcast %eq3A_150 : i32 to vector<16xi32>
      %eq3A_152 = arith.cmpi eq, %iota3A, %eq3A_151 : vector<16xi32>
      %jit3A_153 = arith.constant 0 : i32
      %broadcast_in_dim3A_154 = vector.broadcast %jit3A_153 : i32 to vector<16xi32>
      %select_n3A_155 = arith.select %eq3A_152, %get3A_40, %broadcast_in_dim3A_154 : vector<16xi1>, vector<16xi32>
      %reduce_sum3A_156 = arith.constant true
      %reduce_sum3A_157 = vector.broadcast %reduce_sum3A_156 : i1 to vector<16xi1>
      %reduce_sum3A_158 = tpu.scan <sum>, %select_n3A_155 masked %reduce_sum3A_157 : vector<16xi32>, vector<16xi1> -> vector<16xi32>
      %reduce_sum3A_159 = vector.extract %reduce_sum3A_158[15] : i32 from vector<16xi32>
      %dma_start3A_160 = arith.constant 5 : i32
      %dma_start3A_161 = arith.constant 0 : i32
      %dma_start3A_162 = tpu.memref_slice %arg6[%dma_start3A_160, %dma_start3A_161] : memref<16x500xf32, #tpu.memory_space<vmem>> -> memref<1x500xf32, #tpu.memory_space<vmem>>
      %dma_start3A_163 = tpu.memref_squeeze %dma_start3A_162 : memref<1x500xf32, #tpu.memory_space<vmem>> -> memref<500xf32, #tpu.memory_space<vmem>>
      %dma_start3A_164 = arith.constant 0 : i32
      %dma_start3A_165 = tpu.memref_slice %arg3[%reduce_sum3A_159, %dma_start3A_164] : memref<100000x500xf32, #tpu.memory_space<hbm>> -> memref<1x500xf32, #tpu.memory_space<hbm>>
      %dma_start3A_166 = tpu.memref_squeeze %dma_start3A_165 : memref<1x500xf32, #tpu.memory_space<hbm>> -> memref<500xf32, #tpu.memory_space<hbm>>
      %dma_start3A_167 = arith.constant 0 : i32
      %dma_start3A_168 = tpu.memref_slice %arg6[%dma_start3A_160, %dma_start3A_167] : memref<16x500xf32, #tpu.memory_space<vmem>> -> memref<1x500xf32, #tpu.memory_space<vmem>>
      %dma_start3A_169 = tpu.memref_squeeze %dma_start3A_168 : memref<1x500xf32, #tpu.memory_space<vmem>> -> memref<500xf32, #tpu.memory_space<vmem>>
      %dma_start3A_170 = arith.constant 0 : i32
      %dma_start3A_171 = tpu.memref_slice %arg3[%reduce_sum3A_159, %dma_start3A_170] : memref<100000x500xf32, #tpu.memory_space<hbm>> -> memref<1x500xf32, #tpu.memory_space<hbm>>
      %dma_start3A_172 = tpu.memref_squeeze %dma_start3A_171 : memref<1x500xf32, #tpu.memory_space<hbm>> -> memref<500xf32, #tpu.memory_space<hbm>>
      tpu.enqueue_dma source(%dma_start3A_172 : memref<500xf32, #tpu.memory_space<hbm>>) target(%dma_start3A_169 : memref<500xf32, #tpu.memory_space<vmem>>) target_semaphore(%arg10 : memref<!tpu.dma_semaphore, #tpu.memory_space<semaphore_mem>>)
      %eq3A_173 = arith.constant 6 : i32
      %eq3A_174 = vector.broadcast %eq3A_173 : i32 to vector<16xi32>
      %eq3A_175 = arith.cmpi eq, %iota3A, %eq3A_174 : vector<16xi32>
      %jit3A_176 = arith.constant 0 : i32
      %broadcast_in_dim3A_177 = vector.broadcast %jit3A_176 : i32 to vector<16xi32>
      %select_n3A_178 = arith.select %eq3A_175, %get3A_40, %broadcast_in_dim3A_177 : vector<16xi1>, vector<16xi32>
      %reduce_sum3A_179 = arith.constant true
      %reduce_sum3A_180 = vector.broadcast %reduce_sum3A_179 : i1 to vector<16xi1>
      %reduce_sum3A_181 = tpu.scan <sum>, %select_n3A_178 masked %reduce_sum3A_180 : vector<16xi32>, vector<16xi1> -> vector<16xi32>
      %reduce_sum3A_182 = vector.extract %reduce_sum3A_181[15] : i32 from vector<16xi32>
      %dma_start3A_183 = arith.constant 6 : i32
      %dma_start3A_184 = arith.constant 0 : i32
      %dma_start3A_185 = tpu.memref_slice %arg6[%dma_start3A_183, %dma_start3A_184] : memref<16x500xf32, #tpu.memory_space<vmem>> -> memref<1x500xf32, #tpu.memory_space<vmem>>
      %dma_start3A_186 = tpu.memref_squeeze %dma_start3A_185 : memref<1x500xf32, #tpu.memory_space<vmem>> -> memref<500xf32, #tpu.memory_space<vmem>>
      %dma_start3A_187 = arith.constant 0 : i32
      %dma_start3A_188 = tpu.memref_slice %arg3[%reduce_sum3A_182, %dma_start3A_187] : memref<100000x500xf32, #tpu.memory_space<hbm>> -> memref<1x500xf32, #tpu.memory_space<hbm>>
      %dma_start3A_189 = tpu.memref_squeeze %dma_start3A_188 : memref<1x500xf32, #tpu.memory_space<hbm>> -> memref<500xf32, #tpu.memory_space<hbm>>
      %dma_start3A_190 = arith.constant 0 : i32
      %dma_start3A_191 = tpu.memref_slice %arg6[%dma_start3A_183, %dma_start3A_190] : memref<16x500xf32, #tpu.memory_space<vmem>> -> memref<1x500xf32, #tpu.memory_space<vmem>>
      %dma_start3A_192 = tpu.memref_squeeze %dma_start3A_191 : memref<1x500xf32, #tpu.memory_space<vmem>> -> memref<500xf32, #tpu.memory_space<vmem>>
      %dma_start3A_193 = arith.constant 0 : i32
      %dma_start3A_194 = tpu.memref_slice %arg3[%reduce_sum3A_182, %dma_start3A_193] : memref<100000x500xf32, #tpu.memory_space<hbm>> -> memref<1x500xf32, #tpu.memory_space<hbm>>
      %dma_start3A_195 = tpu.memref_squeeze %dma_start3A_194 : memref<1x500xf32, #tpu.memory_space<hbm>> -> memref<500xf32, #tpu.memory_space<hbm>>
      tpu.enqueue_dma source(%dma_start3A_195 : memref<500xf32, #tpu.memory_space<hbm>>) target(%dma_start3A_192 : memref<500xf32, #tpu.memory_space<vmem>>) target_semaphore(%arg10 : memref<!tpu.dma_semaphore, #tpu.memory_space<semaphore_mem>>)
      %eq3A_196 = arith.constant 7 : i32
      %eq3A_197 = vector.broadcast %eq3A_196 : i32 to vector<16xi32>
      %eq3A_198 = arith.cmpi eq, %iota3A, %eq3A_197 : vector<16xi32>
      %jit3A_199 = arith.constant 0 : i32
      %broadcast_in_dim3A_200 = vector.broadcast %jit3A_199 : i32 to vector<16xi32>
      %select_n3A_201 = arith.select %eq3A_198, %get3A_40, %broadcast_in_dim3A_200 : vector<16xi1>, vector<16xi32>
      %reduce_sum3A_202 = arith.constant true
      %reduce_sum3A_203 = vector.broadcast %reduce_sum3A_202 : i1 to vector<16xi1>
      %reduce_sum3A_204 = tpu.scan <sum>, %select_n3A_201 masked %reduce_sum3A_203 : vector<16xi32>, vector<16xi1> -> vector<16xi32>
      %reduce_sum3A_205 = vector.extract %reduce_sum3A_204[15] : i32 from vector<16xi32>
      %dma_start3A_206 = arith.constant 7 : i32
      %dma_start3A_207 = arith.constant 0 : i32
      %dma_start3A_208 = tpu.memref_slice %arg6[%dma_start3A_206, %dma_start3A_207] : memref<16x500xf32, #tpu.memory_space<vmem>> -> memref<1x500xf32, #tpu.memory_space<vmem>>
      %dma_start3A_209 = tpu.memref_squeeze %dma_start3A_208 : memref<1x500xf32, #tpu.memory_space<vmem>> -> memref<500xf32, #tpu.memory_space<vmem>>
      %dma_start3A_210 = arith.constant 0 : i32
      %dma_start3A_211 = tpu.memref_slice %arg3[%reduce_sum3A_205, %dma_start3A_210] : memref<100000x500xf32, #tpu.memory_space<hbm>> -> memref<1x500xf32, #tpu.memory_space<hbm>>
      %dma_start3A_212 = tpu.memref_squeeze %dma_start3A_211 : memref<1x500xf32, #tpu.memory_space<hbm>> -> memref<500xf32, #tpu.memory_space<hbm>>
      %dma_start3A_213 = arith.constant 0 : i32
      %dma_start3A_214 = tpu.memref_slice %arg6[%dma_start3A_206, %dma_start3A_213] : memref<16x500xf32, #tpu.memory_space<vmem>> -> memref<1x500xf32, #tpu.memory_space<vmem>>
      %dma_start3A_215 = tpu.memref_squeeze %dma_start3A_214 : memref<1x500xf32, #tpu.memory_space<vmem>> -> memref<500xf32, #tpu.memory_space<vmem>>
      %dma_start3A_216 = arith.constant 0 : i32
      %dma_start3A_217 = tpu.memref_slice %arg3[%reduce_sum3A_205, %dma_start3A_216] : memref<100000x500xf32, #tpu.memory_space<hbm>> -> memref<1x500xf32, #tpu.memory_space<hbm>>
      %dma_start3A_218 = tpu.memref_squeeze %dma_start3A_217 : memref<1x500xf32, #tpu.memory_space<hbm>> -> memref<500xf32, #tpu.memory_space<hbm>>
      tpu.enqueue_dma source(%dma_start3A_218 : memref<500xf32, #tpu.memory_space<hbm>>) target(%dma_start3A_215 : memref<500xf32, #tpu.memory_space<vmem>>) target_semaphore(%arg10 : memref<!tpu.dma_semaphore, #tpu.memory_space<semaphore_mem>>)
      %eq3A_219 = arith.constant 8 : i32
      %eq3A_220 = vector.broadcast %eq3A_219 : i32 to vector<16xi32>
      %eq3A_221 = arith.cmpi eq, %iota3A, %eq3A_220 : vector<16xi32>
      %jit3A_222 = arith.constant 0 : i32
      %broadcast_in_dim3A_223 = vector.broadcast %jit3A_222 : i32 to vector<16xi32>
      %select_n3A_224 = arith.select %eq3A_221, %get3A_40, %broadcast_in_dim3A_223 : vector<16xi1>, vector<16xi32>
      %reduce_sum3A_225 = arith.constant true
      %reduce_sum3A_226 = vector.broadcast %reduce_sum3A_225 : i1 to vector<16xi1>
      %reduce_sum3A_227 = tpu.scan <sum>, %select_n3A_224 masked %reduce_sum3A_226 : vector<16xi32>, vector<16xi1> -> vector<16xi32>
      %reduce_sum3A_228 = vector.extract %reduce_sum3A_227[15] : i32 from vector<16xi32>
      %dma_start3A_229 = arith.constant 8 : i32
      %dma_start3A_230 = arith.constant 0 : i32
      %dma_start3A_231 = tpu.memref_slice %arg6[%dma_start3A_229, %dma_start3A_230] : memref<16x500xf32, #tpu.memory_space<vmem>> -> memref<1x500xf32, #tpu.memory_space<vmem>>
      %dma_start3A_232 = tpu.memref_squeeze %dma_start3A_231 : memref<1x500xf32, #tpu.memory_space<vmem>> -> memref<500xf32, #tpu.memory_space<vmem>>
      %dma_start3A_233 = arith.constant 0 : i32
      %dma_start3A_234 = tpu.memref_slice %arg3[%reduce_sum3A_228, %dma_start3A_233] : memref<100000x500xf32, #tpu.memory_space<hbm>> -> memref<1x500xf32, #tpu.memory_space<hbm>>
      %dma_start3A_235 = tpu.memref_squeeze %dma_start3A_234 : memref<1x500xf32, #tpu.memory_space<hbm>> -> memref<500xf32, #tpu.memory_space<hbm>>
      %dma_start3A_236 = arith.constant 0 : i32
      %dma_start3A_237 = tpu.memref_slice %arg6[%dma_start3A_229, %dma_start3A_236] : memref<16x500xf32, #tpu.memory_space<vmem>> -> memref<1x500xf32, #tpu.memory_space<vmem>>
      %dma_start3A_238 = tpu.memref_squeeze %dma_start3A_237 : memref<1x500xf32, #tpu.memory_space<vmem>> -> memref<500xf32, #tpu.memory_space<vmem>>
      %dma_start3A_239 = arith.constant 0 : i32
      %dma_start3A_240 = tpu.memref_slice %arg3[%reduce_sum3A_228, %dma_start3A_239] : memref<100000x500xf32, #tpu.memory_space<hbm>> -> memref<1x500xf32, #tpu.memory_space<hbm>>
      %dma_start3A_241 = tpu.memref_squeeze %dma_start3A_240 : memref<1x500xf32, #tpu.memory_space<hbm>> -> memref<500xf32, #tpu.memory_space<hbm>>
      tpu.enqueue_dma source(%dma_start3A_241 : memref<500xf32, #tpu.memory_space<hbm>>) target(%dma_start3A_238 : memref<500xf32, #tpu.memory_space<vmem>>) target_semaphore(%arg10 : memref<!tpu.dma_semaphore, #tpu.memory_space<semaphore_mem>>)
      %eq3A_242 = arith.constant 9 : i32
      %eq3A_243 = vector.broadcast %eq3A_242 : i32 to vector<16xi32>
      %eq3A_244 = arith.cmpi eq, %iota3A, %eq3A_243 : vector<16xi32>
      %jit3A_245 = arith.constant 0 : i32
      %broadcast_in_dim3A_246 = vector.broadcast %jit3A_245 : i32 to vector<16xi32>
      %select_n3A_247 = arith.select %eq3A_244, %get3A_40, %broadcast_in_dim3A_246 : vector<16xi1>, vector<16xi32>
      %reduce_sum3A_248 = arith.constant true
      %reduce_sum3A_249 = vector.broadcast %reduce_sum3A_248 : i1 to vector<16xi1>
      %reduce_sum3A_250 = tpu.scan <sum>, %select_n3A_247 masked %reduce_sum3A_249 : vector<16xi32>, vector<16xi1> -> vector<16xi32>
      %reduce_sum3A_251 = vector.extract %reduce_sum3A_250[15] : i32 from vector<16xi32>
      %dma_start3A_252 = arith.constant 9 : i32
      %dma_start3A_253 = arith.constant 0 : i32
      %dma_start3A_254 = tpu.memref_slice %arg6[%dma_start3A_252, %dma_start3A_253] : memref<16x500xf32, #tpu.memory_space<vmem>> -> memref<1x500xf32, #tpu.memory_space<vmem>>
      %dma_start3A_255 = tpu.memref_squeeze %dma_start3A_254 : memref<1x500xf32, #tpu.memory_space<vmem>> -> memref<500xf32, #tpu.memory_space<vmem>>
      %dma_start3A_256 = arith.constant 0 : i32
      %dma_start3A_257 = tpu.memref_slice %arg3[%reduce_sum3A_251, %dma_start3A_256] : memref<100000x500xf32, #tpu.memory_space<hbm>> -> memref<1x500xf32, #tpu.memory_space<hbm>>
      %dma_start3A_258 = tpu.memref_squeeze %dma_start3A_257 : memref<1x500xf32, #tpu.memory_space<hbm>> -> memref<500xf32, #tpu.memory_space<hbm>>
      %dma_start3A_259 = arith.constant 0 : i32
      %dma_start3A_260 = tpu.memref_slice %arg6[%dma_start3A_252, %dma_start3A_259] : memref<16x500xf32, #tpu.memory_space<vmem>> -> memref<1x500xf32, #tpu.memory_space<vmem>>
      %dma_start3A_261 = tpu.memref_squeeze %dma_start3A_260 : memref<1x500xf32, #tpu.memory_space<vmem>> -> memref<500xf32, #tpu.memory_space<vmem>>
      %dma_start3A_262 = arith.constant 0 : i32
      %dma_start3A_263 = tpu.memref_slice %arg3[%reduce_sum3A_251, %dma_start3A_262] : memref<100000x500xf32, #tpu.memory_space<hbm>> -> memref<1x500xf32, #tpu.memory_space<hbm>>
      %dma_start3A_264 = tpu.memref_squeeze %dma_start3A_263 : memref<1x500xf32, #tpu.memory_space<hbm>> -> memref<500xf32, #tpu.memory_space<hbm>>
      tpu.enqueue_dma source(%dma_start3A_264 : memref<500xf32, #tpu.memory_space<hbm>>) target(%dma_start3A_261 : memref<500xf32, #tpu.memory_space<vmem>>) target_semaphore(%arg10 : memref<!tpu.dma_semaphore, #tpu.memory_space<semaphore_mem>>)
      %eq3A_265 = arith.constant 10 : i32
      %eq3A_266 = vector.broadcast %eq3A_265 : i32 to vector<16xi32>
      %eq3A_267 = arith.cmpi eq, %iota3A, %eq3A_266 : vector<16xi32>
      %jit3A_268 = arith.constant 0 : i32
      %broadcast_in_dim3A_269 = vector.broadcast %jit3A_268 : i32 to vector<16xi32>
      %select_n3A_270 = arith.select %eq3A_267, %get3A_40, %broadcast_in_dim3A_269 : vector<16xi1>, vector<16xi32>
      %reduce_sum3A_271 = arith.constant true
      %reduce_sum3A_272 = vector.broadcast %reduce_sum3A_271 : i1 to vector<16xi1>
      %reduce_sum3A_273 = tpu.scan <sum>, %select_n3A_270 masked %reduce_sum3A_272 : vector<16xi32>, vector<16xi1> -> vector<16xi32>
      %reduce_sum3A_274 = vector.extract %reduce_sum3A_273[15] : i32 from vector<16xi32>
      %dma_start3A_275 = arith.constant 10 : i32
      %dma_start3A_276 = arith.constant 0 : i32
      %dma_start3A_277 = tpu.memref_slice %arg6[%dma_start3A_275, %dma_start3A_276] : memref<16x500xf32, #tpu.memory_space<vmem>> -> memref<1x500xf32, #tpu.memory_space<vmem>>
      %dma_start3A_278 = tpu.memref_squeeze %dma_start3A_277 : memref<1x500xf32, #tpu.memory_space<vmem>> -> memref<500xf32, #tpu.memory_space<vmem>>
      %dma_start3A_279 = arith.constant 0 : i32
      %dma_start3A_280 = tpu.memref_slice %arg3[%reduce_sum3A_274, %dma_start3A_279] : memref<100000x500xf32, #tpu.memory_space<hbm>> -> memref<1x500xf32, #tpu.memory_space<hbm>>
      %dma_start3A_281 = tpu.memref_squeeze %dma_start3A_280 : memref<1x500xf32, #tpu.memory_space<hbm>> -> memref<500xf32, #tpu.memory_space<hbm>>
      %dma_start3A_282 = arith.constant 0 : i32
      %dma_start3A_283 = tpu.memref_slice %arg6[%dma_start3A_275, %dma_start3A_282] : memref<16x500xf32, #tpu.memory_space<vmem>> -> memref<1x500xf32, #tpu.memory_space<vmem>>
      %dma_start3A_284 = tpu.memref_squeeze %dma_start3A_283 : memref<1x500xf32, #tpu.memory_space<vmem>> -> memref<500xf32, #tpu.memory_space<vmem>>
      %dma_start3A_285 = arith.constant 0 : i32
      %dma_start3A_286 = tpu.memref_slice %arg3[%reduce_sum3A_274, %dma_start3A_285] : memref<100000x500xf32, #tpu.memory_space<hbm>> -> memref<1x500xf32, #tpu.memory_space<hbm>>
      %dma_start3A_287 = tpu.memref_squeeze %dma_start3A_286 : memref<1x500xf32, #tpu.memory_space<hbm>> -> memref<500xf32, #tpu.memory_space<hbm>>
      tpu.enqueue_dma source(%dma_start3A_287 : memref<500xf32, #tpu.memory_space<hbm>>) target(%dma_start3A_284 : memref<500xf32, #tpu.memory_space<vmem>>) target_semaphore(%arg10 : memref<!tpu.dma_semaphore, #tpu.memory_space<semaphore_mem>>)
      %eq3A_288 = arith.constant 11 : i32
      %eq3A_289 = vector.broadcast %eq3A_288 : i32 to vector<16xi32>
      %eq3A_290 = arith.cmpi eq, %iota3A, %eq3A_289 : vector<16xi32>
      %jit3A_291 = arith.constant 0 : i32
      %broadcast_in_dim3A_292 = vector.broadcast %jit3A_291 : i32 to vector<16xi32>
      %select_n3A_293 = arith.select %eq3A_290, %get3A_40, %broadcast_in_dim3A_292 : vector<16xi1>, vector<16xi32>
      %reduce_sum3A_294 = arith.constant true
      %reduce_sum3A_295 = vector.broadcast %reduce_sum3A_294 : i1 to vector<16xi1>
      %reduce_sum3A_296 = tpu.scan <sum>, %select_n3A_293 masked %reduce_sum3A_295 : vector<16xi32>, vector<16xi1> -> vector<16xi32>
      %reduce_sum3A_297 = vector.extract %reduce_sum3A_296[15] : i32 from vector<16xi32>
      %dma_start3A_298 = arith.constant 11 : i32
      %dma_start3A_299 = arith.constant 0 : i32
      %dma_start3A_300 = tpu.memref_slice %arg6[%dma_start3A_298, %dma_start3A_299] : memref<16x500xf32, #tpu.memory_space<vmem>> -> memref<1x500xf32, #tpu.memory_space<vmem>>
      %dma_start3A_301 = tpu.memref_squeeze %dma_start3A_300 : memref<1x500xf32, #tpu.memory_space<vmem>> -> memref<500xf32, #tpu.memory_space<vmem>>
      %dma_start3A_302 = arith.constant 0 : i32
      %dma_start3A_303 = tpu.memref_slice %arg3[%reduce_sum3A_297, %dma_start3A_302] : memref<100000x500xf32, #tpu.memory_space<hbm>> -> memref<1x500xf32, #tpu.memory_space<hbm>>
      %dma_start3A_304 = tpu.memref_squeeze %dma_start3A_303 : memref<1x500xf32, #tpu.memory_space<hbm>> -> memref<500xf32, #tpu.memory_space<hbm>>
      %dma_start3A_305 = arith.constant 0 : i32
      %dma_start3A_306 = tpu.memref_slice %arg6[%dma_start3A_298, %dma_start3A_305] : memref<16x500xf32, #tpu.memory_space<vmem>> -> memref<1x500xf32, #tpu.memory_space<vmem>>
      %dma_start3A_307 = tpu.memref_squeeze %dma_start3A_306 : memref<1x500xf32, #tpu.memory_space<vmem>> -> memref<500xf32, #tpu.memory_space<vmem>>
      %dma_start3A_308 = arith.constant 0 : i32
      %dma_start3A_309 = tpu.memref_slice %arg3[%reduce_sum3A_297, %dma_start3A_308] : memref<100000x500xf32, #tpu.memory_space<hbm>> -> memref<1x500xf32, #tpu.memory_space<hbm>>
      %dma_start3A_310 = tpu.memref_squeeze %dma_start3A_309 : memref<1x500xf32, #tpu.memory_space<hbm>> -> memref<500xf32, #tpu.memory_space<hbm>>
      tpu.enqueue_dma source(%dma_start3A_310 : memref<500xf32, #tpu.memory_space<hbm>>) target(%dma_start3A_307 : memref<500xf32, #tpu.memory_space<vmem>>) target_semaphore(%arg10 : memref<!tpu.dma_semaphore, #tpu.memory_space<semaphore_mem>>)
      %eq3A_311 = arith.constant 12 : i32
      %eq3A_312 = vector.broadcast %eq3A_311 : i32 to vector<16xi32>
      %eq3A_313 = arith.cmpi eq, %iota3A, %eq3A_312 : vector<16xi32>
      %jit3A_314 = arith.constant 0 : i32
      %broadcast_in_dim3A_315 = vector.broadcast %jit3A_314 : i32 to vector<16xi32>
      %select_n3A_316 = arith.select %eq3A_313, %get3A_40, %broadcast_in_dim3A_315 : vector<16xi1>, vector<16xi32>
      %reduce_sum3A_317 = arith.constant true
      %reduce_sum3A_318 = vector.broadcast %reduce_sum3A_317 : i1 to vector<16xi1>
      %reduce_sum3A_319 = tpu.scan <sum>, %select_n3A_316 masked %reduce_sum3A_318 : vector<16xi32>, vector<16xi1> -> vector<16xi32>
      %reduce_sum3A_320 = vector.extract %reduce_sum3A_319[15] : i32 from vector<16xi32>
      %dma_start3A_321 = arith.constant 12 : i32
      %dma_start3A_322 = arith.constant 0 : i32
      %dma_start3A_323 = tpu.memref_slice %arg6[%dma_start3A_321, %dma_start3A_322] : memref<16x500xf32, #tpu.memory_space<vmem>> -> memref<1x500xf32, #tpu.memory_space<vmem>>
      %dma_start3A_324 = tpu.memref_squeeze %dma_start3A_323 : memref<1x500xf32, #tpu.memory_space<vmem>> -> memref<500xf32, #tpu.memory_space<vmem>>
      %dma_start3A_325 = arith.constant 0 : i32
      %dma_start3A_326 = tpu.memref_slice %arg3[%reduce_sum3A_320, %dma_start3A_325] : memref<100000x500xf32, #tpu.memory_space<hbm>> -> memref<1x500xf32, #tpu.memory_space<hbm>>
      %dma_start3A_327 = tpu.memref_squeeze %dma_start3A_326 : memref<1x500xf32, #tpu.memory_space<hbm>> -> memref<500xf32, #tpu.memory_space<hbm>>
      %dma_start3A_328 = arith.constant 0 : i32
      %dma_start3A_329 = tpu.memref_slice %arg6[%dma_start3A_321, %dma_start3A_328] : memref<16x500xf32, #tpu.memory_space<vmem>> -> memref<1x500xf32, #tpu.memory_space<vmem>>
      %dma_start3A_330 = tpu.memref_squeeze %dma_start3A_329 : memref<1x500xf32, #tpu.memory_space<vmem>> -> memref<500xf32, #tpu.memory_space<vmem>>
      %dma_start3A_331 = arith.constant 0 : i32
      %dma_start3A_332 = tpu.memref_slice %arg3[%reduce_sum3A_320, %dma_start3A_331] : memref<100000x500xf32, #tpu.memory_space<hbm>> -> memref<1x500xf32, #tpu.memory_space<hbm>>
      %dma_start3A_333 = tpu.memref_squeeze %dma_start3A_332 : memref<1x500xf32, #tpu.memory_space<hbm>> -> memref<500xf32, #tpu.memory_space<hbm>>
      tpu.enqueue_dma source(%dma_start3A_333 : memref<500xf32, #tpu.memory_space<hbm>>) target(%dma_start3A_330 : memref<500xf32, #tpu.memory_space<vmem>>) target_semaphore(%arg10 : memref<!tpu.dma_semaphore, #tpu.memory_space<semaphore_mem>>)
      %eq3A_334 = arith.constant 13 : i32
      %eq3A_335 = vector.broadcast %eq3A_334 : i32 to vector<16xi32>
      %eq3A_336 = arith.cmpi eq, %iota3A, %eq3A_335 : vector<16xi32>
      %jit3A_337 = arith.constant 0 : i32
      %broadcast_in_dim3A_338 = vector.broadcast %jit3A_337 : i32 to vector<16xi32>
      %select_n3A_339 = arith.select %eq3A_336, %get3A_40, %broadcast_in_dim3A_338 : vector<16xi1>, vector<16xi32>
      %reduce_sum3A_340 = arith.constant true
      %reduce_sum3A_341 = vector.broadcast %reduce_sum3A_340 : i1 to vector<16xi1>
      %reduce_sum3A_342 = tpu.scan <sum>, %select_n3A_339 masked %reduce_sum3A_341 : vector<16xi32>, vector<16xi1> -> vector<16xi32>
      %reduce_sum3A_343 = vector.extract %reduce_sum3A_342[15] : i32 from vector<16xi32>
      %dma_start3A_344 = arith.constant 13 : i32
      %dma_start3A_345 = arith.constant 0 : i32
      %dma_start3A_346 = tpu.memref_slice %arg6[%dma_start3A_344, %dma_start3A_345] : memref<16x500xf32, #tpu.memory_space<vmem>> -> memref<1x500xf32, #tpu.memory_space<vmem>>
      %dma_start3A_347 = tpu.memref_squeeze %dma_start3A_346 : memref<1x500xf32, #tpu.memory_space<vmem>> -> memref<500xf32, #tpu.memory_space<vmem>>
      %dma_start3A_348 = arith.constant 0 : i32
      %dma_start3A_349 = tpu.memref_slice %arg3[%reduce_sum3A_343, %dma_start3A_348] : memref<100000x500xf32, #tpu.memory_space<hbm>> -> memref<1x500xf32, #tpu.memory_space<hbm>>
      %dma_start3A_350 = tpu.memref_squeeze %dma_start3A_349 : memref<1x500xf32, #tpu.memory_space<hbm>> -> memref<500xf32, #tpu.memory_space<hbm>>
      %dma_start3A_351 = arith.constant 0 : i32
      %dma_start3A_352 = tpu.memref_slice %arg6[%dma_start3A_344, %dma_start3A_351] : memref<16x500xf32, #tpu.memory_space<vmem>> -> memref<1x500xf32, #tpu.memory_space<vmem>>
      %dma_start3A_353 = tpu.memref_squeeze %dma_start3A_352 : memref<1x500xf32, #tpu.memory_space<vmem>> -> memref<500xf32, #tpu.memory_space<vmem>>
      %dma_start3A_354 = arith.constant 0 : i32
      %dma_start3A_355 = tpu.memref_slice %arg3[%reduce_sum3A_343, %dma_start3A_354] : memref<100000x500xf32, #tpu.memory_space<hbm>> -> memref<1x500xf32, #tpu.memory_space<hbm>>
      %dma_start3A_356 = tpu.memref_squeeze %dma_start3A_355 : memref<1x500xf32, #tpu.memory_space<hbm>> -> memref<500xf32, #tpu.memory_space<hbm>>
      tpu.enqueue_dma source(%dma_start3A_356 : memref<500xf32, #tpu.memory_space<hbm>>) target(%dma_start3A_353 : memref<500xf32, #tpu.memory_space<vmem>>) target_semaphore(%arg10 : memref<!tpu.dma_semaphore, #tpu.memory_space<semaphore_mem>>)
      %eq3A_357 = arith.constant 14 : i32
      %eq3A_358 = vector.broadcast %eq3A_357 : i32 to vector<16xi32>
      %eq3A_359 = arith.cmpi eq, %iota3A, %eq3A_358 : vector<16xi32>
      %jit3A_360 = arith.constant 0 : i32
      %broadcast_in_dim3A_361 = vector.broadcast %jit3A_360 : i32 to vector<16xi32>
      %select_n3A_362 = arith.select %eq3A_359, %get3A_40, %broadcast_in_dim3A_361 : vector<16xi1>, vector<16xi32>
      %reduce_sum3A_363 = arith.constant true
      %reduce_sum3A_364 = vector.broadcast %reduce_sum3A_363 : i1 to vector<16xi1>
      %reduce_sum3A_365 = tpu.scan <sum>, %select_n3A_362 masked %reduce_sum3A_364 : vector<16xi32>, vector<16xi1> -> vector<16xi32>
      %reduce_sum3A_366 = vector.extract %reduce_sum3A_365[15] : i32 from vector<16xi32>
      %dma_start3A_367 = arith.constant 14 : i32
      %dma_start3A_368 = arith.constant 0 : i32
      %dma_start3A_369 = tpu.memref_slice %arg6[%dma_start3A_367, %dma_start3A_368] : memref<16x500xf32, #tpu.memory_space<vmem>> -> memref<1x500xf32, #tpu.memory_space<vmem>>
      %dma_start3A_370 = tpu.memref_squeeze %dma_start3A_369 : memref<1x500xf32, #tpu.memory_space<vmem>> -> memref<500xf32, #tpu.memory_space<vmem>>
      %dma_start3A_371 = arith.constant 0 : i32
      %dma_start3A_372 = tpu.memref_slice %arg3[%reduce_sum3A_366, %dma_start3A_371] : memref<100000x500xf32, #tpu.memory_space<hbm>> -> memref<1x500xf32, #tpu.memory_space<hbm>>
      %dma_start3A_373 = tpu.memref_squeeze %dma_start3A_372 : memref<1x500xf32, #tpu.memory_space<hbm>> -> memref<500xf32, #tpu.memory_space<hbm>>
      %dma_start3A_374 = arith.constant 0 : i32
      %dma_start3A_375 = tpu.memref_slice %arg6[%dma_start3A_367, %dma_start3A_374] : memref<16x500xf32, #tpu.memory_space<vmem>> -> memref<1x500xf32, #tpu.memory_space<vmem>>
      %dma_start3A_376 = tpu.memref_squeeze %dma_start3A_375 : memref<1x500xf32, #tpu.memory_space<vmem>> -> memref<500xf32, #tpu.memory_space<vmem>>
      %dma_start3A_377 = arith.constant 0 : i32
      %dma_start3A_378 = tpu.memref_slice %arg3[%reduce_sum3A_366, %dma_start3A_377] : memref<100000x500xf32, #tpu.memory_space<hbm>> -> memref<1x500xf32, #tpu.memory_space<hbm>>
      %dma_start3A_379 = tpu.memref_squeeze %dma_start3A_378 : memref<1x500xf32, #tpu.memory_space<hbm>> -> memref<500xf32, #tpu.memory_space<hbm>>
      tpu.enqueue_dma source(%dma_start3A_379 : memref<500xf32, #tpu.memory_space<hbm>>) target(%dma_start3A_376 : memref<500xf32, #tpu.memory_space<vmem>>) target_semaphore(%arg10 : memref<!tpu.dma_semaphore, #tpu.memory_space<semaphore_mem>>)
      %eq3A_380 = arith.constant 15 : i32
      %eq3A_381 = vector.broadcast %eq3A_380 : i32 to vector<16xi32>
      %eq3A_382 = arith.cmpi eq, %iota3A, %eq3A_381 : vector<16xi32>
      %jit3A_383 = arith.constant 0 : i32
      %broadcast_in_dim3A_384 = vector.broadcast %jit3A_383 : i32 to vector<16xi32>
      %select_n3A_385 = arith.select %eq3A_382, %get3A_40, %broadcast_in_dim3A_384 : vector<16xi1>, vector<16xi32>
      %reduce_sum3A_386 = arith.constant true
      %reduce_sum3A_387 = vector.broadcast %reduce_sum3A_386 : i1 to vector<16xi1>
      %reduce_sum3A_388 = tpu.scan <sum>, %select_n3A_385 masked %reduce_sum3A_387 : vector<16xi32>, vector<16xi1> -> vector<16xi32>
      %reduce_sum3A_389 = vector.extract %reduce_sum3A_388[15] : i32 from vector<16xi32>
      %dma_start3A_390 = arith.constant 15 : i32
      %dma_start3A_391 = arith.constant 0 : i32
      %dma_start3A_392 = tpu.memref_slice %arg6[%dma_start3A_390, %dma_start3A_391] : memref<16x500xf32, #tpu.memory_space<vmem>> -> memref<1x500xf32, #tpu.memory_space<vmem>>
      %dma_start3A_393 = tpu.memref_squeeze %dma_start3A_392 : memref<1x500xf32, #tpu.memory_space<vmem>> -> memref<500xf32, #tpu.memory_space<vmem>>
      %dma_start3A_394 = arith.constant 0 : i32
      %dma_start3A_395 = tpu.memref_slice %arg3[%reduce_sum3A_389, %dma_start3A_394] : memref<100000x500xf32, #tpu.memory_space<hbm>> -> memref<1x500xf32, #tpu.memory_space<hbm>>
      %dma_start3A_396 = tpu.memref_squeeze %dma_start3A_395 : memref<1x500xf32, #tpu.memory_space<hbm>> -> memref<500xf32, #tpu.memory_space<hbm>>
      %dma_start3A_397 = arith.constant 0 : i32
      %dma_start3A_398 = tpu.memref_slice %arg6[%dma_start3A_390, %dma_start3A_397] : memref<16x500xf32, #tpu.memory_space<vmem>> -> memref<1x500xf32, #tpu.memory_space<vmem>>
      %dma_start3A_399 = tpu.memref_squeeze %dma_start3A_398 : memref<1x500xf32, #tpu.memory_space<vmem>> -> memref<500xf32, #tpu.memory_space<vmem>>
      %dma_start3A_400 = arith.constant 0 : i32
      %dma_start3A_401 = tpu.memref_slice %arg3[%reduce_sum3A_389, %dma_start3A_400] : memref<100000x500xf32, #tpu.memory_space<hbm>> -> memref<1x500xf32, #tpu.memory_space<hbm>>
      %dma_start3A_402 = tpu.memref_squeeze %dma_start3A_401 : memref<1x500xf32, #tpu.memory_space<hbm>> -> memref<500xf32, #tpu.memory_space<hbm>>
      tpu.enqueue_dma source(%dma_start3A_402 : memref<500xf32, #tpu.memory_space<hbm>>) target(%dma_start3A_399 : memref<500xf32, #tpu.memory_space<vmem>>) target_semaphore(%arg10 : memref<!tpu.dma_semaphore, #tpu.memory_space<semaphore_mem>>)
      %mul3A_403 = arith.constant 4 : i32
      %mul3A_404 = arith.muli %mul3A_403, %scan3A_31 : i32
      %add3A_405 = arith.constant 1 : i32
      %add3A_406 = arith.addi %mul3A_404, %add3A_405 : i32
      %gt3A_407 = arith.constant 0 : i32
      %gt3A_408 = arith.cmpi sgt, %scan3A_31, %gt3A_407 : i32
      %convert_element_type3A_409 = arith.extui %gt3A_408 : i1 to i32
      %cond3A_410 = arith.constant 0 : i32
      %cond3A_411 = arith.cmpi ne, %convert_element_type3A_409, %cond3A_410 : i32
      scf.if %cond3A_411 {
        %dma_wait3A_2486 = arith.constant 0 : i32
        %dma_wait3A_2487 = arith.constant 0 : i32
        %dma_wait3A_2488 = tpu.memref_slice %arg4[%dma_wait3A_2486, %dma_wait3A_2487] : memref<204800x500xf32, #tpu.memory_space<hbm>> -> memref<16x500xf32, #tpu.memory_space<hbm>>
        %dma_wait3A_2489 = arith.constant 0 : i32
        %dma_wait3A_2490 = arith.constant 0 : i32
        %dma_wait3A_2491 = tpu.memref_slice %arg4[%dma_wait3A_2489, %dma_wait3A_2490] : memref<204800x500xf32, #tpu.memory_space<hbm>> -> memref<16x500xf32, #tpu.memory_space<hbm>>
        tpu.wait_dma2 semaphore(%arg15 : memref<!tpu.dma_semaphore, #tpu.memory_space<semaphore_mem>>) src(%arg7 : memref<16x500xf32, #tpu.memory_space<vmem>>) dst(%dma_wait3A_2491 : memref<16x500xf32, #tpu.memory_space<hbm>>)
      } else {
      }
      %mul3A_412 = arith.constant 16 : i32
      %mul3A_413 = arith.muli %add3A_406, %mul3A_412 : i32
      %get3A_414 = arith.index_cast %mul3A_413 : i32 to index
      %get3A_415 = tpu.vector_load %arg5[%get3A_414] {strides = array<i32>} : memref<6400xi32, #tpu.memory_space<vmem>>, vector<16xi32>,
      %eq3A_416 = arith.constant 0 : i32
      %eq3A_417 = vector.broadcast %eq3A_416 : i32 to vector<16xi32>
      %eq3A_418 = arith.cmpi eq, %iota3A, %eq3A_417 : vector<16xi32>
      %jit3A_419 = arith.constant 0 : i32
      %broadcast_in_dim3A_420 = vector.broadcast %jit3A_419 : i32 to vector<16xi32>
      %select_n3A_421 = arith.select %eq3A_418, %get3A_415, %broadcast_in_dim3A_420 : vector<16xi1>, vector<16xi32>
      %reduce_sum3A_422 = arith.constant true
      %reduce_sum3A_423 = vector.broadcast %reduce_sum3A_422 : i1 to vector<16xi1>
      %reduce_sum3A_424 = tpu.scan <sum>, %select_n3A_421 masked %reduce_sum3A_423 : vector<16xi32>, vector<16xi1> -> vector<16xi32>
      %reduce_sum3A_425 = vector.extract %reduce_sum3A_424[15] : i32 from vector<16xi32>
      %dma_start3A_426 = arith.constant 0 : i32
      %dma_start3A_427 = arith.constant 0 : i32
      %dma_start3A_428 = tpu.memref_slice %arg7[%dma_start3A_426, %dma_start3A_427] : memref<16x500xf32, #tpu.memory_space<vmem>> -> memref<1x500xf32, #tpu.memory_space<vmem>>
      %dma_start3A_429 = tpu.memref_squeeze %dma_start3A_428 : memref<1x500xf32, #tpu.memory_space<vmem>> -> memref<500xf32, #tpu.memory_space<vmem>>
      %dma_start3A_430 = arith.constant 0 : i32
      %dma_start3A_431 = tpu.memref_slice %arg3[%reduce_sum3A_425, %dma_start3A_430] : memref<100000x500xf32, #tpu.memory_space<hbm>> -> memref<1x500xf32, #tpu.memory_space<hbm>>
      %dma_start3A_432 = tpu.memref_squeeze %dma_start3A_431 : memref<1x500xf32, #tpu.memory_space<hbm>> -> memref<500xf32, #tpu.memory_space<hbm>>
      %dma_start3A_433 = arith.constant 0 : i32
      %dma_start3A_434 = tpu.memref_slice %arg7[%dma_start3A_426, %dma_start3A_433] : memref<16x500xf32, #tpu.memory_space<vmem>> -> memref<1x500xf32, #tpu.memory_space<vmem>>
      %dma_start3A_435 = tpu.memref_squeeze %dma_start3A_434 : memref<1x500xf32, #tpu.memory_space<vmem>> -> memref<500xf32, #tpu.memory_space<vmem>>
      %dma_start3A_436 = arith.constant 0 : i32
      %dma_start3A_437 = tpu.memref_slice %arg3[%reduce_sum3A_425, %dma_start3A_436] : memref<100000x500xf32, #tpu.memory_space<hbm>> -> memref<1x500xf32, #tpu.memory_space<hbm>>
      %dma_start3A_438 = tpu.memref_squeeze %dma_start3A_437 : memref<1x500xf32, #tpu.memory_space<hbm>> -> memref<500xf32, #tpu.memory_space<hbm>>
      tpu.enqueue_dma source(%dma_start3A_438 : memref<500xf32, #tpu.memory_space<hbm>>) target(%dma_start3A_435 : memref<500xf32, #tpu.memory_space<vmem>>) target_semaphore(%arg11 : memref<!tpu.dma_semaphore, #tpu.memory_space<semaphore_mem>>)
      %eq3A_439 = arith.constant 1 : i32
      %eq3A_440 = vector.broadcast %eq3A_439 : i32 to vector<16xi32>
      %eq3A_441 = arith.cmpi eq, %iota3A, %eq3A_440 : vector<16xi32>
      %jit3A_442 = arith.constant 0 : i32
      %broadcast_in_dim3A_443 = vector.broadcast %jit3A_442 : i32 to vector<16xi32>
      %select_n3A_444 = arith.select %eq3A_441, %get3A_415, %broadcast_in_dim3A_443 : vector<16xi1>, vector<16xi32>
      %reduce_sum3A_445 = arith.constant true
      %reduce_sum3A_446 = vector.broadcast %reduce_sum3A_445 : i1 to vector<16xi1>
      %reduce_sum3A_447 = tpu.scan <sum>, %select_n3A_444 masked %reduce_sum3A_446 : vector<16xi32>, vector<16xi1> -> vector<16xi32>
      %reduce_sum3A_448 = vector.extract %reduce_sum3A_447[15] : i32 from vector<16xi32>
      %dma_start3A_449 = arith.constant 1 : i32
      %dma_start3A_450 = arith.constant 0 : i32
      %dma_start3A_451 = tpu.memref_slice %arg7[%dma_start3A_449, %dma_start3A_450] : memref<16x500xf32, #tpu.memory_space<vmem>> -> memref<1x500xf32, #tpu.memory_space<vmem>>
      %dma_start3A_452 = tpu.memref_squeeze %dma_start3A_451 : memref<1x500xf32, #tpu.memory_space<vmem>> -> memref<500xf32, #tpu.memory_space<vmem>>
      %dma_start3A_453 = arith.constant 0 : i32
      %dma_start3A_454 = tpu.memref_slice %arg3[%reduce_sum3A_448, %dma_start3A_453] : memref<100000x500xf32, #tpu.memory_space<hbm>> -> memref<1x500xf32, #tpu.memory_space<hbm>>
      %dma_start3A_455 = tpu.memref_squeeze %dma_start3A_454 : memref<1x500xf32, #tpu.memory_space<hbm>> -> memref<500xf32, #tpu.memory_space<hbm>>
      %dma_start3A_456 = arith.constant 0 : i32
      %dma_start3A_457 = tpu.memref_slice %arg7[%dma_start3A_449, %dma_start3A_456] : memref<16x500xf32, #tpu.memory_space<vmem>> -> memref<1x500xf32, #tpu.memory_space<vmem>>
      %dma_start3A_458 = tpu.memref_squeeze %dma_start3A_457 : memref<1x500xf32, #tpu.memory_space<vmem>> -> memref<500xf32, #tpu.memory_space<vmem>>
      %dma_start3A_459 = arith.constant 0 : i32
      %dma_start3A_460 = tpu.memref_slice %arg3[%reduce_sum3A_448, %dma_start3A_459] : memref<100000x500xf32, #tpu.memory_space<hbm>> -> memref<1x500xf32, #tpu.memory_space<hbm>>
      %dma_start3A_461 = tpu.memref_squeeze %dma_start3A_460 : memref<1x500xf32, #tpu.memory_space<hbm>> -> memref<500xf32, #tpu.memory_space<hbm>>
      tpu.enqueue_dma source(%dma_start3A_461 : memref<500xf32, #tpu.memory_space<hbm>>) target(%dma_start3A_458 : memref<500xf32, #tpu.memory_space<vmem>>) target_semaphore(%arg11 : memref<!tpu.dma_semaphore, #tpu.memory_space<semaphore_mem>>)
      %eq3A_462 = arith.constant 2 : i32
      %eq3A_463 = vector.broadcast %eq3A_462 : i32 to vector<16xi32>
      %eq3A_464 = arith.cmpi eq, %iota3A, %eq3A_463 : vector<16xi32>
      %jit3A_465 = arith.constant 0 : i32
      %broadcast_in_dim3A_466 = vector.broadcast %jit3A_465 : i32 to vector<16xi32>
      %select_n3A_467 = arith.select %eq3A_464, %get3A_415, %broadcast_in_dim3A_466 : vector<16xi1>, vector<16xi32>
      %reduce_sum3A_468 = arith.constant true
      %reduce_sum3A_469 = vector.broadcast %reduce_sum3A_468 : i1 to vector<16xi1>
      %reduce_sum3A_470 = tpu.scan <sum>, %select_n3A_467 masked %reduce_sum3A_469 : vector<16xi32>, vector<16xi1> -> vector<16xi32>
      %reduce_sum3A_471 = vector.extract %reduce_sum3A_470[15] : i32 from vector<16xi32>
      %dma_start3A_472 = arith.constant 2 : i32
      %dma_start3A_473 = arith.constant 0 : i32
      %dma_start3A_474 = tpu.memref_slice %arg7[%dma_start3A_472, %dma_start3A_473] : memref<16x500xf32, #tpu.memory_space<vmem>> -> memref<1x500xf32, #tpu.memory_space<vmem>>
      %dma_start3A_475 = tpu.memref_squeeze %dma_start3A_474 : memref<1x500xf32, #tpu.memory_space<vmem>> -> memref<500xf32, #tpu.memory_space<vmem>>
      %dma_start3A_476 = arith.constant 0 : i32
      %dma_start3A_477 = tpu.memref_slice %arg3[%reduce_sum3A_471, %dma_start3A_476] : memref<100000x500xf32, #tpu.memory_space<hbm>> -> memref<1x500xf32, #tpu.memory_space<hbm>>
      %dma_start3A_478 = tpu.memref_squeeze %dma_start3A_477 : memref<1x500xf32, #tpu.memory_space<hbm>> -> memref<500xf32, #tpu.memory_space<hbm>>
      %dma_start3A_479 = arith.constant 0 : i32
      %dma_start3A_480 = tpu.memref_slice %arg7[%dma_start3A_472, %dma_start3A_479] : memref<16x500xf32, #tpu.memory_space<vmem>> -> memref<1x500xf32, #tpu.memory_space<vmem>>
      %dma_start3A_481 = tpu.memref_squeeze %dma_start3A_480 : memref<1x500xf32, #tpu.memory_space<vmem>> -> memref<500xf32, #tpu.memory_space<vmem>>
      %dma_start3A_482 = arith.constant 0 : i32
      %dma_start3A_483 = tpu.memref_slice %arg3[%reduce_sum3A_471, %dma_start3A_482] : memref<100000x500xf32, #tpu.memory_space<hbm>> -> memref<1x500xf32, #tpu.memory_space<hbm>>
      %dma_start3A_484 = tpu.memref_squeeze %dma_start3A_483 : memref<1x500xf32, #tpu.memory_space<hbm>> -> memref<500xf32, #tpu.memory_space<hbm>>
      tpu.enqueue_dma source(%dma_start3A_484 : memref<500xf32, #tpu.memory_space<hbm>>) target(%dma_start3A_481 : memref<500xf32, #tpu.memory_space<vmem>>) target_semaphore(%arg11 : memref<!tpu.dma_semaphore, #tpu.memory_space<semaphore_mem>>)
      %eq3A_485 = arith.constant 3 : i32
      %eq3A_486 = vector.broadcast %eq3A_485 : i32 to vector<16xi32>
      %eq3A_487 = arith.cmpi eq, %iota3A, %eq3A_486 : vector<16xi32>
      %jit3A_488 = arith.constant 0 : i32
      %broadcast_in_dim3A_489 = vector.broadcast %jit3A_488 : i32 to vector<16xi32>
      %select_n3A_490 = arith.select %eq3A_487, %get3A_415, %broadcast_in_dim3A_489 : vector<16xi1>, vector<16xi32>
      %reduce_sum3A_491 = arith.constant true
      %reduce_sum3A_492 = vector.broadcast %reduce_sum3A_491 : i1 to vector<16xi1>
      %reduce_sum3A_493 = tpu.scan <sum>, %select_n3A_490 masked %reduce_sum3A_492 : vector<16xi32>, vector<16xi1> -> vector<16xi32>
      %reduce_sum3A_494 = vector.extract %reduce_sum3A_493[15] : i32 from vector<16xi32>
      %dma_start3A_495 = arith.constant 3 : i32
      %dma_start3A_496 = arith.constant 0 : i32
      %dma_start3A_497 = tpu.memref_slice %arg7[%dma_start3A_495, %dma_start3A_496] : memref<16x500xf32, #tpu.memory_space<vmem>> -> memref<1x500xf32, #tpu.memory_space<vmem>>
      %dma_start3A_498 = tpu.memref_squeeze %dma_start3A_497 : memref<1x500xf32, #tpu.memory_space<vmem>> -> memref<500xf32, #tpu.memory_space<vmem>>
      %dma_start3A_499 = arith.constant 0 : i32
      %dma_start3A_500 = tpu.memref_slice %arg3[%reduce_sum3A_494, %dma_start3A_499] : memref<100000x500xf32, #tpu.memory_space<hbm>> -> memref<1x500xf32, #tpu.memory_space<hbm>>
      %dma_start3A_501 = tpu.memref_squeeze %dma_start3A_500 : memref<1x500xf32, #tpu.memory_space<hbm>> -> memref<500xf32, #tpu.memory_space<hbm>>
      %dma_start3A_502 = arith.constant 0 : i32
      %dma_start3A_503 = tpu.memref_slice %arg7[%dma_start3A_495, %dma_start3A_502] : memref<16x500xf32, #tpu.memory_space<vmem>> -> memref<1x500xf32, #tpu.memory_space<vmem>>
      %dma_start3A_504 = tpu.memref_squeeze %dma_start3A_503 : memref<1x500xf32, #tpu.memory_space<vmem>> -> memref<500xf32, #tpu.memory_space<vmem>>
      %dma_start3A_505 = arith.constant 0 : i32
      %dma_start3A_506 = tpu.memref_slice %arg3[%reduce_sum3A_494, %dma_start3A_505] : memref<100000x500xf32, #tpu.memory_space<hbm>> -> memref<1x500xf32, #tpu.memory_space<hbm>>
      %dma_start3A_507 = tpu.memref_squeeze %dma_start3A_506 : memref<1x500xf32, #tpu.memory_space<hbm>> -> memref<500xf32, #tpu.memory_space<hbm>>
      tpu.enqueue_dma source(%dma_start3A_507 : memref<500xf32, #tpu.memory_space<hbm>>) target(%dma_start3A_504 : memref<500xf32, #tpu.memory_space<vmem>>) target_semaphore(%arg11 : memref<!tpu.dma_semaphore, #tpu.memory_space<semaphore_mem>>)
      %eq3A_508 = arith.constant 4 : i32
      %eq3A_509 = vector.broadcast %eq3A_508 : i32 to vector<16xi32>
      %eq3A_510 = arith.cmpi eq, %iota3A, %eq3A_509 : vector<16xi32>
      %jit3A_511 = arith.constant 0 : i32
      %broadcast_in_dim3A_512 = vector.broadcast %jit3A_511 : i32 to vector<16xi32>
      %select_n3A_513 = arith.select %eq3A_510, %get3A_415, %broadcast_in_dim3A_512 : vector<16xi1>, vector<16xi32>
      %reduce_sum3A_514 = arith.constant true
      %reduce_sum3A_515 = vector.broadcast %reduce_sum3A_514 : i1 to vector<16xi1>
      %reduce_sum3A_516 = tpu.scan <sum>, %select_n3A_513 masked %reduce_sum3A_515 : vector<16xi32>, vector<16xi1> -> vector<16xi32>
      %reduce_sum3A_517 = vector.extract %reduce_sum3A_516[15] : i32 from vector<16xi32>
      %dma_start3A_518 = arith.constant 4 : i32
      %dma_start3A_519 = arith.constant 0 : i32
      %dma_start3A_520 = tpu.memref_slice %arg7[%dma_start3A_518, %dma_start3A_519] : memref<16x500xf32, #tpu.memory_space<vmem>> -> memref<1x500xf32, #tpu.memory_space<vmem>>
      %dma_start3A_521 = tpu.memref_squeeze %dma_start3A_520 : memref<1x500xf32, #tpu.memory_space<vmem>> -> memref<500xf32, #tpu.memory_space<vmem>>
      %dma_start3A_522 = arith.constant 0 : i32
      %dma_start3A_523 = tpu.memref_slice %arg3[%reduce_sum3A_517, %dma_start3A_522] : memref<100000x500xf32, #tpu.memory_space<hbm>> -> memref<1x500xf32, #tpu.memory_space<hbm>>
      %dma_start3A_524 = tpu.memref_squeeze %dma_start3A_523 : memref<1x500xf32, #tpu.memory_space<hbm>> -> memref<500xf32, #tpu.memory_space<hbm>>
      %dma_start3A_525 = arith.constant 0 : i32
      %dma_start3A_526 = tpu.memref_slice %arg7[%dma_start3A_518, %dma_start3A_525] : memref<16x500xf32, #tpu.memory_space<vmem>> -> memref<1x500xf32, #tpu.memory_space<vmem>>
      %dma_start3A_527 = tpu.memref_squeeze %dma_start3A_526 : memref<1x500xf32, #tpu.memory_space<vmem>> -> memref<500xf32, #tpu.memory_space<vmem>>
      %dma_start3A_528 = arith.constant 0 : i32
      %dma_start3A_529 = tpu.memref_slice %arg3[%reduce_sum3A_517, %dma_start3A_528] : memref<100000x500xf32, #tpu.memory_space<hbm>> -> memref<1x500xf32, #tpu.memory_space<hbm>>
      %dma_start3A_530 = tpu.memref_squeeze %dma_start3A_529 : memref<1x500xf32, #tpu.memory_space<hbm>> -> memref<500xf32, #tpu.memory_space<hbm>>
      tpu.enqueue_dma source(%dma_start3A_530 : memref<500xf32, #tpu.memory_space<hbm>>) target(%dma_start3A_527 : memref<500xf32, #tpu.memory_space<vmem>>) target_semaphore(%arg11 : memref<!tpu.dma_semaphore, #tpu.memory_space<semaphore_mem>>)
      %eq3A_531 = arith.constant 5 : i32
      %eq3A_532 = vector.broadcast %eq3A_531 : i32 to vector<16xi32>
      %eq3A_533 = arith.cmpi eq, %iota3A, %eq3A_532 : vector<16xi32>
      %jit3A_534 = arith.constant 0 : i32
      %broadcast_in_dim3A_535 = vector.broadcast %jit3A_534 : i32 to vector<16xi32>
      %select_n3A_536 = arith.select %eq3A_533, %get3A_415, %broadcast_in_dim3A_535 : vector<16xi1>, vector<16xi32>
      %reduce_sum3A_537 = arith.constant true
      %reduce_sum3A_538 = vector.broadcast %reduce_sum3A_537 : i1 to vector<16xi1>
      %reduce_sum3A_539 = tpu.scan <sum>, %select_n3A_536 masked %reduce_sum3A_538 : vector<16xi32>, vector<16xi1> -> vector<16xi32>
      %reduce_sum3A_540 = vector.extract %reduce_sum3A_539[15] : i32 from vector<16xi32>
      %dma_start3A_541 = arith.constant 5 : i32
      %dma_start3A_542 = arith.constant 0 : i32
      %dma_start3A_543 = tpu.memref_slice %arg7[%dma_start3A_541, %dma_start3A_542] : memref<16x500xf32, #tpu.memory_space<vmem>> -> memref<1x500xf32, #tpu.memory_space<vmem>>
      %dma_start3A_544 = tpu.memref_squeeze %dma_start3A_543 : memref<1x500xf32, #tpu.memory_space<vmem>> -> memref<500xf32, #tpu.memory_space<vmem>>
      %dma_start3A_545 = arith.constant 0 : i32
      %dma_start3A_546 = tpu.memref_slice %arg3[%reduce_sum3A_540, %dma_start3A_545] : memref<100000x500xf32, #tpu.memory_space<hbm>> -> memref<1x500xf32, #tpu.memory_space<hbm>>
      %dma_start3A_547 = tpu.memref_squeeze %dma_start3A_546 : memref<1x500xf32, #tpu.memory_space<hbm>> -> memref<500xf32, #tpu.memory_space<hbm>>
      %dma_start3A_548 = arith.constant 0 : i32
      %dma_start3A_549 = tpu.memref_slice %arg7[%dma_start3A_541, %dma_start3A_548] : memref<16x500xf32, #tpu.memory_space<vmem>> -> memref<1x500xf32, #tpu.memory_space<vmem>>
      %dma_start3A_550 = tpu.memref_squeeze %dma_start3A_549 : memref<1x500xf32, #tpu.memory_space<vmem>> -> memref<500xf32, #tpu.memory_space<vmem>>
      %dma_start3A_551 = arith.constant 0 : i32
      %dma_start3A_552 = tpu.memref_slice %arg3[%reduce_sum3A_540, %dma_start3A_551] : memref<100000x500xf32, #tpu.memory_space<hbm>> -> memref<1x500xf32, #tpu.memory_space<hbm>>
      %dma_start3A_553 = tpu.memref_squeeze %dma_start3A_552 : memref<1x500xf32, #tpu.memory_space<hbm>> -> memref<500xf32, #tpu.memory_space<hbm>>
      tpu.enqueue_dma source(%dma_start3A_553 : memref<500xf32, #tpu.memory_space<hbm>>) target(%dma_start3A_550 : memref<500xf32, #tpu.memory_space<vmem>>) target_semaphore(%arg11 : memref<!tpu.dma_semaphore, #tpu.memory_space<semaphore_mem>>)
      %eq3A_554 = arith.constant 6 : i32
      %eq3A_555 = vector.broadcast %eq3A_554 : i32 to vector<16xi32>
      %eq3A_556 = arith.cmpi eq, %iota3A, %eq3A_555 : vector<16xi32>
      %jit3A_557 = arith.constant 0 : i32
      %broadcast_in_dim3A_558 = vector.broadcast %jit3A_557 : i32 to vector<16xi32>
      %select_n3A_559 = arith.select %eq3A_556, %get3A_415, %broadcast_in_dim3A_558 : vector<16xi1>, vector<16xi32>
      %reduce_sum3A_560 = arith.constant true
      %reduce_sum3A_561 = vector.broadcast %reduce_sum3A_560 : i1 to vector<16xi1>
      %reduce_sum3A_562 = tpu.scan <sum>, %select_n3A_559 masked %reduce_sum3A_561 : vector<16xi32>, vector<16xi1> -> vector<16xi32>
      %reduce_sum3A_563 = vector.extract %reduce_sum3A_562[15] : i32 from vector<16xi32>
      %dma_start3A_564 = arith.constant 6 : i32
      %dma_start3A_565 = arith.constant 0 : i32
      %dma_start3A_566 = tpu.memref_slice %arg7[%dma_start3A_564, %dma_start3A_565] : memref<16x500xf32, #tpu.memory_space<vmem>> -> memref<1x500xf32, #tpu.memory_space<vmem>>
      %dma_start3A_567 = tpu.memref_squeeze %dma_start3A_566 : memref<1x500xf32, #tpu.memory_space<vmem>> -> memref<500xf32, #tpu.memory_space<vmem>>
      %dma_start3A_568 = arith.constant 0 : i32
      %dma_start3A_569 = tpu.memref_slice %arg3[%reduce_sum3A_563, %dma_start3A_568] : memref<100000x500xf32, #tpu.memory_space<hbm>> -> memref<1x500xf32, #tpu.memory_space<hbm>>
      %dma_start3A_570 = tpu.memref_squeeze %dma_start3A_569 : memref<1x500xf32, #tpu.memory_space<hbm>> -> memref<500xf32, #tpu.memory_space<hbm>>
      %dma_start3A_571 = arith.constant 0 : i32
      %dma_start3A_572 = tpu.memref_slice %arg7[%dma_start3A_564, %dma_start3A_571] : memref<16x500xf32, #tpu.memory_space<vmem>> -> memref<1x500xf32, #tpu.memory_space<vmem>>
      %dma_start3A_573 = tpu.memref_squeeze %dma_start3A_572 : memref<1x500xf32, #tpu.memory_space<vmem>> -> memref<500xf32, #tpu.memory_space<vmem>>
      %dma_start3A_574 = arith.constant 0 : i32
      %dma_start3A_575 = tpu.memref_slice %arg3[%reduce_sum3A_563, %dma_start3A_574] : memref<100000x500xf32, #tpu.memory_space<hbm>> -> memref<1x500xf32, #tpu.memory_space<hbm>>
      %dma_start3A_576 = tpu.memref_squeeze %dma_start3A_575 : memref<1x500xf32, #tpu.memory_space<hbm>> -> memref<500xf32, #tpu.memory_space<hbm>>
      tpu.enqueue_dma source(%dma_start3A_576 : memref<500xf32, #tpu.memory_space<hbm>>) target(%dma_start3A_573 : memref<500xf32, #tpu.memory_space<vmem>>) target_semaphore(%arg11 : memref<!tpu.dma_semaphore, #tpu.memory_space<semaphore_mem>>)
      %eq3A_577 = arith.constant 7 : i32
      %eq3A_578 = vector.broadcast %eq3A_577 : i32 to vector<16xi32>
      %eq3A_579 = arith.cmpi eq, %iota3A, %eq3A_578 : vector<16xi32>
      %jit3A_580 = arith.constant 0 : i32
      %broadcast_in_dim3A_581 = vector.broadcast %jit3A_580 : i32 to vector<16xi32>
      %select_n3A_582 = arith.select %eq3A_579, %get3A_415, %broadcast_in_dim3A_581 : vector<16xi1>, vector<16xi32>
      %reduce_sum3A_583 = arith.constant true
      %reduce_sum3A_584 = vector.broadcast %reduce_sum3A_583 : i1 to vector<16xi1>
      %reduce_sum3A_585 = tpu.scan <sum>, %select_n3A_582 masked %reduce_sum3A_584 : vector<16xi32>, vector<16xi1> -> vector<16xi32>
      %reduce_sum3A_586 = vector.extract %reduce_sum3A_585[15] : i32 from vector<16xi32>
      %dma_start3A_587 = arith.constant 7 : i32
      %dma_start3A_588 = arith.constant 0 : i32
      %dma_start3A_589 = tpu.memref_slice %arg7[%dma_start3A_587, %dma_start3A_588] : memref<16x500xf32, #tpu.memory_space<vmem>> -> memref<1x500xf32, #tpu.memory_space<vmem>>
      %dma_start3A_590 = tpu.memref_squeeze %dma_start3A_589 : memref<1x500xf32, #tpu.memory_space<vmem>> -> memref<500xf32, #tpu.memory_space<vmem>>
      %dma_start3A_591 = arith.constant 0 : i32
      %dma_start3A_592 = tpu.memref_slice %arg3[%reduce_sum3A_586, %dma_start3A_591] : memref<100000x500xf32, #tpu.memory_space<hbm>> -> memref<1x500xf32, #tpu.memory_space<hbm>>
      %dma_start3A_593 = tpu.memref_squeeze %dma_start3A_592 : memref<1x500xf32, #tpu.memory_space<hbm>> -> memref<500xf32, #tpu.memory_space<hbm>>
      %dma_start3A_594 = arith.constant 0 : i32
      %dma_start3A_595 = tpu.memref_slice %arg7[%dma_start3A_587, %dma_start3A_594] : memref<16x500xf32, #tpu.memory_space<vmem>> -> memref<1x500xf32, #tpu.memory_space<vmem>>
      %dma_start3A_596 = tpu.memref_squeeze %dma_start3A_595 : memref<1x500xf32, #tpu.memory_space<vmem>> -> memref<500xf32, #tpu.memory_space<vmem>>
      %dma_start3A_597 = arith.constant 0 : i32
      %dma_start3A_598 = tpu.memref_slice %arg3[%reduce_sum3A_586, %dma_start3A_597] : memref<100000x500xf32, #tpu.memory_space<hbm>> -> memref<1x500xf32, #tpu.memory_space<hbm>>
      %dma_start3A_599 = tpu.memref_squeeze %dma_start3A_598 : memref<1x500xf32, #tpu.memory_space<hbm>> -> memref<500xf32, #tpu.memory_space<hbm>>
      tpu.enqueue_dma source(%dma_start3A_599 : memref<500xf32, #tpu.memory_space<hbm>>) target(%dma_start3A_596 : memref<500xf32, #tpu.memory_space<vmem>>) target_semaphore(%arg11 : memref<!tpu.dma_semaphore, #tpu.memory_space<semaphore_mem>>)
      %eq3A_600 = arith.constant 8 : i32
      %eq3A_601 = vector.broadcast %eq3A_600 : i32 to vector<16xi32>
      %eq3A_602 = arith.cmpi eq, %iota3A, %eq3A_601 : vector<16xi32>
      %jit3A_603 = arith.constant 0 : i32
      %broadcast_in_dim3A_604 = vector.broadcast %jit3A_603 : i32 to vector<16xi32>
      %select_n3A_605 = arith.select %eq3A_602, %get3A_415, %broadcast_in_dim3A_604 : vector<16xi1>, vector<16xi32>
      %reduce_sum3A_606 = arith.constant true
      %reduce_sum3A_607 = vector.broadcast %reduce_sum3A_606 : i1 to vector<16xi1>
      %reduce_sum3A_608 = tpu.scan <sum>, %select_n3A_605 masked %reduce_sum3A_607 : vector<16xi32>, vector<16xi1> -> vector<16xi32>
      %reduce_sum3A_609 = vector.extract %reduce_sum3A_608[15] : i32 from vector<16xi32>
      %dma_start3A_610 = arith.constant 8 : i32
      %dma_start3A_611 = arith.constant 0 : i32
      %dma_start3A_612 = tpu.memref_slice %arg7[%dma_start3A_610, %dma_start3A_611] : memref<16x500xf32, #tpu.memory_space<vmem>> -> memref<1x500xf32, #tpu.memory_space<vmem>>
      %dma_start3A_613 = tpu.memref_squeeze %dma_start3A_612 : memref<1x500xf32, #tpu.memory_space<vmem>> -> memref<500xf32, #tpu.memory_space<vmem>>
      %dma_start3A_614 = arith.constant 0 : i32
      %dma_start3A_615 = tpu.memref_slice %arg3[%reduce_sum3A_609, %dma_start3A_614] : memref<100000x500xf32, #tpu.memory_space<hbm>> -> memref<1x500xf32, #tpu.memory_space<hbm>>
      %dma_start3A_616 = tpu.memref_squeeze %dma_start3A_615 : memref<1x500xf32, #tpu.memory_space<hbm>> -> memref<500xf32, #tpu.memory_space<hbm>>
      %dma_start3A_617 = arith.constant 0 : i32
      %dma_start3A_618 = tpu.memref_slice %arg7[%dma_start3A_610, %dma_start3A_617] : memref<16x500xf32, #tpu.memory_space<vmem>> -> memref<1x500xf32, #tpu.memory_space<vmem>>
      %dma_start3A_619 = tpu.memref_squeeze %dma_start3A_618 : memref<1x500xf32, #tpu.memory_space<vmem>> -> memref<500xf32, #tpu.memory_space<vmem>>
      %dma_start3A_620 = arith.constant 0 : i32
      %dma_start3A_621 = tpu.memref_slice %arg3[%reduce_sum3A_609, %dma_start3A_620] : memref<100000x500xf32, #tpu.memory_space<hbm>> -> memref<1x500xf32, #tpu.memory_space<hbm>>
      %dma_start3A_622 = tpu.memref_squeeze %dma_start3A_621 : memref<1x500xf32, #tpu.memory_space<hbm>> -> memref<500xf32, #tpu.memory_space<hbm>>
      tpu.enqueue_dma source(%dma_start3A_622 : memref<500xf32, #tpu.memory_space<hbm>>) target(%dma_start3A_619 : memref<500xf32, #tpu.memory_space<vmem>>) target_semaphore(%arg11 : memref<!tpu.dma_semaphore, #tpu.memory_space<semaphore_mem>>)
      %eq3A_623 = arith.constant 9 : i32
      %eq3A_624 = vector.broadcast %eq3A_623 : i32 to vector<16xi32>
      %eq3A_625 = arith.cmpi eq, %iota3A, %eq3A_624 : vector<16xi32>
      %jit3A_626 = arith.constant 0 : i32
      %broadcast_in_dim3A_627 = vector.broadcast %jit3A_626 : i32 to vector<16xi32>
      %select_n3A_628 = arith.select %eq3A_625, %get3A_415, %broadcast_in_dim3A_627 : vector<16xi1>, vector<16xi32>
      %reduce_sum3A_629 = arith.constant true
      %reduce_sum3A_630 = vector.broadcast %reduce_sum3A_629 : i1 to vector<16xi1>
      %reduce_sum3A_631 = tpu.scan <sum>, %select_n3A_628 masked %reduce_sum3A_630 : vector<16xi32>, vector<16xi1> -> vector<16xi32>
      %reduce_sum3A_632 = vector.extract %reduce_sum3A_631[15] : i32 from vector<16xi32>
      %dma_start3A_633 = arith.constant 9 : i32
      %dma_start3A_634 = arith.constant 0 : i32
      %dma_start3A_635 = tpu.memref_slice %arg7[%dma_start3A_633, %dma_start3A_634] : memref<16x500xf32, #tpu.memory_space<vmem>> -> memref<1x500xf32, #tpu.memory_space<vmem>>
      %dma_start3A_636 = tpu.memref_squeeze %dma_start3A_635 : memref<1x500xf32, #tpu.memory_space<vmem>> -> memref<500xf32, #tpu.memory_space<vmem>>
      %dma_start3A_637 = arith.constant 0 : i32
      %dma_start3A_638 = tpu.memref_slice %arg3[%reduce_sum3A_632, %dma_start3A_637] : memref<100000x500xf32, #tpu.memory_space<hbm>> -> memref<1x500xf32, #tpu.memory_space<hbm>>
      %dma_start3A_639 = tpu.memref_squeeze %dma_start3A_638 : memref<1x500xf32, #tpu.memory_space<hbm>> -> memref<500xf32, #tpu.memory_space<hbm>>
      %dma_start3A_640 = arith.constant 0 : i32
      %dma_start3A_641 = tpu.memref_slice %arg7[%dma_start3A_633, %dma_start3A_640] : memref<16x500xf32, #tpu.memory_space<vmem>> -> memref<1x500xf32, #tpu.memory_space<vmem>>
      %dma_start3A_642 = tpu.memref_squeeze %dma_start3A_641 : memref<1x500xf32, #tpu.memory_space<vmem>> -> memref<500xf32, #tpu.memory_space<vmem>>
      %dma_start3A_643 = arith.constant 0 : i32
      %dma_start3A_644 = tpu.memref_slice %arg3[%reduce_sum3A_632, %dma_start3A_643] : memref<100000x500xf32, #tpu.memory_space<hbm>> -> memref<1x500xf32, #tpu.memory_space<hbm>>
      %dma_start3A_645 = tpu.memref_squeeze %dma_start3A_644 : memref<1x500xf32, #tpu.memory_space<hbm>> -> memref<500xf32, #tpu.memory_space<hbm>>
      tpu.enqueue_dma source(%dma_start3A_645 : memref<500xf32, #tpu.memory_space<hbm>>) target(%dma_start3A_642 : memref<500xf32, #tpu.memory_space<vmem>>) target_semaphore(%arg11 : memref<!tpu.dma_semaphore, #tpu.memory_space<semaphore_mem>>)
      %eq3A_646 = arith.constant 10 : i32
      %eq3A_647 = vector.broadcast %eq3A_646 : i32 to vector<16xi32>
      %eq3A_648 = arith.cmpi eq, %iota3A, %eq3A_647 : vector<16xi32>
      %jit3A_649 = arith.constant 0 : i32
      %broadcast_in_dim3A_650 = vector.broadcast %jit3A_649 : i32 to vector<16xi32>
      %select_n3A_651 = arith.select %eq3A_648, %get3A_415, %broadcast_in_dim3A_650 : vector<16xi1>, vector<16xi32>
      %reduce_sum3A_652 = arith.constant true
      %reduce_sum3A_653 = vector.broadcast %reduce_sum3A_652 : i1 to vector<16xi1>
      %reduce_sum3A_654 = tpu.scan <sum>, %select_n3A_651 masked %reduce_sum3A_653 : vector<16xi32>, vector<16xi1> -> vector<16xi32>
      %reduce_sum3A_655 = vector.extract %reduce_sum3A_654[15] : i32 from vector<16xi32>
      %dma_start3A_656 = arith.constant 10 : i32
      %dma_start3A_657 = arith.constant 0 : i32
      %dma_start3A_658 = tpu.memref_slice %arg7[%dma_start3A_656, %dma_start3A_657] : memref<16x500xf32, #tpu.memory_space<vmem>> -> memref<1x500xf32, #tpu.memory_space<vmem>>
      %dma_start3A_659 = tpu.memref_squeeze %dma_start3A_658 : memref<1x500xf32, #tpu.memory_space<vmem>> -> memref<500xf32, #tpu.memory_space<vmem>>
      %dma_start3A_660 = arith.constant 0 : i32
      %dma_start3A_661 = tpu.memref_slice %arg3[%reduce_sum3A_655, %dma_start3A_660] : memref<100000x500xf32, #tpu.memory_space<hbm>> -> memref<1x500xf32, #tpu.memory_space<hbm>>
      %dma_start3A_662 = tpu.memref_squeeze %dma_start3A_661 : memref<1x500xf32, #tpu.memory_space<hbm>> -> memref<500xf32, #tpu.memory_space<hbm>>
      %dma_start3A_663 = arith.constant 0 : i32
      %dma_start3A_664 = tpu.memref_slice %arg7[%dma_start3A_656, %dma_start3A_663] : memref<16x500xf32, #tpu.memory_space<vmem>> -> memref<1x500xf32, #tpu.memory_space<vmem>>
      %dma_start3A_665 = tpu.memref_squeeze %dma_start3A_664 : memref<1x500xf32, #tpu.memory_space<vmem>> -> memref<500xf32, #tpu.memory_space<vmem>>
      %dma_start3A_666 = arith.constant 0 : i32
      %dma_start3A_667 = tpu.memref_slice %arg3[%reduce_sum3A_655, %dma_start3A_666] : memref<100000x500xf32, #tpu.memory_space<hbm>> -> memref<1x500xf32, #tpu.memory_space<hbm>>
      %dma_start3A_668 = tpu.memref_squeeze %dma_start3A_667 : memref<1x500xf32, #tpu.memory_space<hbm>> -> memref<500xf32, #tpu.memory_space<hbm>>
      tpu.enqueue_dma source(%dma_start3A_668 : memref<500xf32, #tpu.memory_space<hbm>>) target(%dma_start3A_665 : memref<500xf32, #tpu.memory_space<vmem>>) target_semaphore(%arg11 : memref<!tpu.dma_semaphore, #tpu.memory_space<semaphore_mem>>)
      %eq3A_669 = arith.constant 11 : i32
      %eq3A_670 = vector.broadcast %eq3A_669 : i32 to vector<16xi32>
      %eq3A_671 = arith.cmpi eq, %iota3A, %eq3A_670 : vector<16xi32>
      %jit3A_672 = arith.constant 0 : i32
      %broadcast_in_dim3A_673 = vector.broadcast %jit3A_672 : i32 to vector<16xi32>
      %select_n3A_674 = arith.select %eq3A_671, %get3A_415, %broadcast_in_dim3A_673 : vector<16xi1>, vector<16xi32>
      %reduce_sum3A_675 = arith.constant true
      %reduce_sum3A_676 = vector.broadcast %reduce_sum3A_675 : i1 to vector<16xi1>
      %reduce_sum3A_677 = tpu.scan <sum>, %select_n3A_674 masked %reduce_sum3A_676 : vector<16xi32>, vector<16xi1> -> vector<16xi32>
      %reduce_sum3A_678 = vector.extract %reduce_sum3A_677[15] : i32 from vector<16xi32>
      %dma_start3A_679 = arith.constant 11 : i32
      %dma_start3A_680 = arith.constant 0 : i32
      %dma_start3A_681 = tpu.memref_slice %arg7[%dma_start3A_679, %dma_start3A_680] : memref<16x500xf32, #tpu.memory_space<vmem>> -> memref<1x500xf32, #tpu.memory_space<vmem>>
      %dma_start3A_682 = tpu.memref_squeeze %dma_start3A_681 : memref<1x500xf32, #tpu.memory_space<vmem>> -> memref<500xf32, #tpu.memory_space<vmem>>
      %dma_start3A_683 = arith.constant 0 : i32
      %dma_start3A_684 = tpu.memref_slice %arg3[%reduce_sum3A_678, %dma_start3A_683] : memref<100000x500xf32, #tpu.memory_space<hbm>> -> memref<1x500xf32, #tpu.memory_space<hbm>>
      %dma_start3A_685 = tpu.memref_squeeze %dma_start3A_684 : memref<1x500xf32, #tpu.memory_space<hbm>> -> memref<500xf32, #tpu.memory_space<hbm>>
      %dma_start3A_686 = arith.constant 0 : i32
      %dma_start3A_687 = tpu.memref_slice %arg7[%dma_start3A_679, %dma_start3A_686] : memref<16x500xf32, #tpu.memory_space<vmem>> -> memref<1x500xf32, #tpu.memory_space<vmem>>
      %dma_start3A_688 = tpu.memref_squeeze %dma_start3A_687 : memref<1x500xf32, #tpu.memory_space<vmem>> -> memref<500xf32, #tpu.memory_space<vmem>>
      %dma_start3A_689 = arith.constant 0 : i32
      %dma_start3A_690 = tpu.memref_slice %arg3[%reduce_sum3A_678, %dma_start3A_689] : memref<100000x500xf32, #tpu.memory_space<hbm>> -> memref<1x500xf32, #tpu.memory_space<hbm>>
      %dma_start3A_691 = tpu.memref_squeeze %dma_start3A_690 : memref<1x500xf32, #tpu.memory_space<hbm>> -> memref<500xf32, #tpu.memory_space<hbm>>
      tpu.enqueue_dma source(%dma_start3A_691 : memref<500xf32, #tpu.memory_space<hbm>>) target(%dma_start3A_688 : memref<500xf32, #tpu.memory_space<vmem>>) target_semaphore(%arg11 : memref<!tpu.dma_semaphore, #tpu.memory_space<semaphore_mem>>)
      %eq3A_692 = arith.constant 12 : i32
      %eq3A_693 = vector.broadcast %eq3A_692 : i32 to vector<16xi32>
      %eq3A_694 = arith.cmpi eq, %iota3A, %eq3A_693 : vector<16xi32>
      %jit3A_695 = arith.constant 0 : i32
      %broadcast_in_dim3A_696 = vector.broadcast %jit3A_695 : i32 to vector<16xi32>
      %select_n3A_697 = arith.select %eq3A_694, %get3A_415, %broadcast_in_dim3A_696 : vector<16xi1>, vector<16xi32>
      %reduce_sum3A_698 = arith.constant true
      %reduce_sum3A_699 = vector.broadcast %reduce_sum3A_698 : i1 to vector<16xi1>
      %reduce_sum3A_700 = tpu.scan <sum>, %select_n3A_697 masked %reduce_sum3A_699 : vector<16xi32>, vector<16xi1> -> vector<16xi32>
      %reduce_sum3A_701 = vector.extract %reduce_sum3A_700[15] : i32 from vector<16xi32>
      %dma_start3A_702 = arith.constant 12 : i32
      %dma_start3A_703 = arith.constant 0 : i32
      %dma_start3A_704 = tpu.memref_slice %arg7[%dma_start3A_702, %dma_start3A_703] : memref<16x500xf32, #tpu.memory_space<vmem>> -> memref<1x500xf32, #tpu.memory_space<vmem>>
      %dma_start3A_705 = tpu.memref_squeeze %dma_start3A_704 : memref<1x500xf32, #tpu.memory_space<vmem>> -> memref<500xf32, #tpu.memory_space<vmem>>
      %dma_start3A_706 = arith.constant 0 : i32
      %dma_start3A_707 = tpu.memref_slice %arg3[%reduce_sum3A_701, %dma_start3A_706] : memref<100000x500xf32, #tpu.memory_space<hbm>> -> memref<1x500xf32, #tpu.memory_space<hbm>>
      %dma_start3A_708 = tpu.memref_squeeze %dma_start3A_707 : memref<1x500xf32, #tpu.memory_space<hbm>> -> memref<500xf32, #tpu.memory_space<hbm>>
      %dma_start3A_709 = arith.constant 0 : i32
      %dma_start3A_710 = tpu.memref_slice %arg7[%dma_start3A_702, %dma_start3A_709] : memref<16x500xf32, #tpu.memory_space<vmem>> -> memref<1x500xf32, #tpu.memory_space<vmem>>
      %dma_start3A_711 = tpu.memref_squeeze %dma_start3A_710 : memref<1x500xf32, #tpu.memory_space<vmem>> -> memref<500xf32, #tpu.memory_space<vmem>>
      %dma_start3A_712 = arith.constant 0 : i32
      %dma_start3A_713 = tpu.memref_slice %arg3[%reduce_sum3A_701, %dma_start3A_712] : memref<100000x500xf32, #tpu.memory_space<hbm>> -> memref<1x500xf32, #tpu.memory_space<hbm>>
      %dma_start3A_714 = tpu.memref_squeeze %dma_start3A_713 : memref<1x500xf32, #tpu.memory_space<hbm>> -> memref<500xf32, #tpu.memory_space<hbm>>
      tpu.enqueue_dma source(%dma_start3A_714 : memref<500xf32, #tpu.memory_space<hbm>>) target(%dma_start3A_711 : memref<500xf32, #tpu.memory_space<vmem>>) target_semaphore(%arg11 : memref<!tpu.dma_semaphore, #tpu.memory_space<semaphore_mem>>)
      %eq3A_715 = arith.constant 13 : i32
      %eq3A_716 = vector.broadcast %eq3A_715 : i32 to vector<16xi32>
      %eq3A_717 = arith.cmpi eq, %iota3A, %eq3A_716 : vector<16xi32>
      %jit3A_718 = arith.constant 0 : i32
      %broadcast_in_dim3A_719 = vector.broadcast %jit3A_718 : i32 to vector<16xi32>
      %select_n3A_720 = arith.select %eq3A_717, %get3A_415, %broadcast_in_dim3A_719 : vector<16xi1>, vector<16xi32>
      %reduce_sum3A_721 = arith.constant true
      %reduce_sum3A_722 = vector.broadcast %reduce_sum3A_721 : i1 to vector<16xi1>
      %reduce_sum3A_723 = tpu.scan <sum>, %select_n3A_720 masked %reduce_sum3A_722 : vector<16xi32>, vector<16xi1> -> vector<16xi32>
      %reduce_sum3A_724 = vector.extract %reduce_sum3A_723[15] : i32 from vector<16xi32>
      %dma_start3A_725 = arith.constant 13 : i32
      %dma_start3A_726 = arith.constant 0 : i32
      %dma_start3A_727 = tpu.memref_slice %arg7[%dma_start3A_725, %dma_start3A_726] : memref<16x500xf32, #tpu.memory_space<vmem>> -> memref<1x500xf32, #tpu.memory_space<vmem>>
      %dma_start3A_728 = tpu.memref_squeeze %dma_start3A_727 : memref<1x500xf32, #tpu.memory_space<vmem>> -> memref<500xf32, #tpu.memory_space<vmem>>
      %dma_start3A_729 = arith.constant 0 : i32
      %dma_start3A_730 = tpu.memref_slice %arg3[%reduce_sum3A_724, %dma_start3A_729] : memref<100000x500xf32, #tpu.memory_space<hbm>> -> memref<1x500xf32, #tpu.memory_space<hbm>>
      %dma_start3A_731 = tpu.memref_squeeze %dma_start3A_730 : memref<1x500xf32, #tpu.memory_space<hbm>> -> memref<500xf32, #tpu.memory_space<hbm>>
      %dma_start3A_732 = arith.constant 0 : i32
      %dma_start3A_733 = tpu.memref_slice %arg7[%dma_start3A_725, %dma_start3A_732] : memref<16x500xf32, #tpu.memory_space<vmem>> -> memref<1x500xf32, #tpu.memory_space<vmem>>
      %dma_start3A_734 = tpu.memref_squeeze %dma_start3A_733 : memref<1x500xf32, #tpu.memory_space<vmem>> -> memref<500xf32, #tpu.memory_space<vmem>>
      %dma_start3A_735 = arith.constant 0 : i32
      %dma_start3A_736 = tpu.memref_slice %arg3[%reduce_sum3A_724, %dma_start3A_735] : memref<100000x500xf32, #tpu.memory_space<hbm>> -> memref<1x500xf32, #tpu.memory_space<hbm>>
      %dma_start3A_737 = tpu.memref_squeeze %dma_start3A_736 : memref<1x500xf32, #tpu.memory_space<hbm>> -> memref<500xf32, #tpu.memory_space<hbm>>
      tpu.enqueue_dma source(%dma_start3A_737 : memref<500xf32, #tpu.memory_space<hbm>>) target(%dma_start3A_734 : memref<500xf32, #tpu.memory_space<vmem>>) target_semaphore(%arg11 : memref<!tpu.dma_semaphore, #tpu.memory_space<semaphore_mem>>)
      %eq3A_738 = arith.constant 14 : i32
      %eq3A_739 = vector.broadcast %eq3A_738 : i32 to vector<16xi32>
      %eq3A_740 = arith.cmpi eq, %iota3A, %eq3A_739 : vector<16xi32>
      %jit3A_741 = arith.constant 0 : i32
      %broadcast_in_dim3A_742 = vector.broadcast %jit3A_741 : i32 to vector<16xi32>
      %select_n3A_743 = arith.select %eq3A_740, %get3A_415, %broadcast_in_dim3A_742 : vector<16xi1>, vector<16xi32>
      %reduce_sum3A_744 = arith.constant true
      %reduce_sum3A_745 = vector.broadcast %reduce_sum3A_744 : i1 to vector<16xi1>
      %reduce_sum3A_746 = tpu.scan <sum>, %select_n3A_743 masked %reduce_sum3A_745 : vector<16xi32>, vector<16xi1> -> vector<16xi32>
      %reduce_sum3A_747 = vector.extract %reduce_sum3A_746[15] : i32 from vector<16xi32>
      %dma_start3A_748 = arith.constant 14 : i32
      %dma_start3A_749 = arith.constant 0 : i32
      %dma_start3A_750 = tpu.memref_slice %arg7[%dma_start3A_748, %dma_start3A_749] : memref<16x500xf32, #tpu.memory_space<vmem>> -> memref<1x500xf32, #tpu.memory_space<vmem>>
      %dma_start3A_751 = tpu.memref_squeeze %dma_start3A_750 : memref<1x500xf32, #tpu.memory_space<vmem>> -> memref<500xf32, #tpu.memory_space<vmem>>
      %dma_start3A_752 = arith.constant 0 : i32
      %dma_start3A_753 = tpu.memref_slice %arg3[%reduce_sum3A_747, %dma_start3A_752] : memref<100000x500xf32, #tpu.memory_space<hbm>> -> memref<1x500xf32, #tpu.memory_space<hbm>>
      %dma_start3A_754 = tpu.memref_squeeze %dma_start3A_753 : memref<1x500xf32, #tpu.memory_space<hbm>> -> memref<500xf32, #tpu.memory_space<hbm>>
      %dma_start3A_755 = arith.constant 0 : i32
      %dma_start3A_756 = tpu.memref_slice %arg7[%dma_start3A_748, %dma_start3A_755] : memref<16x500xf32, #tpu.memory_space<vmem>> -> memref<1x500xf32, #tpu.memory_space<vmem>>
      %dma_start3A_757 = tpu.memref_squeeze %dma_start3A_756 : memref<1x500xf32, #tpu.memory_space<vmem>> -> memref<500xf32, #tpu.memory_space<vmem>>
      %dma_start3A_758 = arith.constant 0 : i32
      %dma_start3A_759 = tpu.memref_slice %arg3[%reduce_sum3A_747, %dma_start3A_758] : memref<100000x500xf32, #tpu.memory_space<hbm>> -> memref<1x500xf32, #tpu.memory_space<hbm>>
      %dma_start3A_760 = tpu.memref_squeeze %dma_start3A_759 : memref<1x500xf32, #tpu.memory_space<hbm>> -> memref<500xf32, #tpu.memory_space<hbm>>
      tpu.enqueue_dma source(%dma_start3A_760 : memref<500xf32, #tpu.memory_space<hbm>>) target(%dma_start3A_757 : memref<500xf32, #tpu.memory_space<vmem>>) target_semaphore(%arg11 : memref<!tpu.dma_semaphore, #tpu.memory_space<semaphore_mem>>)
      %eq3A_761 = arith.constant 15 : i32
      %eq3A_762 = vector.broadcast %eq3A_761 : i32 to vector<16xi32>
      %eq3A_763 = arith.cmpi eq, %iota3A, %eq3A_762 : vector<16xi32>
      %jit3A_764 = arith.constant 0 : i32
      %broadcast_in_dim3A_765 = vector.broadcast %jit3A_764 : i32 to vector<16xi32>
      %select_n3A_766 = arith.select %eq3A_763, %get3A_415, %broadcast_in_dim3A_765 : vector<16xi1>, vector<16xi32>
      %reduce_sum3A_767 = arith.constant true
      %reduce_sum3A_768 = vector.broadcast %reduce_sum3A_767 : i1 to vector<16xi1>
      %reduce_sum3A_769 = tpu.scan <sum>, %select_n3A_766 masked %reduce_sum3A_768 : vector<16xi32>, vector<16xi1> -> vector<16xi32>
      %reduce_sum3A_770 = vector.extract %reduce_sum3A_769[15] : i32 from vector<16xi32>
      %dma_start3A_771 = arith.constant 15 : i32
      %dma_start3A_772 = arith.constant 0 : i32
      %dma_start3A_773 = tpu.memref_slice %arg7[%dma_start3A_771, %dma_start3A_772] : memref<16x500xf32, #tpu.memory_space<vmem>> -> memref<1x500xf32, #tpu.memory_space<vmem>>
      %dma_start3A_774 = tpu.memref_squeeze %dma_start3A_773 : memref<1x500xf32, #tpu.memory_space<vmem>> -> memref<500xf32, #tpu.memory_space<vmem>>
      %dma_start3A_775 = arith.constant 0 : i32
      %dma_start3A_776 = tpu.memref_slice %arg3[%reduce_sum3A_770, %dma_start3A_775] : memref<100000x500xf32, #tpu.memory_space<hbm>> -> memref<1x500xf32, #tpu.memory_space<hbm>>
      %dma_start3A_777 = tpu.memref_squeeze %dma_start3A_776 : memref<1x500xf32, #tpu.memory_space<hbm>> -> memref<500xf32, #tpu.memory_space<hbm>>
      %dma_start3A_778 = arith.constant 0 : i32
      %dma_start3A_779 = tpu.memref_slice %arg7[%dma_start3A_771, %dma_start3A_778] : memref<16x500xf32, #tpu.memory_space<vmem>> -> memref<1x500xf32, #tpu.memory_space<vmem>>
      %dma_start3A_780 = tpu.memref_squeeze %dma_start3A_779 : memref<1x500xf32, #tpu.memory_space<vmem>> -> memref<500xf32, #tpu.memory_space<vmem>>
      %dma_start3A_781 = arith.constant 0 : i32
      %dma_start3A_782 = tpu.memref_slice %arg3[%reduce_sum3A_770, %dma_start3A_781] : memref<100000x500xf32, #tpu.memory_space<hbm>> -> memref<1x500xf32, #tpu.memory_space<hbm>>
      %dma_start3A_783 = tpu.memref_squeeze %dma_start3A_782 : memref<1x500xf32, #tpu.memory_space<hbm>> -> memref<500xf32, #tpu.memory_space<hbm>>
      tpu.enqueue_dma source(%dma_start3A_783 : memref<500xf32, #tpu.memory_space<hbm>>) target(%dma_start3A_780 : memref<500xf32, #tpu.memory_space<vmem>>) target_semaphore(%arg11 : memref<!tpu.dma_semaphore, #tpu.memory_space<semaphore_mem>>)
      %mul3A_784 = arith.constant 4 : i32
      %mul3A_785 = arith.muli %mul3A_784, %scan3A_31 : i32
      %add3A_786 = arith.constant 2 : i32
      %add3A_787 = arith.addi %mul3A_785, %add3A_786 : i32
      %gt3A_788 = arith.constant 0 : i32
      %gt3A_789 = arith.cmpi sgt, %scan3A_31, %gt3A_788 : i32
      %convert_element_type3A_790 = arith.extui %gt3A_789 : i1 to i32
      %cond3A_791 = arith.constant 0 : i32
      %cond3A_792 = arith.cmpi ne, %convert_element_type3A_790, %cond3A_791 : i32
      scf.if %cond3A_792 {
        %dma_wait3A_2486 = arith.constant 0 : i32
        %dma_wait3A_2487 = arith.constant 0 : i32
        %dma_wait3A_2488 = tpu.memref_slice %arg4[%dma_wait3A_2486, %dma_wait3A_2487] : memref<204800x500xf32, #tpu.memory_space<hbm>> -> memref<16x500xf32, #tpu.memory_space<hbm>>
        %dma_wait3A_2489 = arith.constant 0 : i32
        %dma_wait3A_2490 = arith.constant 0 : i32
        %dma_wait3A_2491 = tpu.memref_slice %arg4[%dma_wait3A_2489, %dma_wait3A_2490] : memref<204800x500xf32, #tpu.memory_space<hbm>> -> memref<16x500xf32, #tpu.memory_space<hbm>>
        tpu.wait_dma2 semaphore(%arg16 : memref<!tpu.dma_semaphore, #tpu.memory_space<semaphore_mem>>) src(%arg8 : memref<16x500xf32, #tpu.memory_space<vmem>>) dst(%dma_wait3A_2491 : memref<16x500xf32, #tpu.memory_space<hbm>>)
      } else {
      }
      %mul3A_793 = arith.constant 16 : i32
      %mul3A_794 = arith.muli %add3A_787, %mul3A_793 : i32
      %get3A_795 = arith.index_cast %mul3A_794 : i32 to index
      %get3A_796 = tpu.vector_load %arg5[%get3A_795] {strides = array<i32>} : memref<6400xi32, #tpu.memory_space<vmem>>, vector<16xi32>,
      %eq3A_797 = arith.constant 0 : i32
      %eq3A_798 = vector.broadcast %eq3A_797 : i32 to vector<16xi32>
      %eq3A_799 = arith.cmpi eq, %iota3A, %eq3A_798 : vector<16xi32>
      %jit3A_800 = arith.constant 0 : i32
      %broadcast_in_dim3A_801 = vector.broadcast %jit3A_800 : i32 to vector<16xi32>
      %select_n3A_802 = arith.select %eq3A_799, %get3A_796, %broadcast_in_dim3A_801 : vector<16xi1>, vector<16xi32>
      %reduce_sum3A_803 = arith.constant true
      %reduce_sum3A_804 = vector.broadcast %reduce_sum3A_803 : i1 to vector<16xi1>
      %reduce_sum3A_805 = tpu.scan <sum>, %select_n3A_802 masked %reduce_sum3A_804 : vector<16xi32>, vector<16xi1> -> vector<16xi32>
      %reduce_sum3A_806 = vector.extract %reduce_sum3A_805[15] : i32 from vector<16xi32>
      %dma_start3A_807 = arith.constant 0 : i32
      %dma_start3A_808 = arith.constant 0 : i32
      %dma_start3A_809 = tpu.memref_slice %arg8[%dma_start3A_807, %dma_start3A_808] : memref<16x500xf32, #tpu.memory_space<vmem>> -> memref<1x500xf32, #tpu.memory_space<vmem>>
      %dma_start3A_810 = tpu.memref_squeeze %dma_start3A_809 : memref<1x500xf32, #tpu.memory_space<vmem>> -> memref<500xf32, #tpu.memory_space<vmem>>
      %dma_start3A_811 = arith.constant 0 : i32
      %dma_start3A_812 = tpu.memref_slice %arg3[%reduce_sum3A_806, %dma_start3A_811] : memref<100000x500xf32, #tpu.memory_space<hbm>> -> memref<1x500xf32, #tpu.memory_space<hbm>>
      %dma_start3A_813 = tpu.memref_squeeze %dma_start3A_812 : memref<1x500xf32, #tpu.memory_space<hbm>> -> memref<500xf32, #tpu.memory_space<hbm>>
      %dma_start3A_814 = arith.constant 0 : i32
      %dma_start3A_815 = tpu.memref_slice %arg8[%dma_start3A_807, %dma_start3A_814] : memref<16x500xf32, #tpu.memory_space<vmem>> -> memref<1x500xf32, #tpu.memory_space<vmem>>
      %dma_start3A_816 = tpu.memref_squeeze %dma_start3A_815 : memref<1x500xf32, #tpu.memory_space<vmem>> -> memref<500xf32, #tpu.memory_space<vmem>>
      %dma_start3A_817 = arith.constant 0 : i32
      %dma_start3A_818 = tpu.memref_slice %arg3[%reduce_sum3A_806, %dma_start3A_817] : memref<100000x500xf32, #tpu.memory_space<hbm>> -> memref<1x500xf32, #tpu.memory_space<hbm>>
      %dma_start3A_819 = tpu.memref_squeeze %dma_start3A_818 : memref<1x500xf32, #tpu.memory_space<hbm>> -> memref<500xf32, #tpu.memory_space<hbm>>
      tpu.enqueue_dma source(%dma_start3A_819 : memref<500xf32, #tpu.memory_space<hbm>>) target(%dma_start3A_816 : memref<500xf32, #tpu.memory_space<vmem>>) target_semaphore(%arg12 : memref<!tpu.dma_semaphore, #tpu.memory_space<semaphore_mem>>)
      %eq3A_820 = arith.constant 1 : i32
      %eq3A_821 = vector.broadcast %eq3A_820 : i32 to vector<16xi32>
      %eq3A_822 = arith.cmpi eq, %iota3A, %eq3A_821 : vector<16xi32>
      %jit3A_823 = arith.constant 0 : i32
      %broadcast_in_dim3A_824 = vector.broadcast %jit3A_823 : i32 to vector<16xi32>
      %select_n3A_825 = arith.select %eq3A_822, %get3A_796, %broadcast_in_dim3A_824 : vector<16xi1>, vector<16xi32>
      %reduce_sum3A_826 = arith.constant true
      %reduce_sum3A_827 = vector.broadcast %reduce_sum3A_826 : i1 to vector<16xi1>
      %reduce_sum3A_828 = tpu.scan <sum>, %select_n3A_825 masked %reduce_sum3A_827 : vector<16xi32>, vector<16xi1> -> vector<16xi32>
      %reduce_sum3A_829 = vector.extract %reduce_sum3A_828[15] : i32 from vector<16xi32>
      %dma_start3A_830 = arith.constant 1 : i32
      %dma_start3A_831 = arith.constant 0 : i32
      %dma_start3A_832 = tpu.memref_slice %arg8[%dma_start3A_830, %dma_start3A_831] : memref<16x500xf32, #tpu.memory_space<vmem>> -> memref<1x500xf32, #tpu.memory_space<vmem>>
      %dma_start3A_833 = tpu.memref_squeeze %dma_start3A_832 : memref<1x500xf32, #tpu.memory_space<vmem>> -> memref<500xf32, #tpu.memory_space<vmem>>
      %dma_start3A_834 = arith.constant 0 : i32
      %dma_start3A_835 = tpu.memref_slice %arg3[%reduce_sum3A_829, %dma_start3A_834] : memref<100000x500xf32, #tpu.memory_space<hbm>> -> memref<1x500xf32, #tpu.memory_space<hbm>>
      %dma_start3A_836 = tpu.memref_squeeze %dma_start3A_835 : memref<1x500xf32, #tpu.memory_space<hbm>> -> memref<500xf32, #tpu.memory_space<hbm>>
      %dma_start3A_837 = arith.constant 0 : i32
      %dma_start3A_838 = tpu.memref_slice %arg8[%dma_start3A_830, %dma_start3A_837] : memref<16x500xf32, #tpu.memory_space<vmem>> -> memref<1x500xf32, #tpu.memory_space<vmem>>
      %dma_start3A_839 = tpu.memref_squeeze %dma_start3A_838 : memref<1x500xf32, #tpu.memory_space<vmem>> -> memref<500xf32, #tpu.memory_space<vmem>>
      %dma_start3A_840 = arith.constant 0 : i32
      %dma_start3A_841 = tpu.memref_slice %arg3[%reduce_sum3A_829, %dma_start3A_840] : memref<100000x500xf32, #tpu.memory_space<hbm>> -> memref<1x500xf32, #tpu.memory_space<hbm>>
      %dma_start3A_842 = tpu.memref_squeeze %dma_start3A_841 : memref<1x500xf32, #tpu.memory_space<hbm>> -> memref<500xf32, #tpu.memory_space<hbm>>
      tpu.enqueue_dma source(%dma_start3A_842 : memref<500xf32, #tpu.memory_space<hbm>>) target(%dma_start3A_839 : memref<500xf32, #tpu.memory_space<vmem>>) target_semaphore(%arg12 : memref<!tpu.dma_semaphore, #tpu.memory_space<semaphore_mem>>)
      %eq3A_843 = arith.constant 2 : i32
      %eq3A_844 = vector.broadcast %eq3A_843 : i32 to vector<16xi32>
      %eq3A_845 = arith.cmpi eq, %iota3A, %eq3A_844 : vector<16xi32>
      %jit3A_846 = arith.constant 0 : i32
      %broadcast_in_dim3A_847 = vector.broadcast %jit3A_846 : i32 to vector<16xi32>
      %select_n3A_848 = arith.select %eq3A_845, %get3A_796, %broadcast_in_dim3A_847 : vector<16xi1>, vector<16xi32>
      %reduce_sum3A_849 = arith.constant true
      %reduce_sum3A_850 = vector.broadcast %reduce_sum3A_849 : i1 to vector<16xi1>
      %reduce_sum3A_851 = tpu.scan <sum>, %select_n3A_848 masked %reduce_sum3A_850 : vector<16xi32>, vector<16xi1> -> vector<16xi32>
      %reduce_sum3A_852 = vector.extract %reduce_sum3A_851[15] : i32 from vector<16xi32>
      %dma_start3A_853 = arith.constant 2 : i32
      %dma_start3A_854 = arith.constant 0 : i32
      %dma_start3A_855 = tpu.memref_slice %arg8[%dma_start3A_853, %dma_start3A_854] : memref<16x500xf32, #tpu.memory_space<vmem>> -> memref<1x500xf32, #tpu.memory_space<vmem>>
      %dma_start3A_856 = tpu.memref_squeeze %dma_start3A_855 : memref<1x500xf32, #tpu.memory_space<vmem>> -> memref<500xf32, #tpu.memory_space<vmem>>
      %dma_start3A_857 = arith.constant 0 : i32
      %dma_start3A_858 = tpu.memref_slice %arg3[%reduce_sum3A_852, %dma_start3A_857] : memref<100000x500xf32, #tpu.memory_space<hbm>> -> memref<1x500xf32, #tpu.memory_space<hbm>>
      %dma_start3A_859 = tpu.memref_squeeze %dma_start3A_858 : memref<1x500xf32, #tpu.memory_space<hbm>> -> memref<500xf32, #tpu.memory_space<hbm>>
      %dma_start3A_860 = arith.constant 0 : i32
      %dma_start3A_861 = tpu.memref_slice %arg8[%dma_start3A_853, %dma_start3A_860] : memref<16x500xf32, #tpu.memory_space<vmem>> -> memref<1x500xf32, #tpu.memory_space<vmem>>
      %dma_start3A_862 = tpu.memref_squeeze %dma_start3A_861 : memref<1x500xf32, #tpu.memory_space<vmem>> -> memref<500xf32, #tpu.memory_space<vmem>>
      %dma_start3A_863 = arith.constant 0 : i32
      %dma_start3A_864 = tpu.memref_slice %arg3[%reduce_sum3A_852, %dma_start3A_863] : memref<100000x500xf32, #tpu.memory_space<hbm>> -> memref<1x500xf32, #tpu.memory_space<hbm>>
      %dma_start3A_865 = tpu.memref_squeeze %dma_start3A_864 : memref<1x500xf32, #tpu.memory_space<hbm>> -> memref<500xf32, #tpu.memory_space<hbm>>
      tpu.enqueue_dma source(%dma_start3A_865 : memref<500xf32, #tpu.memory_space<hbm>>) target(%dma_start3A_862 : memref<500xf32, #tpu.memory_space<vmem>>) target_semaphore(%arg12 : memref<!tpu.dma_semaphore, #tpu.memory_space<semaphore_mem>>)
      %eq3A_866 = arith.constant 3 : i32
      %eq3A_867 = vector.broadcast %eq3A_866 : i32 to vector<16xi32>
      %eq3A_868 = arith.cmpi eq, %iota3A, %eq3A_867 : vector<16xi32>
      %jit3A_869 = arith.constant 0 : i32
      %broadcast_in_dim3A_870 = vector.broadcast %jit3A_869 : i32 to vector<16xi32>
      %select_n3A_871 = arith.select %eq3A_868, %get3A_796, %broadcast_in_dim3A_870 : vector<16xi1>, vector<16xi32>
      %reduce_sum3A_872 = arith.constant true
      %reduce_sum3A_873 = vector.broadcast %reduce_sum3A_872 : i1 to vector<16xi1>
      %reduce_sum3A_874 = tpu.scan <sum>, %select_n3A_871 masked %reduce_sum3A_873 : vector<16xi32>, vector<16xi1> -> vector<16xi32>
      %reduce_sum3A_875 = vector.extract %reduce_sum3A_874[15] : i32 from vector<16xi32>
      %dma_start3A_876 = arith.constant 3 : i32
      %dma_start3A_877 = arith.constant 0 : i32
      %dma_start3A_878 = tpu.memref_slice %arg8[%dma_start3A_876, %dma_start3A_877] : memref<16x500xf32, #tpu.memory_space<vmem>> -> memref<1x500xf32, #tpu.memory_space<vmem>>
      %dma_start3A_879 = tpu.memref_squeeze %dma_start3A_878 : memref<1x500xf32, #tpu.memory_space<vmem>> -> memref<500xf32, #tpu.memory_space<vmem>>
      %dma_start3A_880 = arith.constant 0 : i32
      %dma_start3A_881 = tpu.memref_slice %arg3[%reduce_sum3A_875, %dma_start3A_880] : memref<100000x500xf32, #tpu.memory_space<hbm>> -> memref<1x500xf32, #tpu.memory_space<hbm>>
      %dma_start3A_882 = tpu.memref_squeeze %dma_start3A_881 : memref<1x500xf32, #tpu.memory_space<hbm>> -> memref<500xf32, #tpu.memory_space<hbm>>
      %dma_start3A_883 = arith.constant 0 : i32
      %dma_start3A_884 = tpu.memref_slice %arg8[%dma_start3A_876, %dma_start3A_883] : memref<16x500xf32, #tpu.memory_space<vmem>> -> memref<1x500xf32, #tpu.memory_space<vmem>>
      %dma_start3A_885 = tpu.memref_squeeze %dma_start3A_884 : memref<1x500xf32, #tpu.memory_space<vmem>> -> memref<500xf32, #tpu.memory_space<vmem>>
      %dma_start3A_886 = arith.constant 0 : i32
      %dma_start3A_887 = tpu.memref_slice %arg3[%reduce_sum3A_875, %dma_start3A_886] : memref<100000x500xf32, #tpu.memory_space<hbm>> -> memref<1x500xf32, #tpu.memory_space<hbm>>
      %dma_start3A_888 = tpu.memref_squeeze %dma_start3A_887 : memref<1x500xf32, #tpu.memory_space<hbm>> -> memref<500xf32, #tpu.memory_space<hbm>>
      tpu.enqueue_dma source(%dma_start3A_888 : memref<500xf32, #tpu.memory_space<hbm>>) target(%dma_start3A_885 : memref<500xf32, #tpu.memory_space<vmem>>) target_semaphore(%arg12 : memref<!tpu.dma_semaphore, #tpu.memory_space<semaphore_mem>>)
      %eq3A_889 = arith.constant 4 : i32
      %eq3A_890 = vector.broadcast %eq3A_889 : i32 to vector<16xi32>
      %eq3A_891 = arith.cmpi eq, %iota3A, %eq3A_890 : vector<16xi32>
      %jit3A_892 = arith.constant 0 : i32
      %broadcast_in_dim3A_893 = vector.broadcast %jit3A_892 : i32 to vector<16xi32>
      %select_n3A_894 = arith.select %eq3A_891, %get3A_796, %broadcast_in_dim3A_893 : vector<16xi1>, vector<16xi32>
      %reduce_sum3A_895 = arith.constant true
      %reduce_sum3A_896 = vector.broadcast %reduce_sum3A_895 : i1 to vector<16xi1>
      %reduce_sum3A_897 = tpu.scan <sum>, %select_n3A_894 masked %reduce_sum3A_896 : vector<16xi32>, vector<16xi1> -> vector<16xi32>
      %reduce_sum3A_898 = vector.extract %reduce_sum3A_897[15] : i32 from vector<16xi32>
      %dma_start3A_899 = arith.constant 4 : i32
      %dma_start3A_900 = arith.constant 0 : i32
      %dma_start3A_901 = tpu.memref_slice %arg8[%dma_start3A_899, %dma_start3A_900] : memref<16x500xf32, #tpu.memory_space<vmem>> -> memref<1x500xf32, #tpu.memory_space<vmem>>
      %dma_start3A_902 = tpu.memref_squeeze %dma_start3A_901 : memref<1x500xf32, #tpu.memory_space<vmem>> -> memref<500xf32, #tpu.memory_space<vmem>>
      %dma_start3A_903 = arith.constant 0 : i32
      %dma_start3A_904 = tpu.memref_slice %arg3[%reduce_sum3A_898, %dma_start3A_903] : memref<100000x500xf32, #tpu.memory_space<hbm>> -> memref<1x500xf32, #tpu.memory_space<hbm>>
      %dma_start3A_905 = tpu.memref_squeeze %dma_start3A_904 : memref<1x500xf32, #tpu.memory_space<hbm>> -> memref<500xf32, #tpu.memory_space<hbm>>
      %dma_start3A_906 = arith.constant 0 : i32
      %dma_start3A_907 = tpu.memref_slice %arg8[%dma_start3A_899, %dma_start3A_906] : memref<16x500xf32, #tpu.memory_space<vmem>> -> memref<1x500xf32, #tpu.memory_space<vmem>>
      %dma_start3A_908 = tpu.memref_squeeze %dma_start3A_907 : memref<1x500xf32, #tpu.memory_space<vmem>> -> memref<500xf32, #tpu.memory_space<vmem>>
      %dma_start3A_909 = arith.constant 0 : i32
      %dma_start3A_910 = tpu.memref_slice %arg3[%reduce_sum3A_898, %dma_start3A_909] : memref<100000x500xf32, #tpu.memory_space<hbm>> -> memref<1x500xf32, #tpu.memory_space<hbm>>
      %dma_start3A_911 = tpu.memref_squeeze %dma_start3A_910 : memref<1x500xf32, #tpu.memory_space<hbm>> -> memref<500xf32, #tpu.memory_space<hbm>>
      tpu.enqueue_dma source(%dma_start3A_911 : memref<500xf32, #tpu.memory_space<hbm>>) target(%dma_start3A_908 : memref<500xf32, #tpu.memory_space<vmem>>) target_semaphore(%arg12 : memref<!tpu.dma_semaphore, #tpu.memory_space<semaphore_mem>>)
      %eq3A_912 = arith.constant 5 : i32
      %eq3A_913 = vector.broadcast %eq3A_912 : i32 to vector<16xi32>
      %eq3A_914 = arith.cmpi eq, %iota3A, %eq3A_913 : vector<16xi32>
      %jit3A_915 = arith.constant 0 : i32
      %broadcast_in_dim3A_916 = vector.broadcast %jit3A_915 : i32 to vector<16xi32>
      %select_n3A_917 = arith.select %eq3A_914, %get3A_796, %broadcast_in_dim3A_916 : vector<16xi1>, vector<16xi32>
      %reduce_sum3A_918 = arith.constant true
      %reduce_sum3A_919 = vector.broadcast %reduce_sum3A_918 : i1 to vector<16xi1>
      %reduce_sum3A_920 = tpu.scan <sum>, %select_n3A_917 masked %reduce_sum3A_919 : vector<16xi32>, vector<16xi1> -> vector<16xi32>
      %reduce_sum3A_921 = vector.extract %reduce_sum3A_920[15] : i32 from vector<16xi32>
      %dma_start3A_922 = arith.constant 5 : i32
      %dma_start3A_923 = arith.constant 0 : i32
      %dma_start3A_924 = tpu.memref_slice %arg8[%dma_start3A_922, %dma_start3A_923] : memref<16x500xf32, #tpu.memory_space<vmem>> -> memref<1x500xf32, #tpu.memory_space<vmem>>
      %dma_start3A_925 = tpu.memref_squeeze %dma_start3A_924 : memref<1x500xf32, #tpu.memory_space<vmem>> -> memref<500xf32, #tpu.memory_space<vmem>>
      %dma_start3A_926 = arith.constant 0 : i32
      %dma_start3A_927 = tpu.memref_slice %arg3[%reduce_sum3A_921, %dma_start3A_926] : memref<100000x500xf32, #tpu.memory_space<hbm>> -> memref<1x500xf32, #tpu.memory_space<hbm>>
      %dma_start3A_928 = tpu.memref_squeeze %dma_start3A_927 : memref<1x500xf32, #tpu.memory_space<hbm>> -> memref<500xf32, #tpu.memory_space<hbm>>
      %dma_start3A_929 = arith.constant 0 : i32
      %dma_start3A_930 = tpu.memref_slice %arg8[%dma_start3A_922, %dma_start3A_929] : memref<16x500xf32, #tpu.memory_space<vmem>> -> memref<1x500xf32, #tpu.memory_space<vmem>>
      %dma_start3A_931 = tpu.memref_squeeze %dma_start3A_930 : memref<1x500xf32, #tpu.memory_space<vmem>> -> memref<500xf32, #tpu.memory_space<vmem>>
      %dma_start3A_932 = arith.constant 0 : i32
      %dma_start3A_933 = tpu.memref_slice %arg3[%reduce_sum3A_921, %dma_start3A_932] : memref<100000x500xf32, #tpu.memory_space<hbm>> -> memref<1x500xf32, #tpu.memory_space<hbm>>
      %dma_start3A_934 = tpu.memref_squeeze %dma_start3A_933 : memref<1x500xf32, #tpu.memory_space<hbm>> -> memref<500xf32, #tpu.memory_space<hbm>>
      tpu.enqueue_dma source(%dma_start3A_934 : memref<500xf32, #tpu.memory_space<hbm>>) target(%dma_start3A_931 : memref<500xf32, #tpu.memory_space<vmem>>) target_semaphore(%arg12 : memref<!tpu.dma_semaphore, #tpu.memory_space<semaphore_mem>>)
      %eq3A_935 = arith.constant 6 : i32
      %eq3A_936 = vector.broadcast %eq3A_935 : i32 to vector<16xi32>
      %eq3A_937 = arith.cmpi eq, %iota3A, %eq3A_936 : vector<16xi32>
      %jit3A_938 = arith.constant 0 : i32
      %broadcast_in_dim3A_939 = vector.broadcast %jit3A_938 : i32 to vector<16xi32>
      %select_n3A_940 = arith.select %eq3A_937, %get3A_796, %broadcast_in_dim3A_939 : vector<16xi1>, vector<16xi32>
      %reduce_sum3A_941 = arith.constant true
      %reduce_sum3A_942 = vector.broadcast %reduce_sum3A_941 : i1 to vector<16xi1>
      %reduce_sum3A_943 = tpu.scan <sum>, %select_n3A_940 masked %reduce_sum3A_942 : vector<16xi32>, vector<16xi1> -> vector<16xi32>
      %reduce_sum3A_944 = vector.extract %reduce_sum3A_943[15] : i32 from vector<16xi32>
      %dma_start3A_945 = arith.constant 6 : i32
      %dma_start3A_946 = arith.constant 0 : i32
      %dma_start3A_947 = tpu.memref_slice %arg8[%dma_start3A_945, %dma_start3A_946] : memref<16x500xf32, #tpu.memory_space<vmem>> -> memref<1x500xf32, #tpu.memory_space<vmem>>
      %dma_start3A_948 = tpu.memref_squeeze %dma_start3A_947 : memref<1x500xf32, #tpu.memory_space<vmem>> -> memref<500xf32, #tpu.memory_space<vmem>>
      %dma_start3A_949 = arith.constant 0 : i32
      %dma_start3A_950 = tpu.memref_slice %arg3[%reduce_sum3A_944, %dma_start3A_949] : memref<100000x500xf32, #tpu.memory_space<hbm>> -> memref<1x500xf32, #tpu.memory_space<hbm>>
      %dma_start3A_951 = tpu.memref_squeeze %dma_start3A_950 : memref<1x500xf32, #tpu.memory_space<hbm>> -> memref<500xf32, #tpu.memory_space<hbm>>
      %dma_start3A_952 = arith.constant 0 : i32
      %dma_start3A_953 = tpu.memref_slice %arg8[%dma_start3A_945, %dma_start3A_952] : memref<16x500xf32, #tpu.memory_space<vmem>> -> memref<1x500xf32, #tpu.memory_space<vmem>>
      %dma_start3A_954 = tpu.memref_squeeze %dma_start3A_953 : memref<1x500xf32, #tpu.memory_space<vmem>> -> memref<500xf32, #tpu.memory_space<vmem>>
      %dma_start3A_955 = arith.constant 0 : i32
      %dma_start3A_956 = tpu.memref_slice %arg3[%reduce_sum3A_944, %dma_start3A_955] : memref<100000x500xf32, #tpu.memory_space<hbm>> -> memref<1x500xf32, #tpu.memory_space<hbm>>
      %dma_start3A_957 = tpu.memref_squeeze %dma_start3A_956 : memref<1x500xf32, #tpu.memory_space<hbm>> -> memref<500xf32, #tpu.memory_space<hbm>>
      tpu.enqueue_dma source(%dma_start3A_957 : memref<500xf32, #tpu.memory_space<hbm>>) target(%dma_start3A_954 : memref<500xf32, #tpu.memory_space<vmem>>) target_semaphore(%arg12 : memref<!tpu.dma_semaphore, #tpu.memory_space<semaphore_mem>>)
      %eq3A_958 = arith.constant 7 : i32
      %eq3A_959 = vector.broadcast %eq3A_958 : i32 to vector<16xi32>
      %eq3A_960 = arith.cmpi eq, %iota3A, %eq3A_959 : vector<16xi32>
      %jit3A_961 = arith.constant 0 : i32
      %broadcast_in_dim3A_962 = vector.broadcast %jit3A_961 : i32 to vector<16xi32>
      %select_n3A_963 = arith.select %eq3A_960, %get3A_796, %broadcast_in_dim3A_962 : vector<16xi1>, vector<16xi32>
      %reduce_sum3A_964 = arith.constant true
      %reduce_sum3A_965 = vector.broadcast %reduce_sum3A_964 : i1 to vector<16xi1>
      %reduce_sum3A_966 = tpu.scan <sum>, %select_n3A_963 masked %reduce_sum3A_965 : vector<16xi32>, vector<16xi1> -> vector<16xi32>
      %reduce_sum3A_967 = vector.extract %reduce_sum3A_966[15] : i32 from vector<16xi32>
      %dma_start3A_968 = arith.constant 7 : i32
      %dma_start3A_969 = arith.constant 0 : i32
      %dma_start3A_970 = tpu.memref_slice %arg8[%dma_start3A_968, %dma_start3A_969] : memref<16x500xf32, #tpu.memory_space<vmem>> -> memref<1x500xf32, #tpu.memory_space<vmem>>
      %dma_start3A_971 = tpu.memref_squeeze %dma_start3A_970 : memref<1x500xf32, #tpu.memory_space<vmem>> -> memref<500xf32, #tpu.memory_space<vmem>>
      %dma_start3A_972 = arith.constant 0 : i32
      %dma_start3A_973 = tpu.memref_slice %arg3[%reduce_sum3A_967, %dma_start3A_972] : memref<100000x500xf32, #tpu.memory_space<hbm>> -> memref<1x500xf32, #tpu.memory_space<hbm>>
      %dma_start3A_974 = tpu.memref_squeeze %dma_start3A_973 : memref<1x500xf32, #tpu.memory_space<hbm>> -> memref<500xf32, #tpu.memory_space<hbm>>
      %dma_start3A_975 = arith.constant 0 : i32
      %dma_start3A_976 = tpu.memref_slice %arg8[%dma_start3A_968, %dma_start3A_975] : memref<16x500xf32, #tpu.memory_space<vmem>> -> memref<1x500xf32, #tpu.memory_space<vmem>>
      %dma_start3A_977 = tpu.memref_squeeze %dma_start3A_976 : memref<1x500xf32, #tpu.memory_space<vmem>> -> memref<500xf32, #tpu.memory_space<vmem>>
      %dma_start3A_978 = arith.constant 0 : i32
      %dma_start3A_979 = tpu.memref_slice %arg3[%reduce_sum3A_967, %dma_start3A_978] : memref<100000x500xf32, #tpu.memory_space<hbm>> -> memref<1x500xf32, #tpu.memory_space<hbm>>
      %dma_start3A_980 = tpu.memref_squeeze %dma_start3A_979 : memref<1x500xf32, #tpu.memory_space<hbm>> -> memref<500xf32, #tpu.memory_space<hbm>>
      tpu.enqueue_dma source(%dma_start3A_980 : memref<500xf32, #tpu.memory_space<hbm>>) target(%dma_start3A_977 : memref<500xf32, #tpu.memory_space<vmem>>) target_semaphore(%arg12 : memref<!tpu.dma_semaphore, #tpu.memory_space<semaphore_mem>>)
      %eq3A_981 = arith.constant 8 : i32
      %eq3A_982 = vector.broadcast %eq3A_981 : i32 to vector<16xi32>
      %eq3A_983 = arith.cmpi eq, %iota3A, %eq3A_982 : vector<16xi32>
      %jit3A_984 = arith.constant 0 : i32
      %broadcast_in_dim3A_985 = vector.broadcast %jit3A_984 : i32 to vector<16xi32>
      %select_n3A_986 = arith.select %eq3A_983, %get3A_796, %broadcast_in_dim3A_985 : vector<16xi1>, vector<16xi32>
      %reduce_sum3A_987 = arith.constant true
      %reduce_sum3A_988 = vector.broadcast %reduce_sum3A_987 : i1 to vector<16xi1>
      %reduce_sum3A_989 = tpu.scan <sum>, %select_n3A_986 masked %reduce_sum3A_988 : vector<16xi32>, vector<16xi1> -> vector<16xi32>
      %reduce_sum3A_990 = vector.extract %reduce_sum3A_989[15] : i32 from vector<16xi32>
      %dma_start3A_991 = arith.constant 8 : i32
      %dma_start3A_992 = arith.constant 0 : i32
      %dma_start3A_993 = tpu.memref_slice %arg8[%dma_start3A_991, %dma_start3A_992] : memref<16x500xf32, #tpu.memory_space<vmem>> -> memref<1x500xf32, #tpu.memory_space<vmem>>
      %dma_start3A_994 = tpu.memref_squeeze %dma_start3A_993 : memref<1x500xf32, #tpu.memory_space<vmem>> -> memref<500xf32, #tpu.memory_space<vmem>>
      %dma_start3A_995 = arith.constant 0 : i32
      %dma_start3A_996 = tpu.memref_slice %arg3[%reduce_sum3A_990, %dma_start3A_995] : memref<100000x500xf32, #tpu.memory_space<hbm>> -> memref<1x500xf32, #tpu.memory_space<hbm>>
      %dma_start3A_997 = tpu.memref_squeeze %dma_start3A_996 : memref<1x500xf32, #tpu.memory_space<hbm>> -> memref<500xf32, #tpu.memory_space<hbm>>
      %dma_start3A_998 = arith.constant 0 : i32
      %dma_start3A_999 = tpu.memref_slice %arg8[%dma_start3A_991, %dma_start3A_998] : memref<16x500xf32, #tpu.memory_space<vmem>> -> memref<1x500xf32, #tpu.memory_space<vmem>>
      %dma_start3A_1000 = tpu.memref_squeeze %dma_start3A_999 : memref<1x500xf32, #tpu.memory_space<vmem>> -> memref<500xf32, #tpu.memory_space<vmem>>
      %dma_start3A_1001 = arith.constant 0 : i32
      %dma_start3A_1002 = tpu.memref_slice %arg3[%reduce_sum3A_990, %dma_start3A_1001] : memref<100000x500xf32, #tpu.memory_space<hbm>> -> memref<1x500xf32, #tpu.memory_space<hbm>>
      %dma_start3A_1003 = tpu.memref_squeeze %dma_start3A_1002 : memref<1x500xf32, #tpu.memory_space<hbm>> -> memref<500xf32, #tpu.memory_space<hbm>>
      tpu.enqueue_dma source(%dma_start3A_1003 : memref<500xf32, #tpu.memory_space<hbm>>) target(%dma_start3A_1000 : memref<500xf32, #tpu.memory_space<vmem>>) target_semaphore(%arg12 : memref<!tpu.dma_semaphore, #tpu.memory_space<semaphore_mem>>)
      %eq3A_1004 = arith.constant 9 : i32
      %eq3A_1005 = vector.broadcast %eq3A_1004 : i32 to vector<16xi32>
      %eq3A_1006 = arith.cmpi eq, %iota3A, %eq3A_1005 : vector<16xi32>
      %jit3A_1007 = arith.constant 0 : i32
      %broadcast_in_dim3A_1008 = vector.broadcast %jit3A_1007 : i32 to vector<16xi32>
      %select_n3A_1009 = arith.select %eq3A_1006, %get3A_796, %broadcast_in_dim3A_1008 : vector<16xi1>, vector<16xi32>
      %reduce_sum3A_1010 = arith.constant true
      %reduce_sum3A_1011 = vector.broadcast %reduce_sum3A_1010 : i1 to vector<16xi1>
      %reduce_sum3A_1012 = tpu.scan <sum>, %select_n3A_1009 masked %reduce_sum3A_1011 : vector<16xi32>, vector<16xi1> -> vector<16xi32>
      %reduce_sum3A_1013 = vector.extract %reduce_sum3A_1012[15] : i32 from vector<16xi32>
      %dma_start3A_1014 = arith.constant 9 : i32
      %dma_start3A_1015 = arith.constant 0 : i32
      %dma_start3A_1016 = tpu.memref_slice %arg8[%dma_start3A_1014, %dma_start3A_1015] : memref<16x500xf32, #tpu.memory_space<vmem>> -> memref<1x500xf32, #tpu.memory_space<vmem>>
      %dma_start3A_1017 = tpu.memref_squeeze %dma_start3A_1016 : memref<1x500xf32, #tpu.memory_space<vmem>> -> memref<500xf32, #tpu.memory_space<vmem>>
      %dma_start3A_1018 = arith.constant 0 : i32
      %dma_start3A_1019 = tpu.memref_slice %arg3[%reduce_sum3A_1013, %dma_start3A_1018] : memref<100000x500xf32, #tpu.memory_space<hbm>> -> memref<1x500xf32, #tpu.memory_space<hbm>>
      %dma_start3A_1020 = tpu.memref_squeeze %dma_start3A_1019 : memref<1x500xf32, #tpu.memory_space<hbm>> -> memref<500xf32, #tpu.memory_space<hbm>>
      %dma_start3A_1021 = arith.constant 0 : i32
      %dma_start3A_1022 = tpu.memref_slice %arg8[%dma_start3A_1014, %dma_start3A_1021] : memref<16x500xf32, #tpu.memory_space<vmem>> -> memref<1x500xf32, #tpu.memory_space<vmem>>
      %dma_start3A_1023 = tpu.memref_squeeze %dma_start3A_1022 : memref<1x500xf32, #tpu.memory_space<vmem>> -> memref<500xf32, #tpu.memory_space<vmem>>
      %dma_start3A_1024 = arith.constant 0 : i32
      %dma_start3A_1025 = tpu.memref_slice %arg3[%reduce_sum3A_1013, %dma_start3A_1024] : memref<100000x500xf32, #tpu.memory_space<hbm>> -> memref<1x500xf32, #tpu.memory_space<hbm>>
      %dma_start3A_1026 = tpu.memref_squeeze %dma_start3A_1025 : memref<1x500xf32, #tpu.memory_space<hbm>> -> memref<500xf32, #tpu.memory_space<hbm>>
      tpu.enqueue_dma source(%dma_start3A_1026 : memref<500xf32, #tpu.memory_space<hbm>>) target(%dma_start3A_1023 : memref<500xf32, #tpu.memory_space<vmem>>) target_semaphore(%arg12 : memref<!tpu.dma_semaphore, #tpu.memory_space<semaphore_mem>>)
      %eq3A_1027 = arith.constant 10 : i32
      %eq3A_1028 = vector.broadcast %eq3A_1027 : i32 to vector<16xi32>
      %eq3A_1029 = arith.cmpi eq, %iota3A, %eq3A_1028 : vector<16xi32>
      %jit3A_1030 = arith.constant 0 : i32
      %broadcast_in_dim3A_1031 = vector.broadcast %jit3A_1030 : i32 to vector<16xi32>
      %select_n3A_1032 = arith.select %eq3A_1029, %get3A_796, %broadcast_in_dim3A_1031 : vector<16xi1>, vector<16xi32>
      %reduce_sum3A_1033 = arith.constant true
      %reduce_sum3A_1034 = vector.broadcast %reduce_sum3A_1033 : i1 to vector<16xi1>
      %reduce_sum3A_1035 = tpu.scan <sum>, %select_n3A_1032 masked %reduce_sum3A_1034 : vector<16xi32>, vector<16xi1> -> vector<16xi32>
      %reduce_sum3A_1036 = vector.extract %reduce_sum3A_1035[15] : i32 from vector<16xi32>
      %dma_start3A_1037 = arith.constant 10 : i32
      %dma_start3A_1038 = arith.constant 0 : i32
      %dma_start3A_1039 = tpu.memref_slice %arg8[%dma_start3A_1037, %dma_start3A_1038] : memref<16x500xf32, #tpu.memory_space<vmem>> -> memref<1x500xf32, #tpu.memory_space<vmem>>
      %dma_start3A_1040 = tpu.memref_squeeze %dma_start3A_1039 : memref<1x500xf32, #tpu.memory_space<vmem>> -> memref<500xf32, #tpu.memory_space<vmem>>
      %dma_start3A_1041 = arith.constant 0 : i32
      %dma_start3A_1042 = tpu.memref_slice %arg3[%reduce_sum3A_1036, %dma_start3A_1041] : memref<100000x500xf32, #tpu.memory_space<hbm>> -> memref<1x500xf32, #tpu.memory_space<hbm>>
      %dma_start3A_1043 = tpu.memref_squeeze %dma_start3A_1042 : memref<1x500xf32, #tpu.memory_space<hbm>> -> memref<500xf32, #tpu.memory_space<hbm>>
      %dma_start3A_1044 = arith.constant 0 : i32
      %dma_start3A_1045 = tpu.memref_slice %arg8[%dma_start3A_1037, %dma_start3A_1044] : memref<16x500xf32, #tpu.memory_space<vmem>> -> memref<1x500xf32, #tpu.memory_space<vmem>>
      %dma_start3A_1046 = tpu.memref_squeeze %dma_start3A_1045 : memref<1x500xf32, #tpu.memory_space<vmem>> -> memref<500xf32, #tpu.memory_space<vmem>>
      %dma_start3A_1047 = arith.constant 0 : i32
      %dma_start3A_1048 = tpu.memref_slice %arg3[%reduce_sum3A_1036, %dma_start3A_1047] : memref<100000x500xf32, #tpu.memory_space<hbm>> -> memref<1x500xf32, #tpu.memory_space<hbm>>
      %dma_start3A_1049 = tpu.memref_squeeze %dma_start3A_1048 : memref<1x500xf32, #tpu.memory_space<hbm>> -> memref<500xf32, #tpu.memory_space<hbm>>
      tpu.enqueue_dma source(%dma_start3A_1049 : memref<500xf32, #tpu.memory_space<hbm>>) target(%dma_start3A_1046 : memref<500xf32, #tpu.memory_space<vmem>>) target_semaphore(%arg12 : memref<!tpu.dma_semaphore, #tpu.memory_space<semaphore_mem>>)
      %eq3A_1050 = arith.constant 11 : i32
      %eq3A_1051 = vector.broadcast %eq3A_1050 : i32 to vector<16xi32>
      %eq3A_1052 = arith.cmpi eq, %iota3A, %eq3A_1051 : vector<16xi32>
      %jit3A_1053 = arith.constant 0 : i32
      %broadcast_in_dim3A_1054 = vector.broadcast %jit3A_1053 : i32 to vector<16xi32>
      %select_n3A_1055 = arith.select %eq3A_1052, %get3A_796, %broadcast_in_dim3A_1054 : vector<16xi1>, vector<16xi32>
      %reduce_sum3A_1056 = arith.constant true
      %reduce_sum3A_1057 = vector.broadcast %reduce_sum3A_1056 : i1 to vector<16xi1>
      %reduce_sum3A_1058 = tpu.scan <sum>, %select_n3A_1055 masked %reduce_sum3A_1057 : vector<16xi32>, vector<16xi1> -> vector<16xi32>
      %reduce_sum3A_1059 = vector.extract %reduce_sum3A_1058[15] : i32 from vector<16xi32>
      %dma_start3A_1060 = arith.constant 11 : i32
      %dma_start3A_1061 = arith.constant 0 : i32
      %dma_start3A_1062 = tpu.memref_slice %arg8[%dma_start3A_1060, %dma_start3A_1061] : memref<16x500xf32, #tpu.memory_space<vmem>> -> memref<1x500xf32, #tpu.memory_space<vmem>>
      %dma_start3A_1063 = tpu.memref_squeeze %dma_start3A_1062 : memref<1x500xf32, #tpu.memory_space<vmem>> -> memref<500xf32, #tpu.memory_space<vmem>>
      %dma_start3A_1064 = arith.constant 0 : i32
      %dma_start3A_1065 = tpu.memref_slice %arg3[%reduce_sum3A_1059, %dma_start3A_1064] : memref<100000x500xf32, #tpu.memory_space<hbm>> -> memref<1x500xf32, #tpu.memory_space<hbm>>
      %dma_start3A_1066 = tpu.memref_squeeze %dma_start3A_1065 : memref<1x500xf32, #tpu.memory_space<hbm>> -> memref<500xf32, #tpu.memory_space<hbm>>
      %dma_start3A_1067 = arith.constant 0 : i32
      %dma_start3A_1068 = tpu.memref_slice %arg8[%dma_start3A_1060, %dma_start3A_1067] : memref<16x500xf32, #tpu.memory_space<vmem>> -> memref<1x500xf32, #tpu.memory_space<vmem>>
      %dma_start3A_1069 = tpu.memref_squeeze %dma_start3A_1068 : memref<1x500xf32, #tpu.memory_space<vmem>> -> memref<500xf32, #tpu.memory_space<vmem>>
      %dma_start3A_1070 = arith.constant 0 : i32
      %dma_start3A_1071 = tpu.memref_slice %arg3[%reduce_sum3A_1059, %dma_start3A_1070] : memref<100000x500xf32, #tpu.memory_space<hbm>> -> memref<1x500xf32, #tpu.memory_space<hbm>>
      %dma_start3A_1072 = tpu.memref_squeeze %dma_start3A_1071 : memref<1x500xf32, #tpu.memory_space<hbm>> -> memref<500xf32, #tpu.memory_space<hbm>>
      tpu.enqueue_dma source(%dma_start3A_1072 : memref<500xf32, #tpu.memory_space<hbm>>) target(%dma_start3A_1069 : memref<500xf32, #tpu.memory_space<vmem>>) target_semaphore(%arg12 : memref<!tpu.dma_semaphore, #tpu.memory_space<semaphore_mem>>)
      %eq3A_1073 = arith.constant 12 : i32
      %eq3A_1074 = vector.broadcast %eq3A_1073 : i32 to vector<16xi32>
      %eq3A_1075 = arith.cmpi eq, %iota3A, %eq3A_1074 : vector<16xi32>
      %jit3A_1076 = arith.constant 0 : i32
      %broadcast_in_dim3A_1077 = vector.broadcast %jit3A_1076 : i32 to vector<16xi32>
      %select_n3A_1078 = arith.select %eq3A_1075, %get3A_796, %broadcast_in_dim3A_1077 : vector<16xi1>, vector<16xi32>
      %reduce_sum3A_1079 = arith.constant true
      %reduce_sum3A_1080 = vector.broadcast %reduce_sum3A_1079 : i1 to vector<16xi1>
      %reduce_sum3A_1081 = tpu.scan <sum>, %select_n3A_1078 masked %reduce_sum3A_1080 : vector<16xi32>, vector<16xi1> -> vector<16xi32>
      %reduce_sum3A_1082 = vector.extract %reduce_sum3A_1081[15] : i32 from vector<16xi32>
      %dma_start3A_1083 = arith.constant 12 : i32
      %dma_start3A_1084 = arith.constant 0 : i32
      %dma_start3A_1085 = tpu.memref_slice %arg8[%dma_start3A_1083, %dma_start3A_1084] : memref<16x500xf32, #tpu.memory_space<vmem>> -> memref<1x500xf32, #tpu.memory_space<vmem>>
      %dma_start3A_1086 = tpu.memref_squeeze %dma_start3A_1085 : memref<1x500xf32, #tpu.memory_space<vmem>> -> memref<500xf32, #tpu.memory_space<vmem>>
      %dma_start3A_1087 = arith.constant 0 : i32
      %dma_start3A_1088 = tpu.memref_slice %arg3[%reduce_sum3A_1082, %dma_start3A_1087] : memref<100000x500xf32, #tpu.memory_space<hbm>> -> memref<1x500xf32, #tpu.memory_space<hbm>>
      %dma_start3A_1089 = tpu.memref_squeeze %dma_start3A_1088 : memref<1x500xf32, #tpu.memory_space<hbm>> -> memref<500xf32, #tpu.memory_space<hbm>>
      %dma_start3A_1090 = arith.constant 0 : i32
      %dma_start3A_1091 = tpu.memref_slice %arg8[%dma_start3A_1083, %dma_start3A_1090] : memref<16x500xf32, #tpu.memory_space<vmem>> -> memref<1x500xf32, #tpu.memory_space<vmem>>
      %dma_start3A_1092 = tpu.memref_squeeze %dma_start3A_1091 : memref<1x500xf32, #tpu.memory_space<vmem>> -> memref<500xf32, #tpu.memory_space<vmem>>
      %dma_start3A_1093 = arith.constant 0 : i32
      %dma_start3A_1094 = tpu.memref_slice %arg3[%reduce_sum3A_1082, %dma_start3A_1093] : memref<100000x500xf32, #tpu.memory_space<hbm>> -> memref<1x500xf32, #tpu.memory_space<hbm>>
      %dma_start3A_1095 = tpu.memref_squeeze %dma_start3A_1094 : memref<1x500xf32, #tpu.memory_space<hbm>> -> memref<500xf32, #tpu.memory_space<hbm>>
      tpu.enqueue_dma source(%dma_start3A_1095 : memref<500xf32, #tpu.memory_space<hbm>>) target(%dma_start3A_1092 : memref<500xf32, #tpu.memory_space<vmem>>) target_semaphore(%arg12 : memref<!tpu.dma_semaphore, #tpu.memory_space<semaphore_mem>>)
      %eq3A_1096 = arith.constant 13 : i32
      %eq3A_1097 = vector.broadcast %eq3A_1096 : i32 to vector<16xi32>
      %eq3A_1098 = arith.cmpi eq, %iota3A, %eq3A_1097 : vector<16xi32>
      %jit3A_1099 = arith.constant 0 : i32
      %broadcast_in_dim3A_1100 = vector.broadcast %jit3A_1099 : i32 to vector<16xi32>
      %select_n3A_1101 = arith.select %eq3A_1098, %get3A_796, %broadcast_in_dim3A_1100 : vector<16xi1>, vector<16xi32>
      %reduce_sum3A_1102 = arith.constant true
      %reduce_sum3A_1103 = vector.broadcast %reduce_sum3A_1102 : i1 to vector<16xi1>
      %reduce_sum3A_1104 = tpu.scan <sum>, %select_n3A_1101 masked %reduce_sum3A_1103 : vector<16xi32>, vector<16xi1> -> vector<16xi32>
      %reduce_sum3A_1105 = vector.extract %reduce_sum3A_1104[15] : i32 from vector<16xi32>
      %dma_start3A_1106 = arith.constant 13 : i32
      %dma_start3A_1107 = arith.constant 0 : i32
      %dma_start3A_1108 = tpu.memref_slice %arg8[%dma_start3A_1106, %dma_start3A_1107] : memref<16x500xf32, #tpu.memory_space<vmem>> -> memref<1x500xf32, #tpu.memory_space<vmem>>
      %dma_start3A_1109 = tpu.memref_squeeze %dma_start3A_1108 : memref<1x500xf32, #tpu.memory_space<vmem>> -> memref<500xf32, #tpu.memory_space<vmem>>
      %dma_start3A_1110 = arith.constant 0 : i32
      %dma_start3A_1111 = tpu.memref_slice %arg3[%reduce_sum3A_1105, %dma_start3A_1110] : memref<100000x500xf32, #tpu.memory_space<hbm>> -> memref<1x500xf32, #tpu.memory_space<hbm>>
      %dma_start3A_1112 = tpu.memref_squeeze %dma_start3A_1111 : memref<1x500xf32, #tpu.memory_space<hbm>> -> memref<500xf32, #tpu.memory_space<hbm>>
      %dma_start3A_1113 = arith.constant 0 : i32
      %dma_start3A_1114 = tpu.memref_slice %arg8[%dma_start3A_1106, %dma_start3A_1113] : memref<16x500xf32, #tpu.memory_space<vmem>> -> memref<1x500xf32, #tpu.memory_space<vmem>>
      %dma_start3A_1115 = tpu.memref_squeeze %dma_start3A_1114 : memref<1x500xf32, #tpu.memory_space<vmem>> -> memref<500xf32, #tpu.memory_space<vmem>>
      %dma_start3A_1116 = arith.constant 0 : i32
      %dma_start3A_1117 = tpu.memref_slice %arg3[%reduce_sum3A_1105, %dma_start3A_1116] : memref<100000x500xf32, #tpu.memory_space<hbm>> -> memref<1x500xf32, #tpu.memory_space<hbm>>
      %dma_start3A_1118 = tpu.memref_squeeze %dma_start3A_1117 : memref<1x500xf32, #tpu.memory_space<hbm>> -> memref<500xf32, #tpu.memory_space<hbm>>
      tpu.enqueue_dma source(%dma_start3A_1118 : memref<500xf32, #tpu.memory_space<hbm>>) target(%dma_start3A_1115 : memref<500xf32, #tpu.memory_space<vmem>>) target_semaphore(%arg12 : memref<!tpu.dma_semaphore, #tpu.memory_space<semaphore_mem>>)
      %eq3A_1119 = arith.constant 14 : i32
      %eq3A_1120 = vector.broadcast %eq3A_1119 : i32 to vector<16xi32>
      %eq3A_1121 = arith.cmpi eq, %iota3A, %eq3A_1120 : vector<16xi32>
      %jit3A_1122 = arith.constant 0 : i32
      %broadcast_in_dim3A_1123 = vector.broadcast %jit3A_1122 : i32 to vector<16xi32>
      %select_n3A_1124 = arith.select %eq3A_1121, %get3A_796, %broadcast_in_dim3A_1123 : vector<16xi1>, vector<16xi32>
      %reduce_sum3A_1125 = arith.constant true
      %reduce_sum3A_1126 = vector.broadcast %reduce_sum3A_1125 : i1 to vector<16xi1>
      %reduce_sum3A_1127 = tpu.scan <sum>, %select_n3A_1124 masked %reduce_sum3A_1126 : vector<16xi32>, vector<16xi1> -> vector<16xi32>
      %reduce_sum3A_1128 = vector.extract %reduce_sum3A_1127[15] : i32 from vector<16xi32>
      %dma_start3A_1129 = arith.constant 14 : i32
      %dma_start3A_1130 = arith.constant 0 : i32
      %dma_start3A_1131 = tpu.memref_slice %arg8[%dma_start3A_1129, %dma_start3A_1130] : memref<16x500xf32, #tpu.memory_space<vmem>> -> memref<1x500xf32, #tpu.memory_space<vmem>>
      %dma_start3A_1132 = tpu.memref_squeeze %dma_start3A_1131 : memref<1x500xf32, #tpu.memory_space<vmem>> -> memref<500xf32, #tpu.memory_space<vmem>>
      %dma_start3A_1133 = arith.constant 0 : i32
      %dma_start3A_1134 = tpu.memref_slice %arg3[%reduce_sum3A_1128, %dma_start3A_1133] : memref<100000x500xf32, #tpu.memory_space<hbm>> -> memref<1x500xf32, #tpu.memory_space<hbm>>
      %dma_start3A_1135 = tpu.memref_squeeze %dma_start3A_1134 : memref<1x500xf32, #tpu.memory_space<hbm>> -> memref<500xf32, #tpu.memory_space<hbm>>
      %dma_start3A_1136 = arith.constant 0 : i32
      %dma_start3A_1137 = tpu.memref_slice %arg8[%dma_start3A_1129, %dma_start3A_1136] : memref<16x500xf32, #tpu.memory_space<vmem>> -> memref<1x500xf32, #tpu.memory_space<vmem>>
      %dma_start3A_1138 = tpu.memref_squeeze %dma_start3A_1137 : memref<1x500xf32, #tpu.memory_space<vmem>> -> memref<500xf32, #tpu.memory_space<vmem>>
      %dma_start3A_1139 = arith.constant 0 : i32
      %dma_start3A_1140 = tpu.memref_slice %arg3[%reduce_sum3A_1128, %dma_start3A_1139] : memref<100000x500xf32, #tpu.memory_space<hbm>> -> memref<1x500xf32, #tpu.memory_space<hbm>>
      %dma_start3A_1141 = tpu.memref_squeeze %dma_start3A_1140 : memref<1x500xf32, #tpu.memory_space<hbm>> -> memref<500xf32, #tpu.memory_space<hbm>>
      tpu.enqueue_dma source(%dma_start3A_1141 : memref<500xf32, #tpu.memory_space<hbm>>) target(%dma_start3A_1138 : memref<500xf32, #tpu.memory_space<vmem>>) target_semaphore(%arg12 : memref<!tpu.dma_semaphore, #tpu.memory_space<semaphore_mem>>)
      %eq3A_1142 = arith.constant 15 : i32
      %eq3A_1143 = vector.broadcast %eq3A_1142 : i32 to vector<16xi32>
      %eq3A_1144 = arith.cmpi eq, %iota3A, %eq3A_1143 : vector<16xi32>
      %jit3A_1145 = arith.constant 0 : i32
      %broadcast_in_dim3A_1146 = vector.broadcast %jit3A_1145 : i32 to vector<16xi32>
      %select_n3A_1147 = arith.select %eq3A_1144, %get3A_796, %broadcast_in_dim3A_1146 : vector<16xi1>, vector<16xi32>
      %reduce_sum3A_1148 = arith.constant true
      %reduce_sum3A_1149 = vector.broadcast %reduce_sum3A_1148 : i1 to vector<16xi1>
      %reduce_sum3A_1150 = tpu.scan <sum>, %select_n3A_1147 masked %reduce_sum3A_1149 : vector<16xi32>, vector<16xi1> -> vector<16xi32>
      %reduce_sum3A_1151 = vector.extract %reduce_sum3A_1150[15] : i32 from vector<16xi32>
      %dma_start3A_1152 = arith.constant 15 : i32
      %dma_start3A_1153 = arith.constant 0 : i32
      %dma_start3A_1154 = tpu.memref_slice %arg8[%dma_start3A_1152, %dma_start3A_1153] : memref<16x500xf32, #tpu.memory_space<vmem>> -> memref<1x500xf32, #tpu.memory_space<vmem>>
      %dma_start3A_1155 = tpu.memref_squeeze %dma_start3A_1154 : memref<1x500xf32, #tpu.memory_space<vmem>> -> memref<500xf32, #tpu.memory_space<vmem>>
      %dma_start3A_1156 = arith.constant 0 : i32
      %dma_start3A_1157 = tpu.memref_slice %arg3[%reduce_sum3A_1151, %dma_start3A_1156] : memref<100000x500xf32, #tpu.memory_space<hbm>> -> memref<1x500xf32, #tpu.memory_space<hbm>>
      %dma_start3A_1158 = tpu.memref_squeeze %dma_start3A_1157 : memref<1x500xf32, #tpu.memory_space<hbm>> -> memref<500xf32, #tpu.memory_space<hbm>>
      %dma_start3A_1159 = arith.constant 0 : i32
      %dma_start3A_1160 = tpu.memref_slice %arg8[%dma_start3A_1152, %dma_start3A_1159] : memref<16x500xf32, #tpu.memory_space<vmem>> -> memref<1x500xf32, #tpu.memory_space<vmem>>
      %dma_start3A_1161 = tpu.memref_squeeze %dma_start3A_1160 : memref<1x500xf32, #tpu.memory_space<vmem>> -> memref<500xf32, #tpu.memory_space<vmem>>
      %dma_start3A_1162 = arith.constant 0 : i32
      %dma_start3A_1163 = tpu.memref_slice %arg3[%reduce_sum3A_1151, %dma_start3A_1162] : memref<100000x500xf32, #tpu.memory_space<hbm>> -> memref<1x500xf32, #tpu.memory_space<hbm>>
      %dma_start3A_1164 = tpu.memref_squeeze %dma_start3A_1163 : memref<1x500xf32, #tpu.memory_space<hbm>> -> memref<500xf32, #tpu.memory_space<hbm>>
      tpu.enqueue_dma source(%dma_start3A_1164 : memref<500xf32, #tpu.memory_space<hbm>>) target(%dma_start3A_1161 : memref<500xf32, #tpu.memory_space<vmem>>) target_semaphore(%arg12 : memref<!tpu.dma_semaphore, #tpu.memory_space<semaphore_mem>>)
      %mul3A_1165 = arith.constant 4 : i32
      %mul3A_1166 = arith.muli %mul3A_1165, %scan3A_31 : i32
      %add3A_1167 = arith.constant 3 : i32
      %add3A_1168 = arith.addi %mul3A_1166, %add3A_1167 : i32
      %gt3A_1169 = arith.constant 0 : i32
      %gt3A_1170 = arith.cmpi sgt, %scan3A_31, %gt3A_1169 : i32
      %convert_element_type3A_1171 = arith.extui %gt3A_1170 : i1 to i32
      %cond3A_1172 = arith.constant 0 : i32
      %cond3A_1173 = arith.cmpi ne, %convert_element_type3A_1171, %cond3A_1172 : i32
      scf.if %cond3A_1173 {
        %dma_wait3A_2486 = arith.constant 0 : i32
        %dma_wait3A_2487 = arith.constant 0 : i32
        %dma_wait3A_2488 = tpu.memref_slice %arg4[%dma_wait3A_2486, %dma_wait3A_2487] : memref<204800x500xf32, #tpu.memory_space<hbm>> -> memref<16x500xf32, #tpu.memory_space<hbm>>
        %dma_wait3A_2489 = arith.constant 0 : i32
        %dma_wait3A_2490 = arith.constant 0 : i32
        %dma_wait3A_2491 = tpu.memref_slice %arg4[%dma_wait3A_2489, %dma_wait3A_2490] : memref<204800x500xf32, #tpu.memory_space<hbm>> -> memref<16x500xf32, #tpu.memory_space<hbm>>
        tpu.wait_dma2 semaphore(%arg17 : memref<!tpu.dma_semaphore, #tpu.memory_space<semaphore_mem>>) src(%arg9 : memref<16x500xf32, #tpu.memory_space<vmem>>) dst(%dma_wait3A_2491 : memref<16x500xf32, #tpu.memory_space<hbm>>)
      } else {
      }
      %mul3A_1174 = arith.constant 16 : i32
      %mul3A_1175 = arith.muli %add3A_1168, %mul3A_1174 : i32
      %get3A_1176 = arith.index_cast %mul3A_1175 : i32 to index
      %get3A_1177 = tpu.vector_load %arg5[%get3A_1176] {strides = array<i32>} : memref<6400xi32, #tpu.memory_space<vmem>>, vector<16xi32>,
      %eq3A_1178 = arith.constant 0 : i32
      %eq3A_1179 = vector.broadcast %eq3A_1178 : i32 to vector<16xi32>
      %eq3A_1180 = arith.cmpi eq, %iota3A, %eq3A_1179 : vector<16xi32>
      %jit3A_1181 = arith.constant 0 : i32
      %broadcast_in_dim3A_1182 = vector.broadcast %jit3A_1181 : i32 to vector<16xi32>
      %select_n3A_1183 = arith.select %eq3A_1180, %get3A_1177, %broadcast_in_dim3A_1182 : vector<16xi1>, vector<16xi32>
      %reduce_sum3A_1184 = arith.constant true
      %reduce_sum3A_1185 = vector.broadcast %reduce_sum3A_1184 : i1 to vector<16xi1>
      %reduce_sum3A_1186 = tpu.scan <sum>, %select_n3A_1183 masked %reduce_sum3A_1185 : vector<16xi32>, vector<16xi1> -> vector<16xi32>
      %reduce_sum3A_1187 = vector.extract %reduce_sum3A_1186[15] : i32 from vector<16xi32>
      %dma_start3A_1188 = arith.constant 0 : i32
      %dma_start3A_1189 = arith.constant 0 : i32
      %dma_start3A_1190 = tpu.memref_slice %arg9[%dma_start3A_1188, %dma_start3A_1189] : memref<16x500xf32, #tpu.memory_space<vmem>> -> memref<1x500xf32, #tpu.memory_space<vmem>>
      %dma_start3A_1191 = tpu.memref_squeeze %dma_start3A_1190 : memref<1x500xf32, #tpu.memory_space<vmem>> -> memref<500xf32, #tpu.memory_space<vmem>>
      %dma_start3A_1192 = arith.constant 0 : i32
      %dma_start3A_1193 = tpu.memref_slice %arg3[%reduce_sum3A_1187, %dma_start3A_1192] : memref<100000x500xf32, #tpu.memory_space<hbm>> -> memref<1x500xf32, #tpu.memory_space<hbm>>
      %dma_start3A_1194 = tpu.memref_squeeze %dma_start3A_1193 : memref<1x500xf32, #tpu.memory_space<hbm>> -> memref<500xf32, #tpu.memory_space<hbm>>
      %dma_start3A_1195 = arith.constant 0 : i32
      %dma_start3A_1196 = tpu.memref_slice %arg9[%dma_start3A_1188, %dma_start3A_1195] : memref<16x500xf32, #tpu.memory_space<vmem>> -> memref<1x500xf32, #tpu.memory_space<vmem>>
      %dma_start3A_1197 = tpu.memref_squeeze %dma_start3A_1196 : memref<1x500xf32, #tpu.memory_space<vmem>> -> memref<500xf32, #tpu.memory_space<vmem>>
      %dma_start3A_1198 = arith.constant 0 : i32
      %dma_start3A_1199 = tpu.memref_slice %arg3[%reduce_sum3A_1187, %dma_start3A_1198] : memref<100000x500xf32, #tpu.memory_space<hbm>> -> memref<1x500xf32, #tpu.memory_space<hbm>>
      %dma_start3A_1200 = tpu.memref_squeeze %dma_start3A_1199 : memref<1x500xf32, #tpu.memory_space<hbm>> -> memref<500xf32, #tpu.memory_space<hbm>>
      tpu.enqueue_dma source(%dma_start3A_1200 : memref<500xf32, #tpu.memory_space<hbm>>) target(%dma_start3A_1197 : memref<500xf32, #tpu.memory_space<vmem>>) target_semaphore(%arg13 : memref<!tpu.dma_semaphore, #tpu.memory_space<semaphore_mem>>)
      %eq3A_1201 = arith.constant 1 : i32
      %eq3A_1202 = vector.broadcast %eq3A_1201 : i32 to vector<16xi32>
      %eq3A_1203 = arith.cmpi eq, %iota3A, %eq3A_1202 : vector<16xi32>
      %jit3A_1204 = arith.constant 0 : i32
      %broadcast_in_dim3A_1205 = vector.broadcast %jit3A_1204 : i32 to vector<16xi32>
      %select_n3A_1206 = arith.select %eq3A_1203, %get3A_1177, %broadcast_in_dim3A_1205 : vector<16xi1>, vector<16xi32>
      %reduce_sum3A_1207 = arith.constant true
      %reduce_sum3A_1208 = vector.broadcast %reduce_sum3A_1207 : i1 to vector<16xi1>
      %reduce_sum3A_1209 = tpu.scan <sum>, %select_n3A_1206 masked %reduce_sum3A_1208 : vector<16xi32>, vector<16xi1> -> vector<16xi32>
      %reduce_sum3A_1210 = vector.extract %reduce_sum3A_1209[15] : i32 from vector<16xi32>
      %dma_start3A_1211 = arith.constant 1 : i32
      %dma_start3A_1212 = arith.constant 0 : i32
      %dma_start3A_1213 = tpu.memref_slice %arg9[%dma_start3A_1211, %dma_start3A_1212] : memref<16x500xf32, #tpu.memory_space<vmem>> -> memref<1x500xf32, #tpu.memory_space<vmem>>
      %dma_start3A_1214 = tpu.memref_squeeze %dma_start3A_1213 : memref<1x500xf32, #tpu.memory_space<vmem>> -> memref<500xf32, #tpu.memory_space<vmem>>
      %dma_start3A_1215 = arith.constant 0 : i32
      %dma_start3A_1216 = tpu.memref_slice %arg3[%reduce_sum3A_1210, %dma_start3A_1215] : memref<100000x500xf32, #tpu.memory_space<hbm>> -> memref<1x500xf32, #tpu.memory_space<hbm>>
      %dma_start3A_1217 = tpu.memref_squeeze %dma_start3A_1216 : memref<1x500xf32, #tpu.memory_space<hbm>> -> memref<500xf32, #tpu.memory_space<hbm>>
      %dma_start3A_1218 = arith.constant 0 : i32
      %dma_start3A_1219 = tpu.memref_slice %arg9[%dma_start3A_1211, %dma_start3A_1218] : memref<16x500xf32, #tpu.memory_space<vmem>> -> memref<1x500xf32, #tpu.memory_space<vmem>>
      %dma_start3A_1220 = tpu.memref_squeeze %dma_start3A_1219 : memref<1x500xf32, #tpu.memory_space<vmem>> -> memref<500xf32, #tpu.memory_space<vmem>>
      %dma_start3A_1221 = arith.constant 0 : i32
      %dma_start3A_1222 = tpu.memref_slice %arg3[%reduce_sum3A_1210, %dma_start3A_1221] : memref<100000x500xf32, #tpu.memory_space<hbm>> -> memref<1x500xf32, #tpu.memory_space<hbm>>
      %dma_start3A_1223 = tpu.memref_squeeze %dma_start3A_1222 : memref<1x500xf32, #tpu.memory_space<hbm>> -> memref<500xf32, #tpu.memory_space<hbm>>
      tpu.enqueue_dma source(%dma_start3A_1223 : memref<500xf32, #tpu.memory_space<hbm>>) target(%dma_start3A_1220 : memref<500xf32, #tpu.memory_space<vmem>>) target_semaphore(%arg13 : memref<!tpu.dma_semaphore, #tpu.memory_space<semaphore_mem>>)
      %eq3A_1224 = arith.constant 2 : i32
      %eq3A_1225 = vector.broadcast %eq3A_1224 : i32 to vector<16xi32>
      %eq3A_1226 = arith.cmpi eq, %iota3A, %eq3A_1225 : vector<16xi32>
      %jit3A_1227 = arith.constant 0 : i32
      %broadcast_in_dim3A_1228 = vector.broadcast %jit3A_1227 : i32 to vector<16xi32>
      %select_n3A_1229 = arith.select %eq3A_1226, %get3A_1177, %broadcast_in_dim3A_1228 : vector<16xi1>, vector<16xi32>
      %reduce_sum3A_1230 = arith.constant true
      %reduce_sum3A_1231 = vector.broadcast %reduce_sum3A_1230 : i1 to vector<16xi1>
      %reduce_sum3A_1232 = tpu.scan <sum>, %select_n3A_1229 masked %reduce_sum3A_1231 : vector<16xi32>, vector<16xi1> -> vector<16xi32>
      %reduce_sum3A_1233 = vector.extract %reduce_sum3A_1232[15] : i32 from vector<16xi32>
      %dma_start3A_1234 = arith.constant 2 : i32
      %dma_start3A_1235 = arith.constant 0 : i32
      %dma_start3A_1236 = tpu.memref_slice %arg9[%dma_start3A_1234, %dma_start3A_1235] : memref<16x500xf32, #tpu.memory_space<vmem>> -> memref<1x500xf32, #tpu.memory_space<vmem>>
      %dma_start3A_1237 = tpu.memref_squeeze %dma_start3A_1236 : memref<1x500xf32, #tpu.memory_space<vmem>> -> memref<500xf32, #tpu.memory_space<vmem>>
      %dma_start3A_1238 = arith.constant 0 : i32
      %dma_start3A_1239 = tpu.memref_slice %arg3[%reduce_sum3A_1233, %dma_start3A_1238] : memref<100000x500xf32, #tpu.memory_space<hbm>> -> memref<1x500xf32, #tpu.memory_space<hbm>>
      %dma_start3A_1240 = tpu.memref_squeeze %dma_start3A_1239 : memref<1x500xf32, #tpu.memory_space<hbm>> -> memref<500xf32, #tpu.memory_space<hbm>>
      %dma_start3A_1241 = arith.constant 0 : i32
      %dma_start3A_1242 = tpu.memref_slice %arg9[%dma_start3A_1234, %dma_start3A_1241] : memref<16x500xf32, #tpu.memory_space<vmem>> -> memref<1x500xf32, #tpu.memory_space<vmem>>
      %dma_start3A_1243 = tpu.memref_squeeze %dma_start3A_1242 : memref<1x500xf32, #tpu.memory_space<vmem>> -> memref<500xf32, #tpu.memory_space<vmem>>
      %dma_start3A_1244 = arith.constant 0 : i32
      %dma_start3A_1245 = tpu.memref_slice %arg3[%reduce_sum3A_1233, %dma_start3A_1244] : memref<100000x500xf32, #tpu.memory_space<hbm>> -> memref<1x500xf32, #tpu.memory_space<hbm>>
      %dma_start3A_1246 = tpu.memref_squeeze %dma_start3A_1245 : memref<1x500xf32, #tpu.memory_space<hbm>> -> memref<500xf32, #tpu.memory_space<hbm>>
      tpu.enqueue_dma source(%dma_start3A_1246 : memref<500xf32, #tpu.memory_space<hbm>>) target(%dma_start3A_1243 : memref<500xf32, #tpu.memory_space<vmem>>) target_semaphore(%arg13 : memref<!tpu.dma_semaphore, #tpu.memory_space<semaphore_mem>>)
      %eq3A_1247 = arith.constant 3 : i32
      %eq3A_1248 = vector.broadcast %eq3A_1247 : i32 to vector<16xi32>
      %eq3A_1249 = arith.cmpi eq, %iota3A, %eq3A_1248 : vector<16xi32>
      %jit3A_1250 = arith.constant 0 : i32
      %broadcast_in_dim3A_1251 = vector.broadcast %jit3A_1250 : i32 to vector<16xi32>
      %select_n3A_1252 = arith.select %eq3A_1249, %get3A_1177, %broadcast_in_dim3A_1251 : vector<16xi1>, vector<16xi32>
      %reduce_sum3A_1253 = arith.constant true
      %reduce_sum3A_1254 = vector.broadcast %reduce_sum3A_1253 : i1 to vector<16xi1>
      %reduce_sum3A_1255 = tpu.scan <sum>, %select_n3A_1252 masked %reduce_sum3A_1254 : vector<16xi32>, vector<16xi1> -> vector<16xi32>
      %reduce_sum3A_1256 = vector.extract %reduce_sum3A_1255[15] : i32 from vector<16xi32>
      %dma_start3A_1257 = arith.constant 3 : i32
      %dma_start3A_1258 = arith.constant 0 : i32
      %dma_start3A_1259 = tpu.memref_slice %arg9[%dma_start3A_1257, %dma_start3A_1258] : memref<16x500xf32, #tpu.memory_space<vmem>> -> memref<1x500xf32, #tpu.memory_space<vmem>>
      %dma_start3A_1260 = tpu.memref_squeeze %dma_start3A_1259 : memref<1x500xf32, #tpu.memory_space<vmem>> -> memref<500xf32, #tpu.memory_space<vmem>>
      %dma_start3A_1261 = arith.constant 0 : i32
      %dma_start3A_1262 = tpu.memref_slice %arg3[%reduce_sum3A_1256, %dma_start3A_1261] : memref<100000x500xf32, #tpu.memory_space<hbm>> -> memref<1x500xf32, #tpu.memory_space<hbm>>
      %dma_start3A_1263 = tpu.memref_squeeze %dma_start3A_1262 : memref<1x500xf32, #tpu.memory_space<hbm>> -> memref<500xf32, #tpu.memory_space<hbm>>
      %dma_start3A_1264 = arith.constant 0 : i32
      %dma_start3A_1265 = tpu.memref_slice %arg9[%dma_start3A_1257, %dma_start3A_1264] : memref<16x500xf32, #tpu.memory_space<vmem>> -> memref<1x500xf32, #tpu.memory_space<vmem>>
      %dma_start3A_1266 = tpu.memref_squeeze %dma_start3A_1265 : memref<1x500xf32, #tpu.memory_space<vmem>> -> memref<500xf32, #tpu.memory_space<vmem>>
      %dma_start3A_1267 = arith.constant 0 : i32
      %dma_start3A_1268 = tpu.memref_slice %arg3[%reduce_sum3A_1256, %dma_start3A_1267] : memref<100000x500xf32, #tpu.memory_space<hbm>> -> memref<1x500xf32, #tpu.memory_space<hbm>>
      %dma_start3A_1269 = tpu.memref_squeeze %dma_start3A_1268 : memref<1x500xf32, #tpu.memory_space<hbm>> -> memref<500xf32, #tpu.memory_space<hbm>>
      tpu.enqueue_dma source(%dma_start3A_1269 : memref<500xf32, #tpu.memory_space<hbm>>) target(%dma_start3A_1266 : memref<500xf32, #tpu.memory_space<vmem>>) target_semaphore(%arg13 : memref<!tpu.dma_semaphore, #tpu.memory_space<semaphore_mem>>)
      %eq3A_1270 = arith.constant 4 : i32
      %eq3A_1271 = vector.broadcast %eq3A_1270 : i32 to vector<16xi32>
      %eq3A_1272 = arith.cmpi eq, %iota3A, %eq3A_1271 : vector<16xi32>
      %jit3A_1273 = arith.constant 0 : i32
      %broadcast_in_dim3A_1274 = vector.broadcast %jit3A_1273 : i32 to vector<16xi32>
      %select_n3A_1275 = arith.select %eq3A_1272, %get3A_1177, %broadcast_in_dim3A_1274 : vector<16xi1>, vector<16xi32>
      %reduce_sum3A_1276 = arith.constant true
      %reduce_sum3A_1277 = vector.broadcast %reduce_sum3A_1276 : i1 to vector<16xi1>
      %reduce_sum3A_1278 = tpu.scan <sum>, %select_n3A_1275 masked %reduce_sum3A_1277 : vector<16xi32>, vector<16xi1> -> vector<16xi32>
      %reduce_sum3A_1279 = vector.extract %reduce_sum3A_1278[15] : i32 from vector<16xi32>
      %dma_start3A_1280 = arith.constant 4 : i32
      %dma_start3A_1281 = arith.constant 0 : i32
      %dma_start3A_1282 = tpu.memref_slice %arg9[%dma_start3A_1280, %dma_start3A_1281] : memref<16x500xf32, #tpu.memory_space<vmem>> -> memref<1x500xf32, #tpu.memory_space<vmem>>
      %dma_start3A_1283 = tpu.memref_squeeze %dma_start3A_1282 : memref<1x500xf32, #tpu.memory_space<vmem>> -> memref<500xf32, #tpu.memory_space<vmem>>
      %dma_start3A_1284 = arith.constant 0 : i32
      %dma_start3A_1285 = tpu.memref_slice %arg3[%reduce_sum3A_1279, %dma_start3A_1284] : memref<100000x500xf32, #tpu.memory_space<hbm>> -> memref<1x500xf32, #tpu.memory_space<hbm>>
      %dma_start3A_1286 = tpu.memref_squeeze %dma_start3A_1285 : memref<1x500xf32, #tpu.memory_space<hbm>> -> memref<500xf32, #tpu.memory_space<hbm>>
      %dma_start3A_1287 = arith.constant 0 : i32
      %dma_start3A_1288 = tpu.memref_slice %arg9[%dma_start3A_1280, %dma_start3A_1287] : memref<16x500xf32, #tpu.memory_space<vmem>> -> memref<1x500xf32, #tpu.memory_space<vmem>>
      %dma_start3A_1289 = tpu.memref_squeeze %dma_start3A_1288 : memref<1x500xf32, #tpu.memory_space<vmem>> -> memref<500xf32, #tpu.memory_space<vmem>>
      %dma_start3A_1290 = arith.constant 0 : i32
      %dma_start3A_1291 = tpu.memref_slice %arg3[%reduce_sum3A_1279, %dma_start3A_1290] : memref<100000x500xf32, #tpu.memory_space<hbm>> -> memref<1x500xf32, #tpu.memory_space<hbm>>
      %dma_start3A_1292 = tpu.memref_squeeze %dma_start3A_1291 : memref<1x500xf32, #tpu.memory_space<hbm>> -> memref<500xf32, #tpu.memory_space<hbm>>
      tpu.enqueue_dma source(%dma_start3A_1292 : memref<500xf32, #tpu.memory_space<hbm>>) target(%dma_start3A_1289 : memref<500xf32, #tpu.memory_space<vmem>>) target_semaphore(%arg13 : memref<!tpu.dma_semaphore, #tpu.memory_space<semaphore_mem>>)
      %eq3A_1293 = arith.constant 5 : i32
      %eq3A_1294 = vector.broadcast %eq3A_1293 : i32 to vector<16xi32>
      %eq3A_1295 = arith.cmpi eq, %iota3A, %eq3A_1294 : vector<16xi32>
      %jit3A_1296 = arith.constant 0 : i32
      %broadcast_in_dim3A_1297 = vector.broadcast %jit3A_1296 : i32 to vector<16xi32>
      %select_n3A_1298 = arith.select %eq3A_1295, %get3A_1177, %broadcast_in_dim3A_1297 : vector<16xi1>, vector<16xi32>
      %reduce_sum3A_1299 = arith.constant true
      %reduce_sum3A_1300 = vector.broadcast %reduce_sum3A_1299 : i1 to vector<16xi1>
      %reduce_sum3A_1301 = tpu.scan <sum>, %select_n3A_1298 masked %reduce_sum3A_1300 : vector<16xi32>, vector<16xi1> -> vector<16xi32>
      %reduce_sum3A_1302 = vector.extract %reduce_sum3A_1301[15] : i32 from vector<16xi32>
      %dma_start3A_1303 = arith.constant 5 : i32
      %dma_start3A_1304 = arith.constant 0 : i32
      %dma_start3A_1305 = tpu.memref_slice %arg9[%dma_start3A_1303, %dma_start3A_1304] : memref<16x500xf32, #tpu.memory_space<vmem>> -> memref<1x500xf32, #tpu.memory_space<vmem>>
      %dma_start3A_1306 = tpu.memref_squeeze %dma_start3A_1305 : memref<1x500xf32, #tpu.memory_space<vmem>> -> memref<500xf32, #tpu.memory_space<vmem>>
      %dma_start3A_1307 = arith.constant 0 : i32
      %dma_start3A_1308 = tpu.memref_slice %arg3[%reduce_sum3A_1302, %dma_start3A_1307] : memref<100000x500xf32, #tpu.memory_space<hbm>> -> memref<1x500xf32, #tpu.memory_space<hbm>>
      %dma_start3A_1309 = tpu.memref_squeeze %dma_start3A_1308 : memref<1x500xf32, #tpu.memory_space<hbm>> -> memref<500xf32, #tpu.memory_space<hbm>>
      %dma_start3A_1310 = arith.constant 0 : i32
      %dma_start3A_1311 = tpu.memref_slice %arg9[%dma_start3A_1303, %dma_start3A_1310] : memref<16x500xf32, #tpu.memory_space<vmem>> -> memref<1x500xf32, #tpu.memory_space<vmem>>
      %dma_start3A_1312 = tpu.memref_squeeze %dma_start3A_1311 : memref<1x500xf32, #tpu.memory_space<vmem>> -> memref<500xf32, #tpu.memory_space<vmem>>
      %dma_start3A_1313 = arith.constant 0 : i32
      %dma_start3A_1314 = tpu.memref_slice %arg3[%reduce_sum3A_1302, %dma_start3A_1313] : memref<100000x500xf32, #tpu.memory_space<hbm>> -> memref<1x500xf32, #tpu.memory_space<hbm>>
      %dma_start3A_1315 = tpu.memref_squeeze %dma_start3A_1314 : memref<1x500xf32, #tpu.memory_space<hbm>> -> memref<500xf32, #tpu.memory_space<hbm>>
      tpu.enqueue_dma source(%dma_start3A_1315 : memref<500xf32, #tpu.memory_space<hbm>>) target(%dma_start3A_1312 : memref<500xf32, #tpu.memory_space<vmem>>) target_semaphore(%arg13 : memref<!tpu.dma_semaphore, #tpu.memory_space<semaphore_mem>>)
      %eq3A_1316 = arith.constant 6 : i32
      %eq3A_1317 = vector.broadcast %eq3A_1316 : i32 to vector<16xi32>
      %eq3A_1318 = arith.cmpi eq, %iota3A, %eq3A_1317 : vector<16xi32>
      %jit3A_1319 = arith.constant 0 : i32
      %broadcast_in_dim3A_1320 = vector.broadcast %jit3A_1319 : i32 to vector<16xi32>
      %select_n3A_1321 = arith.select %eq3A_1318, %get3A_1177, %broadcast_in_dim3A_1320 : vector<16xi1>, vector<16xi32>
      %reduce_sum3A_1322 = arith.constant true
      %reduce_sum3A_1323 = vector.broadcast %reduce_sum3A_1322 : i1 to vector<16xi1>
      %reduce_sum3A_1324 = tpu.scan <sum>, %select_n3A_1321 masked %reduce_sum3A_1323 : vector<16xi32>, vector<16xi1> -> vector<16xi32>
      %reduce_sum3A_1325 = vector.extract %reduce_sum3A_1324[15] : i32 from vector<16xi32>
      %dma_start3A_1326 = arith.constant 6 : i32
      %dma_start3A_1327 = arith.constant 0 : i32
      %dma_start3A_1328 = tpu.memref_slice %arg9[%dma_start3A_1326, %dma_start3A_1327] : memref<16x500xf32, #tpu.memory_space<vmem>> -> memref<1x500xf32, #tpu.memory_space<vmem>>
      %dma_start3A_1329 = tpu.memref_squeeze %dma_start3A_1328 : memref<1x500xf32, #tpu.memory_space<vmem>> -> memref<500xf32, #tpu.memory_space<vmem>>
      %dma_start3A_1330 = arith.constant 0 : i32
      %dma_start3A_1331 = tpu.memref_slice %arg3[%reduce_sum3A_1325, %dma_start3A_1330] : memref<100000x500xf32, #tpu.memory_space<hbm>> -> memref<1x500xf32, #tpu.memory_space<hbm>>
      %dma_start3A_1332 = tpu.memref_squeeze %dma_start3A_1331 : memref<1x500xf32, #tpu.memory_space<hbm>> -> memref<500xf32, #tpu.memory_space<hbm>>
      %dma_start3A_1333 = arith.constant 0 : i32
      %dma_start3A_1334 = tpu.memref_slice %arg9[%dma_start3A_1326, %dma_start3A_1333] : memref<16x500xf32, #tpu.memory_space<vmem>> -> memref<1x500xf32, #tpu.memory_space<vmem>>
      %dma_start3A_1335 = tpu.memref_squeeze %dma_start3A_1334 : memref<1x500xf32, #tpu.memory_space<vmem>> -> memref<500xf32, #tpu.memory_space<vmem>>
      %dma_start3A_1336 = arith.constant 0 : i32
      %dma_start3A_1337 = tpu.memref_slice %arg3[%reduce_sum3A_1325, %dma_start3A_1336] : memref<100000x500xf32, #tpu.memory_space<hbm>> -> memref<1x500xf32, #tpu.memory_space<hbm>>
      %dma_start3A_1338 = tpu.memref_squeeze %dma_start3A_1337 : memref<1x500xf32, #tpu.memory_space<hbm>> -> memref<500xf32, #tpu.memory_space<hbm>>
      tpu.enqueue_dma source(%dma_start3A_1338 : memref<500xf32, #tpu.memory_space<hbm>>) target(%dma_start3A_1335 : memref<500xf32, #tpu.memory_space<vmem>>) target_semaphore(%arg13 : memref<!tpu.dma_semaphore, #tpu.memory_space<semaphore_mem>>)
      %eq3A_1339 = arith.constant 7 : i32
      %eq3A_1340 = vector.broadcast %eq3A_1339 : i32 to vector<16xi32>
      %eq3A_1341 = arith.cmpi eq, %iota3A, %eq3A_1340 : vector<16xi32>
      %jit3A_1342 = arith.constant 0 : i32
      %broadcast_in_dim3A_1343 = vector.broadcast %jit3A_1342 : i32 to vector<16xi32>
      %select_n3A_1344 = arith.select %eq3A_1341, %get3A_1177, %broadcast_in_dim3A_1343 : vector<16xi1>, vector<16xi32>
      %reduce_sum3A_1345 = arith.constant true
      %reduce_sum3A_1346 = vector.broadcast %reduce_sum3A_1345 : i1 to vector<16xi1>
      %reduce_sum3A_1347 = tpu.scan <sum>, %select_n3A_1344 masked %reduce_sum3A_1346 : vector<16xi32>, vector<16xi1> -> vector<16xi32>
      %reduce_sum3A_1348 = vector.extract %reduce_sum3A_1347[15] : i32 from vector<16xi32>
      %dma_start3A_1349 = arith.constant 7 : i32
      %dma_start3A_1350 = arith.constant 0 : i32
      %dma_start3A_1351 = tpu.memref_slice %arg9[%dma_start3A_1349, %dma_start3A_1350] : memref<16x500xf32, #tpu.memory_space<vmem>> -> memref<1x500xf32, #tpu.memory_space<vmem>>
      %dma_start3A_1352 = tpu.memref_squeeze %dma_start3A_1351 : memref<1x500xf32, #tpu.memory_space<vmem>> -> memref<500xf32, #tpu.memory_space<vmem>>
      %dma_start3A_1353 = arith.constant 0 : i32
      %dma_start3A_1354 = tpu.memref_slice %arg3[%reduce_sum3A_1348, %dma_start3A_1353] : memref<100000x500xf32, #tpu.memory_space<hbm>> -> memref<1x500xf32, #tpu.memory_space<hbm>>
      %dma_start3A_1355 = tpu.memref_squeeze %dma_start3A_1354 : memref<1x500xf32, #tpu.memory_space<hbm>> -> memref<500xf32, #tpu.memory_space<hbm>>
      %dma_start3A_1356 = arith.constant 0 : i32
      %dma_start3A_1357 = tpu.memref_slice %arg9[%dma_start3A_1349, %dma_start3A_1356] : memref<16x500xf32, #tpu.memory_space<vmem>> -> memref<1x500xf32, #tpu.memory_space<vmem>>
      %dma_start3A_1358 = tpu.memref_squeeze %dma_start3A_1357 : memref<1x500xf32, #tpu.memory_space<vmem>> -> memref<500xf32, #tpu.memory_space<vmem>>
      %dma_start3A_1359 = arith.constant 0 : i32
      %dma_start3A_1360 = tpu.memref_slice %arg3[%reduce_sum3A_1348, %dma_start3A_1359] : memref<100000x500xf32, #tpu.memory_space<hbm>> -> memref<1x500xf32, #tpu.memory_space<hbm>>
      %dma_start3A_1361 = tpu.memref_squeeze %dma_start3A_1360 : memref<1x500xf32, #tpu.memory_space<hbm>> -> memref<500xf32, #tpu.memory_space<hbm>>
      tpu.enqueue_dma source(%dma_start3A_1361 : memref<500xf32, #tpu.memory_space<hbm>>) target(%dma_start3A_1358 : memref<500xf32, #tpu.memory_space<vmem>>) target_semaphore(%arg13 : memref<!tpu.dma_semaphore, #tpu.memory_space<semaphore_mem>>)
      %eq3A_1362 = arith.constant 8 : i32
      %eq3A_1363 = vector.broadcast %eq3A_1362 : i32 to vector<16xi32>
      %eq3A_1364 = arith.cmpi eq, %iota3A, %eq3A_1363 : vector<16xi32>
      %jit3A_1365 = arith.constant 0 : i32
      %broadcast_in_dim3A_1366 = vector.broadcast %jit3A_1365 : i32 to vector<16xi32>
      %select_n3A_1367 = arith.select %eq3A_1364, %get3A_1177, %broadcast_in_dim3A_1366 : vector<16xi1>, vector<16xi32>
      %reduce_sum3A_1368 = arith.constant true
      %reduce_sum3A_1369 = vector.broadcast %reduce_sum3A_1368 : i1 to vector<16xi1>
      %reduce_sum3A_1370 = tpu.scan <sum>, %select_n3A_1367 masked %reduce_sum3A_1369 : vector<16xi32>, vector<16xi1> -> vector<16xi32>
      %reduce_sum3A_1371 = vector.extract %reduce_sum3A_1370[15] : i32 from vector<16xi32>
      %dma_start3A_1372 = arith.constant 8 : i32
      %dma_start3A_1373 = arith.constant 0 : i32
      %dma_start3A_1374 = tpu.memref_slice %arg9[%dma_start3A_1372, %dma_start3A_1373] : memref<16x500xf32, #tpu.memory_space<vmem>> -> memref<1x500xf32, #tpu.memory_space<vmem>>
      %dma_start3A_1375 = tpu.memref_squeeze %dma_start3A_1374 : memref<1x500xf32, #tpu.memory_space<vmem>> -> memref<500xf32, #tpu.memory_space<vmem>>
      %dma_start3A_1376 = arith.constant 0 : i32
      %dma_start3A_1377 = tpu.memref_slice %arg3[%reduce_sum3A_1371, %dma_start3A_1376] : memref<100000x500xf32, #tpu.memory_space<hbm>> -> memref<1x500xf32, #tpu.memory_space<hbm>>
      %dma_start3A_1378 = tpu.memref_squeeze %dma_start3A_1377 : memref<1x500xf32, #tpu.memory_space<hbm>> -> memref<500xf32, #tpu.memory_space<hbm>>
      %dma_start3A_1379 = arith.constant 0 : i32
      %dma_start3A_1380 = tpu.memref_slice %arg9[%dma_start3A_1372, %dma_start3A_1379] : memref<16x500xf32, #tpu.memory_space<vmem>> -> memref<1x500xf32, #tpu.memory_space<vmem>>
      %dma_start3A_1381 = tpu.memref_squeeze %dma_start3A_1380 : memref<1x500xf32, #tpu.memory_space<vmem>> -> memref<500xf32, #tpu.memory_space<vmem>>
      %dma_start3A_1382 = arith.constant 0 : i32
      %dma_start3A_1383 = tpu.memref_slice %arg3[%reduce_sum3A_1371, %dma_start3A_1382] : memref<100000x500xf32, #tpu.memory_space<hbm>> -> memref<1x500xf32, #tpu.memory_space<hbm>>
      %dma_start3A_1384 = tpu.memref_squeeze %dma_start3A_1383 : memref<1x500xf32, #tpu.memory_space<hbm>> -> memref<500xf32, #tpu.memory_space<hbm>>
      tpu.enqueue_dma source(%dma_start3A_1384 : memref<500xf32, #tpu.memory_space<hbm>>) target(%dma_start3A_1381 : memref<500xf32, #tpu.memory_space<vmem>>) target_semaphore(%arg13 : memref<!tpu.dma_semaphore, #tpu.memory_space<semaphore_mem>>)
      %eq3A_1385 = arith.constant 9 : i32
      %eq3A_1386 = vector.broadcast %eq3A_1385 : i32 to vector<16xi32>
      %eq3A_1387 = arith.cmpi eq, %iota3A, %eq3A_1386 : vector<16xi32>
      %jit3A_1388 = arith.constant 0 : i32
      %broadcast_in_dim3A_1389 = vector.broadcast %jit3A_1388 : i32 to vector<16xi32>
      %select_n3A_1390 = arith.select %eq3A_1387, %get3A_1177, %broadcast_in_dim3A_1389 : vector<16xi1>, vector<16xi32>
      %reduce_sum3A_1391 = arith.constant true
      %reduce_sum3A_1392 = vector.broadcast %reduce_sum3A_1391 : i1 to vector<16xi1>
      %reduce_sum3A_1393 = tpu.scan <sum>, %select_n3A_1390 masked %reduce_sum3A_1392 : vector<16xi32>, vector<16xi1> -> vector<16xi32>
      %reduce_sum3A_1394 = vector.extract %reduce_sum3A_1393[15] : i32 from vector<16xi32>
      %dma_start3A_1395 = arith.constant 9 : i32
      %dma_start3A_1396 = arith.constant 0 : i32
      %dma_start3A_1397 = tpu.memref_slice %arg9[%dma_start3A_1395, %dma_start3A_1396] : memref<16x500xf32, #tpu.memory_space<vmem>> -> memref<1x500xf32, #tpu.memory_space<vmem>>
      %dma_start3A_1398 = tpu.memref_squeeze %dma_start3A_1397 : memref<1x500xf32, #tpu.memory_space<vmem>> -> memref<500xf32, #tpu.memory_space<vmem>>
      %dma_start3A_1399 = arith.constant 0 : i32
      %dma_start3A_1400 = tpu.memref_slice %arg3[%reduce_sum3A_1394, %dma_start3A_1399] : memref<100000x500xf32, #tpu.memory_space<hbm>> -> memref<1x500xf32, #tpu.memory_space<hbm>>
      %dma_start3A_1401 = tpu.memref_squeeze %dma_start3A_1400 : memref<1x500xf32, #tpu.memory_space<hbm>> -> memref<500xf32, #tpu.memory_space<hbm>>
      %dma_start3A_1402 = arith.constant 0 : i32
      %dma_start3A_1403 = tpu.memref_slice %arg9[%dma_start3A_1395, %dma_start3A_1402] : memref<16x500xf32, #tpu.memory_space<vmem>> -> memref<1x500xf32, #tpu.memory_space<vmem>>
      %dma_start3A_1404 = tpu.memref_squeeze %dma_start3A_1403 : memref<1x500xf32, #tpu.memory_space<vmem>> -> memref<500xf32, #tpu.memory_space<vmem>>
      %dma_start3A_1405 = arith.constant 0 : i32
      %dma_start3A_1406 = tpu.memref_slice %arg3[%reduce_sum3A_1394, %dma_start3A_1405] : memref<100000x500xf32, #tpu.memory_space<hbm>> -> memref<1x500xf32, #tpu.memory_space<hbm>>
      %dma_start3A_1407 = tpu.memref_squeeze %dma_start3A_1406 : memref<1x500xf32, #tpu.memory_space<hbm>> -> memref<500xf32, #tpu.memory_space<hbm>>
      tpu.enqueue_dma source(%dma_start3A_1407 : memref<500xf32, #tpu.memory_space<hbm>>) target(%dma_start3A_1404 : memref<500xf32, #tpu.memory_space<vmem>>) target_semaphore(%arg13 : memref<!tpu.dma_semaphore, #tpu.memory_space<semaphore_mem>>)
      %eq3A_1408 = arith.constant 10 : i32
      %eq3A_1409 = vector.broadcast %eq3A_1408 : i32 to vector<16xi32>
      %eq3A_1410 = arith.cmpi eq, %iota3A, %eq3A_1409 : vector<16xi32>
      %jit3A_1411 = arith.constant 0 : i32
      %broadcast_in_dim3A_1412 = vector.broadcast %jit3A_1411 : i32 to vector<16xi32>
      %select_n3A_1413 = arith.select %eq3A_1410, %get3A_1177, %broadcast_in_dim3A_1412 : vector<16xi1>, vector<16xi32>
      %reduce_sum3A_1414 = arith.constant true
      %reduce_sum3A_1415 = vector.broadcast %reduce_sum3A_1414 : i1 to vector<16xi1>
      %reduce_sum3A_1416 = tpu.scan <sum>, %select_n3A_1413 masked %reduce_sum3A_1415 : vector<16xi32>, vector<16xi1> -> vector<16xi32>
      %reduce_sum3A_1417 = vector.extract %reduce_sum3A_1416[15] : i32 from vector<16xi32>
      %dma_start3A_1418 = arith.constant 10 : i32
      %dma_start3A_1419 = arith.constant 0 : i32
      %dma_start3A_1420 = tpu.memref_slice %arg9[%dma_start3A_1418, %dma_start3A_1419] : memref<16x500xf32, #tpu.memory_space<vmem>> -> memref<1x500xf32, #tpu.memory_space<vmem>>
      %dma_start3A_1421 = tpu.memref_squeeze %dma_start3A_1420 : memref<1x500xf32, #tpu.memory_space<vmem>> -> memref<500xf32, #tpu.memory_space<vmem>>
      %dma_start3A_1422 = arith.constant 0 : i32
      %dma_start3A_1423 = tpu.memref_slice %arg3[%reduce_sum3A_1417, %dma_start3A_1422] : memref<100000x500xf32, #tpu.memory_space<hbm>> -> memref<1x500xf32, #tpu.memory_space<hbm>>
      %dma_start3A_1424 = tpu.memref_squeeze %dma_start3A_1423 : memref<1x500xf32, #tpu.memory_space<hbm>> -> memref<500xf32, #tpu.memory_space<hbm>>
      %dma_start3A_1425 = arith.constant 0 : i32
      %dma_start3A_1426 = tpu.memref_slice %arg9[%dma_start3A_1418, %dma_start3A_1425] : memref<16x500xf32, #tpu.memory_space<vmem>> -> memref<1x500xf32, #tpu.memory_space<vmem>>
      %dma_start3A_1427 = tpu.memref_squeeze %dma_start3A_1426 : memref<1x500xf32, #tpu.memory_space<vmem>> -> memref<500xf32, #tpu.memory_space<vmem>>
      %dma_start3A_1428 = arith.constant 0 : i32
      %dma_start3A_1429 = tpu.memref_slice %arg3[%reduce_sum3A_1417, %dma_start3A_1428] : memref<100000x500xf32, #tpu.memory_space<hbm>> -> memref<1x500xf32, #tpu.memory_space<hbm>>
      %dma_start3A_1430 = tpu.memref_squeeze %dma_start3A_1429 : memref<1x500xf32, #tpu.memory_space<hbm>> -> memref<500xf32, #tpu.memory_space<hbm>>
      tpu.enqueue_dma source(%dma_start3A_1430 : memref<500xf32, #tpu.memory_space<hbm>>) target(%dma_start3A_1427 : memref<500xf32, #tpu.memory_space<vmem>>) target_semaphore(%arg13 : memref<!tpu.dma_semaphore, #tpu.memory_space<semaphore_mem>>)
      %eq3A_1431 = arith.constant 11 : i32
      %eq3A_1432 = vector.broadcast %eq3A_1431 : i32 to vector<16xi32>
      %eq3A_1433 = arith.cmpi eq, %iota3A, %eq3A_1432 : vector<16xi32>
      %jit3A_1434 = arith.constant 0 : i32
      %broadcast_in_dim3A_1435 = vector.broadcast %jit3A_1434 : i32 to vector<16xi32>
      %select_n3A_1436 = arith.select %eq3A_1433, %get3A_1177, %broadcast_in_dim3A_1435 : vector<16xi1>, vector<16xi32>
      %reduce_sum3A_1437 = arith.constant true
      %reduce_sum3A_1438 = vector.broadcast %reduce_sum3A_1437 : i1 to vector<16xi1>
      %reduce_sum3A_1439 = tpu.scan <sum>, %select_n3A_1436 masked %reduce_sum3A_1438 : vector<16xi32>, vector<16xi1> -> vector<16xi32>
      %reduce_sum3A_1440 = vector.extract %reduce_sum3A_1439[15] : i32 from vector<16xi32>
      %dma_start3A_1441 = arith.constant 11 : i32
      %dma_start3A_1442 = arith.constant 0 : i32
      %dma_start3A_1443 = tpu.memref_slice %arg9[%dma_start3A_1441, %dma_start3A_1442] : memref<16x500xf32, #tpu.memory_space<vmem>> -> memref<1x500xf32, #tpu.memory_space<vmem>>
      %dma_start3A_1444 = tpu.memref_squeeze %dma_start3A_1443 : memref<1x500xf32, #tpu.memory_space<vmem>> -> memref<500xf32, #tpu.memory_space<vmem>>
      %dma_start3A_1445 = arith.constant 0 : i32
      %dma_start3A_1446 = tpu.memref_slice %arg3[%reduce_sum3A_1440, %dma_start3A_1445] : memref<100000x500xf32, #tpu.memory_space<hbm>> -> memref<1x500xf32, #tpu.memory_space<hbm>>
      %dma_start3A_1447 = tpu.memref_squeeze %dma_start3A_1446 : memref<1x500xf32, #tpu.memory_space<hbm>> -> memref<500xf32, #tpu.memory_space<hbm>>
      %dma_start3A_1448 = arith.constant 0 : i32
      %dma_start3A_1449 = tpu.memref_slice %arg9[%dma_start3A_1441, %dma_start3A_1448] : memref<16x500xf32, #tpu.memory_space<vmem>> -> memref<1x500xf32, #tpu.memory_space<vmem>>
      %dma_start3A_1450 = tpu.memref_squeeze %dma_start3A_1449 : memref<1x500xf32, #tpu.memory_space<vmem>> -> memref<500xf32, #tpu.memory_space<vmem>>
      %dma_start3A_1451 = arith.constant 0 : i32
      %dma_start3A_1452 = tpu.memref_slice %arg3[%reduce_sum3A_1440, %dma_start3A_1451] : memref<100000x500xf32, #tpu.memory_space<hbm>> -> memref<1x500xf32, #tpu.memory_space<hbm>>
      %dma_start3A_1453 = tpu.memref_squeeze %dma_start3A_1452 : memref<1x500xf32, #tpu.memory_space<hbm>> -> memref<500xf32, #tpu.memory_space<hbm>>
      tpu.enqueue_dma source(%dma_start3A_1453 : memref<500xf32, #tpu.memory_space<hbm>>) target(%dma_start3A_1450 : memref<500xf32, #tpu.memory_space<vmem>>) target_semaphore(%arg13 : memref<!tpu.dma_semaphore, #tpu.memory_space<semaphore_mem>>)
      %eq3A_1454 = arith.constant 12 : i32
      %eq3A_1455 = vector.broadcast %eq3A_1454 : i32 to vector<16xi32>
      %eq3A_1456 = arith.cmpi eq, %iota3A, %eq3A_1455 : vector<16xi32>
      %jit3A_1457 = arith.constant 0 : i32
      %broadcast_in_dim3A_1458 = vector.broadcast %jit3A_1457 : i32 to vector<16xi32>
      %select_n3A_1459 = arith.select %eq3A_1456, %get3A_1177, %broadcast_in_dim3A_1458 : vector<16xi1>, vector<16xi32>
      %reduce_sum3A_1460 = arith.constant true
      %reduce_sum3A_1461 = vector.broadcast %reduce_sum3A_1460 : i1 to vector<16xi1>
      %reduce_sum3A_1462 = tpu.scan <sum>, %select_n3A_1459 masked %reduce_sum3A_1461 : vector<16xi32>, vector<16xi1> -> vector<16xi32>
      %reduce_sum3A_1463 = vector.extract %reduce_sum3A_1462[15] : i32 from vector<16xi32>
      %dma_start3A_1464 = arith.constant 12 : i32
      %dma_start3A_1465 = arith.constant 0 : i32
      %dma_start3A_1466 = tpu.memref_slice %arg9[%dma_start3A_1464, %dma_start3A_1465] : memref<16x500xf32, #tpu.memory_space<vmem>> -> memref<1x500xf32, #tpu.memory_space<vmem>>
      %dma_start3A_1467 = tpu.memref_squeeze %dma_start3A_1466 : memref<1x500xf32, #tpu.memory_space<vmem>> -> memref<500xf32, #tpu.memory_space<vmem>>
      %dma_start3A_1468 = arith.constant 0 : i32
      %dma_start3A_1469 = tpu.memref_slice %arg3[%reduce_sum3A_1463, %dma_start3A_1468] : memref<100000x500xf32, #tpu.memory_space<hbm>> -> memref<1x500xf32, #tpu.memory_space<hbm>>
      %dma_start3A_1470 = tpu.memref_squeeze %dma_start3A_1469 : memref<1x500xf32, #tpu.memory_space<hbm>> -> memref<500xf32, #tpu.memory_space<hbm>>
      %dma_start3A_1471 = arith.constant 0 : i32
      %dma_start3A_1472 = tpu.memref_slice %arg9[%dma_start3A_1464, %dma_start3A_1471] : memref<16x500xf32, #tpu.memory_space<vmem>> -> memref<1x500xf32, #tpu.memory_space<vmem>>
      %dma_start3A_1473 = tpu.memref_squeeze %dma_start3A_1472 : memref<1x500xf32, #tpu.memory_space<vmem>> -> memref<500xf32, #tpu.memory_space<vmem>>
      %dma_start3A_1474 = arith.constant 0 : i32
      %dma_start3A_1475 = tpu.memref_slice %arg3[%reduce_sum3A_1463, %dma_start3A_1474] : memref<100000x500xf32, #tpu.memory_space<hbm>> -> memref<1x500xf32, #tpu.memory_space<hbm>>
      %dma_start3A_1476 = tpu.memref_squeeze %dma_start3A_1475 : memref<1x500xf32, #tpu.memory_space<hbm>> -> memref<500xf32, #tpu.memory_space<hbm>>
      tpu.enqueue_dma source(%dma_start3A_1476 : memref<500xf32, #tpu.memory_space<hbm>>) target(%dma_start3A_1473 : memref<500xf32, #tpu.memory_space<vmem>>) target_semaphore(%arg13 : memref<!tpu.dma_semaphore, #tpu.memory_space<semaphore_mem>>)
      %eq3A_1477 = arith.constant 13 : i32
      %eq3A_1478 = vector.broadcast %eq3A_1477 : i32 to vector<16xi32>
      %eq3A_1479 = arith.cmpi eq, %iota3A, %eq3A_1478 : vector<16xi32>
      %jit3A_1480 = arith.constant 0 : i32
      %broadcast_in_dim3A_1481 = vector.broadcast %jit3A_1480 : i32 to vector<16xi32>
      %select_n3A_1482 = arith.select %eq3A_1479, %get3A_1177, %broadcast_in_dim3A_1481 : vector<16xi1>, vector<16xi32>
      %reduce_sum3A_1483 = arith.constant true
      %reduce_sum3A_1484 = vector.broadcast %reduce_sum3A_1483 : i1 to vector<16xi1>
      %reduce_sum3A_1485 = tpu.scan <sum>, %select_n3A_1482 masked %reduce_sum3A_1484 : vector<16xi32>, vector<16xi1> -> vector<16xi32>
      %reduce_sum3A_1486 = vector.extract %reduce_sum3A_1485[15] : i32 from vector<16xi32>
      %dma_start3A_1487 = arith.constant 13 : i32
      %dma_start3A_1488 = arith.constant 0 : i32
      %dma_start3A_1489 = tpu.memref_slice %arg9[%dma_start3A_1487, %dma_start3A_1488] : memref<16x500xf32, #tpu.memory_space<vmem>> -> memref<1x500xf32, #tpu.memory_space<vmem>>
      %dma_start3A_1490 = tpu.memref_squeeze %dma_start3A_1489 : memref<1x500xf32, #tpu.memory_space<vmem>> -> memref<500xf32, #tpu.memory_space<vmem>>
      %dma_start3A_1491 = arith.constant 0 : i32
      %dma_start3A_1492 = tpu.memref_slice %arg3[%reduce_sum3A_1486, %dma_start3A_1491] : memref<100000x500xf32, #tpu.memory_space<hbm>> -> memref<1x500xf32, #tpu.memory_space<hbm>>
      %dma_start3A_1493 = tpu.memref_squeeze %dma_start3A_1492 : memref<1x500xf32, #tpu.memory_space<hbm>> -> memref<500xf32, #tpu.memory_space<hbm>>
      %dma_start3A_1494 = arith.constant 0 : i32
      %dma_start3A_1495 = tpu.memref_slice %arg9[%dma_start3A_1487, %dma_start3A_1494] : memref<16x500xf32, #tpu.memory_space<vmem>> -> memref<1x500xf32, #tpu.memory_space<vmem>>
      %dma_start3A_1496 = tpu.memref_squeeze %dma_start3A_1495 : memref<1x500xf32, #tpu.memory_space<vmem>> -> memref<500xf32, #tpu.memory_space<vmem>>
      %dma_start3A_1497 = arith.constant 0 : i32
      %dma_start3A_1498 = tpu.memref_slice %arg3[%reduce_sum3A_1486, %dma_start3A_1497] : memref<100000x500xf32, #tpu.memory_space<hbm>> -> memref<1x500xf32, #tpu.memory_space<hbm>>
      %dma_start3A_1499 = tpu.memref_squeeze %dma_start3A_1498 : memref<1x500xf32, #tpu.memory_space<hbm>> -> memref<500xf32, #tpu.memory_space<hbm>>
      tpu.enqueue_dma source(%dma_start3A_1499 : memref<500xf32, #tpu.memory_space<hbm>>) target(%dma_start3A_1496 : memref<500xf32, #tpu.memory_space<vmem>>) target_semaphore(%arg13 : memref<!tpu.dma_semaphore, #tpu.memory_space<semaphore_mem>>)
      %eq3A_1500 = arith.constant 14 : i32
      %eq3A_1501 = vector.broadcast %eq3A_1500 : i32 to vector<16xi32>
      %eq3A_1502 = arith.cmpi eq, %iota3A, %eq3A_1501 : vector<16xi32>
      %jit3A_1503 = arith.constant 0 : i32
      %broadcast_in_dim3A_1504 = vector.broadcast %jit3A_1503 : i32 to vector<16xi32>
      %select_n3A_1505 = arith.select %eq3A_1502, %get3A_1177, %broadcast_in_dim3A_1504 : vector<16xi1>, vector<16xi32>
      %reduce_sum3A_1506 = arith.constant true
      %reduce_sum3A_1507 = vector.broadcast %reduce_sum3A_1506 : i1 to vector<16xi1>
      %reduce_sum3A_1508 = tpu.scan <sum>, %select_n3A_1505 masked %reduce_sum3A_1507 : vector<16xi32>, vector<16xi1> -> vector<16xi32>
      %reduce_sum3A_1509 = vector.extract %reduce_sum3A_1508[15] : i32 from vector<16xi32>
      %dma_start3A_1510 = arith.constant 14 : i32
      %dma_start3A_1511 = arith.constant 0 : i32
      %dma_start3A_1512 = tpu.memref_slice %arg9[%dma_start3A_1510, %dma_start3A_1511] : memref<16x500xf32, #tpu.memory_space<vmem>> -> memref<1x500xf32, #tpu.memory_space<vmem>>
      %dma_start3A_1513 = tpu.memref_squeeze %dma_start3A_1512 : memref<1x500xf32, #tpu.memory_space<vmem>> -> memref<500xf32, #tpu.memory_space<vmem>>
      %dma_start3A_1514 = arith.constant 0 : i32
      %dma_start3A_1515 = tpu.memref_slice %arg3[%reduce_sum3A_1509, %dma_start3A_1514] : memref<100000x500xf32, #tpu.memory_space<hbm>> -> memref<1x500xf32, #tpu.memory_space<hbm>>
      %dma_start3A_1516 = tpu.memref_squeeze %dma_start3A_1515 : memref<1x500xf32, #tpu.memory_space<hbm>> -> memref<500xf32, #tpu.memory_space<hbm>>
      %dma_start3A_1517 = arith.constant 0 : i32
      %dma_start3A_1518 = tpu.memref_slice %arg9[%dma_start3A_1510, %dma_start3A_1517] : memref<16x500xf32, #tpu.memory_space<vmem>> -> memref<1x500xf32, #tpu.memory_space<vmem>>
      %dma_start3A_1519 = tpu.memref_squeeze %dma_start3A_1518 : memref<1x500xf32, #tpu.memory_space<vmem>> -> memref<500xf32, #tpu.memory_space<vmem>>
      %dma_start3A_1520 = arith.constant 0 : i32
      %dma_start3A_1521 = tpu.memref_slice %arg3[%reduce_sum3A_1509, %dma_start3A_1520] : memref<100000x500xf32, #tpu.memory_space<hbm>> -> memref<1x500xf32, #tpu.memory_space<hbm>>
      %dma_start3A_1522 = tpu.memref_squeeze %dma_start3A_1521 : memref<1x500xf32, #tpu.memory_space<hbm>> -> memref<500xf32, #tpu.memory_space<hbm>>
      tpu.enqueue_dma source(%dma_start3A_1522 : memref<500xf32, #tpu.memory_space<hbm>>) target(%dma_start3A_1519 : memref<500xf32, #tpu.memory_space<vmem>>) target_semaphore(%arg13 : memref<!tpu.dma_semaphore, #tpu.memory_space<semaphore_mem>>)
      %eq3A_1523 = arith.constant 15 : i32
      %eq3A_1524 = vector.broadcast %eq3A_1523 : i32 to vector<16xi32>
      %eq3A_1525 = arith.cmpi eq, %iota3A, %eq3A_1524 : vector<16xi32>
      %jit3A_1526 = arith.constant 0 : i32
      %broadcast_in_dim3A_1527 = vector.broadcast %jit3A_1526 : i32 to vector<16xi32>
      %select_n3A_1528 = arith.select %eq3A_1525, %get3A_1177, %broadcast_in_dim3A_1527 : vector<16xi1>, vector<16xi32>
      %reduce_sum3A_1529 = arith.constant true
      %reduce_sum3A_1530 = vector.broadcast %reduce_sum3A_1529 : i1 to vector<16xi1>
      %reduce_sum3A_1531 = tpu.scan <sum>, %select_n3A_1528 masked %reduce_sum3A_1530 : vector<16xi32>, vector<16xi1> -> vector<16xi32>
      %reduce_sum3A_1532 = vector.extract %reduce_sum3A_1531[15] : i32 from vector<16xi32>
      %dma_start3A_1533 = arith.constant 15 : i32
      %dma_start3A_1534 = arith.constant 0 : i32
      %dma_start3A_1535 = tpu.memref_slice %arg9[%dma_start3A_1533, %dma_start3A_1534] : memref<16x500xf32, #tpu.memory_space<vmem>> -> memref<1x500xf32, #tpu.memory_space<vmem>>
      %dma_start3A_1536 = tpu.memref_squeeze %dma_start3A_1535 : memref<1x500xf32, #tpu.memory_space<vmem>> -> memref<500xf32, #tpu.memory_space<vmem>>
      %dma_start3A_1537 = arith.constant 0 : i32
      %dma_start3A_1538 = tpu.memref_slice %arg3[%reduce_sum3A_1532, %dma_start3A_1537] : memref<100000x500xf32, #tpu.memory_space<hbm>> -> memref<1x500xf32, #tpu.memory_space<hbm>>
      %dma_start3A_1539 = tpu.memref_squeeze %dma_start3A_1538 : memref<1x500xf32, #tpu.memory_space<hbm>> -> memref<500xf32, #tpu.memory_space<hbm>>
      %dma_start3A_1540 = arith.constant 0 : i32
      %dma_start3A_1541 = tpu.memref_slice %arg9[%dma_start3A_1533, %dma_start3A_1540] : memref<16x500xf32, #tpu.memory_space<vmem>> -> memref<1x500xf32, #tpu.memory_space<vmem>>
      %dma_start3A_1542 = tpu.memref_squeeze %dma_start3A_1541 : memref<1x500xf32, #tpu.memory_space<vmem>> -> memref<500xf32, #tpu.memory_space<vmem>>
      %dma_start3A_1543 = arith.constant 0 : i32
      %dma_start3A_1544 = tpu.memref_slice %arg3[%reduce_sum3A_1532, %dma_start3A_1543] : memref<100000x500xf32, #tpu.memory_space<hbm>> -> memref<1x500xf32, #tpu.memory_space<hbm>>
      %dma_start3A_1545 = tpu.memref_squeeze %dma_start3A_1544 : memref<1x500xf32, #tpu.memory_space<hbm>> -> memref<500xf32, #tpu.memory_space<hbm>>
      tpu.enqueue_dma source(%dma_start3A_1545 : memref<500xf32, #tpu.memory_space<hbm>>) target(%dma_start3A_1542 : memref<500xf32, #tpu.memory_space<vmem>>) target_semaphore(%arg13 : memref<!tpu.dma_semaphore, #tpu.memory_space<semaphore_mem>>)
      %mul3A_1546 = arith.constant 4 : i32
      %mul3A_1547 = arith.muli %mul3A_1546, %scan3A_31 : i32
      %add3A_1548 = arith.constant 0 : i32
      %add3A_1549 = arith.addi %mul3A_1547, %add3A_1548 : i32
      %dma_wait3A_1550 = arith.constant 0 : i32
      %dma_wait3A_1551 = arith.constant 0 : i32
      %dma_wait3A_1552 = arith.constant 0 : i32
      %dma_wait3A_1553 = tpu.memref_slice %arg6[%dma_wait3A_1551, %dma_wait3A_1552] : memref<16x500xf32, #tpu.memory_space<vmem>> -> memref<1x500xf32, #tpu.memory_space<vmem>>
      %dma_wait3A_1554 = tpu.memref_squeeze %dma_wait3A_1553 : memref<1x500xf32, #tpu.memory_space<vmem>> -> memref<500xf32, #tpu.memory_space<vmem>>
      %dma_wait3A_1555 = arith.constant 0 : i32
      %dma_wait3A_1556 = tpu.memref_slice %arg3[%dma_wait3A_1550, %dma_wait3A_1555] : memref<100000x500xf32, #tpu.memory_space<hbm>> -> memref<1x500xf32, #tpu.memory_space<hbm>>
      %dma_wait3A_1557 = tpu.memref_squeeze %dma_wait3A_1556 : memref<1x500xf32, #tpu.memory_space<hbm>> -> memref<500xf32, #tpu.memory_space<hbm>>
      %dma_wait3A_1558 = arith.constant 0 : i32
      %dma_wait3A_1559 = tpu.memref_slice %arg6[%dma_wait3A_1551, %dma_wait3A_1558] : memref<16x500xf32, #tpu.memory_space<vmem>> -> memref<1x500xf32, #tpu.memory_space<vmem>>
      %dma_wait3A_1560 = tpu.memref_squeeze %dma_wait3A_1559 : memref<1x500xf32, #tpu.memory_space<vmem>> -> memref<500xf32, #tpu.memory_space<vmem>>
      %dma_wait3A_1561 = arith.constant 0 : i32
      %dma_wait3A_1562 = tpu.memref_slice %arg3[%dma_wait3A_1550, %dma_wait3A_1561] : memref<100000x500xf32, #tpu.memory_space<hbm>> -> memref<1x500xf32, #tpu.memory_space<hbm>>
      %dma_wait3A_1563 = tpu.memref_squeeze %dma_wait3A_1562 : memref<1x500xf32, #tpu.memory_space<hbm>> -> memref<500xf32, #tpu.memory_space<hbm>>
      tpu.wait_dma2 semaphore(%arg10 : memref<!tpu.dma_semaphore, #tpu.memory_space<semaphore_mem>>) src(%dma_wait3A_1563 : memref<500xf32, #tpu.memory_space<hbm>>) dst(%dma_wait3A_1560 : memref<500xf32, #tpu.memory_space<vmem>>)
      %dma_wait3A_1564 = arith.constant 0 : i32
      %dma_wait3A_1565 = arith.constant 0 : i32
      %dma_wait3A_1566 = arith.constant 0 : i32
      %dma_wait3A_1567 = tpu.memref_slice %arg6[%dma_wait3A_1565, %dma_wait3A_1566] : memref<16x500xf32, #tpu.memory_space<vmem>> -> memref<1x500xf32, #tpu.memory_space<vmem>>
      %dma_wait3A_1568 = tpu.memref_squeeze %dma_wait3A_1567 : memref<1x500xf32, #tpu.memory_space<vmem>> -> memref<500xf32, #tpu.memory_space<vmem>>
      %dma_wait3A_1569 = arith.constant 0 : i32
      %dma_wait3A_1570 = tpu.memref_slice %arg3[%dma_wait3A_1564, %dma_wait3A_1569] : memref<100000x500xf32, #tpu.memory_space<hbm>> -> memref<1x500xf32, #tpu.memory_space<hbm>>
      %dma_wait3A_1571 = tpu.memref_squeeze %dma_wait3A_1570 : memref<1x500xf32, #tpu.memory_space<hbm>> -> memref<500xf32, #tpu.memory_space<hbm>>
      %dma_wait3A_1572 = arith.constant 0 : i32
      %dma_wait3A_1573 = tpu.memref_slice %arg6[%dma_wait3A_1565, %dma_wait3A_1572] : memref<16x500xf32, #tpu.memory_space<vmem>> -> memref<1x500xf32, #tpu.memory_space<vmem>>
      %dma_wait3A_1574 = tpu.memref_squeeze %dma_wait3A_1573 : memref<1x500xf32, #tpu.memory_space<vmem>> -> memref<500xf32, #tpu.memory_space<vmem>>
      %dma_wait3A_1575 = arith.constant 0 : i32
      %dma_wait3A_1576 = tpu.memref_slice %arg3[%dma_wait3A_1564, %dma_wait3A_1575] : memref<100000x500xf32, #tpu.memory_space<hbm>> -> memref<1x500xf32, #tpu.memory_space<hbm>>
      %dma_wait3A_1577 = tpu.memref_squeeze %dma_wait3A_1576 : memref<1x500xf32, #tpu.memory_space<hbm>> -> memref<500xf32, #tpu.memory_space<hbm>>
      tpu.wait_dma2 semaphore(%arg10 : memref<!tpu.dma_semaphore, #tpu.memory_space<semaphore_mem>>) src(%dma_wait3A_1577 : memref<500xf32, #tpu.memory_space<hbm>>) dst(%dma_wait3A_1574 : memref<500xf32, #tpu.memory_space<vmem>>)
      %dma_wait3A_1578 = arith.constant 0 : i32
      %dma_wait3A_1579 = arith.constant 0 : i32
      %dma_wait3A_1580 = arith.constant 0 : i32
      %dma_wait3A_1581 = tpu.memref_slice %arg6[%dma_wait3A_1579, %dma_wait3A_1580] : memref<16x500xf32, #tpu.memory_space<vmem>> -> memref<1x500xf32, #tpu.memory_space<vmem>>
      %dma_wait3A_1582 = tpu.memref_squeeze %dma_wait3A_1581 : memref<1x500xf32, #tpu.memory_space<vmem>> -> memref<500xf32, #tpu.memory_space<vmem>>
      %dma_wait3A_1583 = arith.constant 0 : i32
      %dma_wait3A_1584 = tpu.memref_slice %arg3[%dma_wait3A_1578, %dma_wait3A_1583] : memref<100000x500xf32, #tpu.memory_space<hbm>> -> memref<1x500xf32, #tpu.memory_space<hbm>>
      %dma_wait3A_1585 = tpu.memref_squeeze %dma_wait3A_1584 : memref<1x500xf32, #tpu.memory_space<hbm>> -> memref<500xf32, #tpu.memory_space<hbm>>
      %dma_wait3A_1586 = arith.constant 0 : i32
      %dma_wait3A_1587 = tpu.memref_slice %arg6[%dma_wait3A_1579, %dma_wait3A_1586] : memref<16x500xf32, #tpu.memory_space<vmem>> -> memref<1x500xf32, #tpu.memory_space<vmem>>
      %dma_wait3A_1588 = tpu.memref_squeeze %dma_wait3A_1587 : memref<1x500xf32, #tpu.memory_space<vmem>> -> memref<500xf32, #tpu.memory_space<vmem>>
      %dma_wait3A_1589 = arith.constant 0 : i32
      %dma_wait3A_1590 = tpu.memref_slice %arg3[%dma_wait3A_1578, %dma_wait3A_1589] : memref<100000x500xf32, #tpu.memory_space<hbm>> -> memref<1x500xf32, #tpu.memory_space<hbm>>
      %dma_wait3A_1591 = tpu.memref_squeeze %dma_wait3A_1590 : memref<1x500xf32, #tpu.memory_space<hbm>> -> memref<500xf32, #tpu.memory_space<hbm>>
      tpu.wait_dma2 semaphore(%arg10 : memref<!tpu.dma_semaphore, #tpu.memory_space<semaphore_mem>>) src(%dma_wait3A_1591 : memref<500xf32, #tpu.memory_space<hbm>>) dst(%dma_wait3A_1588 : memref<500xf32, #tpu.memory_space<vmem>>)
      %dma_wait3A_1592 = arith.constant 0 : i32
      %dma_wait3A_1593 = arith.constant 0 : i32
      %dma_wait3A_1594 = arith.constant 0 : i32
      %dma_wait3A_1595 = tpu.memref_slice %arg6[%dma_wait3A_1593, %dma_wait3A_1594] : memref<16x500xf32, #tpu.memory_space<vmem>> -> memref<1x500xf32, #tpu.memory_space<vmem>>
      %dma_wait3A_1596 = tpu.memref_squeeze %dma_wait3A_1595 : memref<1x500xf32, #tpu.memory_space<vmem>> -> memref<500xf32, #tpu.memory_space<vmem>>
      %dma_wait3A_1597 = arith.constant 0 : i32
      %dma_wait3A_1598 = tpu.memref_slice %arg3[%dma_wait3A_1592, %dma_wait3A_1597] : memref<100000x500xf32, #tpu.memory_space<hbm>> -> memref<1x500xf32, #tpu.memory_space<hbm>>
      %dma_wait3A_1599 = tpu.memref_squeeze %dma_wait3A_1598 : memref<1x500xf32, #tpu.memory_space<hbm>> -> memref<500xf32, #tpu.memory_space<hbm>>
      %dma_wait3A_1600 = arith.constant 0 : i32
      %dma_wait3A_1601 = tpu.memref_slice %arg6[%dma_wait3A_1593, %dma_wait3A_1600] : memref<16x500xf32, #tpu.memory_space<vmem>> -> memref<1x500xf32, #tpu.memory_space<vmem>>
      %dma_wait3A_1602 = tpu.memref_squeeze %dma_wait3A_1601 : memref<1x500xf32, #tpu.memory_space<vmem>> -> memref<500xf32, #tpu.memory_space<vmem>>
      %dma_wait3A_1603 = arith.constant 0 : i32
      %dma_wait3A_1604 = tpu.memref_slice %arg3[%dma_wait3A_1592, %dma_wait3A_1603] : memref<100000x500xf32, #tpu.memory_space<hbm>> -> memref<1x500xf32, #tpu.memory_space<hbm>>
      %dma_wait3A_1605 = tpu.memref_squeeze %dma_wait3A_1604 : memref<1x500xf32, #tpu.memory_space<hbm>> -> memref<500xf32, #tpu.memory_space<hbm>>
      tpu.wait_dma2 semaphore(%arg10 : memref<!tpu.dma_semaphore, #tpu.memory_space<semaphore_mem>>) src(%dma_wait3A_1605 : memref<500xf32, #tpu.memory_space<hbm>>) dst(%dma_wait3A_1602 : memref<500xf32, #tpu.memory_space<vmem>>)
      %dma_wait3A_1606 = arith.constant 0 : i32
      %dma_wait3A_1607 = arith.constant 0 : i32
      %dma_wait3A_1608 = arith.constant 0 : i32
      %dma_wait3A_1609 = tpu.memref_slice %arg6[%dma_wait3A_1607, %dma_wait3A_1608] : memref<16x500xf32, #tpu.memory_space<vmem>> -> memref<1x500xf32, #tpu.memory_space<vmem>>
      %dma_wait3A_1610 = tpu.memref_squeeze %dma_wait3A_1609 : memref<1x500xf32, #tpu.memory_space<vmem>> -> memref<500xf32, #tpu.memory_space<vmem>>
      %dma_wait3A_1611 = arith.constant 0 : i32
      %dma_wait3A_1612 = tpu.memref_slice %arg3[%dma_wait3A_1606, %dma_wait3A_1611] : memref<100000x500xf32, #tpu.memory_space<hbm>> -> memref<1x500xf32, #tpu.memory_space<hbm>>
      %dma_wait3A_1613 = tpu.memref_squeeze %dma_wait3A_1612 : memref<1x500xf32, #tpu.memory_space<hbm>> -> memref<500xf32, #tpu.memory_space<hbm>>
      %dma_wait3A_1614 = arith.constant 0 : i32
      %dma_wait3A_1615 = tpu.memref_slice %arg6[%dma_wait3A_1607, %dma_wait3A_1614] : memref<16x500xf32, #tpu.memory_space<vmem>> -> memref<1x500xf32, #tpu.memory_space<vmem>>
      %dma_wait3A_1616 = tpu.memref_squeeze %dma_wait3A_1615 : memref<1x500xf32, #tpu.memory_space<vmem>> -> memref<500xf32, #tpu.memory_space<vmem>>
      %dma_wait3A_1617 = arith.constant 0 : i32
      %dma_wait3A_1618 = tpu.memref_slice %arg3[%dma_wait3A_1606, %dma_wait3A_1617] : memref<100000x500xf32, #tpu.memory_space<hbm>> -> memref<1x500xf32, #tpu.memory_space<hbm>>
      %dma_wait3A_1619 = tpu.memref_squeeze %dma_wait3A_1618 : memref<1x500xf32, #tpu.memory_space<hbm>> -> memref<500xf32, #tpu.memory_space<hbm>>
      tpu.wait_dma2 semaphore(%arg10 : memref<!tpu.dma_semaphore, #tpu.memory_space<semaphore_mem>>) src(%dma_wait3A_1619 : memref<500xf32, #tpu.memory_space<hbm>>) dst(%dma_wait3A_1616 : memref<500xf32, #tpu.memory_space<vmem>>)
      %dma_wait3A_1620 = arith.constant 0 : i32
      %dma_wait3A_1621 = arith.constant 0 : i32
      %dma_wait3A_1622 = arith.constant 0 : i32
      %dma_wait3A_1623 = tpu.memref_slice %arg6[%dma_wait3A_1621, %dma_wait3A_1622] : memref<16x500xf32, #tpu.memory_space<vmem>> -> memref<1x500xf32, #tpu.memory_space<vmem>>
      %dma_wait3A_1624 = tpu.memref_squeeze %dma_wait3A_1623 : memref<1x500xf32, #tpu.memory_space<vmem>> -> memref<500xf32, #tpu.memory_space<vmem>>
      %dma_wait3A_1625 = arith.constant 0 : i32
      %dma_wait3A_1626 = tpu.memref_slice %arg3[%dma_wait3A_1620, %dma_wait3A_1625] : memref<100000x500xf32, #tpu.memory_space<hbm>> -> memref<1x500xf32, #tpu.memory_space<hbm>>
      %dma_wait3A_1627 = tpu.memref_squeeze %dma_wait3A_1626 : memref<1x500xf32, #tpu.memory_space<hbm>> -> memref<500xf32, #tpu.memory_space<hbm>>
      %dma_wait3A_1628 = arith.constant 0 : i32
      %dma_wait3A_1629 = tpu.memref_slice %arg6[%dma_wait3A_1621, %dma_wait3A_1628] : memref<16x500xf32, #tpu.memory_space<vmem>> -> memref<1x500xf32, #tpu.memory_space<vmem>>
      %dma_wait3A_1630 = tpu.memref_squeeze %dma_wait3A_1629 : memref<1x500xf32, #tpu.memory_space<vmem>> -> memref<500xf32, #tpu.memory_space<vmem>>
      %dma_wait3A_1631 = arith.constant 0 : i32
      %dma_wait3A_1632 = tpu.memref_slice %arg3[%dma_wait3A_1620, %dma_wait3A_1631] : memref<100000x500xf32, #tpu.memory_space<hbm>> -> memref<1x500xf32, #tpu.memory_space<hbm>>
      %dma_wait3A_1633 = tpu.memref_squeeze %dma_wait3A_1632 : memref<1x500xf32, #tpu.memory_space<hbm>> -> memref<500xf32, #tpu.memory_space<hbm>>
      tpu.wait_dma2 semaphore(%arg10 : memref<!tpu.dma_semaphore, #tpu.memory_space<semaphore_mem>>) src(%dma_wait3A_1633 : memref<500xf32, #tpu.memory_space<hbm>>) dst(%dma_wait3A_1630 : memref<500xf32, #tpu.memory_space<vmem>>)
      %dma_wait3A_1634 = arith.constant 0 : i32
      %dma_wait3A_1635 = arith.constant 0 : i32
      %dma_wait3A_1636 = arith.constant 0 : i32
      %dma_wait3A_1637 = tpu.memref_slice %arg6[%dma_wait3A_1635, %dma_wait3A_1636] : memref<16x500xf32, #tpu.memory_space<vmem>> -> memref<1x500xf32, #tpu.memory_space<vmem>>
      %dma_wait3A_1638 = tpu.memref_squeeze %dma_wait3A_1637 : memref<1x500xf32, #tpu.memory_space<vmem>> -> memref<500xf32, #tpu.memory_space<vmem>>
      %dma_wait3A_1639 = arith.constant 0 : i32
      %dma_wait3A_1640 = tpu.memref_slice %arg3[%dma_wait3A_1634, %dma_wait3A_1639] : memref<100000x500xf32, #tpu.memory_space<hbm>> -> memref<1x500xf32, #tpu.memory_space<hbm>>
      %dma_wait3A_1641 = tpu.memref_squeeze %dma_wait3A_1640 : memref<1x500xf32, #tpu.memory_space<hbm>> -> memref<500xf32, #tpu.memory_space<hbm>>
      %dma_wait3A_1642 = arith.constant 0 : i32
      %dma_wait3A_1643 = tpu.memref_slice %arg6[%dma_wait3A_1635, %dma_wait3A_1642] : memref<16x500xf32, #tpu.memory_space<vmem>> -> memref<1x500xf32, #tpu.memory_space<vmem>>
      %dma_wait3A_1644 = tpu.memref_squeeze %dma_wait3A_1643 : memref<1x500xf32, #tpu.memory_space<vmem>> -> memref<500xf32, #tpu.memory_space<vmem>>
      %dma_wait3A_1645 = arith.constant 0 : i32
      %dma_wait3A_1646 = tpu.memref_slice %arg3[%dma_wait3A_1634, %dma_wait3A_1645] : memref<100000x500xf32, #tpu.memory_space<hbm>> -> memref<1x500xf32, #tpu.memory_space<hbm>>
      %dma_wait3A_1647 = tpu.memref_squeeze %dma_wait3A_1646 : memref<1x500xf32, #tpu.memory_space<hbm>> -> memref<500xf32, #tpu.memory_space<hbm>>
      tpu.wait_dma2 semaphore(%arg10 : memref<!tpu.dma_semaphore, #tpu.memory_space<semaphore_mem>>) src(%dma_wait3A_1647 : memref<500xf32, #tpu.memory_space<hbm>>) dst(%dma_wait3A_1644 : memref<500xf32, #tpu.memory_space<vmem>>)
      %dma_wait3A_1648 = arith.constant 0 : i32
      %dma_wait3A_1649 = arith.constant 0 : i32
      %dma_wait3A_1650 = arith.constant 0 : i32
      %dma_wait3A_1651 = tpu.memref_slice %arg6[%dma_wait3A_1649, %dma_wait3A_1650] : memref<16x500xf32, #tpu.memory_space<vmem>> -> memref<1x500xf32, #tpu.memory_space<vmem>>
      %dma_wait3A_1652 = tpu.memref_squeeze %dma_wait3A_1651 : memref<1x500xf32, #tpu.memory_space<vmem>> -> memref<500xf32, #tpu.memory_space<vmem>>
      %dma_wait3A_1653 = arith.constant 0 : i32
      %dma_wait3A_1654 = tpu.memref_slice %arg3[%dma_wait3A_1648, %dma_wait3A_1653] : memref<100000x500xf32, #tpu.memory_space<hbm>> -> memref<1x500xf32, #tpu.memory_space<hbm>>
      %dma_wait3A_1655 = tpu.memref_squeeze %dma_wait3A_1654 : memref<1x500xf32, #tpu.memory_space<hbm>> -> memref<500xf32, #tpu.memory_space<hbm>>
      %dma_wait3A_1656 = arith.constant 0 : i32
      %dma_wait3A_1657 = tpu.memref_slice %arg6[%dma_wait3A_1649, %dma_wait3A_1656] : memref<16x500xf32, #tpu.memory_space<vmem>> -> memref<1x500xf32, #tpu.memory_space<vmem>>
      %dma_wait3A_1658 = tpu.memref_squeeze %dma_wait3A_1657 : memref<1x500xf32, #tpu.memory_space<vmem>> -> memref<500xf32, #tpu.memory_space<vmem>>
      %dma_wait3A_1659 = arith.constant 0 : i32
      %dma_wait3A_1660 = tpu.memref_slice %arg3[%dma_wait3A_1648, %dma_wait3A_1659] : memref<100000x500xf32, #tpu.memory_space<hbm>> -> memref<1x500xf32, #tpu.memory_space<hbm>>
      %dma_wait3A_1661 = tpu.memref_squeeze %dma_wait3A_1660 : memref<1x500xf32, #tpu.memory_space<hbm>> -> memref<500xf32, #tpu.memory_space<hbm>>
      tpu.wait_dma2 semaphore(%arg10 : memref<!tpu.dma_semaphore, #tpu.memory_space<semaphore_mem>>) src(%dma_wait3A_1661 : memref<500xf32, #tpu.memory_space<hbm>>) dst(%dma_wait3A_1658 : memref<500xf32, #tpu.memory_space<vmem>>)
      %dma_wait3A_1662 = arith.constant 0 : i32
      %dma_wait3A_1663 = arith.constant 0 : i32
      %dma_wait3A_1664 = arith.constant 0 : i32
      %dma_wait3A_1665 = tpu.memref_slice %arg6[%dma_wait3A_1663, %dma_wait3A_1664] : memref<16x500xf32, #tpu.memory_space<vmem>> -> memref<1x500xf32, #tpu.memory_space<vmem>>
      %dma_wait3A_1666 = tpu.memref_squeeze %dma_wait3A_1665 : memref<1x500xf32, #tpu.memory_space<vmem>> -> memref<500xf32, #tpu.memory_space<vmem>>
      %dma_wait3A_1667 = arith.constant 0 : i32
      %dma_wait3A_1668 = tpu.memref_slice %arg3[%dma_wait3A_1662, %dma_wait3A_1667] : memref<100000x500xf32, #tpu.memory_space<hbm>> -> memref<1x500xf32, #tpu.memory_space<hbm>>
      %dma_wait3A_1669 = tpu.memref_squeeze %dma_wait3A_1668 : memref<1x500xf32, #tpu.memory_space<hbm>> -> memref<500xf32, #tpu.memory_space<hbm>>
      %dma_wait3A_1670 = arith.constant 0 : i32
      %dma_wait3A_1671 = tpu.memref_slice %arg6[%dma_wait3A_1663, %dma_wait3A_1670] : memref<16x500xf32, #tpu.memory_space<vmem>> -> memref<1x500xf32, #tpu.memory_space<vmem>>
      %dma_wait3A_1672 = tpu.memref_squeeze %dma_wait3A_1671 : memref<1x500xf32, #tpu.memory_space<vmem>> -> memref<500xf32, #tpu.memory_space<vmem>>
      %dma_wait3A_1673 = arith.constant 0 : i32
      %dma_wait3A_1674 = tpu.memref_slice %arg3[%dma_wait3A_1662, %dma_wait3A_1673] : memref<100000x500xf32, #tpu.memory_space<hbm>> -> memref<1x500xf32, #tpu.memory_space<hbm>>
      %dma_wait3A_1675 = tpu.memref_squeeze %dma_wait3A_1674 : memref<1x500xf32, #tpu.memory_space<hbm>> -> memref<500xf32, #tpu.memory_space<hbm>>
      tpu.wait_dma2 semaphore(%arg10 : memref<!tpu.dma_semaphore, #tpu.memory_space<semaphore_mem>>) src(%dma_wait3A_1675 : memref<500xf32, #tpu.memory_space<hbm>>) dst(%dma_wait3A_1672 : memref<500xf32, #tpu.memory_space<vmem>>)
      %dma_wait3A_1676 = arith.constant 0 : i32
      %dma_wait3A_1677 = arith.constant 0 : i32
      %dma_wait3A_1678 = arith.constant 0 : i32
      %dma_wait3A_1679 = tpu.memref_slice %arg6[%dma_wait3A_1677, %dma_wait3A_1678] : memref<16x500xf32, #tpu.memory_space<vmem>> -> memref<1x500xf32, #tpu.memory_space<vmem>>
      %dma_wait3A_1680 = tpu.memref_squeeze %dma_wait3A_1679 : memref<1x500xf32, #tpu.memory_space<vmem>> -> memref<500xf32, #tpu.memory_space<vmem>>
      %dma_wait3A_1681 = arith.constant 0 : i32
      %dma_wait3A_1682 = tpu.memref_slice %arg3[%dma_wait3A_1676, %dma_wait3A_1681] : memref<100000x500xf32, #tpu.memory_space<hbm>> -> memref<1x500xf32, #tpu.memory_space<hbm>>
      %dma_wait3A_1683 = tpu.memref_squeeze %dma_wait3A_1682 : memref<1x500xf32, #tpu.memory_space<hbm>> -> memref<500xf32, #tpu.memory_space<hbm>>
      %dma_wait3A_1684 = arith.constant 0 : i32
      %dma_wait3A_1685 = tpu.memref_slice %arg6[%dma_wait3A_1677, %dma_wait3A_1684] : memref<16x500xf32, #tpu.memory_space<vmem>> -> memref<1x500xf32, #tpu.memory_space<vmem>>
      %dma_wait3A_1686 = tpu.memref_squeeze %dma_wait3A_1685 : memref<1x500xf32, #tpu.memory_space<vmem>> -> memref<500xf32, #tpu.memory_space<vmem>>
      %dma_wait3A_1687 = arith.constant 0 : i32
      %dma_wait3A_1688 = tpu.memref_slice %arg3[%dma_wait3A_1676, %dma_wait3A_1687] : memref<100000x500xf32, #tpu.memory_space<hbm>> -> memref<1x500xf32, #tpu.memory_space<hbm>>
      %dma_wait3A_1689 = tpu.memref_squeeze %dma_wait3A_1688 : memref<1x500xf32, #tpu.memory_space<hbm>> -> memref<500xf32, #tpu.memory_space<hbm>>
      tpu.wait_dma2 semaphore(%arg10 : memref<!tpu.dma_semaphore, #tpu.memory_space<semaphore_mem>>) src(%dma_wait3A_1689 : memref<500xf32, #tpu.memory_space<hbm>>) dst(%dma_wait3A_1686 : memref<500xf32, #tpu.memory_space<vmem>>)
      %dma_wait3A_1690 = arith.constant 0 : i32
      %dma_wait3A_1691 = arith.constant 0 : i32
      %dma_wait3A_1692 = arith.constant 0 : i32
      %dma_wait3A_1693 = tpu.memref_slice %arg6[%dma_wait3A_1691, %dma_wait3A_1692] : memref<16x500xf32, #tpu.memory_space<vmem>> -> memref<1x500xf32, #tpu.memory_space<vmem>>
      %dma_wait3A_1694 = tpu.memref_squeeze %dma_wait3A_1693 : memref<1x500xf32, #tpu.memory_space<vmem>> -> memref<500xf32, #tpu.memory_space<vmem>>
      %dma_wait3A_1695 = arith.constant 0 : i32
      %dma_wait3A_1696 = tpu.memref_slice %arg3[%dma_wait3A_1690, %dma_wait3A_1695] : memref<100000x500xf32, #tpu.memory_space<hbm>> -> memref<1x500xf32, #tpu.memory_space<hbm>>
      %dma_wait3A_1697 = tpu.memref_squeeze %dma_wait3A_1696 : memref<1x500xf32, #tpu.memory_space<hbm>> -> memref<500xf32, #tpu.memory_space<hbm>>
      %dma_wait3A_1698 = arith.constant 0 : i32
      %dma_wait3A_1699 = tpu.memref_slice %arg6[%dma_wait3A_1691, %dma_wait3A_1698] : memref<16x500xf32, #tpu.memory_space<vmem>> -> memref<1x500xf32, #tpu.memory_space<vmem>>
      %dma_wait3A_1700 = tpu.memref_squeeze %dma_wait3A_1699 : memref<1x500xf32, #tpu.memory_space<vmem>> -> memref<500xf32, #tpu.memory_space<vmem>>
      %dma_wait3A_1701 = arith.constant 0 : i32
      %dma_wait3A_1702 = tpu.memref_slice %arg3[%dma_wait3A_1690, %dma_wait3A_1701] : memref<100000x500xf32, #tpu.memory_space<hbm>> -> memref<1x500xf32, #tpu.memory_space<hbm>>
      %dma_wait3A_1703 = tpu.memref_squeeze %dma_wait3A_1702 : memref<1x500xf32, #tpu.memory_space<hbm>> -> memref<500xf32, #tpu.memory_space<hbm>>
      tpu.wait_dma2 semaphore(%arg10 : memref<!tpu.dma_semaphore, #tpu.memory_space<semaphore_mem>>) src(%dma_wait3A_1703 : memref<500xf32, #tpu.memory_space<hbm>>) dst(%dma_wait3A_1700 : memref<500xf32, #tpu.memory_space<vmem>>)
      %dma_wait3A_1704 = arith.constant 0 : i32
      %dma_wait3A_1705 = arith.constant 0 : i32
      %dma_wait3A_1706 = arith.constant 0 : i32
      %dma_wait3A_1707 = tpu.memref_slice %arg6[%dma_wait3A_1705, %dma_wait3A_1706] : memref<16x500xf32, #tpu.memory_space<vmem>> -> memref<1x500xf32, #tpu.memory_space<vmem>>
      %dma_wait3A_1708 = tpu.memref_squeeze %dma_wait3A_1707 : memref<1x500xf32, #tpu.memory_space<vmem>> -> memref<500xf32, #tpu.memory_space<vmem>>
      %dma_wait3A_1709 = arith.constant 0 : i32
      %dma_wait3A_1710 = tpu.memref_slice %arg3[%dma_wait3A_1704, %dma_wait3A_1709] : memref<100000x500xf32, #tpu.memory_space<hbm>> -> memref<1x500xf32, #tpu.memory_space<hbm>>
      %dma_wait3A_1711 = tpu.memref_squeeze %dma_wait3A_1710 : memref<1x500xf32, #tpu.memory_space<hbm>> -> memref<500xf32, #tpu.memory_space<hbm>>
      %dma_wait3A_1712 = arith.constant 0 : i32
      %dma_wait3A_1713 = tpu.memref_slice %arg6[%dma_wait3A_1705, %dma_wait3A_1712] : memref<16x500xf32, #tpu.memory_space<vmem>> -> memref<1x500xf32, #tpu.memory_space<vmem>>
      %dma_wait3A_1714 = tpu.memref_squeeze %dma_wait3A_1713 : memref<1x500xf32, #tpu.memory_space<vmem>> -> memref<500xf32, #tpu.memory_space<vmem>>
      %dma_wait3A_1715 = arith.constant 0 : i32
      %dma_wait3A_1716 = tpu.memref_slice %arg3[%dma_wait3A_1704, %dma_wait3A_1715] : memref<100000x500xf32, #tpu.memory_space<hbm>> -> memref<1x500xf32, #tpu.memory_space<hbm>>
      %dma_wait3A_1717 = tpu.memref_squeeze %dma_wait3A_1716 : memref<1x500xf32, #tpu.memory_space<hbm>> -> memref<500xf32, #tpu.memory_space<hbm>>
      tpu.wait_dma2 semaphore(%arg10 : memref<!tpu.dma_semaphore, #tpu.memory_space<semaphore_mem>>) src(%dma_wait3A_1717 : memref<500xf32, #tpu.memory_space<hbm>>) dst(%dma_wait3A_1714 : memref<500xf32, #tpu.memory_space<vmem>>)
      %dma_wait3A_1718 = arith.constant 0 : i32
      %dma_wait3A_1719 = arith.constant 0 : i32
      %dma_wait3A_1720 = arith.constant 0 : i32
      %dma_wait3A_1721 = tpu.memref_slice %arg6[%dma_wait3A_1719, %dma_wait3A_1720] : memref<16x500xf32, #tpu.memory_space<vmem>> -> memref<1x500xf32, #tpu.memory_space<vmem>>
      %dma_wait3A_1722 = tpu.memref_squeeze %dma_wait3A_1721 : memref<1x500xf32, #tpu.memory_space<vmem>> -> memref<500xf32, #tpu.memory_space<vmem>>
      %dma_wait3A_1723 = arith.constant 0 : i32
      %dma_wait3A_1724 = tpu.memref_slice %arg3[%dma_wait3A_1718, %dma_wait3A_1723] : memref<100000x500xf32, #tpu.memory_space<hbm>> -> memref<1x500xf32, #tpu.memory_space<hbm>>
      %dma_wait3A_1725 = tpu.memref_squeeze %dma_wait3A_1724 : memref<1x500xf32, #tpu.memory_space<hbm>> -> memref<500xf32, #tpu.memory_space<hbm>>
      %dma_wait3A_1726 = arith.constant 0 : i32
      %dma_wait3A_1727 = tpu.memref_slice %arg6[%dma_wait3A_1719, %dma_wait3A_1726] : memref<16x500xf32, #tpu.memory_space<vmem>> -> memref<1x500xf32, #tpu.memory_space<vmem>>
      %dma_wait3A_1728 = tpu.memref_squeeze %dma_wait3A_1727 : memref<1x500xf32, #tpu.memory_space<vmem>> -> memref<500xf32, #tpu.memory_space<vmem>>
      %dma_wait3A_1729 = arith.constant 0 : i32
      %dma_wait3A_1730 = tpu.memref_slice %arg3[%dma_wait3A_1718, %dma_wait3A_1729] : memref<100000x500xf32, #tpu.memory_space<hbm>> -> memref<1x500xf32, #tpu.memory_space<hbm>>
      %dma_wait3A_1731 = tpu.memref_squeeze %dma_wait3A_1730 : memref<1x500xf32, #tpu.memory_space<hbm>> -> memref<500xf32, #tpu.memory_space<hbm>>
      tpu.wait_dma2 semaphore(%arg10 : memref<!tpu.dma_semaphore, #tpu.memory_space<semaphore_mem>>) src(%dma_wait3A_1731 : memref<500xf32, #tpu.memory_space<hbm>>) dst(%dma_wait3A_1728 : memref<500xf32, #tpu.memory_space<vmem>>)
      %dma_wait3A_1732 = arith.constant 0 : i32
      %dma_wait3A_1733 = arith.constant 0 : i32
      %dma_wait3A_1734 = arith.constant 0 : i32
      %dma_wait3A_1735 = tpu.memref_slice %arg6[%dma_wait3A_1733, %dma_wait3A_1734] : memref<16x500xf32, #tpu.memory_space<vmem>> -> memref<1x500xf32, #tpu.memory_space<vmem>>
      %dma_wait3A_1736 = tpu.memref_squeeze %dma_wait3A_1735 : memref<1x500xf32, #tpu.memory_space<vmem>> -> memref<500xf32, #tpu.memory_space<vmem>>
      %dma_wait3A_1737 = arith.constant 0 : i32
      %dma_wait3A_1738 = tpu.memref_slice %arg3[%dma_wait3A_1732, %dma_wait3A_1737] : memref<100000x500xf32, #tpu.memory_space<hbm>> -> memref<1x500xf32, #tpu.memory_space<hbm>>
      %dma_wait3A_1739 = tpu.memref_squeeze %dma_wait3A_1738 : memref<1x500xf32, #tpu.memory_space<hbm>> -> memref<500xf32, #tpu.memory_space<hbm>>
      %dma_wait3A_1740 = arith.constant 0 : i32
      %dma_wait3A_1741 = tpu.memref_slice %arg6[%dma_wait3A_1733, %dma_wait3A_1740] : memref<16x500xf32, #tpu.memory_space<vmem>> -> memref<1x500xf32, #tpu.memory_space<vmem>>
      %dma_wait3A_1742 = tpu.memref_squeeze %dma_wait3A_1741 : memref<1x500xf32, #tpu.memory_space<vmem>> -> memref<500xf32, #tpu.memory_space<vmem>>
      %dma_wait3A_1743 = arith.constant 0 : i32
      %dma_wait3A_1744 = tpu.memref_slice %arg3[%dma_wait3A_1732, %dma_wait3A_1743] : memref<100000x500xf32, #tpu.memory_space<hbm>> -> memref<1x500xf32, #tpu.memory_space<hbm>>
      %dma_wait3A_1745 = tpu.memref_squeeze %dma_wait3A_1744 : memref<1x500xf32, #tpu.memory_space<hbm>> -> memref<500xf32, #tpu.memory_space<hbm>>
      tpu.wait_dma2 semaphore(%arg10 : memref<!tpu.dma_semaphore, #tpu.memory_space<semaphore_mem>>) src(%dma_wait3A_1745 : memref<500xf32, #tpu.memory_space<hbm>>) dst(%dma_wait3A_1742 : memref<500xf32, #tpu.memory_space<vmem>>)
      %dma_wait3A_1746 = arith.constant 0 : i32
      %dma_wait3A_1747 = arith.constant 0 : i32
      %dma_wait3A_1748 = arith.constant 0 : i32
      %dma_wait3A_1749 = tpu.memref_slice %arg6[%dma_wait3A_1747, %dma_wait3A_1748] : memref<16x500xf32, #tpu.memory_space<vmem>> -> memref<1x500xf32, #tpu.memory_space<vmem>>
      %dma_wait3A_1750 = tpu.memref_squeeze %dma_wait3A_1749 : memref<1x500xf32, #tpu.memory_space<vmem>> -> memref<500xf32, #tpu.memory_space<vmem>>
      %dma_wait3A_1751 = arith.constant 0 : i32
      %dma_wait3A_1752 = tpu.memref_slice %arg3[%dma_wait3A_1746, %dma_wait3A_1751] : memref<100000x500xf32, #tpu.memory_space<hbm>> -> memref<1x500xf32, #tpu.memory_space<hbm>>
      %dma_wait3A_1753 = tpu.memref_squeeze %dma_wait3A_1752 : memref<1x500xf32, #tpu.memory_space<hbm>> -> memref<500xf32, #tpu.memory_space<hbm>>
      %dma_wait3A_1754 = arith.constant 0 : i32
      %dma_wait3A_1755 = tpu.memref_slice %arg6[%dma_wait3A_1747, %dma_wait3A_1754] : memref<16x500xf32, #tpu.memory_space<vmem>> -> memref<1x500xf32, #tpu.memory_space<vmem>>
      %dma_wait3A_1756 = tpu.memref_squeeze %dma_wait3A_1755 : memref<1x500xf32, #tpu.memory_space<vmem>> -> memref<500xf32, #tpu.memory_space<vmem>>
      %dma_wait3A_1757 = arith.constant 0 : i32
      %dma_wait3A_1758 = tpu.memref_slice %arg3[%dma_wait3A_1746, %dma_wait3A_1757] : memref<100000x500xf32, #tpu.memory_space<hbm>> -> memref<1x500xf32, #tpu.memory_space<hbm>>
      %dma_wait3A_1759 = tpu.memref_squeeze %dma_wait3A_1758 : memref<1x500xf32, #tpu.memory_space<hbm>> -> memref<500xf32, #tpu.memory_space<hbm>>
      tpu.wait_dma2 semaphore(%arg10 : memref<!tpu.dma_semaphore, #tpu.memory_space<semaphore_mem>>) src(%dma_wait3A_1759 : memref<500xf32, #tpu.memory_space<hbm>>) dst(%dma_wait3A_1756 : memref<500xf32, #tpu.memory_space<vmem>>)
      %dma_wait3A_1760 = arith.constant 0 : i32
      %dma_wait3A_1761 = arith.constant 0 : i32
      %dma_wait3A_1762 = arith.constant 0 : i32
      %dma_wait3A_1763 = tpu.memref_slice %arg6[%dma_wait3A_1761, %dma_wait3A_1762] : memref<16x500xf32, #tpu.memory_space<vmem>> -> memref<1x500xf32, #tpu.memory_space<vmem>>
      %dma_wait3A_1764 = tpu.memref_squeeze %dma_wait3A_1763 : memref<1x500xf32, #tpu.memory_space<vmem>> -> memref<500xf32, #tpu.memory_space<vmem>>
      %dma_wait3A_1765 = arith.constant 0 : i32
      %dma_wait3A_1766 = tpu.memref_slice %arg3[%dma_wait3A_1760, %dma_wait3A_1765] : memref<100000x500xf32, #tpu.memory_space<hbm>> -> memref<1x500xf32, #tpu.memory_space<hbm>>
      %dma_wait3A_1767 = tpu.memref_squeeze %dma_wait3A_1766 : memref<1x500xf32, #tpu.memory_space<hbm>> -> memref<500xf32, #tpu.memory_space<hbm>>
      %dma_wait3A_1768 = arith.constant 0 : i32
      %dma_wait3A_1769 = tpu.memref_slice %arg6[%dma_wait3A_1761, %dma_wait3A_1768] : memref<16x500xf32, #tpu.memory_space<vmem>> -> memref<1x500xf32, #tpu.memory_space<vmem>>
      %dma_wait3A_1770 = tpu.memref_squeeze %dma_wait3A_1769 : memref<1x500xf32, #tpu.memory_space<vmem>> -> memref<500xf32, #tpu.memory_space<vmem>>
      %dma_wait3A_1771 = arith.constant 0 : i32
      %dma_wait3A_1772 = tpu.memref_slice %arg3[%dma_wait3A_1760, %dma_wait3A_1771] : memref<100000x500xf32, #tpu.memory_space<hbm>> -> memref<1x500xf32, #tpu.memory_space<hbm>>
      %dma_wait3A_1773 = tpu.memref_squeeze %dma_wait3A_1772 : memref<1x500xf32, #tpu.memory_space<hbm>> -> memref<500xf32, #tpu.memory_space<hbm>>
      tpu.wait_dma2 semaphore(%arg10 : memref<!tpu.dma_semaphore, #tpu.memory_space<semaphore_mem>>) src(%dma_wait3A_1773 : memref<500xf32, #tpu.memory_space<hbm>>) dst(%dma_wait3A_1770 : memref<500xf32, #tpu.memory_space<vmem>>)
      %mul3A_1774 = arith.constant 16 : i32
      %mul3A_1775 = arith.muli %add3A_1549, %mul3A_1774 : i32
      %add3A_1776 = arith.addi %mul3A_2, %mul3A_1775 : i32
      %dma_start3A_1777 = arith.constant 0 : i32
      %dma_start3A_1778 = tpu.memref_slice %arg4[%add3A_1776, %dma_start3A_1777] : memref<204800x500xf32, #tpu.memory_space<hbm>> -> memref<16x500xf32, #tpu.memory_space<hbm>>
      %dma_start3A_1779 = arith.constant 0 : i32
      %dma_start3A_1780 = tpu.memref_slice %arg4[%add3A_1776, %dma_start3A_1779] : memref<204800x500xf32, #tpu.memory_space<hbm>> -> memref<16x500xf32, #tpu.memory_space<hbm>>
      tpu.enqueue_dma source(%arg6 : memref<16x500xf32, #tpu.memory_space<vmem>>) target(%dma_start3A_1780 : memref<16x500xf32, #tpu.memory_space<hbm>>) target_semaphore(%arg14 : memref<!tpu.dma_semaphore, #tpu.memory_space<semaphore_mem>>)
      %mul3A_1781 = arith.constant 4 : i32
      %mul3A_1782 = arith.muli %mul3A_1781, %scan3A_31 : i32
      %add3A_1783 = arith.constant 1 : i32
      %add3A_1784 = arith.addi %mul3A_1782, %add3A_1783 : i32
      %dma_wait3A_1785 = arith.constant 0 : i32
      %dma_wait3A_1786 = arith.constant 0 : i32
      %dma_wait3A_1787 = arith.constant 0 : i32
      %dma_wait3A_1788 = tpu.memref_slice %arg7[%dma_wait3A_1786, %dma_wait3A_1787] : memref<16x500xf32, #tpu.memory_space<vmem>> -> memref<1x500xf32, #tpu.memory_space<vmem>>
      %dma_wait3A_1789 = tpu.memref_squeeze %dma_wait3A_1788 : memref<1x500xf32, #tpu.memory_space<vmem>> -> memref<500xf32, #tpu.memory_space<vmem>>
      %dma_wait3A_1790 = arith.constant 0 : i32
      %dma_wait3A_1791 = tpu.memref_slice %arg3[%dma_wait3A_1785, %dma_wait3A_1790] : memref<100000x500xf32, #tpu.memory_space<hbm>> -> memref<1x500xf32, #tpu.memory_space<hbm>>
      %dma_wait3A_1792 = tpu.memref_squeeze %dma_wait3A_1791 : memref<1x500xf32, #tpu.memory_space<hbm>> -> memref<500xf32, #tpu.memory_space<hbm>>
      %dma_wait3A_1793 = arith.constant 0 : i32
      %dma_wait3A_1794 = tpu.memref_slice %arg7[%dma_wait3A_1786, %dma_wait3A_1793] : memref<16x500xf32, #tpu.memory_space<vmem>> -> memref<1x500xf32, #tpu.memory_space<vmem>>
      %dma_wait3A_1795 = tpu.memref_squeeze %dma_wait3A_1794 : memref<1x500xf32, #tpu.memory_space<vmem>> -> memref<500xf32, #tpu.memory_space<vmem>>
      %dma_wait3A_1796 = arith.constant 0 : i32
      %dma_wait3A_1797 = tpu.memref_slice %arg3[%dma_wait3A_1785, %dma_wait3A_1796] : memref<100000x500xf32, #tpu.memory_space<hbm>> -> memref<1x500xf32, #tpu.memory_space<hbm>>
      %dma_wait3A_1798 = tpu.memref_squeeze %dma_wait3A_1797 : memref<1x500xf32, #tpu.memory_space<hbm>> -> memref<500xf32, #tpu.memory_space<hbm>>
      tpu.wait_dma2 semaphore(%arg11 : memref<!tpu.dma_semaphore, #tpu.memory_space<semaphore_mem>>) src(%dma_wait3A_1798 : memref<500xf32, #tpu.memory_space<hbm>>) dst(%dma_wait3A_1795 : memref<500xf32, #tpu.memory_space<vmem>>)
      %dma_wait3A_1799 = arith.constant 0 : i32
      %dma_wait3A_1800 = arith.constant 0 : i32
      %dma_wait3A_1801 = arith.constant 0 : i32
      %dma_wait3A_1802 = tpu.memref_slice %arg7[%dma_wait3A_1800, %dma_wait3A_1801] : memref<16x500xf32, #tpu.memory_space<vmem>> -> memref<1x500xf32, #tpu.memory_space<vmem>>
      %dma_wait3A_1803 = tpu.memref_squeeze %dma_wait3A_1802 : memref<1x500xf32, #tpu.memory_space<vmem>> -> memref<500xf32, #tpu.memory_space<vmem>>
      %dma_wait3A_1804 = arith.constant 0 : i32
      %dma_wait3A_1805 = tpu.memref_slice %arg3[%dma_wait3A_1799, %dma_wait3A_1804] : memref<100000x500xf32, #tpu.memory_space<hbm>> -> memref<1x500xf32, #tpu.memory_space<hbm>>
      %dma_wait3A_1806 = tpu.memref_squeeze %dma_wait3A_1805 : memref<1x500xf32, #tpu.memory_space<hbm>> -> memref<500xf32, #tpu.memory_space<hbm>>
      %dma_wait3A_1807 = arith.constant 0 : i32
      %dma_wait3A_1808 = tpu.memref_slice %arg7[%dma_wait3A_1800, %dma_wait3A_1807] : memref<16x500xf32, #tpu.memory_space<vmem>> -> memref<1x500xf32, #tpu.memory_space<vmem>>
      %dma_wait3A_1809 = tpu.memref_squeeze %dma_wait3A_1808 : memref<1x500xf32, #tpu.memory_space<vmem>> -> memref<500xf32, #tpu.memory_space<vmem>>
      %dma_wait3A_1810 = arith.constant 0 : i32
      %dma_wait3A_1811 = tpu.memref_slice %arg3[%dma_wait3A_1799, %dma_wait3A_1810] : memref<100000x500xf32, #tpu.memory_space<hbm>> -> memref<1x500xf32, #tpu.memory_space<hbm>>
      %dma_wait3A_1812 = tpu.memref_squeeze %dma_wait3A_1811 : memref<1x500xf32, #tpu.memory_space<hbm>> -> memref<500xf32, #tpu.memory_space<hbm>>
      tpu.wait_dma2 semaphore(%arg11 : memref<!tpu.dma_semaphore, #tpu.memory_space<semaphore_mem>>) src(%dma_wait3A_1812 : memref<500xf32, #tpu.memory_space<hbm>>) dst(%dma_wait3A_1809 : memref<500xf32, #tpu.memory_space<vmem>>)
      %dma_wait3A_1813 = arith.constant 0 : i32
      %dma_wait3A_1814 = arith.constant 0 : i32
      %dma_wait3A_1815 = arith.constant 0 : i32
      %dma_wait3A_1816 = tpu.memref_slice %arg7[%dma_wait3A_1814, %dma_wait3A_1815] : memref<16x500xf32, #tpu.memory_space<vmem>> -> memref<1x500xf32, #tpu.memory_space<vmem>>
      %dma_wait3A_1817 = tpu.memref_squeeze %dma_wait3A_1816 : memref<1x500xf32, #tpu.memory_space<vmem>> -> memref<500xf32, #tpu.memory_space<vmem>>
      %dma_wait3A_1818 = arith.constant 0 : i32
      %dma_wait3A_1819 = tpu.memref_slice %arg3[%dma_wait3A_1813, %dma_wait3A_1818] : memref<100000x500xf32, #tpu.memory_space<hbm>> -> memref<1x500xf32, #tpu.memory_space<hbm>>
      %dma_wait3A_1820 = tpu.memref_squeeze %dma_wait3A_1819 : memref<1x500xf32, #tpu.memory_space<hbm>> -> memref<500xf32, #tpu.memory_space<hbm>>
      %dma_wait3A_1821 = arith.constant 0 : i32
      %dma_wait3A_1822 = tpu.memref_slice %arg7[%dma_wait3A_1814, %dma_wait3A_1821] : memref<16x500xf32, #tpu.memory_space<vmem>> -> memref<1x500xf32, #tpu.memory_space<vmem>>
      %dma_wait3A_1823 = tpu.memref_squeeze %dma_wait3A_1822 : memref<1x500xf32, #tpu.memory_space<vmem>> -> memref<500xf32, #tpu.memory_space<vmem>>
      %dma_wait3A_1824 = arith.constant 0 : i32
      %dma_wait3A_1825 = tpu.memref_slice %arg3[%dma_wait3A_1813, %dma_wait3A_1824] : memref<100000x500xf32, #tpu.memory_space<hbm>> -> memref<1x500xf32, #tpu.memory_space<hbm>>
      %dma_wait3A_1826 = tpu.memref_squeeze %dma_wait3A_1825 : memref<1x500xf32, #tpu.memory_space<hbm>> -> memref<500xf32, #tpu.memory_space<hbm>>
      tpu.wait_dma2 semaphore(%arg11 : memref<!tpu.dma_semaphore, #tpu.memory_space<semaphore_mem>>) src(%dma_wait3A_1826 : memref<500xf32, #tpu.memory_space<hbm>>) dst(%dma_wait3A_1823 : memref<500xf32, #tpu.memory_space<vmem>>)
      %dma_wait3A_1827 = arith.constant 0 : i32
      %dma_wait3A_1828 = arith.constant 0 : i32
      %dma_wait3A_1829 = arith.constant 0 : i32
      %dma_wait3A_1830 = tpu.memref_slice %arg7[%dma_wait3A_1828, %dma_wait3A_1829] : memref<16x500xf32, #tpu.memory_space<vmem>> -> memref<1x500xf32, #tpu.memory_space<vmem>>
      %dma_wait3A_1831 = tpu.memref_squeeze %dma_wait3A_1830 : memref<1x500xf32, #tpu.memory_space<vmem>> -> memref<500xf32, #tpu.memory_space<vmem>>
      %dma_wait3A_1832 = arith.constant 0 : i32
      %dma_wait3A_1833 = tpu.memref_slice %arg3[%dma_wait3A_1827, %dma_wait3A_1832] : memref<100000x500xf32, #tpu.memory_space<hbm>> -> memref<1x500xf32, #tpu.memory_space<hbm>>
      %dma_wait3A_1834 = tpu.memref_squeeze %dma_wait3A_1833 : memref<1x500xf32, #tpu.memory_space<hbm>> -> memref<500xf32, #tpu.memory_space<hbm>>
      %dma_wait3A_1835 = arith.constant 0 : i32
      %dma_wait3A_1836 = tpu.memref_slice %arg7[%dma_wait3A_1828, %dma_wait3A_1835] : memref<16x500xf32, #tpu.memory_space<vmem>> -> memref<1x500xf32, #tpu.memory_space<vmem>>
      %dma_wait3A_1837 = tpu.memref_squeeze %dma_wait3A_1836 : memref<1x500xf32, #tpu.memory_space<vmem>> -> memref<500xf32, #tpu.memory_space<vmem>>
      %dma_wait3A_1838 = arith.constant 0 : i32
      %dma_wait3A_1839 = tpu.memref_slice %arg3[%dma_wait3A_1827, %dma_wait3A_1838] : memref<100000x500xf32, #tpu.memory_space<hbm>> -> memref<1x500xf32, #tpu.memory_space<hbm>>
      %dma_wait3A_1840 = tpu.memref_squeeze %dma_wait3A_1839 : memref<1x500xf32, #tpu.memory_space<hbm>> -> memref<500xf32, #tpu.memory_space<hbm>>
      tpu.wait_dma2 semaphore(%arg11 : memref<!tpu.dma_semaphore, #tpu.memory_space<semaphore_mem>>) src(%dma_wait3A_1840 : memref<500xf32, #tpu.memory_space<hbm>>) dst(%dma_wait3A_1837 : memref<500xf32, #tpu.memory_space<vmem>>)
      %dma_wait3A_1841 = arith.constant 0 : i32
      %dma_wait3A_1842 = arith.constant 0 : i32
      %dma_wait3A_1843 = arith.constant 0 : i32
      %dma_wait3A_1844 = tpu.memref_slice %arg7[%dma_wait3A_1842, %dma_wait3A_1843] : memref<16x500xf32, #tpu.memory_space<vmem>> -> memref<1x500xf32, #tpu.memory_space<vmem>>
      %dma_wait3A_1845 = tpu.memref_squeeze %dma_wait3A_1844 : memref<1x500xf32, #tpu.memory_space<vmem>> -> memref<500xf32, #tpu.memory_space<vmem>>
      %dma_wait3A_1846 = arith.constant 0 : i32
      %dma_wait3A_1847 = tpu.memref_slice %arg3[%dma_wait3A_1841, %dma_wait3A_1846] : memref<100000x500xf32, #tpu.memory_space<hbm>> -> memref<1x500xf32, #tpu.memory_space<hbm>>
      %dma_wait3A_1848 = tpu.memref_squeeze %dma_wait3A_1847 : memref<1x500xf32, #tpu.memory_space<hbm>> -> memref<500xf32, #tpu.memory_space<hbm>>
      %dma_wait3A_1849 = arith.constant 0 : i32
      %dma_wait3A_1850 = tpu.memref_slice %arg7[%dma_wait3A_1842, %dma_wait3A_1849] : memref<16x500xf32, #tpu.memory_space<vmem>> -> memref<1x500xf32, #tpu.memory_space<vmem>>
      %dma_wait3A_1851 = tpu.memref_squeeze %dma_wait3A_1850 : memref<1x500xf32, #tpu.memory_space<vmem>> -> memref<500xf32, #tpu.memory_space<vmem>>
      %dma_wait3A_1852 = arith.constant 0 : i32
      %dma_wait3A_1853 = tpu.memref_slice %arg3[%dma_wait3A_1841, %dma_wait3A_1852] : memref<100000x500xf32, #tpu.memory_space<hbm>> -> memref<1x500xf32, #tpu.memory_space<hbm>>
      %dma_wait3A_1854 = tpu.memref_squeeze %dma_wait3A_1853 : memref<1x500xf32, #tpu.memory_space<hbm>> -> memref<500xf32, #tpu.memory_space<hbm>>
      tpu.wait_dma2 semaphore(%arg11 : memref<!tpu.dma_semaphore, #tpu.memory_space<semaphore_mem>>) src(%dma_wait3A_1854 : memref<500xf32, #tpu.memory_space<hbm>>) dst(%dma_wait3A_1851 : memref<500xf32, #tpu.memory_space<vmem>>)
      %dma_wait3A_1855 = arith.constant 0 : i32
      %dma_wait3A_1856 = arith.constant 0 : i32
      %dma_wait3A_1857 = arith.constant 0 : i32
      %dma_wait3A_1858 = tpu.memref_slice %arg7[%dma_wait3A_1856, %dma_wait3A_1857] : memref<16x500xf32, #tpu.memory_space<vmem>> -> memref<1x500xf32, #tpu.memory_space<vmem>>
      %dma_wait3A_1859 = tpu.memref_squeeze %dma_wait3A_1858 : memref<1x500xf32, #tpu.memory_space<vmem>> -> memref<500xf32, #tpu.memory_space<vmem>>
      %dma_wait3A_1860 = arith.constant 0 : i32
      %dma_wait3A_1861 = tpu.memref_slice %arg3[%dma_wait3A_1855, %dma_wait3A_1860] : memref<100000x500xf32, #tpu.memory_space<hbm>> -> memref<1x500xf32, #tpu.memory_space<hbm>>
      %dma_wait3A_1862 = tpu.memref_squeeze %dma_wait3A_1861 : memref<1x500xf32, #tpu.memory_space<hbm>> -> memref<500xf32, #tpu.memory_space<hbm>>
      %dma_wait3A_1863 = arith.constant 0 : i32
      %dma_wait3A_1864 = tpu.memref_slice %arg7[%dma_wait3A_1856, %dma_wait3A_1863] : memref<16x500xf32, #tpu.memory_space<vmem>> -> memref<1x500xf32, #tpu.memory_space<vmem>>
      %dma_wait3A_1865 = tpu.memref_squeeze %dma_wait3A_1864 : memref<1x500xf32, #tpu.memory_space<vmem>> -> memref<500xf32, #tpu.memory_space<vmem>>
      %dma_wait3A_1866 = arith.constant 0 : i32
      %dma_wait3A_1867 = tpu.memref_slice %arg3[%dma_wait3A_1855, %dma_wait3A_1866] : memref<100000x500xf32, #tpu.memory_space<hbm>> -> memref<1x500xf32, #tpu.memory_space<hbm>>
      %dma_wait3A_1868 = tpu.memref_squeeze %dma_wait3A_1867 : memref<1x500xf32, #tpu.memory_space<hbm>> -> memref<500xf32, #tpu.memory_space<hbm>>
      tpu.wait_dma2 semaphore(%arg11 : memref<!tpu.dma_semaphore, #tpu.memory_space<semaphore_mem>>) src(%dma_wait3A_1868 : memref<500xf32, #tpu.memory_space<hbm>>) dst(%dma_wait3A_1865 : memref<500xf32, #tpu.memory_space<vmem>>)
      %dma_wait3A_1869 = arith.constant 0 : i32
      %dma_wait3A_1870 = arith.constant 0 : i32
      %dma_wait3A_1871 = arith.constant 0 : i32
      %dma_wait3A_1872 = tpu.memref_slice %arg7[%dma_wait3A_1870, %dma_wait3A_1871] : memref<16x500xf32, #tpu.memory_space<vmem>> -> memref<1x500xf32, #tpu.memory_space<vmem>>
      %dma_wait3A_1873 = tpu.memref_squeeze %dma_wait3A_1872 : memref<1x500xf32, #tpu.memory_space<vmem>> -> memref<500xf32, #tpu.memory_space<vmem>>
      %dma_wait3A_1874 = arith.constant 0 : i32
      %dma_wait3A_1875 = tpu.memref_slice %arg3[%dma_wait3A_1869, %dma_wait3A_1874] : memref<100000x500xf32, #tpu.memory_space<hbm>> -> memref<1x500xf32, #tpu.memory_space<hbm>>
      %dma_wait3A_1876 = tpu.memref_squeeze %dma_wait3A_1875 : memref<1x500xf32, #tpu.memory_space<hbm>> -> memref<500xf32, #tpu.memory_space<hbm>>
      %dma_wait3A_1877 = arith.constant 0 : i32
      %dma_wait3A_1878 = tpu.memref_slice %arg7[%dma_wait3A_1870, %dma_wait3A_1877] : memref<16x500xf32, #tpu.memory_space<vmem>> -> memref<1x500xf32, #tpu.memory_space<vmem>>
      %dma_wait3A_1879 = tpu.memref_squeeze %dma_wait3A_1878 : memref<1x500xf32, #tpu.memory_space<vmem>> -> memref<500xf32, #tpu.memory_space<vmem>>
      %dma_wait3A_1880 = arith.constant 0 : i32
      %dma_wait3A_1881 = tpu.memref_slice %arg3[%dma_wait3A_1869, %dma_wait3A_1880] : memref<100000x500xf32, #tpu.memory_space<hbm>> -> memref<1x500xf32, #tpu.memory_space<hbm>>
      %dma_wait3A_1882 = tpu.memref_squeeze %dma_wait3A_1881 : memref<1x500xf32, #tpu.memory_space<hbm>> -> memref<500xf32, #tpu.memory_space<hbm>>
      tpu.wait_dma2 semaphore(%arg11 : memref<!tpu.dma_semaphore, #tpu.memory_space<semaphore_mem>>) src(%dma_wait3A_1882 : memref<500xf32, #tpu.memory_space<hbm>>) dst(%dma_wait3A_1879 : memref<500xf32, #tpu.memory_space<vmem>>)
      %dma_wait3A_1883 = arith.constant 0 : i32
      %dma_wait3A_1884 = arith.constant 0 : i32
      %dma_wait3A_1885 = arith.constant 0 : i32
      %dma_wait3A_1886 = tpu.memref_slice %arg7[%dma_wait3A_1884, %dma_wait3A_1885] : memref<16x500xf32, #tpu.memory_space<vmem>> -> memref<1x500xf32, #tpu.memory_space<vmem>>
      %dma_wait3A_1887 = tpu.memref_squeeze %dma_wait3A_1886 : memref<1x500xf32, #tpu.memory_space<vmem>> -> memref<500xf32, #tpu.memory_space<vmem>>
      %dma_wait3A_1888 = arith.constant 0 : i32
      %dma_wait3A_1889 = tpu.memref_slice %arg3[%dma_wait3A_1883, %dma_wait3A_1888] : memref<100000x500xf32, #tpu.memory_space<hbm>> -> memref<1x500xf32, #tpu.memory_space<hbm>>
      %dma_wait3A_1890 = tpu.memref_squeeze %dma_wait3A_1889 : memref<1x500xf32, #tpu.memory_space<hbm>> -> memref<500xf32, #tpu.memory_space<hbm>>
      %dma_wait3A_1891 = arith.constant 0 : i32
      %dma_wait3A_1892 = tpu.memref_slice %arg7[%dma_wait3A_1884, %dma_wait3A_1891] : memref<16x500xf32, #tpu.memory_space<vmem>> -> memref<1x500xf32, #tpu.memory_space<vmem>>
      %dma_wait3A_1893 = tpu.memref_squeeze %dma_wait3A_1892 : memref<1x500xf32, #tpu.memory_space<vmem>> -> memref<500xf32, #tpu.memory_space<vmem>>
      %dma_wait3A_1894 = arith.constant 0 : i32
      %dma_wait3A_1895 = tpu.memref_slice %arg3[%dma_wait3A_1883, %dma_wait3A_1894] : memref<100000x500xf32, #tpu.memory_space<hbm>> -> memref<1x500xf32, #tpu.memory_space<hbm>>
      %dma_wait3A_1896 = tpu.memref_squeeze %dma_wait3A_1895 : memref<1x500xf32, #tpu.memory_space<hbm>> -> memref<500xf32, #tpu.memory_space<hbm>>
      tpu.wait_dma2 semaphore(%arg11 : memref<!tpu.dma_semaphore, #tpu.memory_space<semaphore_mem>>) src(%dma_wait3A_1896 : memref<500xf32, #tpu.memory_space<hbm>>) dst(%dma_wait3A_1893 : memref<500xf32, #tpu.memory_space<vmem>>)
      %dma_wait3A_1897 = arith.constant 0 : i32
      %dma_wait3A_1898 = arith.constant 0 : i32
      %dma_wait3A_1899 = arith.constant 0 : i32
      %dma_wait3A_1900 = tpu.memref_slice %arg7[%dma_wait3A_1898, %dma_wait3A_1899] : memref<16x500xf32, #tpu.memory_space<vmem>> -> memref<1x500xf32, #tpu.memory_space<vmem>>
      %dma_wait3A_1901 = tpu.memref_squeeze %dma_wait3A_1900 : memref<1x500xf32, #tpu.memory_space<vmem>> -> memref<500xf32, #tpu.memory_space<vmem>>
      %dma_wait3A_1902 = arith.constant 0 : i32
      %dma_wait3A_1903 = tpu.memref_slice %arg3[%dma_wait3A_1897, %dma_wait3A_1902] : memref<100000x500xf32, #tpu.memory_space<hbm>> -> memref<1x500xf32, #tpu.memory_space<hbm>>
      %dma_wait3A_1904 = tpu.memref_squeeze %dma_wait3A_1903 : memref<1x500xf32, #tpu.memory_space<hbm>> -> memref<500xf32, #tpu.memory_space<hbm>>
      %dma_wait3A_1905 = arith.constant 0 : i32
      %dma_wait3A_1906 = tpu.memref_slice %arg7[%dma_wait3A_1898, %dma_wait3A_1905] : memref<16x500xf32, #tpu.memory_space<vmem>> -> memref<1x500xf32, #tpu.memory_space<vmem>>
      %dma_wait3A_1907 = tpu.memref_squeeze %dma_wait3A_1906 : memref<1x500xf32, #tpu.memory_space<vmem>> -> memref<500xf32, #tpu.memory_space<vmem>>
      %dma_wait3A_1908 = arith.constant 0 : i32
      %dma_wait3A_1909 = tpu.memref_slice %arg3[%dma_wait3A_1897, %dma_wait3A_1908] : memref<100000x500xf32, #tpu.memory_space<hbm>> -> memref<1x500xf32, #tpu.memory_space<hbm>>
      %dma_wait3A_1910 = tpu.memref_squeeze %dma_wait3A_1909 : memref<1x500xf32, #tpu.memory_space<hbm>> -> memref<500xf32, #tpu.memory_space<hbm>>
      tpu.wait_dma2 semaphore(%arg11 : memref<!tpu.dma_semaphore, #tpu.memory_space<semaphore_mem>>) src(%dma_wait3A_1910 : memref<500xf32, #tpu.memory_space<hbm>>) dst(%dma_wait3A_1907 : memref<500xf32, #tpu.memory_space<vmem>>)
      %dma_wait3A_1911 = arith.constant 0 : i32
      %dma_wait3A_1912 = arith.constant 0 : i32
      %dma_wait3A_1913 = arith.constant 0 : i32
      %dma_wait3A_1914 = tpu.memref_slice %arg7[%dma_wait3A_1912, %dma_wait3A_1913] : memref<16x500xf32, #tpu.memory_space<vmem>> -> memref<1x500xf32, #tpu.memory_space<vmem>>
      %dma_wait3A_1915 = tpu.memref_squeeze %dma_wait3A_1914 : memref<1x500xf32, #tpu.memory_space<vmem>> -> memref<500xf32, #tpu.memory_space<vmem>>
      %dma_wait3A_1916 = arith.constant 0 : i32
      %dma_wait3A_1917 = tpu.memref_slice %arg3[%dma_wait3A_1911, %dma_wait3A_1916] : memref<100000x500xf32, #tpu.memory_space<hbm>> -> memref<1x500xf32, #tpu.memory_space<hbm>>
      %dma_wait3A_1918 = tpu.memref_squeeze %dma_wait3A_1917 : memref<1x500xf32, #tpu.memory_space<hbm>> -> memref<500xf32, #tpu.memory_space<hbm>>
      %dma_wait3A_1919 = arith.constant 0 : i32
      %dma_wait3A_1920 = tpu.memref_slice %arg7[%dma_wait3A_1912, %dma_wait3A_1919] : memref<16x500xf32, #tpu.memory_space<vmem>> -> memref<1x500xf32, #tpu.memory_space<vmem>>
      %dma_wait3A_1921 = tpu.memref_squeeze %dma_wait3A_1920 : memref<1x500xf32, #tpu.memory_space<vmem>> -> memref<500xf32, #tpu.memory_space<vmem>>
      %dma_wait3A_1922 = arith.constant 0 : i32
      %dma_wait3A_1923 = tpu.memref_slice %arg3[%dma_wait3A_1911, %dma_wait3A_1922] : memref<100000x500xf32, #tpu.memory_space<hbm>> -> memref<1x500xf32, #tpu.memory_space<hbm>>
      %dma_wait3A_1924 = tpu.memref_squeeze %dma_wait3A_1923 : memref<1x500xf32, #tpu.memory_space<hbm>> -> memref<500xf32, #tpu.memory_space<hbm>>
      tpu.wait_dma2 semaphore(%arg11 : memref<!tpu.dma_semaphore, #tpu.memory_space<semaphore_mem>>) src(%dma_wait3A_1924 : memref<500xf32, #tpu.memory_space<hbm>>) dst(%dma_wait3A_1921 : memref<500xf32, #tpu.memory_space<vmem>>)
      %dma_wait3A_1925 = arith.constant 0 : i32
      %dma_wait3A_1926 = arith.constant 0 : i32
      %dma_wait3A_1927 = arith.constant 0 : i32
      %dma_wait3A_1928 = tpu.memref_slice %arg7[%dma_wait3A_1926, %dma_wait3A_1927] : memref<16x500xf32, #tpu.memory_space<vmem>> -> memref<1x500xf32, #tpu.memory_space<vmem>>
      %dma_wait3A_1929 = tpu.memref_squeeze %dma_wait3A_1928 : memref<1x500xf32, #tpu.memory_space<vmem>> -> memref<500xf32, #tpu.memory_space<vmem>>
      %dma_wait3A_1930 = arith.constant 0 : i32
      %dma_wait3A_1931 = tpu.memref_slice %arg3[%dma_wait3A_1925, %dma_wait3A_1930] : memref<100000x500xf32, #tpu.memory_space<hbm>> -> memref<1x500xf32, #tpu.memory_space<hbm>>
      %dma_wait3A_1932 = tpu.memref_squeeze %dma_wait3A_1931 : memref<1x500xf32, #tpu.memory_space<hbm>> -> memref<500xf32, #tpu.memory_space<hbm>>
      %dma_wait3A_1933 = arith.constant 0 : i32
      %dma_wait3A_1934 = tpu.memref_slice %arg7[%dma_wait3A_1926, %dma_wait3A_1933] : memref<16x500xf32, #tpu.memory_space<vmem>> -> memref<1x500xf32, #tpu.memory_space<vmem>>
      %dma_wait3A_1935 = tpu.memref_squeeze %dma_wait3A_1934 : memref<1x500xf32, #tpu.memory_space<vmem>> -> memref<500xf32, #tpu.memory_space<vmem>>
      %dma_wait3A_1936 = arith.constant 0 : i32
      %dma_wait3A_1937 = tpu.memref_slice %arg3[%dma_wait3A_1925, %dma_wait3A_1936] : memref<100000x500xf32, #tpu.memory_space<hbm>> -> memref<1x500xf32, #tpu.memory_space<hbm>>
      %dma_wait3A_1938 = tpu.memref_squeeze %dma_wait3A_1937 : memref<1x500xf32, #tpu.memory_space<hbm>> -> memref<500xf32, #tpu.memory_space<hbm>>
      tpu.wait_dma2 semaphore(%arg11 : memref<!tpu.dma_semaphore, #tpu.memory_space<semaphore_mem>>) src(%dma_wait3A_1938 : memref<500xf32, #tpu.memory_space<hbm>>) dst(%dma_wait3A_1935 : memref<500xf32, #tpu.memory_space<vmem>>)
      %dma_wait3A_1939 = arith.constant 0 : i32
      %dma_wait3A_1940 = arith.constant 0 : i32
      %dma_wait3A_1941 = arith.constant 0 : i32
      %dma_wait3A_1942 = tpu.memref_slice %arg7[%dma_wait3A_1940, %dma_wait3A_1941] : memref<16x500xf32, #tpu.memory_space<vmem>> -> memref<1x500xf32, #tpu.memory_space<vmem>>
      %dma_wait3A_1943 = tpu.memref_squeeze %dma_wait3A_1942 : memref<1x500xf32, #tpu.memory_space<vmem>> -> memref<500xf32, #tpu.memory_space<vmem>>
      %dma_wait3A_1944 = arith.constant 0 : i32
      %dma_wait3A_1945 = tpu.memref_slice %arg3[%dma_wait3A_1939, %dma_wait3A_1944] : memref<100000x500xf32, #tpu.memory_space<hbm>> -> memref<1x500xf32, #tpu.memory_space<hbm>>
      %dma_wait3A_1946 = tpu.memref_squeeze %dma_wait3A_1945 : memref<1x500xf32, #tpu.memory_space<hbm>> -> memref<500xf32, #tpu.memory_space<hbm>>
      %dma_wait3A_1947 = arith.constant 0 : i32
      %dma_wait3A_1948 = tpu.memref_slice %arg7[%dma_wait3A_1940, %dma_wait3A_1947] : memref<16x500xf32, #tpu.memory_space<vmem>> -> memref<1x500xf32, #tpu.memory_space<vmem>>
      %dma_wait3A_1949 = tpu.memref_squeeze %dma_wait3A_1948 : memref<1x500xf32, #tpu.memory_space<vmem>> -> memref<500xf32, #tpu.memory_space<vmem>>
      %dma_wait3A_1950 = arith.constant 0 : i32
      %dma_wait3A_1951 = tpu.memref_slice %arg3[%dma_wait3A_1939, %dma_wait3A_1950] : memref<100000x500xf32, #tpu.memory_space<hbm>> -> memref<1x500xf32, #tpu.memory_space<hbm>>
      %dma_wait3A_1952 = tpu.memref_squeeze %dma_wait3A_1951 : memref<1x500xf32, #tpu.memory_space<hbm>> -> memref<500xf32, #tpu.memory_space<hbm>>
      tpu.wait_dma2 semaphore(%arg11 : memref<!tpu.dma_semaphore, #tpu.memory_space<semaphore_mem>>) src(%dma_wait3A_1952 : memref<500xf32, #tpu.memory_space<hbm>>) dst(%dma_wait3A_1949 : memref<500xf32, #tpu.memory_space<vmem>>)
      %dma_wait3A_1953 = arith.constant 0 : i32
      %dma_wait3A_1954 = arith.constant 0 : i32
      %dma_wait3A_1955 = arith.constant 0 : i32
      %dma_wait3A_1956 = tpu.memref_slice %arg7[%dma_wait3A_1954, %dma_wait3A_1955] : memref<16x500xf32, #tpu.memory_space<vmem>> -> memref<1x500xf32, #tpu.memory_space<vmem>>
      %dma_wait3A_1957 = tpu.memref_squeeze %dma_wait3A_1956 : memref<1x500xf32, #tpu.memory_space<vmem>> -> memref<500xf32, #tpu.memory_space<vmem>>
      %dma_wait3A_1958 = arith.constant 0 : i32
      %dma_wait3A_1959 = tpu.memref_slice %arg3[%dma_wait3A_1953, %dma_wait3A_1958] : memref<100000x500xf32, #tpu.memory_space<hbm>> -> memref<1x500xf32, #tpu.memory_space<hbm>>
      %dma_wait3A_1960 = tpu.memref_squeeze %dma_wait3A_1959 : memref<1x500xf32, #tpu.memory_space<hbm>> -> memref<500xf32, #tpu.memory_space<hbm>>
      %dma_wait3A_1961 = arith.constant 0 : i32
      %dma_wait3A_1962 = tpu.memref_slice %arg7[%dma_wait3A_1954, %dma_wait3A_1961] : memref<16x500xf32, #tpu.memory_space<vmem>> -> memref<1x500xf32, #tpu.memory_space<vmem>>
      %dma_wait3A_1963 = tpu.memref_squeeze %dma_wait3A_1962 : memref<1x500xf32, #tpu.memory_space<vmem>> -> memref<500xf32, #tpu.memory_space<vmem>>
      %dma_wait3A_1964 = arith.constant 0 : i32
      %dma_wait3A_1965 = tpu.memref_slice %arg3[%dma_wait3A_1953, %dma_wait3A_1964] : memref<100000x500xf32, #tpu.memory_space<hbm>> -> memref<1x500xf32, #tpu.memory_space<hbm>>
      %dma_wait3A_1966 = tpu.memref_squeeze %dma_wait3A_1965 : memref<1x500xf32, #tpu.memory_space<hbm>> -> memref<500xf32, #tpu.memory_space<hbm>>
      tpu.wait_dma2 semaphore(%arg11 : memref<!tpu.dma_semaphore, #tpu.memory_space<semaphore_mem>>) src(%dma_wait3A_1966 : memref<500xf32, #tpu.memory_space<hbm>>) dst(%dma_wait3A_1963 : memref<500xf32, #tpu.memory_space<vmem>>)
      %dma_wait3A_1967 = arith.constant 0 : i32
      %dma_wait3A_1968 = arith.constant 0 : i32
      %dma_wait3A_1969 = arith.constant 0 : i32
      %dma_wait3A_1970 = tpu.memref_slice %arg7[%dma_wait3A_1968, %dma_wait3A_1969] : memref<16x500xf32, #tpu.memory_space<vmem>> -> memref<1x500xf32, #tpu.memory_space<vmem>>
      %dma_wait3A_1971 = tpu.memref_squeeze %dma_wait3A_1970 : memref<1x500xf32, #tpu.memory_space<vmem>> -> memref<500xf32, #tpu.memory_space<vmem>>
      %dma_wait3A_1972 = arith.constant 0 : i32
      %dma_wait3A_1973 = tpu.memref_slice %arg3[%dma_wait3A_1967, %dma_wait3A_1972] : memref<100000x500xf32, #tpu.memory_space<hbm>> -> memref<1x500xf32, #tpu.memory_space<hbm>>
      %dma_wait3A_1974 = tpu.memref_squeeze %dma_wait3A_1973 : memref<1x500xf32, #tpu.memory_space<hbm>> -> memref<500xf32, #tpu.memory_space<hbm>>
      %dma_wait3A_1975 = arith.constant 0 : i32
      %dma_wait3A_1976 = tpu.memref_slice %arg7[%dma_wait3A_1968, %dma_wait3A_1975] : memref<16x500xf32, #tpu.memory_space<vmem>> -> memref<1x500xf32, #tpu.memory_space<vmem>>
      %dma_wait3A_1977 = tpu.memref_squeeze %dma_wait3A_1976 : memref<1x500xf32, #tpu.memory_space<vmem>> -> memref<500xf32, #tpu.memory_space<vmem>>
      %dma_wait3A_1978 = arith.constant 0 : i32
      %dma_wait3A_1979 = tpu.memref_slice %arg3[%dma_wait3A_1967, %dma_wait3A_1978] : memref<100000x500xf32, #tpu.memory_space<hbm>> -> memref<1x500xf32, #tpu.memory_space<hbm>>
      %dma_wait3A_1980 = tpu.memref_squeeze %dma_wait3A_1979 : memref<1x500xf32, #tpu.memory_space<hbm>> -> memref<500xf32, #tpu.memory_space<hbm>>
      tpu.wait_dma2 semaphore(%arg11 : memref<!tpu.dma_semaphore, #tpu.memory_space<semaphore_mem>>) src(%dma_wait3A_1980 : memref<500xf32, #tpu.memory_space<hbm>>) dst(%dma_wait3A_1977 : memref<500xf32, #tpu.memory_space<vmem>>)
      %dma_wait3A_1981 = arith.constant 0 : i32
      %dma_wait3A_1982 = arith.constant 0 : i32
      %dma_wait3A_1983 = arith.constant 0 : i32
      %dma_wait3A_1984 = tpu.memref_slice %arg7[%dma_wait3A_1982, %dma_wait3A_1983] : memref<16x500xf32, #tpu.memory_space<vmem>> -> memref<1x500xf32, #tpu.memory_space<vmem>>
      %dma_wait3A_1985 = tpu.memref_squeeze %dma_wait3A_1984 : memref<1x500xf32, #tpu.memory_space<vmem>> -> memref<500xf32, #tpu.memory_space<vmem>>
      %dma_wait3A_1986 = arith.constant 0 : i32
      %dma_wait3A_1987 = tpu.memref_slice %arg3[%dma_wait3A_1981, %dma_wait3A_1986] : memref<100000x500xf32, #tpu.memory_space<hbm>> -> memref<1x500xf32, #tpu.memory_space<hbm>>
      %dma_wait3A_1988 = tpu.memref_squeeze %dma_wait3A_1987 : memref<1x500xf32, #tpu.memory_space<hbm>> -> memref<500xf32, #tpu.memory_space<hbm>>
      %dma_wait3A_1989 = arith.constant 0 : i32
      %dma_wait3A_1990 = tpu.memref_slice %arg7[%dma_wait3A_1982, %dma_wait3A_1989] : memref<16x500xf32, #tpu.memory_space<vmem>> -> memref<1x500xf32, #tpu.memory_space<vmem>>
      %dma_wait3A_1991 = tpu.memref_squeeze %dma_wait3A_1990 : memref<1x500xf32, #tpu.memory_space<vmem>> -> memref<500xf32, #tpu.memory_space<vmem>>
      %dma_wait3A_1992 = arith.constant 0 : i32
      %dma_wait3A_1993 = tpu.memref_slice %arg3[%dma_wait3A_1981, %dma_wait3A_1992] : memref<100000x500xf32, #tpu.memory_space<hbm>> -> memref<1x500xf32, #tpu.memory_space<hbm>>
      %dma_wait3A_1994 = tpu.memref_squeeze %dma_wait3A_1993 : memref<1x500xf32, #tpu.memory_space<hbm>> -> memref<500xf32, #tpu.memory_space<hbm>>
      tpu.wait_dma2 semaphore(%arg11 : memref<!tpu.dma_semaphore, #tpu.memory_space<semaphore_mem>>) src(%dma_wait3A_1994 : memref<500xf32, #tpu.memory_space<hbm>>) dst(%dma_wait3A_1991 : memref<500xf32, #tpu.memory_space<vmem>>)
      %dma_wait3A_1995 = arith.constant 0 : i32
      %dma_wait3A_1996 = arith.constant 0 : i32
      %dma_wait3A_1997 = arith.constant 0 : i32
      %dma_wait3A_1998 = tpu.memref_slice %arg7[%dma_wait3A_1996, %dma_wait3A_1997] : memref<16x500xf32, #tpu.memory_space<vmem>> -> memref<1x500xf32, #tpu.memory_space<vmem>>
      %dma_wait3A_1999 = tpu.memref_squeeze %dma_wait3A_1998 : memref<1x500xf32, #tpu.memory_space<vmem>> -> memref<500xf32, #tpu.memory_space<vmem>>
      %dma_wait3A_2000 = arith.constant 0 : i32
      %dma_wait3A_2001 = tpu.memref_slice %arg3[%dma_wait3A_1995, %dma_wait3A_2000] : memref<100000x500xf32, #tpu.memory_space<hbm>> -> memref<1x500xf32, #tpu.memory_space<hbm>>
      %dma_wait3A_2002 = tpu.memref_squeeze %dma_wait3A_2001 : memref<1x500xf32, #tpu.memory_space<hbm>> -> memref<500xf32, #tpu.memory_space<hbm>>
      %dma_wait3A_2003 = arith.constant 0 : i32
      %dma_wait3A_2004 = tpu.memref_slice %arg7[%dma_wait3A_1996, %dma_wait3A_2003] : memref<16x500xf32, #tpu.memory_space<vmem>> -> memref<1x500xf32, #tpu.memory_space<vmem>>
      %dma_wait3A_2005 = tpu.memref_squeeze %dma_wait3A_2004 : memref<1x500xf32, #tpu.memory_space<vmem>> -> memref<500xf32, #tpu.memory_space<vmem>>
      %dma_wait3A_2006 = arith.constant 0 : i32
      %dma_wait3A_2007 = tpu.memref_slice %arg3[%dma_wait3A_1995, %dma_wait3A_2006] : memref<100000x500xf32, #tpu.memory_space<hbm>> -> memref<1x500xf32, #tpu.memory_space<hbm>>
      %dma_wait3A_2008 = tpu.memref_squeeze %dma_wait3A_2007 : memref<1x500xf32, #tpu.memory_space<hbm>> -> memref<500xf32, #tpu.memory_space<hbm>>
      tpu.wait_dma2 semaphore(%arg11 : memref<!tpu.dma_semaphore, #tpu.memory_space<semaphore_mem>>) src(%dma_wait3A_2008 : memref<500xf32, #tpu.memory_space<hbm>>) dst(%dma_wait3A_2005 : memref<500xf32, #tpu.memory_space<vmem>>)
      %mul3A_2009 = arith.constant 16 : i32
      %mul3A_2010 = arith.muli %add3A_1784, %mul3A_2009 : i32
      %add3A_2011 = arith.addi %mul3A_2, %mul3A_2010 : i32
      %dma_start3A_2012 = arith.constant 0 : i32
      %dma_start3A_2013 = tpu.memref_slice %arg4[%add3A_2011, %dma_start3A_2012] : memref<204800x500xf32, #tpu.memory_space<hbm>> -> memref<16x500xf32, #tpu.memory_space<hbm>>
      %dma_start3A_2014 = arith.constant 0 : i32
      %dma_start3A_2015 = tpu.memref_slice %arg4[%add3A_2011, %dma_start3A_2014] : memref<204800x500xf32, #tpu.memory_space<hbm>> -> memref<16x500xf32, #tpu.memory_space<hbm>>
      tpu.enqueue_dma source(%arg7 : memref<16x500xf32, #tpu.memory_space<vmem>>) target(%dma_start3A_2015 : memref<16x500xf32, #tpu.memory_space<hbm>>) target_semaphore(%arg15 : memref<!tpu.dma_semaphore, #tpu.memory_space<semaphore_mem>>)
      %mul3A_2016 = arith.constant 4 : i32
      %mul3A_2017 = arith.muli %mul3A_2016, %scan3A_31 : i32
      %add3A_2018 = arith.constant 2 : i32
      %add3A_2019 = arith.addi %mul3A_2017, %add3A_2018 : i32
      %dma_wait3A_2020 = arith.constant 0 : i32
      %dma_wait3A_2021 = arith.constant 0 : i32
      %dma_wait3A_2022 = arith.constant 0 : i32
      %dma_wait3A_2023 = tpu.memref_slice %arg8[%dma_wait3A_2021, %dma_wait3A_2022] : memref<16x500xf32, #tpu.memory_space<vmem>> -> memref<1x500xf32, #tpu.memory_space<vmem>>
      %dma_wait3A_2024 = tpu.memref_squeeze %dma_wait3A_2023 : memref<1x500xf32, #tpu.memory_space<vmem>> -> memref<500xf32, #tpu.memory_space<vmem>>
      %dma_wait3A_2025 = arith.constant 0 : i32
      %dma_wait3A_2026 = tpu.memref_slice %arg3[%dma_wait3A_2020, %dma_wait3A_2025] : memref<100000x500xf32, #tpu.memory_space<hbm>> -> memref<1x500xf32, #tpu.memory_space<hbm>>
      %dma_wait3A_2027 = tpu.memref_squeeze %dma_wait3A_2026 : memref<1x500xf32, #tpu.memory_space<hbm>> -> memref<500xf32, #tpu.memory_space<hbm>>
      %dma_wait3A_2028 = arith.constant 0 : i32
      %dma_wait3A_2029 = tpu.memref_slice %arg8[%dma_wait3A_2021, %dma_wait3A_2028] : memref<16x500xf32, #tpu.memory_space<vmem>> -> memref<1x500xf32, #tpu.memory_space<vmem>>
      %dma_wait3A_2030 = tpu.memref_squeeze %dma_wait3A_2029 : memref<1x500xf32, #tpu.memory_space<vmem>> -> memref<500xf32, #tpu.memory_space<vmem>>
      %dma_wait3A_2031 = arith.constant 0 : i32
      %dma_wait3A_2032 = tpu.memref_slice %arg3[%dma_wait3A_2020, %dma_wait3A_2031] : memref<100000x500xf32, #tpu.memory_space<hbm>> -> memref<1x500xf32, #tpu.memory_space<hbm>>
      %dma_wait3A_2033 = tpu.memref_squeeze %dma_wait3A_2032 : memref<1x500xf32, #tpu.memory_space<hbm>> -> memref<500xf32, #tpu.memory_space<hbm>>
      tpu.wait_dma2 semaphore(%arg12 : memref<!tpu.dma_semaphore, #tpu.memory_space<semaphore_mem>>) src(%dma_wait3A_2033 : memref<500xf32, #tpu.memory_space<hbm>>) dst(%dma_wait3A_2030 : memref<500xf32, #tpu.memory_space<vmem>>)
      %dma_wait3A_2034 = arith.constant 0 : i32
      %dma_wait3A_2035 = arith.constant 0 : i32
      %dma_wait3A_2036 = arith.constant 0 : i32
      %dma_wait3A_2037 = tpu.memref_slice %arg8[%dma_wait3A_2035, %dma_wait3A_2036] : memref<16x500xf32, #tpu.memory_space<vmem>> -> memref<1x500xf32, #tpu.memory_space<vmem>>
      %dma_wait3A_2038 = tpu.memref_squeeze %dma_wait3A_2037 : memref<1x500xf32, #tpu.memory_space<vmem>> -> memref<500xf32, #tpu.memory_space<vmem>>
      %dma_wait3A_2039 = arith.constant 0 : i32
      %dma_wait3A_2040 = tpu.memref_slice %arg3[%dma_wait3A_2034, %dma_wait3A_2039] : memref<100000x500xf32, #tpu.memory_space<hbm>> -> memref<1x500xf32, #tpu.memory_space<hbm>>
      %dma_wait3A_2041 = tpu.memref_squeeze %dma_wait3A_2040 : memref<1x500xf32, #tpu.memory_space<hbm>> -> memref<500xf32, #tpu.memory_space<hbm>>
      %dma_wait3A_2042 = arith.constant 0 : i32
      %dma_wait3A_2043 = tpu.memref_slice %arg8[%dma_wait3A_2035, %dma_wait3A_2042] : memref<16x500xf32, #tpu.memory_space<vmem>> -> memref<1x500xf32, #tpu.memory_space<vmem>>
      %dma_wait3A_2044 = tpu.memref_squeeze %dma_wait3A_2043 : memref<1x500xf32, #tpu.memory_space<vmem>> -> memref<500xf32, #tpu.memory_space<vmem>>
      %dma_wait3A_2045 = arith.constant 0 : i32
      %dma_wait3A_2046 = tpu.memref_slice %arg3[%dma_wait3A_2034, %dma_wait3A_2045] : memref<100000x500xf32, #tpu.memory_space<hbm>> -> memref<1x500xf32, #tpu.memory_space<hbm>>
      %dma_wait3A_2047 = tpu.memref_squeeze %dma_wait3A_2046 : memref<1x500xf32, #tpu.memory_space<hbm>> -> memref<500xf32, #tpu.memory_space<hbm>>
      tpu.wait_dma2 semaphore(%arg12 : memref<!tpu.dma_semaphore, #tpu.memory_space<semaphore_mem>>) src(%dma_wait3A_2047 : memref<500xf32, #tpu.memory_space<hbm>>) dst(%dma_wait3A_2044 : memref<500xf32, #tpu.memory_space<vmem>>)
      %dma_wait3A_2048 = arith.constant 0 : i32
      %dma_wait3A_2049 = arith.constant 0 : i32
      %dma_wait3A_2050 = arith.constant 0 : i32
      %dma_wait3A_2051 = tpu.memref_slice %arg8[%dma_wait3A_2049, %dma_wait3A_2050] : memref<16x500xf32, #tpu.memory_space<vmem>> -> memref<1x500xf32, #tpu.memory_space<vmem>>
      %dma_wait3A_2052 = tpu.memref_squeeze %dma_wait3A_2051 : memref<1x500xf32, #tpu.memory_space<vmem>> -> memref<500xf32, #tpu.memory_space<vmem>>
      %dma_wait3A_2053 = arith.constant 0 : i32
      %dma_wait3A_2054 = tpu.memref_slice %arg3[%dma_wait3A_2048, %dma_wait3A_2053] : memref<100000x500xf32, #tpu.memory_space<hbm>> -> memref<1x500xf32, #tpu.memory_space<hbm>>
      %dma_wait3A_2055 = tpu.memref_squeeze %dma_wait3A_2054 : memref<1x500xf32, #tpu.memory_space<hbm>> -> memref<500xf32, #tpu.memory_space<hbm>>
      %dma_wait3A_2056 = arith.constant 0 : i32
      %dma_wait3A_2057 = tpu.memref_slice %arg8[%dma_wait3A_2049, %dma_wait3A_2056] : memref<16x500xf32, #tpu.memory_space<vmem>> -> memref<1x500xf32, #tpu.memory_space<vmem>>
      %dma_wait3A_2058 = tpu.memref_squeeze %dma_wait3A_2057 : memref<1x500xf32, #tpu.memory_space<vmem>> -> memref<500xf32, #tpu.memory_space<vmem>>
      %dma_wait3A_2059 = arith.constant 0 : i32
      %dma_wait3A_2060 = tpu.memref_slice %arg3[%dma_wait3A_2048, %dma_wait3A_2059] : memref<100000x500xf32, #tpu.memory_space<hbm>> -> memref<1x500xf32, #tpu.memory_space<hbm>>
      %dma_wait3A_2061 = tpu.memref_squeeze %dma_wait3A_2060 : memref<1x500xf32, #tpu.memory_space<hbm>> -> memref<500xf32, #tpu.memory_space<hbm>>
      tpu.wait_dma2 semaphore(%arg12 : memref<!tpu.dma_semaphore, #tpu.memory_space<semaphore_mem>>) src(%dma_wait3A_2061 : memref<500xf32, #tpu.memory_space<hbm>>) dst(%dma_wait3A_2058 : memref<500xf32, #tpu.memory_space<vmem>>)
      %dma_wait3A_2062 = arith.constant 0 : i32
      %dma_wait3A_2063 = arith.constant 0 : i32
      %dma_wait3A_2064 = arith.constant 0 : i32
      %dma_wait3A_2065 = tpu.memref_slice %arg8[%dma_wait3A_2063, %dma_wait3A_2064] : memref<16x500xf32, #tpu.memory_space<vmem>> -> memref<1x500xf32, #tpu.memory_space<vmem>>
      %dma_wait3A_2066 = tpu.memref_squeeze %dma_wait3A_2065 : memref<1x500xf32, #tpu.memory_space<vmem>> -> memref<500xf32, #tpu.memory_space<vmem>>
      %dma_wait3A_2067 = arith.constant 0 : i32
      %dma_wait3A_2068 = tpu.memref_slice %arg3[%dma_wait3A_2062, %dma_wait3A_2067] : memref<100000x500xf32, #tpu.memory_space<hbm>> -> memref<1x500xf32, #tpu.memory_space<hbm>>
      %dma_wait3A_2069 = tpu.memref_squeeze %dma_wait3A_2068 : memref<1x500xf32, #tpu.memory_space<hbm>> -> memref<500xf32, #tpu.memory_space<hbm>>
      %dma_wait3A_2070 = arith.constant 0 : i32
      %dma_wait3A_2071 = tpu.memref_slice %arg8[%dma_wait3A_2063, %dma_wait3A_2070] : memref<16x500xf32, #tpu.memory_space<vmem>> -> memref<1x500xf32, #tpu.memory_space<vmem>>
      %dma_wait3A_2072 = tpu.memref_squeeze %dma_wait3A_2071 : memref<1x500xf32, #tpu.memory_space<vmem>> -> memref<500xf32, #tpu.memory_space<vmem>>
      %dma_wait3A_2073 = arith.constant 0 : i32
      %dma_wait3A_2074 = tpu.memref_slice %arg3[%dma_wait3A_2062, %dma_wait3A_2073] : memref<100000x500xf32, #tpu.memory_space<hbm>> -> memref<1x500xf32, #tpu.memory_space<hbm>>
      %dma_wait3A_2075 = tpu.memref_squeeze %dma_wait3A_2074 : memref<1x500xf32, #tpu.memory_space<hbm>> -> memref<500xf32, #tpu.memory_space<hbm>>
      tpu.wait_dma2 semaphore(%arg12 : memref<!tpu.dma_semaphore, #tpu.memory_space<semaphore_mem>>) src(%dma_wait3A_2075 : memref<500xf32, #tpu.memory_space<hbm>>) dst(%dma_wait3A_2072 : memref<500xf32, #tpu.memory_space<vmem>>)
      %dma_wait3A_2076 = arith.constant 0 : i32
      %dma_wait3A_2077 = arith.constant 0 : i32
      %dma_wait3A_2078 = arith.constant 0 : i32
      %dma_wait3A_2079 = tpu.memref_slice %arg8[%dma_wait3A_2077, %dma_wait3A_2078] : memref<16x500xf32, #tpu.memory_space<vmem>> -> memref<1x500xf32, #tpu.memory_space<vmem>>
      %dma_wait3A_2080 = tpu.memref_squeeze %dma_wait3A_2079 : memref<1x500xf32, #tpu.memory_space<vmem>> -> memref<500xf32, #tpu.memory_space<vmem>>
      %dma_wait3A_2081 = arith.constant 0 : i32
      %dma_wait3A_2082 = tpu.memref_slice %arg3[%dma_wait3A_2076, %dma_wait3A_2081] : memref<100000x500xf32, #tpu.memory_space<hbm>> -> memref<1x500xf32, #tpu.memory_space<hbm>>
      %dma_wait3A_2083 = tpu.memref_squeeze %dma_wait3A_2082 : memref<1x500xf32, #tpu.memory_space<hbm>> -> memref<500xf32, #tpu.memory_space<hbm>>
      %dma_wait3A_2084 = arith.constant 0 : i32
      %dma_wait3A_2085 = tpu.memref_slice %arg8[%dma_wait3A_2077, %dma_wait3A_2084] : memref<16x500xf32, #tpu.memory_space<vmem>> -> memref<1x500xf32, #tpu.memory_space<vmem>>
      %dma_wait3A_2086 = tpu.memref_squeeze %dma_wait3A_2085 : memref<1x500xf32, #tpu.memory_space<vmem>> -> memref<500xf32, #tpu.memory_space<vmem>>
      %dma_wait3A_2087 = arith.constant 0 : i32
      %dma_wait3A_2088 = tpu.memref_slice %arg3[%dma_wait3A_2076, %dma_wait3A_2087] : memref<100000x500xf32, #tpu.memory_space<hbm>> -> memref<1x500xf32, #tpu.memory_space<hbm>>
      %dma_wait3A_2089 = tpu.memref_squeeze %dma_wait3A_2088 : memref<1x500xf32, #tpu.memory_space<hbm>> -> memref<500xf32, #tpu.memory_space<hbm>>
      tpu.wait_dma2 semaphore(%arg12 : memref<!tpu.dma_semaphore, #tpu.memory_space<semaphore_mem>>) src(%dma_wait3A_2089 : memref<500xf32, #tpu.memory_space<hbm>>) dst(%dma_wait3A_2086 : memref<500xf32, #tpu.memory_space<vmem>>)
      %dma_wait3A_2090 = arith.constant 0 : i32
      %dma_wait3A_2091 = arith.constant 0 : i32
      %dma_wait3A_2092 = arith.constant 0 : i32
      %dma_wait3A_2093 = tpu.memref_slice %arg8[%dma_wait3A_2091, %dma_wait3A_2092] : memref<16x500xf32, #tpu.memory_space<vmem>> -> memref<1x500xf32, #tpu.memory_space<vmem>>
      %dma_wait3A_2094 = tpu.memref_squeeze %dma_wait3A_2093 : memref<1x500xf32, #tpu.memory_space<vmem>> -> memref<500xf32, #tpu.memory_space<vmem>>
      %dma_wait3A_2095 = arith.constant 0 : i32
      %dma_wait3A_2096 = tpu.memref_slice %arg3[%dma_wait3A_2090, %dma_wait3A_2095] : memref<100000x500xf32, #tpu.memory_space<hbm>> -> memref<1x500xf32, #tpu.memory_space<hbm>>
      %dma_wait3A_2097 = tpu.memref_squeeze %dma_wait3A_2096 : memref<1x500xf32, #tpu.memory_space<hbm>> -> memref<500xf32, #tpu.memory_space<hbm>>
      %dma_wait3A_2098 = arith.constant 0 : i32
      %dma_wait3A_2099 = tpu.memref_slice %arg8[%dma_wait3A_2091, %dma_wait3A_2098] : memref<16x500xf32, #tpu.memory_space<vmem>> -> memref<1x500xf32, #tpu.memory_space<vmem>>
      %dma_wait3A_2100 = tpu.memref_squeeze %dma_wait3A_2099 : memref<1x500xf32, #tpu.memory_space<vmem>> -> memref<500xf32, #tpu.memory_space<vmem>>
      %dma_wait3A_2101 = arith.constant 0 : i32
      %dma_wait3A_2102 = tpu.memref_slice %arg3[%dma_wait3A_2090, %dma_wait3A_2101] : memref<100000x500xf32, #tpu.memory_space<hbm>> -> memref<1x500xf32, #tpu.memory_space<hbm>>
      %dma_wait3A_2103 = tpu.memref_squeeze %dma_wait3A_2102 : memref<1x500xf32, #tpu.memory_space<hbm>> -> memref<500xf32, #tpu.memory_space<hbm>>
      tpu.wait_dma2 semaphore(%arg12 : memref<!tpu.dma_semaphore, #tpu.memory_space<semaphore_mem>>) src(%dma_wait3A_2103 : memref<500xf32, #tpu.memory_space<hbm>>) dst(%dma_wait3A_2100 : memref<500xf32, #tpu.memory_space<vmem>>)
      %dma_wait3A_2104 = arith.constant 0 : i32
      %dma_wait3A_2105 = arith.constant 0 : i32
      %dma_wait3A_2106 = arith.constant 0 : i32
      %dma_wait3A_2107 = tpu.memref_slice %arg8[%dma_wait3A_2105, %dma_wait3A_2106] : memref<16x500xf32, #tpu.memory_space<vmem>> -> memref<1x500xf32, #tpu.memory_space<vmem>>
      %dma_wait3A_2108 = tpu.memref_squeeze %dma_wait3A_2107 : memref<1x500xf32, #tpu.memory_space<vmem>> -> memref<500xf32, #tpu.memory_space<vmem>>
      %dma_wait3A_2109 = arith.constant 0 : i32
      %dma_wait3A_2110 = tpu.memref_slice %arg3[%dma_wait3A_2104, %dma_wait3A_2109] : memref<100000x500xf32, #tpu.memory_space<hbm>> -> memref<1x500xf32, #tpu.memory_space<hbm>>
      %dma_wait3A_2111 = tpu.memref_squeeze %dma_wait3A_2110 : memref<1x500xf32, #tpu.memory_space<hbm>> -> memref<500xf32, #tpu.memory_space<hbm>>
      %dma_wait3A_2112 = arith.constant 0 : i32
      %dma_wait3A_2113 = tpu.memref_slice %arg8[%dma_wait3A_2105, %dma_wait3A_2112] : memref<16x500xf32, #tpu.memory_space<vmem>> -> memref<1x500xf32, #tpu.memory_space<vmem>>
      %dma_wait3A_2114 = tpu.memref_squeeze %dma_wait3A_2113 : memref<1x500xf32, #tpu.memory_space<vmem>> -> memref<500xf32, #tpu.memory_space<vmem>>
      %dma_wait3A_2115 = arith.constant 0 : i32
      %dma_wait3A_2116 = tpu.memref_slice %arg3[%dma_wait3A_2104, %dma_wait3A_2115] : memref<100000x500xf32, #tpu.memory_space<hbm>> -> memref<1x500xf32, #tpu.memory_space<hbm>>
      %dma_wait3A_2117 = tpu.memref_squeeze %dma_wait3A_2116 : memref<1x500xf32, #tpu.memory_space<hbm>> -> memref<500xf32, #tpu.memory_space<hbm>>
      tpu.wait_dma2 semaphore(%arg12 : memref<!tpu.dma_semaphore, #tpu.memory_space<semaphore_mem>>) src(%dma_wait3A_2117 : memref<500xf32, #tpu.memory_space<hbm>>) dst(%dma_wait3A_2114 : memref<500xf32, #tpu.memory_space<vmem>>)
      %dma_wait3A_2118 = arith.constant 0 : i32
      %dma_wait3A_2119 = arith.constant 0 : i32
      %dma_wait3A_2120 = arith.constant 0 : i32
      %dma_wait3A_2121 = tpu.memref_slice %arg8[%dma_wait3A_2119, %dma_wait3A_2120] : memref<16x500xf32, #tpu.memory_space<vmem>> -> memref<1x500xf32, #tpu.memory_space<vmem>>
      %dma_wait3A_2122 = tpu.memref_squeeze %dma_wait3A_2121 : memref<1x500xf32, #tpu.memory_space<vmem>> -> memref<500xf32, #tpu.memory_space<vmem>>
      %dma_wait3A_2123 = arith.constant 0 : i32
      %dma_wait3A_2124 = tpu.memref_slice %arg3[%dma_wait3A_2118, %dma_wait3A_2123] : memref<100000x500xf32, #tpu.memory_space<hbm>> -> memref<1x500xf32, #tpu.memory_space<hbm>>
      %dma_wait3A_2125 = tpu.memref_squeeze %dma_wait3A_2124 : memref<1x500xf32, #tpu.memory_space<hbm>> -> memref<500xf32, #tpu.memory_space<hbm>>
      %dma_wait3A_2126 = arith.constant 0 : i32
      %dma_wait3A_2127 = tpu.memref_slice %arg8[%dma_wait3A_2119, %dma_wait3A_2126] : memref<16x500xf32, #tpu.memory_space<vmem>> -> memref<1x500xf32, #tpu.memory_space<vmem>>
      %dma_wait3A_2128 = tpu.memref_squeeze %dma_wait3A_2127 : memref<1x500xf32, #tpu.memory_space<vmem>> -> memref<500xf32, #tpu.memory_space<vmem>>
      %dma_wait3A_2129 = arith.constant 0 : i32
      %dma_wait3A_2130 = tpu.memref_slice %arg3[%dma_wait3A_2118, %dma_wait3A_2129] : memref<100000x500xf32, #tpu.memory_space<hbm>> -> memref<1x500xf32, #tpu.memory_space<hbm>>
      %dma_wait3A_2131 = tpu.memref_squeeze %dma_wait3A_2130 : memref<1x500xf32, #tpu.memory_space<hbm>> -> memref<500xf32, #tpu.memory_space<hbm>>
      tpu.wait_dma2 semaphore(%arg12 : memref<!tpu.dma_semaphore, #tpu.memory_space<semaphore_mem>>) src(%dma_wait3A_2131 : memref<500xf32, #tpu.memory_space<hbm>>) dst(%dma_wait3A_2128 : memref<500xf32, #tpu.memory_space<vmem>>)
      %dma_wait3A_2132 = arith.constant 0 : i32
      %dma_wait3A_2133 = arith.constant 0 : i32
      %dma_wait3A_2134 = arith.constant 0 : i32
      %dma_wait3A_2135 = tpu.memref_slice %arg8[%dma_wait3A_2133, %dma_wait3A_2134] : memref<16x500xf32, #tpu.memory_space<vmem>> -> memref<1x500xf32, #tpu.memory_space<vmem>>
      %dma_wait3A_2136 = tpu.memref_squeeze %dma_wait3A_2135 : memref<1x500xf32, #tpu.memory_space<vmem>> -> memref<500xf32, #tpu.memory_space<vmem>>
      %dma_wait3A_2137 = arith.constant 0 : i32
      %dma_wait3A_2138 = tpu.memref_slice %arg3[%dma_wait3A_2132, %dma_wait3A_2137] : memref<100000x500xf32, #tpu.memory_space<hbm>> -> memref<1x500xf32, #tpu.memory_space<hbm>>
      %dma_wait3A_2139 = tpu.memref_squeeze %dma_wait3A_2138 : memref<1x500xf32, #tpu.memory_space<hbm>> -> memref<500xf32, #tpu.memory_space<hbm>>
      %dma_wait3A_2140 = arith.constant 0 : i32
      %dma_wait3A_2141 = tpu.memref_slice %arg8[%dma_wait3A_2133, %dma_wait3A_2140] : memref<16x500xf32, #tpu.memory_space<vmem>> -> memref<1x500xf32, #tpu.memory_space<vmem>>
      %dma_wait3A_2142 = tpu.memref_squeeze %dma_wait3A_2141 : memref<1x500xf32, #tpu.memory_space<vmem>> -> memref<500xf32, #tpu.memory_space<vmem>>
      %dma_wait3A_2143 = arith.constant 0 : i32
      %dma_wait3A_2144 = tpu.memref_slice %arg3[%dma_wait3A_2132, %dma_wait3A_2143] : memref<100000x500xf32, #tpu.memory_space<hbm>> -> memref<1x500xf32, #tpu.memory_space<hbm>>
      %dma_wait3A_2145 = tpu.memref_squeeze %dma_wait3A_2144 : memref<1x500xf32, #tpu.memory_space<hbm>> -> memref<500xf32, #tpu.memory_space<hbm>>
      tpu.wait_dma2 semaphore(%arg12 : memref<!tpu.dma_semaphore, #tpu.memory_space<semaphore_mem>>) src(%dma_wait3A_2145 : memref<500xf32, #tpu.memory_space<hbm>>) dst(%dma_wait3A_2142 : memref<500xf32, #tpu.memory_space<vmem>>)
      %dma_wait3A_2146 = arith.constant 0 : i32
      %dma_wait3A_2147 = arith.constant 0 : i32
      %dma_wait3A_2148 = arith.constant 0 : i32
      %dma_wait3A_2149 = tpu.memref_slice %arg8[%dma_wait3A_2147, %dma_wait3A_2148] : memref<16x500xf32, #tpu.memory_space<vmem>> -> memref<1x500xf32, #tpu.memory_space<vmem>>
      %dma_wait3A_2150 = tpu.memref_squeeze %dma_wait3A_2149 : memref<1x500xf32, #tpu.memory_space<vmem>> -> memref<500xf32, #tpu.memory_space<vmem>>
      %dma_wait3A_2151 = arith.constant 0 : i32
      %dma_wait3A_2152 = tpu.memref_slice %arg3[%dma_wait3A_2146, %dma_wait3A_2151] : memref<100000x500xf32, #tpu.memory_space<hbm>> -> memref<1x500xf32, #tpu.memory_space<hbm>>
      %dma_wait3A_2153 = tpu.memref_squeeze %dma_wait3A_2152 : memref<1x500xf32, #tpu.memory_space<hbm>> -> memref<500xf32, #tpu.memory_space<hbm>>
      %dma_wait3A_2154 = arith.constant 0 : i32
      %dma_wait3A_2155 = tpu.memref_slice %arg8[%dma_wait3A_2147, %dma_wait3A_2154] : memref<16x500xf32, #tpu.memory_space<vmem>> -> memref<1x500xf32, #tpu.memory_space<vmem>>
      %dma_wait3A_2156 = tpu.memref_squeeze %dma_wait3A_2155 : memref<1x500xf32, #tpu.memory_space<vmem>> -> memref<500xf32, #tpu.memory_space<vmem>>
      %dma_wait3A_2157 = arith.constant 0 : i32
      %dma_wait3A_2158 = tpu.memref_slice %arg3[%dma_wait3A_2146, %dma_wait3A_2157] : memref<100000x500xf32, #tpu.memory_space<hbm>> -> memref<1x500xf32, #tpu.memory_space<hbm>>
      %dma_wait3A_2159 = tpu.memref_squeeze %dma_wait3A_2158 : memref<1x500xf32, #tpu.memory_space<hbm>> -> memref<500xf32, #tpu.memory_space<hbm>>
      tpu.wait_dma2 semaphore(%arg12 : memref<!tpu.dma_semaphore, #tpu.memory_space<semaphore_mem>>) src(%dma_wait3A_2159 : memref<500xf32, #tpu.memory_space<hbm>>) dst(%dma_wait3A_2156 : memref<500xf32, #tpu.memory_space<vmem>>)
      %dma_wait3A_2160 = arith.constant 0 : i32
      %dma_wait3A_2161 = arith.constant 0 : i32
      %dma_wait3A_2162 = arith.constant 0 : i32
      %dma_wait3A_2163 = tpu.memref_slice %arg8[%dma_wait3A_2161, %dma_wait3A_2162] : memref<16x500xf32, #tpu.memory_space<vmem>> -> memref<1x500xf32, #tpu.memory_space<vmem>>
      %dma_wait3A_2164 = tpu.memref_squeeze %dma_wait3A_2163 : memref<1x500xf32, #tpu.memory_space<vmem>> -> memref<500xf32, #tpu.memory_space<vmem>>
      %dma_wait3A_2165 = arith.constant 0 : i32
      %dma_wait3A_2166 = tpu.memref_slice %arg3[%dma_wait3A_2160, %dma_wait3A_2165] : memref<100000x500xf32, #tpu.memory_space<hbm>> -> memref<1x500xf32, #tpu.memory_space<hbm>>
      %dma_wait3A_2167 = tpu.memref_squeeze %dma_wait3A_2166 : memref<1x500xf32, #tpu.memory_space<hbm>> -> memref<500xf32, #tpu.memory_space<hbm>>
      %dma_wait3A_2168 = arith.constant 0 : i32
      %dma_wait3A_2169 = tpu.memref_slice %arg8[%dma_wait3A_2161, %dma_wait3A_2168] : memref<16x500xf32, #tpu.memory_space<vmem>> -> memref<1x500xf32, #tpu.memory_space<vmem>>
      %dma_wait3A_2170 = tpu.memref_squeeze %dma_wait3A_2169 : memref<1x500xf32, #tpu.memory_space<vmem>> -> memref<500xf32, #tpu.memory_space<vmem>>
      %dma_wait3A_2171 = arith.constant 0 : i32
      %dma_wait3A_2172 = tpu.memref_slice %arg3[%dma_wait3A_2160, %dma_wait3A_2171] : memref<100000x500xf32, #tpu.memory_space<hbm>> -> memref<1x500xf32, #tpu.memory_space<hbm>>
      %dma_wait3A_2173 = tpu.memref_squeeze %dma_wait3A_2172 : memref<1x500xf32, #tpu.memory_space<hbm>> -> memref<500xf32, #tpu.memory_space<hbm>>
      tpu.wait_dma2 semaphore(%arg12 : memref<!tpu.dma_semaphore, #tpu.memory_space<semaphore_mem>>) src(%dma_wait3A_2173 : memref<500xf32, #tpu.memory_space<hbm>>) dst(%dma_wait3A_2170 : memref<500xf32, #tpu.memory_space<vmem>>)
      %dma_wait3A_2174 = arith.constant 0 : i32
      %dma_wait3A_2175 = arith.constant 0 : i32
      %dma_wait3A_2176 = arith.constant 0 : i32
      %dma_wait3A_2177 = tpu.memref_slice %arg8[%dma_wait3A_2175, %dma_wait3A_2176] : memref<16x500xf32, #tpu.memory_space<vmem>> -> memref<1x500xf32, #tpu.memory_space<vmem>>
      %dma_wait3A_2178 = tpu.memref_squeeze %dma_wait3A_2177 : memref<1x500xf32, #tpu.memory_space<vmem>> -> memref<500xf32, #tpu.memory_space<vmem>>
      %dma_wait3A_2179 = arith.constant 0 : i32
      %dma_wait3A_2180 = tpu.memref_slice %arg3[%dma_wait3A_2174, %dma_wait3A_2179] : memref<100000x500xf32, #tpu.memory_space<hbm>> -> memref<1x500xf32, #tpu.memory_space<hbm>>
      %dma_wait3A_2181 = tpu.memref_squeeze %dma_wait3A_2180 : memref<1x500xf32, #tpu.memory_space<hbm>> -> memref<500xf32, #tpu.memory_space<hbm>>
      %dma_wait3A_2182 = arith.constant 0 : i32
      %dma_wait3A_2183 = tpu.memref_slice %arg8[%dma_wait3A_2175, %dma_wait3A_2182] : memref<16x500xf32, #tpu.memory_space<vmem>> -> memref<1x500xf32, #tpu.memory_space<vmem>>
      %dma_wait3A_2184 = tpu.memref_squeeze %dma_wait3A_2183 : memref<1x500xf32, #tpu.memory_space<vmem>> -> memref<500xf32, #tpu.memory_space<vmem>>
      %dma_wait3A_2185 = arith.constant 0 : i32
      %dma_wait3A_2186 = tpu.memref_slice %arg3[%dma_wait3A_2174, %dma_wait3A_2185] : memref<100000x500xf32, #tpu.memory_space<hbm>> -> memref<1x500xf32, #tpu.memory_space<hbm>>
      %dma_wait3A_2187 = tpu.memref_squeeze %dma_wait3A_2186 : memref<1x500xf32, #tpu.memory_space<hbm>> -> memref<500xf32, #tpu.memory_space<hbm>>
      tpu.wait_dma2 semaphore(%arg12 : memref<!tpu.dma_semaphore, #tpu.memory_space<semaphore_mem>>) src(%dma_wait3A_2187 : memref<500xf32, #tpu.memory_space<hbm>>) dst(%dma_wait3A_2184 : memref<500xf32, #tpu.memory_space<vmem>>)
      %dma_wait3A_2188 = arith.constant 0 : i32
      %dma_wait3A_2189 = arith.constant 0 : i32
      %dma_wait3A_2190 = arith.constant 0 : i32
      %dma_wait3A_2191 = tpu.memref_slice %arg8[%dma_wait3A_2189, %dma_wait3A_2190] : memref<16x500xf32, #tpu.memory_space<vmem>> -> memref<1x500xf32, #tpu.memory_space<vmem>>
      %dma_wait3A_2192 = tpu.memref_squeeze %dma_wait3A_2191 : memref<1x500xf32, #tpu.memory_space<vmem>> -> memref<500xf32, #tpu.memory_space<vmem>>
      %dma_wait3A_2193 = arith.constant 0 : i32
      %dma_wait3A_2194 = tpu.memref_slice %arg3[%dma_wait3A_2188, %dma_wait3A_2193] : memref<100000x500xf32, #tpu.memory_space<hbm>> -> memref<1x500xf32, #tpu.memory_space<hbm>>
      %dma_wait3A_2195 = tpu.memref_squeeze %dma_wait3A_2194 : memref<1x500xf32, #tpu.memory_space<hbm>> -> memref<500xf32, #tpu.memory_space<hbm>>
      %dma_wait3A_2196 = arith.constant 0 : i32
      %dma_wait3A_2197 = tpu.memref_slice %arg8[%dma_wait3A_2189, %dma_wait3A_2196] : memref<16x500xf32, #tpu.memory_space<vmem>> -> memref<1x500xf32, #tpu.memory_space<vmem>>
      %dma_wait3A_2198 = tpu.memref_squeeze %dma_wait3A_2197 : memref<1x500xf32, #tpu.memory_space<vmem>> -> memref<500xf32, #tpu.memory_space<vmem>>
      %dma_wait3A_2199 = arith.constant 0 : i32
      %dma_wait3A_2200 = tpu.memref_slice %arg3[%dma_wait3A_2188, %dma_wait3A_2199] : memref<100000x500xf32, #tpu.memory_space<hbm>> -> memref<1x500xf32, #tpu.memory_space<hbm>>
      %dma_wait3A_2201 = tpu.memref_squeeze %dma_wait3A_2200 : memref<1x500xf32, #tpu.memory_space<hbm>> -> memref<500xf32, #tpu.memory_space<hbm>>
      tpu.wait_dma2 semaphore(%arg12 : memref<!tpu.dma_semaphore, #tpu.memory_space<semaphore_mem>>) src(%dma_wait3A_2201 : memref<500xf32, #tpu.memory_space<hbm>>) dst(%dma_wait3A_2198 : memref<500xf32, #tpu.memory_space<vmem>>)
      %dma_wait3A_2202 = arith.constant 0 : i32
      %dma_wait3A_2203 = arith.constant 0 : i32
      %dma_wait3A_2204 = arith.constant 0 : i32
      %dma_wait3A_2205 = tpu.memref_slice %arg8[%dma_wait3A_2203, %dma_wait3A_2204] : memref<16x500xf32, #tpu.memory_space<vmem>> -> memref<1x500xf32, #tpu.memory_space<vmem>>
      %dma_wait3A_2206 = tpu.memref_squeeze %dma_wait3A_2205 : memref<1x500xf32, #tpu.memory_space<vmem>> -> memref<500xf32, #tpu.memory_space<vmem>>
      %dma_wait3A_2207 = arith.constant 0 : i32
      %dma_wait3A_2208 = tpu.memref_slice %arg3[%dma_wait3A_2202, %dma_wait3A_2207] : memref<100000x500xf32, #tpu.memory_space<hbm>> -> memref<1x500xf32, #tpu.memory_space<hbm>>
      %dma_wait3A_2209 = tpu.memref_squeeze %dma_wait3A_2208 : memref<1x500xf32, #tpu.memory_space<hbm>> -> memref<500xf32, #tpu.memory_space<hbm>>
      %dma_wait3A_2210 = arith.constant 0 : i32
      %dma_wait3A_2211 = tpu.memref_slice %arg8[%dma_wait3A_2203, %dma_wait3A_2210] : memref<16x500xf32, #tpu.memory_space<vmem>> -> memref<1x500xf32, #tpu.memory_space<vmem>>
      %dma_wait3A_2212 = tpu.memref_squeeze %dma_wait3A_2211 : memref<1x500xf32, #tpu.memory_space<vmem>> -> memref<500xf32, #tpu.memory_space<vmem>>
      %dma_wait3A_2213 = arith.constant 0 : i32
      %dma_wait3A_2214 = tpu.memref_slice %arg3[%dma_wait3A_2202, %dma_wait3A_2213] : memref<100000x500xf32, #tpu.memory_space<hbm>> -> memref<1x500xf32, #tpu.memory_space<hbm>>
      %dma_wait3A_2215 = tpu.memref_squeeze %dma_wait3A_2214 : memref<1x500xf32, #tpu.memory_space<hbm>> -> memref<500xf32, #tpu.memory_space<hbm>>
      tpu.wait_dma2 semaphore(%arg12 : memref<!tpu.dma_semaphore, #tpu.memory_space<semaphore_mem>>) src(%dma_wait3A_2215 : memref<500xf32, #tpu.memory_space<hbm>>) dst(%dma_wait3A_2212 : memref<500xf32, #tpu.memory_space<vmem>>)
      %dma_wait3A_2216 = arith.constant 0 : i32
      %dma_wait3A_2217 = arith.constant 0 : i32
      %dma_wait3A_2218 = arith.constant 0 : i32
      %dma_wait3A_2219 = tpu.memref_slice %arg8[%dma_wait3A_2217, %dma_wait3A_2218] : memref<16x500xf32, #tpu.memory_space<vmem>> -> memref<1x500xf32, #tpu.memory_space<vmem>>
      %dma_wait3A_2220 = tpu.memref_squeeze %dma_wait3A_2219 : memref<1x500xf32, #tpu.memory_space<vmem>> -> memref<500xf32, #tpu.memory_space<vmem>>
      %dma_wait3A_2221 = arith.constant 0 : i32
      %dma_wait3A_2222 = tpu.memref_slice %arg3[%dma_wait3A_2216, %dma_wait3A_2221] : memref<100000x500xf32, #tpu.memory_space<hbm>> -> memref<1x500xf32, #tpu.memory_space<hbm>>
      %dma_wait3A_2223 = tpu.memref_squeeze %dma_wait3A_2222 : memref<1x500xf32, #tpu.memory_space<hbm>> -> memref<500xf32, #tpu.memory_space<hbm>>
      %dma_wait3A_2224 = arith.constant 0 : i32
      %dma_wait3A_2225 = tpu.memref_slice %arg8[%dma_wait3A_2217, %dma_wait3A_2224] : memref<16x500xf32, #tpu.memory_space<vmem>> -> memref<1x500xf32, #tpu.memory_space<vmem>>
      %dma_wait3A_2226 = tpu.memref_squeeze %dma_wait3A_2225 : memref<1x500xf32, #tpu.memory_space<vmem>> -> memref<500xf32, #tpu.memory_space<vmem>>
      %dma_wait3A_2227 = arith.constant 0 : i32
      %dma_wait3A_2228 = tpu.memref_slice %arg3[%dma_wait3A_2216, %dma_wait3A_2227] : memref<100000x500xf32, #tpu.memory_space<hbm>> -> memref<1x500xf32, #tpu.memory_space<hbm>>
      %dma_wait3A_2229 = tpu.memref_squeeze %dma_wait3A_2228 : memref<1x500xf32, #tpu.memory_space<hbm>> -> memref<500xf32, #tpu.memory_space<hbm>>
      tpu.wait_dma2 semaphore(%arg12 : memref<!tpu.dma_semaphore, #tpu.memory_space<semaphore_mem>>) src(%dma_wait3A_2229 : memref<500xf32, #tpu.memory_space<hbm>>) dst(%dma_wait3A_2226 : memref<500xf32, #tpu.memory_space<vmem>>)
      %dma_wait3A_2230 = arith.constant 0 : i32
      %dma_wait3A_2231 = arith.constant 0 : i32
      %dma_wait3A_2232 = arith.constant 0 : i32
      %dma_wait3A_2233 = tpu.memref_slice %arg8[%dma_wait3A_2231, %dma_wait3A_2232] : memref<16x500xf32, #tpu.memory_space<vmem>> -> memref<1x500xf32, #tpu.memory_space<vmem>>
      %dma_wait3A_2234 = tpu.memref_squeeze %dma_wait3A_2233 : memref<1x500xf32, #tpu.memory_space<vmem>> -> memref<500xf32, #tpu.memory_space<vmem>>
      %dma_wait3A_2235 = arith.constant 0 : i32
      %dma_wait3A_2236 = tpu.memref_slice %arg3[%dma_wait3A_2230, %dma_wait3A_2235] : memref<100000x500xf32, #tpu.memory_space<hbm>> -> memref<1x500xf32, #tpu.memory_space<hbm>>
      %dma_wait3A_2237 = tpu.memref_squeeze %dma_wait3A_2236 : memref<1x500xf32, #tpu.memory_space<hbm>> -> memref<500xf32, #tpu.memory_space<hbm>>
      %dma_wait3A_2238 = arith.constant 0 : i32
      %dma_wait3A_2239 = tpu.memref_slice %arg8[%dma_wait3A_2231, %dma_wait3A_2238] : memref<16x500xf32, #tpu.memory_space<vmem>> -> memref<1x500xf32, #tpu.memory_space<vmem>>
      %dma_wait3A_2240 = tpu.memref_squeeze %dma_wait3A_2239 : memref<1x500xf32, #tpu.memory_space<vmem>> -> memref<500xf32, #tpu.memory_space<vmem>>
      %dma_wait3A_2241 = arith.constant 0 : i32
      %dma_wait3A_2242 = tpu.memref_slice %arg3[%dma_wait3A_2230, %dma_wait3A_2241] : memref<100000x500xf32, #tpu.memory_space<hbm>> -> memref<1x500xf32, #tpu.memory_space<hbm>>
      %dma_wait3A_2243 = tpu.memref_squeeze %dma_wait3A_2242 : memref<1x500xf32, #tpu.memory_space<hbm>> -> memref<500xf32, #tpu.memory_space<hbm>>
      tpu.wait_dma2 semaphore(%arg12 : memref<!tpu.dma_semaphore, #tpu.memory_space<semaphore_mem>>) src(%dma_wait3A_2243 : memref<500xf32, #tpu.memory_space<hbm>>) dst(%dma_wait3A_2240 : memref<500xf32, #tpu.memory_space<vmem>>)
      %mul3A_2244 = arith.constant 16 : i32
      %mul3A_2245 = arith.muli %add3A_2019, %mul3A_2244 : i32
      %add3A_2246 = arith.addi %mul3A_2, %mul3A_2245 : i32
      %dma_start3A_2247 = arith.constant 0 : i32
      %dma_start3A_2248 = tpu.memref_slice %arg4[%add3A_2246, %dma_start3A_2247] : memref<204800x500xf32, #tpu.memory_space<hbm>> -> memref<16x500xf32, #tpu.memory_space<hbm>>
      %dma_start3A_2249 = arith.constant 0 : i32
      %dma_start3A_2250 = tpu.memref_slice %arg4[%add3A_2246, %dma_start3A_2249] : memref<204800x500xf32, #tpu.memory_space<hbm>> -> memref<16x500xf32, #tpu.memory_space<hbm>>
      tpu.enqueue_dma source(%arg8 : memref<16x500xf32, #tpu.memory_space<vmem>>) target(%dma_start3A_2250 : memref<16x500xf32, #tpu.memory_space<hbm>>) target_semaphore(%arg16 : memref<!tpu.dma_semaphore, #tpu.memory_space<semaphore_mem>>)
      %mul3A_2251 = arith.constant 4 : i32
      %mul3A_2252 = arith.muli %mul3A_2251, %scan3A_31 : i32
      %add3A_2253 = arith.constant 3 : i32
      %add3A_2254 = arith.addi %mul3A_2252, %add3A_2253 : i32
      %dma_wait3A_2255 = arith.constant 0 : i32
      %dma_wait3A_2256 = arith.constant 0 : i32
      %dma_wait3A_2257 = arith.constant 0 : i32
      %dma_wait3A_2258 = tpu.memref_slice %arg9[%dma_wait3A_2256, %dma_wait3A_2257] : memref<16x500xf32, #tpu.memory_space<vmem>> -> memref<1x500xf32, #tpu.memory_space<vmem>>
      %dma_wait3A_2259 = tpu.memref_squeeze %dma_wait3A_2258 : memref<1x500xf32, #tpu.memory_space<vmem>> -> memref<500xf32, #tpu.memory_space<vmem>>
      %dma_wait3A_2260 = arith.constant 0 : i32
      %dma_wait3A_2261 = tpu.memref_slice %arg3[%dma_wait3A_2255, %dma_wait3A_2260] : memref<100000x500xf32, #tpu.memory_space<hbm>> -> memref<1x500xf32, #tpu.memory_space<hbm>>
      %dma_wait3A_2262 = tpu.memref_squeeze %dma_wait3A_2261 : memref<1x500xf32, #tpu.memory_space<hbm>> -> memref<500xf32, #tpu.memory_space<hbm>>
      %dma_wait3A_2263 = arith.constant 0 : i32
      %dma_wait3A_2264 = tpu.memref_slice %arg9[%dma_wait3A_2256, %dma_wait3A_2263] : memref<16x500xf32, #tpu.memory_space<vmem>> -> memref<1x500xf32, #tpu.memory_space<vmem>>
      %dma_wait3A_2265 = tpu.memref_squeeze %dma_wait3A_2264 : memref<1x500xf32, #tpu.memory_space<vmem>> -> memref<500xf32, #tpu.memory_space<vmem>>
      %dma_wait3A_2266 = arith.constant 0 : i32
      %dma_wait3A_2267 = tpu.memref_slice %arg3[%dma_wait3A_2255, %dma_wait3A_2266] : memref<100000x500xf32, #tpu.memory_space<hbm>> -> memref<1x500xf32, #tpu.memory_space<hbm>>
      %dma_wait3A_2268 = tpu.memref_squeeze %dma_wait3A_2267 : memref<1x500xf32, #tpu.memory_space<hbm>> -> memref<500xf32, #tpu.memory_space<hbm>>
      tpu.wait_dma2 semaphore(%arg13 : memref<!tpu.dma_semaphore, #tpu.memory_space<semaphore_mem>>) src(%dma_wait3A_2268 : memref<500xf32, #tpu.memory_space<hbm>>) dst(%dma_wait3A_2265 : memref<500xf32, #tpu.memory_space<vmem>>)
      %dma_wait3A_2269 = arith.constant 0 : i32
      %dma_wait3A_2270 = arith.constant 0 : i32
      %dma_wait3A_2271 = arith.constant 0 : i32
      %dma_wait3A_2272 = tpu.memref_slice %arg9[%dma_wait3A_2270, %dma_wait3A_2271] : memref<16x500xf32, #tpu.memory_space<vmem>> -> memref<1x500xf32, #tpu.memory_space<vmem>>
      %dma_wait3A_2273 = tpu.memref_squeeze %dma_wait3A_2272 : memref<1x500xf32, #tpu.memory_space<vmem>> -> memref<500xf32, #tpu.memory_space<vmem>>
      %dma_wait3A_2274 = arith.constant 0 : i32
      %dma_wait3A_2275 = tpu.memref_slice %arg3[%dma_wait3A_2269, %dma_wait3A_2274] : memref<100000x500xf32, #tpu.memory_space<hbm>> -> memref<1x500xf32, #tpu.memory_space<hbm>>
      %dma_wait3A_2276 = tpu.memref_squeeze %dma_wait3A_2275 : memref<1x500xf32, #tpu.memory_space<hbm>> -> memref<500xf32, #tpu.memory_space<hbm>>
      %dma_wait3A_2277 = arith.constant 0 : i32
      %dma_wait3A_2278 = tpu.memref_slice %arg9[%dma_wait3A_2270, %dma_wait3A_2277] : memref<16x500xf32, #tpu.memory_space<vmem>> -> memref<1x500xf32, #tpu.memory_space<vmem>>
      %dma_wait3A_2279 = tpu.memref_squeeze %dma_wait3A_2278 : memref<1x500xf32, #tpu.memory_space<vmem>> -> memref<500xf32, #tpu.memory_space<vmem>>
      %dma_wait3A_2280 = arith.constant 0 : i32
      %dma_wait3A_2281 = tpu.memref_slice %arg3[%dma_wait3A_2269, %dma_wait3A_2280] : memref<100000x500xf32, #tpu.memory_space<hbm>> -> memref<1x500xf32, #tpu.memory_space<hbm>>
      %dma_wait3A_2282 = tpu.memref_squeeze %dma_wait3A_2281 : memref<1x500xf32, #tpu.memory_space<hbm>> -> memref<500xf32, #tpu.memory_space<hbm>>
      tpu.wait_dma2 semaphore(%arg13 : memref<!tpu.dma_semaphore, #tpu.memory_space<semaphore_mem>>) src(%dma_wait3A_2282 : memref<500xf32, #tpu.memory_space<hbm>>) dst(%dma_wait3A_2279 : memref<500xf32, #tpu.memory_space<vmem>>)
      %dma_wait3A_2283 = arith.constant 0 : i32
      %dma_wait3A_2284 = arith.constant 0 : i32
      %dma_wait3A_2285 = arith.constant 0 : i32
      %dma_wait3A_2286 = tpu.memref_slice %arg9[%dma_wait3A_2284, %dma_wait3A_2285] : memref<16x500xf32, #tpu.memory_space<vmem>> -> memref<1x500xf32, #tpu.memory_space<vmem>>
      %dma_wait3A_2287 = tpu.memref_squeeze %dma_wait3A_2286 : memref<1x500xf32, #tpu.memory_space<vmem>> -> memref<500xf32, #tpu.memory_space<vmem>>
      %dma_wait3A_2288 = arith.constant 0 : i32
      %dma_wait3A_2289 = tpu.memref_slice %arg3[%dma_wait3A_2283, %dma_wait3A_2288] : memref<100000x500xf32, #tpu.memory_space<hbm>> -> memref<1x500xf32, #tpu.memory_space<hbm>>
      %dma_wait3A_2290 = tpu.memref_squeeze %dma_wait3A_2289 : memref<1x500xf32, #tpu.memory_space<hbm>> -> memref<500xf32, #tpu.memory_space<hbm>>
      %dma_wait3A_2291 = arith.constant 0 : i32
      %dma_wait3A_2292 = tpu.memref_slice %arg9[%dma_wait3A_2284, %dma_wait3A_2291] : memref<16x500xf32, #tpu.memory_space<vmem>> -> memref<1x500xf32, #tpu.memory_space<vmem>>
      %dma_wait3A_2293 = tpu.memref_squeeze %dma_wait3A_2292 : memref<1x500xf32, #tpu.memory_space<vmem>> -> memref<500xf32, #tpu.memory_space<vmem>>
      %dma_wait3A_2294 = arith.constant 0 : i32
      %dma_wait3A_2295 = tpu.memref_slice %arg3[%dma_wait3A_2283, %dma_wait3A_2294] : memref<100000x500xf32, #tpu.memory_space<hbm>> -> memref<1x500xf32, #tpu.memory_space<hbm>>
      %dma_wait3A_2296 = tpu.memref_squeeze %dma_wait3A_2295 : memref<1x500xf32, #tpu.memory_space<hbm>> -> memref<500xf32, #tpu.memory_space<hbm>>
      tpu.wait_dma2 semaphore(%arg13 : memref<!tpu.dma_semaphore, #tpu.memory_space<semaphore_mem>>) src(%dma_wait3A_2296 : memref<500xf32, #tpu.memory_space<hbm>>) dst(%dma_wait3A_2293 : memref<500xf32, #tpu.memory_space<vmem>>)
      %dma_wait3A_2297 = arith.constant 0 : i32
      %dma_wait3A_2298 = arith.constant 0 : i32
      %dma_wait3A_2299 = arith.constant 0 : i32
      %dma_wait3A_2300 = tpu.memref_slice %arg9[%dma_wait3A_2298, %dma_wait3A_2299] : memref<16x500xf32, #tpu.memory_space<vmem>> -> memref<1x500xf32, #tpu.memory_space<vmem>>
      %dma_wait3A_2301 = tpu.memref_squeeze %dma_wait3A_2300 : memref<1x500xf32, #tpu.memory_space<vmem>> -> memref<500xf32, #tpu.memory_space<vmem>>
      %dma_wait3A_2302 = arith.constant 0 : i32
      %dma_wait3A_2303 = tpu.memref_slice %arg3[%dma_wait3A_2297, %dma_wait3A_2302] : memref<100000x500xf32, #tpu.memory_space<hbm>> -> memref<1x500xf32, #tpu.memory_space<hbm>>
      %dma_wait3A_2304 = tpu.memref_squeeze %dma_wait3A_2303 : memref<1x500xf32, #tpu.memory_space<hbm>> -> memref<500xf32, #tpu.memory_space<hbm>>
      %dma_wait3A_2305 = arith.constant 0 : i32
      %dma_wait3A_2306 = tpu.memref_slice %arg9[%dma_wait3A_2298, %dma_wait3A_2305] : memref<16x500xf32, #tpu.memory_space<vmem>> -> memref<1x500xf32, #tpu.memory_space<vmem>>
      %dma_wait3A_2307 = tpu.memref_squeeze %dma_wait3A_2306 : memref<1x500xf32, #tpu.memory_space<vmem>> -> memref<500xf32, #tpu.memory_space<vmem>>
      %dma_wait3A_2308 = arith.constant 0 : i32
      %dma_wait3A_2309 = tpu.memref_slice %arg3[%dma_wait3A_2297, %dma_wait3A_2308] : memref<100000x500xf32, #tpu.memory_space<hbm>> -> memref<1x500xf32, #tpu.memory_space<hbm>>
      %dma_wait3A_2310 = tpu.memref_squeeze %dma_wait3A_2309 : memref<1x500xf32, #tpu.memory_space<hbm>> -> memref<500xf32, #tpu.memory_space<hbm>>
      tpu.wait_dma2 semaphore(%arg13 : memref<!tpu.dma_semaphore, #tpu.memory_space<semaphore_mem>>) src(%dma_wait3A_2310 : memref<500xf32, #tpu.memory_space<hbm>>) dst(%dma_wait3A_2307 : memref<500xf32, #tpu.memory_space<vmem>>)
      %dma_wait3A_2311 = arith.constant 0 : i32
      %dma_wait3A_2312 = arith.constant 0 : i32
      %dma_wait3A_2313 = arith.constant 0 : i32
      %dma_wait3A_2314 = tpu.memref_slice %arg9[%dma_wait3A_2312, %dma_wait3A_2313] : memref<16x500xf32, #tpu.memory_space<vmem>> -> memref<1x500xf32, #tpu.memory_space<vmem>>
      %dma_wait3A_2315 = tpu.memref_squeeze %dma_wait3A_2314 : memref<1x500xf32, #tpu.memory_space<vmem>> -> memref<500xf32, #tpu.memory_space<vmem>>
      %dma_wait3A_2316 = arith.constant 0 : i32
      %dma_wait3A_2317 = tpu.memref_slice %arg3[%dma_wait3A_2311, %dma_wait3A_2316] : memref<100000x500xf32, #tpu.memory_space<hbm>> -> memref<1x500xf32, #tpu.memory_space<hbm>>
      %dma_wait3A_2318 = tpu.memref_squeeze %dma_wait3A_2317 : memref<1x500xf32, #tpu.memory_space<hbm>> -> memref<500xf32, #tpu.memory_space<hbm>>
      %dma_wait3A_2319 = arith.constant 0 : i32
      %dma_wait3A_2320 = tpu.memref_slice %arg9[%dma_wait3A_2312, %dma_wait3A_2319] : memref<16x500xf32, #tpu.memory_space<vmem>> -> memref<1x500xf32, #tpu.memory_space<vmem>>
      %dma_wait3A_2321 = tpu.memref_squeeze %dma_wait3A_2320 : memref<1x500xf32, #tpu.memory_space<vmem>> -> memref<500xf32, #tpu.memory_space<vmem>>
      %dma_wait3A_2322 = arith.constant 0 : i32
      %dma_wait3A_2323 = tpu.memref_slice %arg3[%dma_wait3A_2311, %dma_wait3A_2322] : memref<100000x500xf32, #tpu.memory_space<hbm>> -> memref<1x500xf32, #tpu.memory_space<hbm>>
      %dma_wait3A_2324 = tpu.memref_squeeze %dma_wait3A_2323 : memref<1x500xf32, #tpu.memory_space<hbm>> -> memref<500xf32, #tpu.memory_space<hbm>>
      tpu.wait_dma2 semaphore(%arg13 : memref<!tpu.dma_semaphore, #tpu.memory_space<semaphore_mem>>) src(%dma_wait3A_2324 : memref<500xf32, #tpu.memory_space<hbm>>) dst(%dma_wait3A_2321 : memref<500xf32, #tpu.memory_space<vmem>>)
      %dma_wait3A_2325 = arith.constant 0 : i32
      %dma_wait3A_2326 = arith.constant 0 : i32
      %dma_wait3A_2327 = arith.constant 0 : i32
      %dma_wait3A_2328 = tpu.memref_slice %arg9[%dma_wait3A_2326, %dma_wait3A_2327] : memref<16x500xf32, #tpu.memory_space<vmem>> -> memref<1x500xf32, #tpu.memory_space<vmem>>
      %dma_wait3A_2329 = tpu.memref_squeeze %dma_wait3A_2328 : memref<1x500xf32, #tpu.memory_space<vmem>> -> memref<500xf32, #tpu.memory_space<vmem>>
      %dma_wait3A_2330 = arith.constant 0 : i32
      %dma_wait3A_2331 = tpu.memref_slice %arg3[%dma_wait3A_2325, %dma_wait3A_2330] : memref<100000x500xf32, #tpu.memory_space<hbm>> -> memref<1x500xf32, #tpu.memory_space<hbm>>
      %dma_wait3A_2332 = tpu.memref_squeeze %dma_wait3A_2331 : memref<1x500xf32, #tpu.memory_space<hbm>> -> memref<500xf32, #tpu.memory_space<hbm>>
      %dma_wait3A_2333 = arith.constant 0 : i32
      %dma_wait3A_2334 = tpu.memref_slice %arg9[%dma_wait3A_2326, %dma_wait3A_2333] : memref<16x500xf32, #tpu.memory_space<vmem>> -> memref<1x500xf32, #tpu.memory_space<vmem>>
      %dma_wait3A_2335 = tpu.memref_squeeze %dma_wait3A_2334 : memref<1x500xf32, #tpu.memory_space<vmem>> -> memref<500xf32, #tpu.memory_space<vmem>>
      %dma_wait3A_2336 = arith.constant 0 : i32
      %dma_wait3A_2337 = tpu.memref_slice %arg3[%dma_wait3A_2325, %dma_wait3A_2336] : memref<100000x500xf32, #tpu.memory_space<hbm>> -> memref<1x500xf32, #tpu.memory_space<hbm>>
      %dma_wait3A_2338 = tpu.memref_squeeze %dma_wait3A_2337 : memref<1x500xf32, #tpu.memory_space<hbm>> -> memref<500xf32, #tpu.memory_space<hbm>>
      tpu.wait_dma2 semaphore(%arg13 : memref<!tpu.dma_semaphore, #tpu.memory_space<semaphore_mem>>) src(%dma_wait3A_2338 : memref<500xf32, #tpu.memory_space<hbm>>) dst(%dma_wait3A_2335 : memref<500xf32, #tpu.memory_space<vmem>>)
      %dma_wait3A_2339 = arith.constant 0 : i32
      %dma_wait3A_2340 = arith.constant 0 : i32
      %dma_wait3A_2341 = arith.constant 0 : i32
      %dma_wait3A_2342 = tpu.memref_slice %arg9[%dma_wait3A_2340, %dma_wait3A_2341] : memref<16x500xf32, #tpu.memory_space<vmem>> -> memref<1x500xf32, #tpu.memory_space<vmem>>
      %dma_wait3A_2343 = tpu.memref_squeeze %dma_wait3A_2342 : memref<1x500xf32, #tpu.memory_space<vmem>> -> memref<500xf32, #tpu.memory_space<vmem>>
      %dma_wait3A_2344 = arith.constant 0 : i32
      %dma_wait3A_2345 = tpu.memref_slice %arg3[%dma_wait3A_2339, %dma_wait3A_2344] : memref<100000x500xf32, #tpu.memory_space<hbm>> -> memref<1x500xf32, #tpu.memory_space<hbm>>
      %dma_wait3A_2346 = tpu.memref_squeeze %dma_wait3A_2345 : memref<1x500xf32, #tpu.memory_space<hbm>> -> memref<500xf32, #tpu.memory_space<hbm>>
      %dma_wait3A_2347 = arith.constant 0 : i32
      %dma_wait3A_2348 = tpu.memref_slice %arg9[%dma_wait3A_2340, %dma_wait3A_2347] : memref<16x500xf32, #tpu.memory_space<vmem>> -> memref<1x500xf32, #tpu.memory_space<vmem>>
      %dma_wait3A_2349 = tpu.memref_squeeze %dma_wait3A_2348 : memref<1x500xf32, #tpu.memory_space<vmem>> -> memref<500xf32, #tpu.memory_space<vmem>>
      %dma_wait3A_2350 = arith.constant 0 : i32
      %dma_wait3A_2351 = tpu.memref_slice %arg3[%dma_wait3A_2339, %dma_wait3A_2350] : memref<100000x500xf32, #tpu.memory_space<hbm>> -> memref<1x500xf32, #tpu.memory_space<hbm>>
      %dma_wait3A_2352 = tpu.memref_squeeze %dma_wait3A_2351 : memref<1x500xf32, #tpu.memory_space<hbm>> -> memref<500xf32, #tpu.memory_space<hbm>>
      tpu.wait_dma2 semaphore(%arg13 : memref<!tpu.dma_semaphore, #tpu.memory_space<semaphore_mem>>) src(%dma_wait3A_2352 : memref<500xf32, #tpu.memory_space<hbm>>) dst(%dma_wait3A_2349 : memref<500xf32, #tpu.memory_space<vmem>>)
      %dma_wait3A_2353 = arith.constant 0 : i32
      %dma_wait3A_2354 = arith.constant 0 : i32
      %dma_wait3A_2355 = arith.constant 0 : i32
      %dma_wait3A_2356 = tpu.memref_slice %arg9[%dma_wait3A_2354, %dma_wait3A_2355] : memref<16x500xf32, #tpu.memory_space<vmem>> -> memref<1x500xf32, #tpu.memory_space<vmem>>
      %dma_wait3A_2357 = tpu.memref_squeeze %dma_wait3A_2356 : memref<1x500xf32, #tpu.memory_space<vmem>> -> memref<500xf32, #tpu.memory_space<vmem>>
      %dma_wait3A_2358 = arith.constant 0 : i32
      %dma_wait3A_2359 = tpu.memref_slice %arg3[%dma_wait3A_2353, %dma_wait3A_2358] : memref<100000x500xf32, #tpu.memory_space<hbm>> -> memref<1x500xf32, #tpu.memory_space<hbm>>
      %dma_wait3A_2360 = tpu.memref_squeeze %dma_wait3A_2359 : memref<1x500xf32, #tpu.memory_space<hbm>> -> memref<500xf32, #tpu.memory_space<hbm>>
      %dma_wait3A_2361 = arith.constant 0 : i32
      %dma_wait3A_2362 = tpu.memref_slice %arg9[%dma_wait3A_2354, %dma_wait3A_2361] : memref<16x500xf32, #tpu.memory_space<vmem>> -> memref<1x500xf32, #tpu.memory_space<vmem>>
      %dma_wait3A_2363 = tpu.memref_squeeze %dma_wait3A_2362 : memref<1x500xf32, #tpu.memory_space<vmem>> -> memref<500xf32, #tpu.memory_space<vmem>>
      %dma_wait3A_2364 = arith.constant 0 : i32
      %dma_wait3A_2365 = tpu.memref_slice %arg3[%dma_wait3A_2353, %dma_wait3A_2364] : memref<100000x500xf32, #tpu.memory_space<hbm>> -> memref<1x500xf32, #tpu.memory_space<hbm>>
      %dma_wait3A_2366 = tpu.memref_squeeze %dma_wait3A_2365 : memref<1x500xf32, #tpu.memory_space<hbm>> -> memref<500xf32, #tpu.memory_space<hbm>>
      tpu.wait_dma2 semaphore(%arg13 : memref<!tpu.dma_semaphore, #tpu.memory_space<semaphore_mem>>) src(%dma_wait3A_2366 : memref<500xf32, #tpu.memory_space<hbm>>) dst(%dma_wait3A_2363 : memref<500xf32, #tpu.memory_space<vmem>>)
      %dma_wait3A_2367 = arith.constant 0 : i32
      %dma_wait3A_2368 = arith.constant 0 : i32
      %dma_wait3A_2369 = arith.constant 0 : i32
      %dma_wait3A_2370 = tpu.memref_slice %arg9[%dma_wait3A_2368, %dma_wait3A_2369] : memref<16x500xf32, #tpu.memory_space<vmem>> -> memref<1x500xf32, #tpu.memory_space<vmem>>
      %dma_wait3A_2371 = tpu.memref_squeeze %dma_wait3A_2370 : memref<1x500xf32, #tpu.memory_space<vmem>> -> memref<500xf32, #tpu.memory_space<vmem>>
      %dma_wait3A_2372 = arith.constant 0 : i32
      %dma_wait3A_2373 = tpu.memref_slice %arg3[%dma_wait3A_2367, %dma_wait3A_2372] : memref<100000x500xf32, #tpu.memory_space<hbm>> -> memref<1x500xf32, #tpu.memory_space<hbm>>
      %dma_wait3A_2374 = tpu.memref_squeeze %dma_wait3A_2373 : memref<1x500xf32, #tpu.memory_space<hbm>> -> memref<500xf32, #tpu.memory_space<hbm>>
      %dma_wait3A_2375 = arith.constant 0 : i32
      %dma_wait3A_2376 = tpu.memref_slice %arg9[%dma_wait3A_2368, %dma_wait3A_2375] : memref<16x500xf32, #tpu.memory_space<vmem>> -> memref<1x500xf32, #tpu.memory_space<vmem>>
      %dma_wait3A_2377 = tpu.memref_squeeze %dma_wait3A_2376 : memref<1x500xf32, #tpu.memory_space<vmem>> -> memref<500xf32, #tpu.memory_space<vmem>>
      %dma_wait3A_2378 = arith.constant 0 : i32
      %dma_wait3A_2379 = tpu.memref_slice %arg3[%dma_wait3A_2367, %dma_wait3A_2378] : memref<100000x500xf32, #tpu.memory_space<hbm>> -> memref<1x500xf32, #tpu.memory_space<hbm>>
      %dma_wait3A_2380 = tpu.memref_squeeze %dma_wait3A_2379 : memref<1x500xf32, #tpu.memory_space<hbm>> -> memref<500xf32, #tpu.memory_space<hbm>>
      tpu.wait_dma2 semaphore(%arg13 : memref<!tpu.dma_semaphore, #tpu.memory_space<semaphore_mem>>) src(%dma_wait3A_2380 : memref<500xf32, #tpu.memory_space<hbm>>) dst(%dma_wait3A_2377 : memref<500xf32, #tpu.memory_space<vmem>>)
      %dma_wait3A_2381 = arith.constant 0 : i32
      %dma_wait3A_2382 = arith.constant 0 : i32
      %dma_wait3A_2383 = arith.constant 0 : i32
      %dma_wait3A_2384 = tpu.memref_slice %arg9[%dma_wait3A_2382, %dma_wait3A_2383] : memref<16x500xf32, #tpu.memory_space<vmem>> -> memref<1x500xf32, #tpu.memory_space<vmem>>
      %dma_wait3A_2385 = tpu.memref_squeeze %dma_wait3A_2384 : memref<1x500xf32, #tpu.memory_space<vmem>> -> memref<500xf32, #tpu.memory_space<vmem>>
      %dma_wait3A_2386 = arith.constant 0 : i32
      %dma_wait3A_2387 = tpu.memref_slice %arg3[%dma_wait3A_2381, %dma_wait3A_2386] : memref<100000x500xf32, #tpu.memory_space<hbm>> -> memref<1x500xf32, #tpu.memory_space<hbm>>
      %dma_wait3A_2388 = tpu.memref_squeeze %dma_wait3A_2387 : memref<1x500xf32, #tpu.memory_space<hbm>> -> memref<500xf32, #tpu.memory_space<hbm>>
      %dma_wait3A_2389 = arith.constant 0 : i32
      %dma_wait3A_2390 = tpu.memref_slice %arg9[%dma_wait3A_2382, %dma_wait3A_2389] : memref<16x500xf32, #tpu.memory_space<vmem>> -> memref<1x500xf32, #tpu.memory_space<vmem>>
      %dma_wait3A_2391 = tpu.memref_squeeze %dma_wait3A_2390 : memref<1x500xf32, #tpu.memory_space<vmem>> -> memref<500xf32, #tpu.memory_space<vmem>>
      %dma_wait3A_2392 = arith.constant 0 : i32
      %dma_wait3A_2393 = tpu.memref_slice %arg3[%dma_wait3A_2381, %dma_wait3A_2392] : memref<100000x500xf32, #tpu.memory_space<hbm>> -> memref<1x500xf32, #tpu.memory_space<hbm>>
      %dma_wait3A_2394 = tpu.memref_squeeze %dma_wait3A_2393 : memref<1x500xf32, #tpu.memory_space<hbm>> -> memref<500xf32, #tpu.memory_space<hbm>>
      tpu.wait_dma2 semaphore(%arg13 : memref<!tpu.dma_semaphore, #tpu.memory_space<semaphore_mem>>) src(%dma_wait3A_2394 : memref<500xf32, #tpu.memory_space<hbm>>) dst(%dma_wait3A_2391 : memref<500xf32, #tpu.memory_space<vmem>>)
      %dma_wait3A_2395 = arith.constant 0 : i32
      %dma_wait3A_2396 = arith.constant 0 : i32
      %dma_wait3A_2397 = arith.constant 0 : i32
      %dma_wait3A_2398 = tpu.memref_slice %arg9[%dma_wait3A_2396, %dma_wait3A_2397] : memref<16x500xf32, #tpu.memory_space<vmem>> -> memref<1x500xf32, #tpu.memory_space<vmem>>
      %dma_wait3A_2399 = tpu.memref_squeeze %dma_wait3A_2398 : memref<1x500xf32, #tpu.memory_space<vmem>> -> memref<500xf32, #tpu.memory_space<vmem>>
      %dma_wait3A_2400 = arith.constant 0 : i32
      %dma_wait3A_2401 = tpu.memref_slice %arg3[%dma_wait3A_2395, %dma_wait3A_2400] : memref<100000x500xf32, #tpu.memory_space<hbm>> -> memref<1x500xf32, #tpu.memory_space<hbm>>
      %dma_wait3A_2402 = tpu.memref_squeeze %dma_wait3A_2401 : memref<1x500xf32, #tpu.memory_space<hbm>> -> memref<500xf32, #tpu.memory_space<hbm>>
      %dma_wait3A_2403 = arith.constant 0 : i32
      %dma_wait3A_2404 = tpu.memref_slice %arg9[%dma_wait3A_2396, %dma_wait3A_2403] : memref<16x500xf32, #tpu.memory_space<vmem>> -> memref<1x500xf32, #tpu.memory_space<vmem>>
      %dma_wait3A_2405 = tpu.memref_squeeze %dma_wait3A_2404 : memref<1x500xf32, #tpu.memory_space<vmem>> -> memref<500xf32, #tpu.memory_space<vmem>>
      %dma_wait3A_2406 = arith.constant 0 : i32
      %dma_wait3A_2407 = tpu.memref_slice %arg3[%dma_wait3A_2395, %dma_wait3A_2406] : memref<100000x500xf32, #tpu.memory_space<hbm>> -> memref<1x500xf32, #tpu.memory_space<hbm>>
      %dma_wait3A_2408 = tpu.memref_squeeze %dma_wait3A_2407 : memref<1x500xf32, #tpu.memory_space<hbm>> -> memref<500xf32, #tpu.memory_space<hbm>>
      tpu.wait_dma2 semaphore(%arg13 : memref<!tpu.dma_semaphore, #tpu.memory_space<semaphore_mem>>) src(%dma_wait3A_2408 : memref<500xf32, #tpu.memory_space<hbm>>) dst(%dma_wait3A_2405 : memref<500xf32, #tpu.memory_space<vmem>>)
      %dma_wait3A_2409 = arith.constant 0 : i32
      %dma_wait3A_2410 = arith.constant 0 : i32
      %dma_wait3A_2411 = arith.constant 0 : i32
      %dma_wait3A_2412 = tpu.memref_slice %arg9[%dma_wait3A_2410, %dma_wait3A_2411] : memref<16x500xf32, #tpu.memory_space<vmem>> -> memref<1x500xf32, #tpu.memory_space<vmem>>
      %dma_wait3A_2413 = tpu.memref_squeeze %dma_wait3A_2412 : memref<1x500xf32, #tpu.memory_space<vmem>> -> memref<500xf32, #tpu.memory_space<vmem>>
      %dma_wait3A_2414 = arith.constant 0 : i32
      %dma_wait3A_2415 = tpu.memref_slice %arg3[%dma_wait3A_2409, %dma_wait3A_2414] : memref<100000x500xf32, #tpu.memory_space<hbm>> -> memref<1x500xf32, #tpu.memory_space<hbm>>
      %dma_wait3A_2416 = tpu.memref_squeeze %dma_wait3A_2415 : memref<1x500xf32, #tpu.memory_space<hbm>> -> memref<500xf32, #tpu.memory_space<hbm>>
      %dma_wait3A_2417 = arith.constant 0 : i32
      %dma_wait3A_2418 = tpu.memref_slice %arg9[%dma_wait3A_2410, %dma_wait3A_2417] : memref<16x500xf32, #tpu.memory_space<vmem>> -> memref<1x500xf32, #tpu.memory_space<vmem>>
      %dma_wait3A_2419 = tpu.memref_squeeze %dma_wait3A_2418 : memref<1x500xf32, #tpu.memory_space<vmem>> -> memref<500xf32, #tpu.memory_space<vmem>>
      %dma_wait3A_2420 = arith.constant 0 : i32
      %dma_wait3A_2421 = tpu.memref_slice %arg3[%dma_wait3A_2409, %dma_wait3A_2420] : memref<100000x500xf32, #tpu.memory_space<hbm>> -> memref<1x500xf32, #tpu.memory_space<hbm>>
      %dma_wait3A_2422 = tpu.memref_squeeze %dma_wait3A_2421 : memref<1x500xf32, #tpu.memory_space<hbm>> -> memref<500xf32, #tpu.memory_space<hbm>>
      tpu.wait_dma2 semaphore(%arg13 : memref<!tpu.dma_semaphore, #tpu.memory_space<semaphore_mem>>) src(%dma_wait3A_2422 : memref<500xf32, #tpu.memory_space<hbm>>) dst(%dma_wait3A_2419 : memref<500xf32, #tpu.memory_space<vmem>>)
      %dma_wait3A_2423 = arith.constant 0 : i32
      %dma_wait3A_2424 = arith.constant 0 : i32
      %dma_wait3A_2425 = arith.constant 0 : i32
      %dma_wait3A_2426 = tpu.memref_slice %arg9[%dma_wait3A_2424, %dma_wait3A_2425] : memref<16x500xf32, #tpu.memory_space<vmem>> -> memref<1x500xf32, #tpu.memory_space<vmem>>
      %dma_wait3A_2427 = tpu.memref_squeeze %dma_wait3A_2426 : memref<1x500xf32, #tpu.memory_space<vmem>> -> memref<500xf32, #tpu.memory_space<vmem>>
      %dma_wait3A_2428 = arith.constant 0 : i32
      %dma_wait3A_2429 = tpu.memref_slice %arg3[%dma_wait3A_2423, %dma_wait3A_2428] : memref<100000x500xf32, #tpu.memory_space<hbm>> -> memref<1x500xf32, #tpu.memory_space<hbm>>
      %dma_wait3A_2430 = tpu.memref_squeeze %dma_wait3A_2429 : memref<1x500xf32, #tpu.memory_space<hbm>> -> memref<500xf32, #tpu.memory_space<hbm>>
      %dma_wait3A_2431 = arith.constant 0 : i32
      %dma_wait3A_2432 = tpu.memref_slice %arg9[%dma_wait3A_2424, %dma_wait3A_2431] : memref<16x500xf32, #tpu.memory_space<vmem>> -> memref<1x500xf32, #tpu.memory_space<vmem>>
      %dma_wait3A_2433 = tpu.memref_squeeze %dma_wait3A_2432 : memref<1x500xf32, #tpu.memory_space<vmem>> -> memref<500xf32, #tpu.memory_space<vmem>>
      %dma_wait3A_2434 = arith.constant 0 : i32
      %dma_wait3A_2435 = tpu.memref_slice %arg3[%dma_wait3A_2423, %dma_wait3A_2434] : memref<100000x500xf32, #tpu.memory_space<hbm>> -> memref<1x500xf32, #tpu.memory_space<hbm>>
      %dma_wait3A_2436 = tpu.memref_squeeze %dma_wait3A_2435 : memref<1x500xf32, #tpu.memory_space<hbm>> -> memref<500xf32, #tpu.memory_space<hbm>>
      tpu.wait_dma2 semaphore(%arg13 : memref<!tpu.dma_semaphore, #tpu.memory_space<semaphore_mem>>) src(%dma_wait3A_2436 : memref<500xf32, #tpu.memory_space<hbm>>) dst(%dma_wait3A_2433 : memref<500xf32, #tpu.memory_space<vmem>>)
      %dma_wait3A_2437 = arith.constant 0 : i32
      %dma_wait3A_2438 = arith.constant 0 : i32
      %dma_wait3A_2439 = arith.constant 0 : i32
      %dma_wait3A_2440 = tpu.memref_slice %arg9[%dma_wait3A_2438, %dma_wait3A_2439] : memref<16x500xf32, #tpu.memory_space<vmem>> -> memref<1x500xf32, #tpu.memory_space<vmem>>
      %dma_wait3A_2441 = tpu.memref_squeeze %dma_wait3A_2440 : memref<1x500xf32, #tpu.memory_space<vmem>> -> memref<500xf32, #tpu.memory_space<vmem>>
      %dma_wait3A_2442 = arith.constant 0 : i32
      %dma_wait3A_2443 = tpu.memref_slice %arg3[%dma_wait3A_2437, %dma_wait3A_2442] : memref<100000x500xf32, #tpu.memory_space<hbm>> -> memref<1x500xf32, #tpu.memory_space<hbm>>
      %dma_wait3A_2444 = tpu.memref_squeeze %dma_wait3A_2443 : memref<1x500xf32, #tpu.memory_space<hbm>> -> memref<500xf32, #tpu.memory_space<hbm>>
      %dma_wait3A_2445 = arith.constant 0 : i32
      %dma_wait3A_2446 = tpu.memref_slice %arg9[%dma_wait3A_2438, %dma_wait3A_2445] : memref<16x500xf32, #tpu.memory_space<vmem>> -> memref<1x500xf32, #tpu.memory_space<vmem>>
      %dma_wait3A_2447 = tpu.memref_squeeze %dma_wait3A_2446 : memref<1x500xf32, #tpu.memory_space<vmem>> -> memref<500xf32, #tpu.memory_space<vmem>>
      %dma_wait3A_2448 = arith.constant 0 : i32
      %dma_wait3A_2449 = tpu.memref_slice %arg3[%dma_wait3A_2437, %dma_wait3A_2448] : memref<100000x500xf32, #tpu.memory_space<hbm>> -> memref<1x500xf32, #tpu.memory_space<hbm>>
      %dma_wait3A_2450 = tpu.memref_squeeze %dma_wait3A_2449 : memref<1x500xf32, #tpu.memory_space<hbm>> -> memref<500xf32, #tpu.memory_space<hbm>>
      tpu.wait_dma2 semaphore(%arg13 : memref<!tpu.dma_semaphore, #tpu.memory_space<semaphore_mem>>) src(%dma_wait3A_2450 : memref<500xf32, #tpu.memory_space<hbm>>) dst(%dma_wait3A_2447 : memref<500xf32, #tpu.memory_space<vmem>>)
      %dma_wait3A_2451 = arith.constant 0 : i32
      %dma_wait3A_2452 = arith.constant 0 : i32
      %dma_wait3A_2453 = arith.constant 0 : i32
      %dma_wait3A_2454 = tpu.memref_slice %arg9[%dma_wait3A_2452, %dma_wait3A_2453] : memref<16x500xf32, #tpu.memory_space<vmem>> -> memref<1x500xf32, #tpu.memory_space<vmem>>
      %dma_wait3A_2455 = tpu.memref_squeeze %dma_wait3A_2454 : memref<1x500xf32, #tpu.memory_space<vmem>> -> memref<500xf32, #tpu.memory_space<vmem>>
      %dma_wait3A_2456 = arith.constant 0 : i32
      %dma_wait3A_2457 = tpu.memref_slice %arg3[%dma_wait3A_2451, %dma_wait3A_2456] : memref<100000x500xf32, #tpu.memory_space<hbm>> -> memref<1x500xf32, #tpu.memory_space<hbm>>
      %dma_wait3A_2458 = tpu.memref_squeeze %dma_wait3A_2457 : memref<1x500xf32, #tpu.memory_space<hbm>> -> memref<500xf32, #tpu.memory_space<hbm>>
      %dma_wait3A_2459 = arith.constant 0 : i32
      %dma_wait3A_2460 = tpu.memref_slice %arg9[%dma_wait3A_2452, %dma_wait3A_2459] : memref<16x500xf32, #tpu.memory_space<vmem>> -> memref<1x500xf32, #tpu.memory_space<vmem>>
      %dma_wait3A_2461 = tpu.memref_squeeze %dma_wait3A_2460 : memref<1x500xf32, #tpu.memory_space<vmem>> -> memref<500xf32, #tpu.memory_space<vmem>>
      %dma_wait3A_2462 = arith.constant 0 : i32
      %dma_wait3A_2463 = tpu.memref_slice %arg3[%dma_wait3A_2451, %dma_wait3A_2462] : memref<100000x500xf32, #tpu.memory_space<hbm>> -> memref<1x500xf32, #tpu.memory_space<hbm>>
      %dma_wait3A_2464 = tpu.memref_squeeze %dma_wait3A_2463 : memref<1x500xf32, #tpu.memory_space<hbm>> -> memref<500xf32, #tpu.memory_space<hbm>>
      tpu.wait_dma2 semaphore(%arg13 : memref<!tpu.dma_semaphore, #tpu.memory_space<semaphore_mem>>) src(%dma_wait3A_2464 : memref<500xf32, #tpu.memory_space<hbm>>) dst(%dma_wait3A_2461 : memref<500xf32, #tpu.memory_space<vmem>>)
      %dma_wait3A_2465 = arith.constant 0 : i32
      %dma_wait3A_2466 = arith.constant 0 : i32
      %dma_wait3A_2467 = arith.constant 0 : i32
      %dma_wait3A_2468 = tpu.memref_slice %arg9[%dma_wait3A_2466, %dma_wait3A_2467] : memref<16x500xf32, #tpu.memory_space<vmem>> -> memref<1x500xf32, #tpu.memory_space<vmem>>
      %dma_wait3A_2469 = tpu.memref_squeeze %dma_wait3A_2468 : memref<1x500xf32, #tpu.memory_space<vmem>> -> memref<500xf32, #tpu.memory_space<vmem>>
      %dma_wait3A_2470 = arith.constant 0 : i32
      %dma_wait3A_2471 = tpu.memref_slice %arg3[%dma_wait3A_2465, %dma_wait3A_2470] : memref<100000x500xf32, #tpu.memory_space<hbm>> -> memref<1x500xf32, #tpu.memory_space<hbm>>
      %dma_wait3A_2472 = tpu.memref_squeeze %dma_wait3A_2471 : memref<1x500xf32, #tpu.memory_space<hbm>> -> memref<500xf32, #tpu.memory_space<hbm>>
      %dma_wait3A_2473 = arith.constant 0 : i32
      %dma_wait3A_2474 = tpu.memref_slice %arg9[%dma_wait3A_2466, %dma_wait3A_2473] : memref<16x500xf32, #tpu.memory_space<vmem>> -> memref<1x500xf32, #tpu.memory_space<vmem>>
      %dma_wait3A_2475 = tpu.memref_squeeze %dma_wait3A_2474 : memref<1x500xf32, #tpu.memory_space<vmem>> -> memref<500xf32, #tpu.memory_space<vmem>>
      %dma_wait3A_2476 = arith.constant 0 : i32
      %dma_wait3A_2477 = tpu.memref_slice %arg3[%dma_wait3A_2465, %dma_wait3A_2476] : memref<100000x500xf32, #tpu.memory_space<hbm>> -> memref<1x500xf32, #tpu.memory_space<hbm>>
      %dma_wait3A_2478 = tpu.memref_squeeze %dma_wait3A_2477 : memref<1x500xf32, #tpu.memory_space<hbm>> -> memref<500xf32, #tpu.memory_space<hbm>>
      tpu.wait_dma2 semaphore(%arg13 : memref<!tpu.dma_semaphore, #tpu.memory_space<semaphore_mem>>) src(%dma_wait3A_2478 : memref<500xf32, #tpu.memory_space<hbm>>) dst(%dma_wait3A_2475 : memref<500xf32, #tpu.memory_space<vmem>>)
      %mul3A_2479 = arith.constant 16 : i32
      %mul3A_2480 = arith.muli %add3A_2254, %mul3A_2479 : i32
      %add3A_2481 = arith.addi %mul3A_2, %mul3A_2480 : i32
      %dma_start3A_2482 = arith.constant 0 : i32
      %dma_start3A_2483 = tpu.memref_slice %arg4[%add3A_2481, %dma_start3A_2482] : memref<204800x500xf32, #tpu.memory_space<hbm>> -> memref<16x500xf32, #tpu.memory_space<hbm>>
      %dma_start3A_2484 = arith.constant 0 : i32
      %dma_start3A_2485 = tpu.memref_slice %arg4[%add3A_2481, %dma_start3A_2484] : memref<204800x500xf32, #tpu.memory_space<hbm>> -> memref<16x500xf32, #tpu.memory_space<hbm>>
      tpu.enqueue_dma source(%arg9 : memref<16x500xf32, #tpu.memory_space<vmem>>) target(%dma_start3A_2485 : memref<16x500xf32, #tpu.memory_space<hbm>>) target_semaphore(%arg17 : memref<!tpu.dma_semaphore, #tpu.memory_space<semaphore_mem>>)
    }
    %scan3A_7 = arith.constant 100 : i32
    %dma_wait3A = arith.constant 0 : i32
    %dma_wait3A_8 = arith.constant 0 : i32
    %dma_wait3A_9 = tpu.memref_slice %arg4[%dma_wait3A, %dma_wait3A_8] : memref<204800x500xf32, #tpu.memory_space<hbm>> -> memref<16x500xf32, #tpu.memory_space<hbm>>
    %dma_wait3A_10 = arith.constant 0 : i32
    %dma_wait3A_11 = arith.constant 0 : i32
    %dma_wait3A_12 = tpu.memref_slice %arg4[%dma_wait3A_10, %dma_wait3A_11] : memref<204800x500xf32, #tpu.memory_space<hbm>> -> memref<16x500xf32, #tpu.memory_space<hbm>>
    tpu.wait_dma2 semaphore(%arg14 : memref<!tpu.dma_semaphore, #tpu.memory_space<semaphore_mem>>) src(%arg6 : memref<16x500xf32, #tpu.memory_space<vmem>>) dst(%dma_wait3A_12 : memref<16x500xf32, #tpu.memory_space<hbm>>)
    %dma_wait3A_13 = arith.constant 0 : i32
    %dma_wait3A_14 = arith.constant 0 : i32
    %dma_wait3A_15 = tpu.memref_slice %arg4[%dma_wait3A_13, %dma_wait3A_14] : memref<204800x500xf32, #tpu.memory_space<hbm>> -> memref<16x500xf32, #tpu.memory_space<hbm>>
    %dma_wait3A_16 = arith.constant 0 : i32
    %dma_wait3A_17 = arith.constant 0 : i32
    %dma_wait3A_18 = tpu.memref_slice %arg4[%dma_wait3A_16, %dma_wait3A_17] : memref<204800x500xf32, #tpu.memory_space<hbm>> -> memref<16x500xf32, #tpu.memory_space<hbm>>
    tpu.wait_dma2 semaphore(%arg15 : memref<!tpu.dma_semaphore, #tpu.memory_space<semaphore_mem>>) src(%arg7 : memref<16x500xf32, #tpu.memory_space<vmem>>) dst(%dma_wait3A_18 : memref<16x500xf32, #tpu.memory_space<hbm>>)
    %dma_wait3A_19 = arith.constant 0 : i32
    %dma_wait3A_20 = arith.constant 0 : i32
    %dma_wait3A_21 = tpu.memref_slice %arg4[%dma_wait3A_19, %dma_wait3A_20] : memref<204800x500xf32, #tpu.memory_space<hbm>> -> memref<16x500xf32, #tpu.memory_space<hbm>>
    %dma_wait3A_22 = arith.constant 0 : i32
    %dma_wait3A_23 = arith.constant 0 : i32
    %dma_wait3A_24 = tpu.memref_slice %arg4[%dma_wait3A_22, %dma_wait3A_23] : memref<204800x500xf32, #tpu.memory_space<hbm>> -> memref<16x500xf32, #tpu.memory_space<hbm>>
    tpu.wait_dma2 semaphore(%arg16 : memref<!tpu.dma_semaphore, #tpu.memory_space<semaphore_mem>>) src(%arg8 : memref<16x500xf32, #tpu.memory_space<vmem>>) dst(%dma_wait3A_24 : memref<16x500xf32, #tpu.memory_space<hbm>>)
    %dma_wait3A_25 = arith.constant 0 : i32
    %dma_wait3A_26 = arith.constant 0 : i32
    %dma_wait3A_27 = tpu.memref_slice %arg4[%dma_wait3A_25, %dma_wait3A_26] : memref<204800x500xf32, #tpu.memory_space<hbm>> -> memref<16x500xf32, #tpu.memory_space<hbm>>
    %dma_wait3A_28 = arith.constant 0 : i32
    %dma_wait3A_29 = arith.constant 0 : i32
    %dma_wait3A_30 = tpu.memref_slice %arg4[%dma_wait3A_28, %dma_wait3A_29] : memref<204800x500xf32, #tpu.memory_space<hbm>> -> memref<16x500xf32, #tpu.memory_space<hbm>>
    tpu.wait_dma2 semaphore(%arg17 : memref<!tpu.dma_semaphore, #tpu.memory_space<semaphore_mem>>) src(%arg9 : memref<16x500xf32, #tpu.memory_space<vmem>>) dst(%dma_wait3A_30 : memref<16x500xf32, #tpu.memory_space<hbm>>)
    return
  }
}

</mosaic_0001>

<sc_bundles>
// kernel: kernel.3.cloned.1.call-start
scs
__scs_entry_jumppad:
0x0: {  	(pc) =	sbr.rel $0x88, $3  }
0x1: {  	(tag) =	ssettag $0x0;
	lr =	simm.s32 $0x1  }
0x2: {  	[smem:$0x3F9F] =	sst lr;
	_ =	strace $0xD0000000  }
0x3: {  	_ = 	snop  }
0x4: {  	_ = 	snop  }
0x5: {  	_ = 	snop  }
0x6: {  	_ = 	snop  }
0x7: {  	_ = 	snop  }
__scs_overlays_trampoline_lowered:
0x8: {  	[smem:$0x3FAE] =	sst s0  }
0x9: {  	[smem:$0x3FAF] =	sst s1  }
0xa: {  	[smem:$0x3FB0] =	sst s2  }
0xb: {  	[smem:$0x3FB1] =	sst s3  }
0xc: {  	[smem:$0x3FB2] =	sst s4  }
0xd: {  	[smem:$0x3FB3] =	sst s5  }
0xe: {  	[smem:$0x3FB4] =	sst s6  }
0xf: {  	[smem:$0x3FB5] =	sst s7  }
0x10: {  	[smem:$0x3FB6] =	sst s8  }
0x11: {  	[smem:$0x3FB7] =	sst s9;
	s0 =	simm.s32 @!p0 $0x0  }
0x12: {  	s1 =	sld [smem:$0x3F9D];
	s0 =	simm.s32 @p0 $0x1  }
0x13: {  	[smem:$0x3FB8] =	sst s0;
	s0 =	simm.s32 @!p1 $0x0  }
0x14: {  	s2 =	sld [smem:$0x3F9C];
	s0 =	simm.s32 @p1 $0x1  }
0x15: {  	[smem:$0x3FB9] =	sst s0;
	s0 =	simm.s32 @!p2 $0x0  }
0x16: {  	s3 =	sld [smem:$0x3FDB];
	s0 =	simm.s32 @p2 $0x1  }
0x17: {  	s4 =	simm.s32 $0x1BF5;
	[smem:$0x3FBB] =	sst s0  }
0x18: {  	s0 =	sld [smem:$0x3F9E];
	_ =	swait.ge [sflag:s4], $0x0  }
0x19: {  	s7 =	sld [smem:$0x3F9F]  }
0x1a: {  	s8 =	sadd.s32 $0xFFFFE003, lr  }
0x1b: {  	s9 =	sadd.s32 $0xFFFFFEF7, lr;
	s5 =	simm.s32 $0xFFFFFFFF;
	p2 =	slt.u32 s8, $0xFFFFF086  }
0x1c: {  	p1 =	slt.u32 s9, $0xF7A;
	s5 =	simm.s32 @!p2 $0x0  }
0x1d: {  	s5 =	simm.s32 @p1 $0x1;
	p0 =	seq.s32 s7, s2  }
0x1e: {  	s7 =	smul.u32 @!p0 $0xF7A, s2;
	p2 =	seq.s32 @!p0 s5, $0x0  }
0x1f: {  	s9 =	smul.u32 $0xF7A, s1;
	s8 =	simm.s32 @!p0 $0x1BF5;
	p2 =	por !p2, p0  }
0x20: {  	[sflag:s8] =	ssyncset.s32 @!p0 $0xFFFFF086;
	s6 =	sadd.s32 @!p0 s3, s7;
	s7 =	simm.s32 @!p0 $0x108  }
0x21: {  	s3 =	sadd.s32 s3, s9;
	s6 =	sadd.s32 @!p0 $0x88, s6;
	s7 =	simm.s32 @p2 $0x1082  }
0x22: {  	[simem:s7], [sflag:s8] =	dma.local @!p0 [hbm:s6], $0xF7A  }
0x23: {  	s9 =	sor.u32 $0xD0000000, s2;
	s6 =	simm.s32 $0x108;
	_ =	swait.ge @!p0 [sflag:s8], $0x0  }
0x24: {  	s3 =	sadd.s32 $0x88, s3;
	s6 =	simm.s32 @!p1 $0x1082;
	[sflag:s4] =	ssyncset.s32 $0xFFFFF086  }
0x25: {  	[simem:s6], [sflag:s4] =	dma.local [hbm:s3], $0xF7A  }
0x26: {  	[smem:$0x3F9F] =	sst s1;
	(tag) =	ssettag s2;
	_ =	strace s9  }
0x27: {  	s1 =	sld [smem:$0x3FAF]  }
0x28: {  	s2 =	sld [smem:$0x3FB0]  }
0x29: {  	s4 =	sld [smem:$0x3FB2]  }
0x2a: {  	p0 =	seq.s32 s5, $0x0;
	s5 =	sld [smem:$0x3FB3]  }
0x2b: {  	s6 =	sld [smem:$0x3FB4]  }
0x2c: {  	s7 =	sld [smem:$0x3FB5]  }
0x2d: {  	s3 =	simm.s32 $0x108;
	s8 =	sld [smem:$0x3FB6]  }
0x2e: {  	s3 =	simm.s32 @!p0 $0x1082;
	s9 =	sld [smem:$0x3FB7]  }
0x2f: {  	lr =	sadd.s32 s0, s3;
	s0 =	sld [smem:$0x3FAE]  }
0x30: {  	s3 =	sld [smem:$0x3FB1]  }
0x31: {  	[smem:$0x3FBA] =	sst s10  }
0x32: {  	s10 =	sld [smem:$0x3FB8];
	_ =	sdelay $0x3  }
0x33: {  	p0 =	seq.s32 s10, $0x1;
	s10 =	sld [smem:$0x3FBA];
	_ =	sdelay $0x3  }
0x34: {  	[smem:$0x3FBA] =	sst s10  }
0x35: {  	s10 =	sld [smem:$0x3FB9];
	_ =	sdelay $0x3  }
0x36: {  	p1 =	seq.s32 s10, $0x1;
	s10 =	sld [smem:$0x3FBA];
	_ =	sdelay $0x3  }
0x37: {  	[smem:$0x3FBA] =	sst s10  }
0x38: {  	s10 =	sld [smem:$0x3FBB]  }
0x39: {  	_ = 	snop;
	(pc) =	sbr.ind lr, $3  }
0x3a: {  	_ = 	snop  }
0x3b: {  	_ = 	snop  }
0x3c: {  	p2 =	seq.s32 s10, $0x1;
	s10 =	sld [smem:$0x3FBA]  }
0x3d: {  	_ =	shalt  }
0x3e: {  	_ =	shalt  }
0x3f: {  	_ =	shalt  }
0x40: {  	_ =	shalt  }
0x41: {  	_ =	shalt  }
0x42: {  	_ =	shalt  }
0x43: {  	_ =	shalt  }
0x44: {  	_ =	shalt  }
0x45: {  	_ =	shalt  }
0x46: {  	_ =	shalt  }
0x47: {  	_ =	shalt  }
0x48: {  	_ =	shalt  }
0x49: {  	_ =	shalt  }
0x4a: {  	_ =	shalt  }
0x4b: {  	_ =	shalt  }
0x4c: {  	_ =	shalt  }
0x4d: {  	_ =	shalt  }
0x4e: {  	_ =	shalt  }
0x4f: {  	_ =	shalt  }
0x50: {  	_ =	shalt  }
0x51: {  	_ =	shalt  }
0x52: {  	_ =	shalt  }
0x53: {  	_ =	shalt  }
0x54: {  	_ =	shalt  }
0x55: {  	_ =	shalt  }
0x56: {  	_ =	shalt  }
0x57: {  	_ =	shalt  }
0x58: {  	_ =	shalt  }
0x59: {  	_ =	shalt  }
0x5a: {  	_ =	shalt  }
0x5b: {  	_ =	shalt  }
0x5c: {  	_ =	shalt  }
0x5d: {  	_ =	shalt  }
0x5e: {  	_ =	shalt  }
0x5f: {  	_ =	shalt  }
0x60: {  	_ =	shalt  }
0x61: {  	_ =	shalt  }
0x62: {  	_ =	shalt  }
0x63: {  	_ =	shalt  }
0x64: {  	_ =	shalt  }
0x65: {  	_ =	shalt  }
0x66: {  	_ =	shalt  }
0x67: {  	_ =	shalt  }
0x68: {  	_ =	shalt  }
0x69: {  	_ =	shalt  }
0x6a: {  	_ =	shalt  }
0x6b: {  	_ =	shalt  }
0x6c: {  	_ =	shalt  }
0x6d: {  	_ =	shalt  }
0x6e: {  	_ =	shalt  }
0x6f: {  	_ =	shalt  }
0x70: {  	_ =	shalt  }
0x71: {  	_ =	shalt  }
0x72: {  	_ =	shalt  }
0x73: {  	_ =	shalt  }
0x74: {  	_ =	shalt  }
0x75: {  	_ =	shalt  }
0x76: {  	_ =	shalt  }
0x77: {  	_ =	shalt  }
0x78: {  	_ =	shalt  }
0x79: {  	_ =	shalt  }
0x7a: {  	_ =	shalt  }
0x7b: {  	_ =	shalt  }
0x7c: {  	_ =	shalt  }
0x7d: {  	_ =	shalt  }
0x7e: {  	_ =	shalt  }
0x7f: {  	_ =	shalt  }
0x80: {  	_ =	shalt  }
0x81: {  	_ =	shalt  }
0x82: {  	_ =	shalt  }
0x83: {  	_ =	shalt  }
0x84: {  	_ =	shalt  }
0x85: {  	_ =	shalt  }
0x86: {  	_ =	shalt  }
0x87: {  	_ =	shalt  }
.Lfunc_end0:
.L_simem_size_0:
called_computation.1_lowered:
.L_overlay_start_0:
0x88: {  	s2 =	sld [smem:$0x3FD9]  }
0x89: {  	s3 =	sld [smem:$0x3FFE];
	_ =	sdelay $0x1  }
0x8a: {  	s1 =	srdreg.scid  }
0x8b: {  	s0 =	sand.u32 $0x1, s1  }
0x8c: {  	s17 =	sshll.u32 s0, $0xA;
	s2 =	sadd.s32 s3, s2  }
0x8d: {  	s2 =	sadd.s32 s2, s17  }
0x8e: {  	[smem:$0x3FC6] =	sst s2  }
0x8f: {  	_ = 	snop  }
0x90: {  	s2 =	sld [smem:$0x3FD0];
	(tm) =	ssettm $0x1  }
0x91: {  	s18 =	sld [smem:$0x3FFB];
	_ =	sdelay $0x3  }
0x92: {  	_ =	strace s18  }
0x93: {  	s3 =	sld [smem:$0x3FFC];
	_ =	sdelay $0x3  }
0x94: {  	_ =	strace s3  }
0x95: {  	s3 =	sld [smem:$0x3FFD];
	_ =	sdelay $0x3  }
0x96: {  	_ =	strace s3  }
0x97: {  	_ =	strace $0x8FFFFFFF  }
0x98: {  	s19 =	sld [smem:$0x3FDB];
	_ =	sdelay $0x1  }
0x99: {  	s4 =	simm.s32 $_scs_section_size  }
0x9a: {  	s5 =	simm.s32 $_size__tile_overlayer_lowered;
	s6 =	simm.s32 $_tile_overlayer_lowered  }
0x9b: {  	s22 =	simm.s32 $0x1BFF;
	s21 =	sshll.u32 s6, $0x1;
	s3 =	sadd.s32 s4, s19  }
0x9c: {  	s7 =	simm.s32 $0x0;
	s20 =	sshll.u32 s5, $0x1;
	s5 =	sadd.s32 s21, s3  }
0x9d: {  	[timem:s7], [sflag:s22] =	dma.local [hbm:s5], s20  }
0x9e: {  	_ =	swait.ge [sflag:s22], s20  }
0x9f: {  	s4 =	ssub.s32 $0x0, s20;
	[sflag:s22] =	ssyncset.done $0x0  }
0xa0: {  	[sflag:s22] =	ssyncadd.s32 s4;
	_ =	sdelay $0x1  }
0xa1: {  	s23 =	simm.s32 $0x1B8B  }
0xa2: {  	_ =	swait.ge [sflag:s23], $0x1  }
0xa3: {  	[sflag:s23] =	ssyncset.done $0x0  }
0xa4: {  	s25 =	simm.s32 $0x1B8E;
	s24 =	sld [smem:$0x3FFE];
	[sflag:s23] =	ssyncadd.s32 $0xFFFFFFFF  }
0xa5: {  	s26 =	simm.s32 $execute0_lowered;
	[smem:$0x3FD2] =	sst s25  }
0xa6: {  	s5 =	sshll.u32 s26, $0x1;
	_ =	strace $0x80000046;
	[dreg:$0x1] =	wrdreg $0xFFFFFFFF  }
0xa7: {  	s28 =	simm.s32 $_size_execute0_lowered;
	s3 =	sadd.s32 s3, s5;
	[dreg:$0x0] =	wrdreg $0x0  }
0xa8: {  	s5 =	sshll.u32 s28, $0x1;
	[dreg:$0x2] =	wrdreg s3  }
0xa9: {  	[dreg:$0x3] =	wrdreg s5  }
0xaa: {  	[dreg:$0x4] =	wrdreg $0xC0  }
0xab: {  	_ =	task [dreg:s7], $0x5FFFF  }
0xac: {  	[dreg:$0x1] =	wrdreg $0xFFFFFFFF  }
0xad: {  	[dreg:$0x0] =	wrdreg $0x60  }
0xae: {  	[dreg:$0x2] =	wrdreg s24  }
0xaf: {  	[dreg:$0x3] =	wrdreg s2  }
0xb0: {  	[dreg:$0x4] =	wrdreg $0x9  }
0xb1: {  	_ =	task.clear_ibuf [dreg:s7], $0x5FFFF;
	_ =	strace $0x90000046  }
0xb2: {  	s29 =	simm.s32 $0x9;
	_ =	strace $0x80000048  }
0xb3: {  	_ =	swait.ge [sflag:s29], $0x1  }
0xb4: {  	[sflag:s29] =	ssyncadd.s32 $0xFFFFFFFF  }
0xb5: {  	_ =	strace $0x90000048  }
0xb6: {  	_ =	sfence  }
0xb7: {  	s30 =	sld [smem:$0x0];
	_ =	sdelay $0x2  }
0xb8: {  	s31 =	sshll.u32 s1, $0xD;
	s1 =	sshrl.u32 s1, $0x2  }
0xb9: {  	s3 =	sand.u32 $0x4000, s31;
	s1 =	sadd.s32 s1, s30  }
0xba: {  	s0 =	sor.u32 s3, s0;
	s1 =	sshll.u32 s1, $0x11  }
0xbb: {  	s0 =	sor.u32 s1, s0  }
0xbc: {  	s0 =	sadd.s32 $0x8F2B, s0  }
0xbd: {  	[sflag:s0] =	ssyncadd.remote.s32 $0x1  }
0xbe: {  	_ =	sfence.sel $0xFFFF  }
0xbf: {  	[dreg:$0x0] =	wrdreg $0xFFFFFFFF;
	(pc) =	sbr.abs _section_cstart, $3  }
0xc0: {  	[dreg:$0x1] =	wrdreg $0xFFFFFFFF  }
0xc1: {  	_ =	task.clear_ibuf [dreg:s7], $0x2FFFF;
	_ =	strace $0x9FFFFFFF  }
0xc2: {  	(tm) =	ssettm $0x7FFFFFFF  }
0xc3: {  	_ =	shalt  }
tec
execute0_lowered:
.L_overlay_start_1:
0x0: {  	(tag) =	ssettag $0x1  }
0x1: {  	s3 =	rddreg [dreg:$0x0]  }
0x2: {  	s1 =	srdreg.scid;
	s5 =	rddreg [dreg:$0x1]  }
0x3: {  	s2 =	simm.s32 $0x0;
	s4 =	sand.u32 $0x1, s1;
	s1 =	rddreg [dreg:$0x2]  }
0x4: {  	s22 =	simm.s32 $0x1AF8;
	[smem:$0x7FF] =	sst s2  }
0x5: {  	s23 =	simm.s32 $0x1CF0;
	_ =	strace $0x80000047;
	[dreg:$0x4] =	wrdreg s22  }
0x6: {  	s24 =	simm.s32 $0x1EE8;
	[dreg:$0x5] =	wrdreg s23  }
0x7: {  	s25 =	simm.s32 $0x20E0;
	[dreg:$0x6] =	wrdreg s24  }
0x8: {  	s26 =	simm.s32 $0x22D8;
	[dreg:$0x7] =	wrdreg s25  }
0x9: {  	s28 =	simm.s32 $0x24D0;
	[dreg:$0x8] =	wrdreg s26  }
0xa: {  	s29 =	simm.s32 $0x26C8;
	[dreg:$0x9] =	wrdreg s28  }
0xb: {  	s30 =	simm.s32 $0x28C0;
	[dreg:$0xa] =	wrdreg s29  }
0xc: {  	s31 =	simm.s32 $0x2AB8;
	[dreg:$0xb] =	wrdreg s30  }
0xd: {  	s8 =	simm.s32 $0x30A0;
	[dreg:$0xc] =	wrdreg s31  }
0xe: {  	s9 =	simm.s32 $0x3298;
	[dreg:$0xf] =	wrdreg s8  }
0xf: {  	s10 =	simm.s32 $0x3490;
	[dreg:$0x10] =	wrdreg s9  }
0x10: {  	s11 =	simm.s32 $0x3688;
	[dreg:$0x11] =	wrdreg s10  }
0x11: {  	s12 =	simm.s32 $0x3A78;
	[dreg:$0x12] =	wrdreg s11  }
0x12: {  	s13 =	simm.s32 $0x3C70;
	[dreg:$0x13] =	wrdreg s12  }
0x13: {  	s14 =	simm.s32 $0x3E68;
	[dreg:$0x14] =	wrdreg s13  }
0x14: {  	s15 =	simm.s32 $0x4060;
	[dreg:$0x15] =	wrdreg s14  }
0x15: {  	s16 =	simm.s32 $0x4258;
	[dreg:$0x16] =	wrdreg s15  }
0x16: {  	s17 =	simm.s32 $0x4450;
	[dreg:$0x17] =	wrdreg s16  }
0x17: {  	s18 =	simm.s32 $0x4648;
	[dreg:$0x18] =	wrdreg s17  }
0x18: {  	s19 =	simm.s32 $0x4840;
	[dreg:$0x19] =	wrdreg s18  }
0x19: {  	s20 =	simm.s32 $0x4A38;
	[dreg:$0x1a] =	wrdreg s19  }
0x1a: {  	s21 =	simm.s32 $0x4C30;
	[dreg:$0x1b] =	wrdreg s20  }
0x1b: {  	[dreg:$0x1c] =	wrdreg s21;
	s22 =	simm.s32 $0x4E28  }
0x1c: {  	s23 =	simm.s32 $0x5020;
	[dreg:$0x1d] =	wrdreg s22  }
0x1d: {  	s24 =	simm.s32 $0x5218;
	[dreg:$0x1e] =	wrdreg s23  }
0x1e: {  	s25 =	simm.s32 $0x5410;
	[dreg:$0x1f] =	wrdreg s24  }
0x1f: {  	s26 =	simm.s32 $0x5608;
	[smem:$0x7DE] =	sst s25  }
0x20: {  	s28 =	simm.s32 $0x59F8;
	[smem:$0x7DF] =	sst s26  }
0x21: {  	s29 =	simm.s32 $0x5BF0;
	[smem:$0x7E0] =	sst s28  }
0x22: {  	s30 =	simm.s32 $0x5DE8;
	[smem:$0x7E1] =	sst s29  }
0x23: {  	s31 =	simm.s32 $0x5FE0;
	[smem:$0x7E2] =	sst s30  }
0x24: {  	s8 =	simm.s32 $0x65C8;
	[smem:$0x7E3] =	sst s31  }
0x25: {  	s9 =	simm.s32 $0x67C0;
	[smem:$0x7E6] =	sst s8  }
0x26: {  	s10 =	simm.s32 $0x69B8;
	[smem:$0x7E7] =	sst s9  }
0x27: {  	s11 =	simm.s32 $0x6BB0;
	[smem:$0x7E8] =	sst s10  }
0x28: {  	s12 =	simm.s32 $0x6DA8;
	[smem:$0x7E9] =	sst s11  }
0x29: {  	s13 =	simm.s32 $0x6FA0;
	[smem:$0x7EA] =	sst s12  }
0x2a: {  	s14 =	simm.s32 $0x7198;
	[smem:$0x7EB] =	sst s13  }
0x2b: {  	s15 =	simm.s32 $0x7390;
	[smem:$0x7EC] =	sst s14  }
0x2c: {  	s16 =	simm.s32 $0x7588;
	[smem:$0x7ED] =	sst s15  }
0x2d: {  	s18 =	simm.s32 $0x7978;
	[smem:$0x7EE] =	sst s16  }
0x2e: {  	s0 =	stileid.u32;
	s19 =	simm.s32 $0x7B70;
	[smem:$0x7EF] =	sst s18  }
0x2f: {  	s6 =	smul.u32 $0xC4E00, s0;
	s20 =	simm.s32 $0x7D68;
	[smem:$0x7F0] =	sst s19  }
0x30: {  	s21 =	simm.s32 $0x7F60;
	[smem:$0x7F1] =	sst s20  }
0x31: {  	s5 =	sadd.s32 s6, s5;
	s6 =	simm.s32 $0x2CB0;
	[smem:$0x7F2] =	sst s21  }
0x32: {  	s7 =	smul.u32 $0x62700, s4;
	s22 =	simm.s32 $0x8158;
	[dreg:$0xd] =	wrdreg s6  }
0x33: {  	s17 =	sshll.u32 s0, $0x1;
	s23 =	simm.s32 $0x8350;
	[smem:$0x7F3] =	sst s22  }
0x34: {  	s24 =	simm.s32 $0x8548;
	s25 =	simm.s32 $0x8740;
	[smem:$0x7F4] =	sst s23  }
0x35: {  	s28 =	simm.s32 $0x8938;
	s29 =	simm.s32 $0x8B30;
	[smem:$0x7F5] =	sst s24  }
0x36: {  	s30 =	simm.s32 $0x8D28;
	s31 =	simm.s32 $0x8F20;
	[smem:$0x7F6] =	sst s25  }
0x37: {  	s8 =	simm.s32 $0x9118;
	s9 =	simm.s32 $0x9310;
	[smem:$0x7F7] =	sst s28  }
0x38: {  	s11 =	simm.s32 $0x9508;
	s10 =	simm.s32 $0x7780;
	[smem:$0x7F8] =	sst s29  }
0x39: {  	s12 =	simm.s32 $0x2;
	s13 =	simm.s32 $0x3;
	[smem:$0x7F9] =	sst s30  }
0x3a: {  	s14 =	simm.s32 $0x4;
	s15 =	simm.s32 $0x5;
	[smem:$0x7FA] =	sst s31  }
0x3b: {  	s16 =	simm.s32 $0x6;
	s18 =	simm.s32 $0x8;
	[smem:$0x7FB] =	sst s8  }
0x3c: {  	s19 =	simm.s32 $0x0;
	s5 =	sadd.s32 s7, s5;
	[smem:$0x7FC] =	sst s9  }
0x3d: {  	s7 =	simm.s32 $0x2EA8;
	s6 =	simm.s32 $0x61D8;
	[smem:$0x7FD] =	sst s11  }
0x3e: {  	s8 =	simm.s32 $0x3880;
	s9 =	simm.s32 $0x5800;
	[dreg:$0x3] =	wrdreg s5  }
0x3f: {  	vm0 =	vmmov $0x1;
	s11 =	simm.s32 $0x1;
	[smem:$0x7E4] =	sst s6;
	s6 =	sor.u32 s4, s17  }
0x40: {  	vm1 =	vcmask $0x308;
	vm2 =	vcmask $0x70C;
	vm3 =	vcmask $0xB10;
	[dreg:$0xe] =	wrdreg s7;
	s4 =	ssub.s32 $0x2, s4;
	s6 =	smul.u32 $0x1900, s6  }
0x41: {  	vm4 =	vcmask $0xF14;
	vm5 =	vcmask $0x1318;
	vm6 =	vcmask $0x171C;
	s7 =	simm.s32 $0x63D0;
	s17 =	simm.s32 $0x7;
	s26 =	sshrl.u32 s4, $0x1  }
0x42: {  	vm7 =	vcmask $0x1B20;
	vm8 =	vcmask $0x1F24;
	vm9 =	vcmask $0x2328;
	[smem:$0x7E5] =	sst s7;
	s7 =	ssub.s32 s4, s26;
	s6 =	sshrl.u32 s6, $0x3  }
0x43: {  	vm10 =	vcmask $0x272C;
	vm11 =	vcmask $0x2B30;
	vm12 =	vcmask $0x2F34;
	s5 =	smax.u32 s7, $0x1;
	s7 =	simm.s32 $0x1900;
	s6 =	sadd.s32 s6, s3  }
0x44: {  	vm13 =	vcmask $0x3338;
	vm14 =	vcmask $0x373C;
	vm15 =	vmmov $0x7fff;
	s3 =	sadd.s32 $0x621400, s3;
	s4 =	sadd.s32 $0x800, s6;
	s6 =	simm.s32 $0x9  }
.LBB2_1:
0x45: {  	[tilespmem:s2], [sflag:$0x9] =	stream.linear.gather [hbm4b:s4+s2], $0x1900, $0x38;
	[tilespmem:$0x9700] =	vst v63  }
0x46: {  	_ =	swait.ge [sflag:s6], $0x1900  }
0x47: {  	[sflag:s6] =	ssyncset.done $0x0  }
0x48: {  	s20 =	simm.s32 $0x20;
	s21 =	simm.s32 $0x0;
	[sflag:s6] =	ssyncadd.s32 $0xFFFFE700  }
.LBB2_2:
0x49: {  	p0 =	seq.s32 s21, $0x0  }
0x4a: {  	s22 =	simm.s32 @!p0 $0x5  }
0x4b: {  	_ =	swait.ge @!p0 [sflag:s22], $0x1F80  }
0x4c: {  	[sflag:s22] =	ssyncset.done @!p0 $0x0  }
0x4d: {  	[sflag:s22] =	ssyncadd.s32 @!p0 $0xFFFFE080  }
0x4e: {  	v0 =	vld [tilespmem:s20+$0xFFFFFFE0];
	_ =	sdelay $0x4  }
0x4f: {  	v1 =	vnsel vm0, $0x0, v0  }
0x50: {  	(xrf0) =	vadd.scan.msk.s32 $0xffff, v1;
	_ =	sdelay $0x4  }
0x51: {  	v8 =	vsel vm1, $0x0, v0  }
0x52: {  	v2, _, _ =	vpop (xrf0);
	(xrf0) =	vadd.scan.msk.s32 $0xffff, v8  }
0x53: {  	(v2sf) =	vpush v2, $0xF;
	_ =	sdelay $0x3  }
0x54: {  	v9 =	vsel vm2, $0x0, v0  }
0x55: {  	v10, _, _ =	vpop (xrf0);
	(xrf0) =	vadd.scan.msk.s32 $0xffff, v9  }
0x56: {  	(v2sf) =	vpush v10, $0xF;
	_ =	sdelay $0x3  }
0x57: {  	v11 =	vsel vm3, $0x0, v0  }
0x58: {  	v12, _, _ =	vpop (xrf0);
	(xrf0) =	vadd.scan.msk.s32 $0xffff, v11  }
0x59: {  	(v2sf) =	vpush v12, $0xF;
	_ =	sdelay $0x2  }
0x5a: {  	s23 =	spop (v2sf)  }
0x5b: {  	s22 =	smul.u32 $0x1F8, s23  }
0x5c: {  	v1, _, _ =	vpop (xrf0)  }
0x5d: {  	s22 =	sshrl.u32 s22, $0x3;
	(v2sf) =	vpush v1, $0xF  }
0x5e: {  	s22 =	sadd.s32 s3, s22  }
0x5f: {  	[tilespmem:s7], [sflag:$0x1] =	stream.linear.gather [hbm4b:s22+s2], $0x1F8, $0x38;
	[tilespmem:$0x9700] =	vst v63  }
0x60: {  	s24 =	spop (v2sf)  }
0x61: {  	s22 =	smul.u32 $0x1F8, s24;
	_ =	sdelay $0x1  }
0x62: {  	s22 =	sshrl.u32 s22, $0x3  }
0x63: {  	s23 =	rddreg [dreg:$0x4];
	s22 =	sadd.s32 s3, s22  }
0x64: {  	[tilespmem:s23], [sflag:$0x1] =	stream.linear.gather [hbm4b:s22+s2], $0x1F8, $0x38;
	[tilespmem:$0x9700] =	vst v63  }
0x65: {  	s25 =	spop (v2sf)  }
0x66: {  	s22 =	smul.u32 $0x1F8, s25;
	_ =	sdelay $0x1  }
0x67: {  	s22 =	sshrl.u32 s22, $0x3  }
0x68: {  	s26 =	rddreg [dreg:$0x5];
	s22 =	sadd.s32 s3, s22  }
0x69: {  	[tilespmem:s26], [sflag:$0x1] =	stream.linear.gather [hbm4b:s22+s2], $0x1F8, $0x38;
	[tilespmem:$0x9700] =	vst v63  }
0x6a: {  	s28 =	spop (v2sf)  }
0x6b: {  	s22 =	smul.u32 $0x1F8, s28;
	_ =	sdelay $0x1  }
0x6c: {  	s22 =	sshrl.u32 s22, $0x3  }
0x6d: {  	s29 =	rddreg [dreg:$0x6];
	s22 =	sadd.s32 s3, s22  }
0x6e: {  	v13 =	vsel vm4, $0x0, v0;
	[tilespmem:s29], [sflag:$0x1] =	stream.linear.gather [hbm4b:s22+s2], $0x1F8, $0x38;
	[tilespmem:$0x9700] =	vst v63  }
0x6f: {  	(xrf0) =	vadd.scan.msk.s32 $0xffff, v13;
	_ =	sdelay $0x4  }
0x70: {  	v14 =	vsel vm5, $0x0, v0  }
0x71: {  	v15, _, _ =	vpop (xrf0);
	(xrf0) =	vadd.scan.msk.s32 $0xffff, v14  }
0x72: {  	(v2sf) =	vpush v15, $0xF;
	_ =	sdelay $0x3  }
0x73: {  	v16 =	vsel vm6, $0x0, v0  }
0x74: {  	v17, _, _ =	vpop (xrf0);
	(xrf0) =	vadd.scan.msk.s32 $0xffff, v16  }
0x75: {  	(v2sf) =	vpush v17, $0xF;
	_ =	sdelay $0x3  }
0x76: {  	v18 =	vsel vm7, $0x0, v0  }
0x77: {  	v19, _, _ =	vpop (xrf0);
	(xrf0) =	vadd.scan.msk.s32 $0xffff, v18  }
0x78: {  	(v2sf) =	vpush v19, $0xF;
	_ =	sdelay $0x2  }
0x79: {  	s22 =	spop (v2sf)  }
0x7a: {  	v20 =	vsel vm8, $0x0, v0;
	s22 =	smul.u32 $0x1F8, s22  }
0x7b: {  	v21, _, _ =	vpop (xrf0);
	(xrf0) =	vadd.scan.msk.s32 $0xffff, v20  }
0x7c: {  	s22 =	sshrl.u32 s22, $0x3;
	(v2sf) =	vpush v21, $0xF  }
0x7d: {  	s23 =	rddreg [dreg:$0x7];
	s22 =	sadd.s32 s3, s22  }
0x7e: {  	[tilespmem:s23], [sflag:$0x1] =	stream.linear.gather [hbm4b:s22+s2], $0x1F8, $0x38;
	[tilespmem:$0x9700] =	vst v63  }
0x7f: {  	s30 =	spop (v2sf)  }
0x80: {  	v22 =	vsel vm9, $0x0, v0;
	s22 =	smul.u32 $0x1F8, s30  }
0x81: {  	v23, _, _ =	vpop (xrf0);
	(xrf0) =	vadd.scan.msk.s32 $0xffff, v22  }
0x82: {  	s22 =	sshrl.u32 s22, $0x3;
	(v2sf) =	vpush v23, $0xF  }
0x83: {  	s31 =	rddreg [dreg:$0x8];
	s22 =	sadd.s32 s3, s22  }
0x84: {  	[tilespmem:s31], [sflag:$0x1] =	stream.linear.gather [hbm4b:s22+s2], $0x1F8, $0x38;
	[tilespmem:$0x9700] =	vst v63  }
0x85: {  	s23 =	spop (v2sf)  }
0x86: {  	v24 =	vsel vm10, $0x0, v0;
	s22 =	smul.u32 $0x1F8, s23  }
0x87: {  	v25, _, _ =	vpop (xrf0);
	(xrf0) =	vadd.scan.msk.s32 $0xffff, v24  }
0x88: {  	s22 =	sshrl.u32 s22, $0x3;
	(v2sf) =	vpush v25, $0xF  }
0x89: {  	s24 =	rddreg [dreg:$0x9];
	s22 =	sadd.s32 s3, s22  }
0x8a: {  	[tilespmem:s24], [sflag:$0x1] =	stream.linear.gather [hbm4b:s22+s2], $0x1F8, $0x38;
	[tilespmem:$0x9700] =	vst v63  }
0x8b: {  	s25 =	spop (v2sf)  }
0x8c: {  	v26 =	vsel vm11, $0x0, v0;
	s22 =	smul.u32 $0x1F8, s25  }
0x8d: {  	v27, _, _ =	vpop (xrf0);
	(xrf0) =	vadd.scan.msk.s32 $0xffff, v26  }
0x8e: {  	s22 =	sshrl.u32 s22, $0x3;
	(v2sf) =	vpush v27, $0xF  }
0x8f: {  	s26 =	rddreg [dreg:$0xa];
	s22 =	sadd.s32 s3, s22  }
0x90: {  	[tilespmem:s26], [sflag:$0x1] =	stream.linear.gather [hbm4b:s22+s2], $0x1F8, $0x38;
	[tilespmem:$0x9700] =	vst v63  }
0x91: {  	s28 =	spop (v2sf)  }
0x92: {  	v28 =	vsel vm12, $0x0, v0;
	s22 =	smul.u32 $0x1F8, s28  }
0x93: {  	v29, _, _ =	vpop (xrf0);
	(xrf0) =	vadd.scan.msk.s32 $0xffff, v28  }
0x94: {  	s22 =	sshrl.u32 s22, $0x3;
	(v2sf) =	vpush v29, $0xF  }
0x95: {  	s29 =	rddreg [dreg:$0xb];
	s22 =	sadd.s32 s3, s22  }
0x96: {  	[tilespmem:s29], [sflag:$0x1] =	stream.linear.gather [hbm4b:s22+s2], $0x1F8, $0x38;
	[tilespmem:$0x9700] =	vst v63  }
0x97: {  	s30 =	spop (v2sf)  }
0x98: {  	v30 =	vsel vm13, $0x0, v0;
	s22 =	smul.u32 $0x1F8, s30  }
0x99: {  	v31, _, _ =	vpop (xrf0);
	(xrf0) =	vadd.scan.msk.s32 $0xffff, v30  }
0x9a: {  	s22 =	sshrl.u32 s22, $0x3;
	(v2sf) =	vpush v31, $0xF  }
0x9b: {  	s31 =	rddreg [dreg:$0xc];
	s22 =	sadd.s32 s3, s22  }
0x9c: {  	[tilespmem:s31], [sflag:$0x1] =	stream.linear.gather [hbm4b:s22+s2], $0x1F8, $0x38;
	[tilespmem:$0x9700] =	vst v63  }
0x9d: {  	s23 =	spop (v2sf)  }
0x9e: {  	v32 =	vsel vm14, $0x0, v0;
	s22 =	smul.u32 $0x1F8, s23  }
0x9f: {  	v33, _, _ =	vpop (xrf0);
	(xrf0) =	vadd.scan.msk.s32 $0xffff, v32  }
0xa0: {  	s22 =	sshrl.u32 s22, $0x3;
	(v2sf) =	vpush v33, $0xF  }
0xa1: {  	s24 =	rddreg [dreg:$0xd];
	s22 =	sadd.s32 s3, s22  }
0xa2: {  	[tilespmem:s24], [sflag:$0x1] =	stream.linear.gather [hbm4b:s22+s2], $0x1F8, $0x38;
	[tilespmem:$0x9700] =	vst v63  }
0xa3: {  	s25 =	spop (v2sf)  }
0xa4: {  	v0 =	vsel vm15, $0x0, v0;
	s22 =	smul.u32 $0x1F8, s25  }
0xa5: {  	v1, _, _ =	vpop (xrf0);
	(xrf0) =	vadd.scan.msk.s32 $0xffff, v0  }
0xa6: {  	s22 =	sshrl.u32 s22, $0x3;
	(v2sf) =	vpush v1, $0xF  }
0xa7: {  	s26 =	rddreg [dreg:$0xe];
	s22 =	sadd.s32 s3, s22  }
0xa8: {  	[tilespmem:s26], [sflag:$0x1] =	stream.linear.gather [hbm4b:s22+s2], $0x1F8, $0x38;
	[tilespmem:$0x9700] =	vst v63  }
0xa9: {  	s28 =	spop (v2sf)  }
0xaa: {  	s22 =	smul.u32 $0x1F8, s28  }
0xab: {  	v0, _, _ =	vpop (xrf0)  }
0xac: {  	s22 =	sshrl.u32 s22, $0x3;
	(v2sf) =	vpush v0, $0xF  }
0xad: {  	s29 =	rddreg [dreg:$0xf];
	s22 =	sadd.s32 s3, s22  }
0xae: {  	[tilespmem:s29], [sflag:$0x1] =	stream.linear.gather [hbm4b:s22+s2], $0x1F8, $0x38;
	[tilespmem:$0x9700] =	vst v63  }
0xaf: {  	s30 =	spop (v2sf)  }
0xb0: {  	s22 =	smul.u32 $0x1F8, s30;
	_ =	sdelay $0x1  }
0xb1: {  	s22 =	sshrl.u32 s22, $0x3  }
0xb2: {  	s31 =	rddreg [dreg:$0x10];
	s22 =	sadd.s32 s3, s22  }
0xb3: {  	[tilespmem:s31], [sflag:$0x1] =	stream.linear.gather [hbm4b:s22+s2], $0x1F8, $0x38;
	[tilespmem:$0x9700] =	vst v63  }
0xb4: {  	s24 =	spop (v2sf)  }
0xb5: {  	s22 =	smul.u32 $0x1F8, s24;
	_ =	sdelay $0x1  }
0xb6: {  	s22 =	sshrl.u32 s22, $0x3  }
0xb7: {  	s25 =	rddreg [dreg:$0x11];
	s22 =	sadd.s32 s3, s22  }
0xb8: {  	[tilespmem:s25], [sflag:$0x1] =	stream.linear.gather [hbm4b:s22+s2], $0x1F8, $0x38;
	[tilespmem:$0x9700] =	vst v63  }
0xb9: {  	s26 =	spop (v2sf)  }
0xba: {  	s22 =	smul.u32 $0x1F8, s26;
	_ =	sdelay $0x1  }
0xbb: {  	s22 =	sshrl.u32 s22, $0x3  }
0xbc: {  	s28 =	rddreg [dreg:$0x12];
	s22 =	sadd.s32 s3, s22  }
0xbd: {  	[tilespmem:s28], [sflag:$0x1] =	stream.linear.gather [hbm4b:s22+s2], $0x1F8, $0x38;
	[tilespmem:$0x9700] =	vst v63  }
0xbe: {  	s22 =	simm.s32 @!p0 $0x6  }
0xbf: {  	_ =	swait.ge @!p0 [sflag:s22], $0x1F80  }
0xc0: {  	[sflag:s22] =	ssyncset.done @!p0 $0x0  }
0xc1: {  	[sflag:s22] =	ssyncadd.s32 @!p0 $0xFFFFE080  }
0xc2: {  	v34 =	vld [tilespmem:s20+$0xFFFFFFF0];
	_ =	sdelay $0x4  }
0xc3: {  	v35 =	vnsel vm0, $0x0, v34  }
0xc4: {  	(xrf0) =	vadd.scan.msk.s32 $0xffff, v35;
	_ =	sdelay $0x4  }
0xc5: {  	v36 =	vsel vm1, $0x0, v34  }
0xc6: {  	v37, _, _ =	vpop (xrf0);
	(xrf0) =	vadd.scan.msk.s32 $0xffff, v36  }
0xc7: {  	(v2sf) =	vpush v37, $0xF;
	_ =	sdelay $0x3  }
0xc8: {  	v38 =	vsel vm2, $0x0, v34  }
0xc9: {  	v39, _, _ =	vpop (xrf0);
	(xrf0) =	vadd.scan.msk.s32 $0xffff, v38  }
0xca: {  	(v2sf) =	vpush v39, $0xF;
	_ =	sdelay $0x3  }
0xcb: {  	v40 =	vsel vm3, $0x0, v34  }
0xcc: {  	v41, _, _ =	vpop (xrf0);
	(xrf0) =	vadd.scan.msk.s32 $0xffff, v40  }
0xcd: {  	(v2sf) =	vpush v41, $0xF;
	_ =	sdelay $0x2  }
0xce: {  	s29 =	spop (v2sf)  }
0xcf: {  	v42 =	vsel vm4, $0x0, v34;
	s22 =	smul.u32 $0x1F8, s29  }
0xd0: {  	v43, _, _ =	vpop (xrf0);
	(xrf0) =	vadd.scan.msk.s32 $0xffff, v42  }
0xd1: {  	s22 =	sshrl.u32 s22, $0x3;
	(v2sf) =	vpush v43, $0xF  }
0xd2: {  	s22 =	sadd.s32 s3, s22  }
0xd3: {  	[tilespmem:s8], [sflag:$0x2] =	stream.linear.gather [hbm4b:s22+s2], $0x1F8, $0x38;
	[tilespmem:$0x9700] =	vst v63  }
0xd4: {  	s30 =	spop (v2sf)  }
0xd5: {  	v44 =	vsel vm5, $0x0, v34;
	s22 =	smul.u32 $0x1F8, s30  }
0xd6: {  	v45, _, _ =	vpop (xrf0);
	(xrf0) =	vadd.scan.msk.s32 $0xffff, v44  }
0xd7: {  	s22 =	sshrl.u32 s22, $0x3;
	(v2sf) =	vpush v45, $0xF  }
0xd8: {  	s31 =	rddreg [dreg:$0x13];
	s22 =	sadd.s32 s3, s22  }
0xd9: {  	[tilespmem:s31], [sflag:$0x2] =	stream.linear.gather [hbm4b:s22+s2], $0x1F8, $0x38;
	[tilespmem:$0x9700] =	vst v63  }
0xda: {  	s23 =	spop (v2sf)  }
0xdb: {  	v46 =	vsel vm6, $0x0, v34;
	s22 =	smul.u32 $0x1F8, s23  }
0xdc: {  	v47, _, _ =	vpop (xrf0);
	(xrf0) =	vadd.scan.msk.s32 $0xffff, v46  }
0xdd: {  	s22 =	sshrl.u32 s22, $0x3;
	(v2sf) =	vpush v47, $0xF  }
0xde: {  	s24 =	rddreg [dreg:$0x14];
	s22 =	sadd.s32 s3, s22  }
0xdf: {  	[tilespmem:s24], [sflag:$0x2] =	stream.linear.gather [hbm4b:s22+s2], $0x1F8, $0x38;
	[tilespmem:$0x9700] =	vst v63  }
0xe0: {  	s25 =	spop (v2sf)  }
0xe1: {  	v48 =	vsel vm7, $0x0, v34;
	s22 =	smul.u32 $0x1F8, s25  }
0xe2: {  	v49, _, _ =	vpop (xrf0);
	(xrf0) =	vadd.scan.msk.s32 $0xffff, v48  }
0xe3: {  	s22 =	sshrl.u32 s22, $0x3;
	(v2sf) =	vpush v49, $0xF  }
0xe4: {  	s26 =	rddreg [dreg:$0x15];
	s22 =	sadd.s32 s3, s22  }
0xe5: {  	[tilespmem:s26], [sflag:$0x2] =	stream.linear.gather [hbm4b:s22+s2], $0x1F8, $0x38;
	[tilespmem:$0x9700] =	vst v63  }
0xe6: {  	s28 =	spop (v2sf)  }
0xe7: {  	v50 =	vsel vm8, $0x0, v34;
	s22 =	smul.u32 $0x1F8, s28  }
0xe8: {  	v51, _, _ =	vpop (xrf0);
	(xrf0) =	vadd.scan.msk.s32 $0xffff, v50  }
0xe9: {  	s22 =	sshrl.u32 s22, $0x3;
	(v2sf) =	vpush v51, $0xF  }
0xea: {  	s29 =	rddreg [dreg:$0x16];
	s22 =	sadd.s32 s3, s22  }
0xeb: {  	[tilespmem:s29], [sflag:$0x2] =	stream.linear.gather [hbm4b:s22+s2], $0x1F8, $0x38;
	[tilespmem:$0x9700] =	vst v63  }
0xec: {  	s30 =	spop (v2sf)  }
0xed: {  	v52 =	vsel vm9, $0x0, v34;
	s22 =	smul.u32 $0x1F8, s30  }
0xee: {  	v53, _, _ =	vpop (xrf0);
	(xrf0) =	vadd.scan.msk.s32 $0xffff, v52  }
0xef: {  	s22 =	sshrl.u32 s22, $0x3;
	(v2sf) =	vpush v53, $0xF  }
0xf0: {  	s31 =	rddreg [dreg:$0x17];
	s22 =	sadd.s32 s3, s22  }
0xf1: {  	[tilespmem:s31], [sflag:$0x2] =	stream.linear.gather [hbm4b:s22+s2], $0x1F8, $0x38;
	[tilespmem:$0x9700] =	vst v63  }
0xf2: {  	s23 =	spop (v2sf)  }
0xf3: {  	v54 =	vsel vm10, $0x0, v34;
	s22 =	smul.u32 $0x1F8, s23  }
0xf4: {  	v55, _, _ =	vpop (xrf0);
	(xrf0) =	vadd.scan.msk.s32 $0xffff, v54  }
0xf5: {  	s22 =	sshrl.u32 s22, $0x3;
	(v2sf) =	vpush v55, $0xF  }
0xf6: {  	s24 =	rddreg [dreg:$0x18];
	s22 =	sadd.s32 s3, s22  }
0xf7: {  	[tilespmem:s24], [sflag:$0x2] =	stream.linear.gather [hbm4b:s22+s2], $0x1F8, $0x38;
	[tilespmem:$0x9700] =	vst v63  }
0xf8: {  	s25 =	spop (v2sf)  }
0xf9: {  	v56 =	vsel vm11, $0x0, v34;
	s22 =	smul.u32 $0x1F8, s25  }
0xfa: {  	v57, _, _ =	vpop (xrf0);
	(xrf0) =	vadd.scan.msk.s32 $0xffff, v56  }
0xfb: {  	s22 =	sshrl.u32 s22, $0x3;
	(v2sf) =	vpush v57, $0xF  }
0xfc: {  	s26 =	rddreg [dreg:$0x19];
	s22 =	sadd.s32 s3, s22  }
0xfd: {  	[tilespmem:s26], [sflag:$0x2] =	stream.linear.gather [hbm4b:s22+s2], $0x1F8, $0x38;
	[tilespmem:$0x9700] =	vst v63  }
0xfe: {  	s28 =	spop (v2sf)  }
0xff: {  	v58 =	vsel vm12, $0x0, v34;
	s22 =	smul.u32 $0x1F8, s28  }
0x100: {  	v59, _, _ =	vpop (xrf0);
	(xrf0) =	vadd.scan.msk.s32 $0xffff, v58  }
0x101: {  	s22 =	sshrl.u32 s22, $0x3;
	(v2sf) =	vpush v59, $0xF  }
0x102: {  	s29 =	rddreg [dreg:$0x1a];
	s22 =	sadd.s32 s3, s22  }
0x103: {  	[tilespmem:s29], [sflag:$0x2] =	stream.linear.gather [hbm4b:s22+s2], $0x1F8, $0x38;
	[tilespmem:$0x9700] =	vst v63  }
0x104: {  	s30 =	spop (v2sf)  }
0x105: {  	v60 =	vsel vm13, $0x0, v34;
	s22 =	smul.u32 $0x1F8, s30  }
0x106: {  	v61, _, _ =	vpop (xrf0);
	(xrf0) =	vadd.scan.msk.s32 $0xffff, v60  }
0x107: {  	s22 =	sshrl.u32 s22, $0x3;
	(v2sf) =	vpush v61, $0xF  }
0x108: {  	s31 =	rddreg [dreg:$0x1b];
	s22 =	sadd.s32 s3, s22  }
0x109: {  	[tilespmem:s31], [sflag:$0x2] =	stream.linear.gather [hbm4b:s22+s2], $0x1F8, $0x38;
	[tilespmem:$0x9700] =	vst v63  }
0x10a: {  	s23 =	spop (v2sf)  }
0x10b: {  	v62 =	vsel vm14, $0x0, v34;
	s22 =	smul.u32 $0x1F8, s23  }
0x10c: {  	v63, _, _ =	vpop (xrf0);
	(xrf0) =	vadd.scan.msk.s32 $0xffff, v62  }
0x10d: {  	s22 =	sshrl.u32 s22, $0x3;
	(v2sf) =	vpush v63, $0xF  }
0x10e: {  	s24 =	rddreg [dreg:$0x1c];
	s22 =	sadd.s32 s3, s22  }
0x10f: {  	[tilespmem:s24], [sflag:$0x2] =	stream.linear.gather [hbm4b:s22+s2], $0x1F8, $0x38;
	[tilespmem:$0x9700] =	vst v63  }
0x110: {  	s25 =	spop (v2sf)  }
0x111: {  	v0 =	vsel vm15, $0x0, v34;
	s22 =	smul.u32 $0x1F8, s25  }
0x112: {  	v1, _, _ =	vpop (xrf0);
	(xrf0) =	vadd.scan.msk.s32 $0xffff, v0  }
0x113: {  	s22 =	sshrl.u32 s22, $0x3;
	(v2sf) =	vpush v1, $0xF  }
0x114: {  	s26 =	rddreg [dreg:$0x1d];
	s22 =	sadd.s32 s3, s22  }
0x115: {  	[tilespmem:s26], [sflag:$0x2] =	stream.linear.gather [hbm4b:s22+s2], $0x1F8, $0x38;
	[tilespmem:$0x9700] =	vst v63  }
0x116: {  	s28 =	spop (v2sf)  }
0x117: {  	s22 =	smul.u32 $0x1F8, s28  }
0x118: {  	v0, _, _ =	vpop (xrf0)  }
0x119: {  	s22 =	sshrl.u32 s22, $0x3;
	(v2sf) =	vpush v0, $0xF  }
0x11a: {  	s29 =	rddreg [dreg:$0x1e];
	s22 =	sadd.s32 s3, s22  }
0x11b: {  	[tilespmem:s29], [sflag:$0x2] =	stream.linear.gather [hbm4b:s22+s2], $0x1F8, $0x38;
	[tilespmem:$0x9700] =	vst v63  }
0x11c: {  	s30 =	spop (v2sf)  }
0x11d: {  	s22 =	smul.u32 $0x1F8, s30;
	_ =	sdelay $0x1  }
0x11e: {  	s22 =	sshrl.u32 s22, $0x3  }
0x11f: {  	s31 =	rddreg [dreg:$0x1f];
	s22 =	sadd.s32 s3, s22  }
0x120: {  	[tilespmem:s31], [sflag:$0x2] =	stream.linear.gather [hbm4b:s22+s2], $0x1F8, $0x38;
	[tilespmem:$0x9700] =	vst v63  }
0x121: {  	s24 =	spop (v2sf)  }
0x122: {  	s22 =	smul.u32 $0x1F8, s24  }
0x123: {  	s25 =	sld [smem:$0x7DE]  }
0x124: {  	s22 =	sshrl.u32 s22, $0x3  }
0x125: {  	s22 =	sadd.s32 s3, s22  }
0x126: {  	[tilespmem:s25], [sflag:$0x2] =	stream.linear.gather [hbm4b:s22+s2], $0x1F8, $0x38;
	[tilespmem:$0x9700] =	vst v63  }
0x127: {  	s26 =	spop (v2sf)  }
0x128: {  	s22 =	smul.u32 $0x1F8, s26  }
0x129: {  	s28 =	sld [smem:$0x7DF]  }
0x12a: {  	s22 =	sshrl.u32 s22, $0x3  }
0x12b: {  	s22 =	sadd.s32 s3, s22  }
0x12c: {  	[tilespmem:s28], [sflag:$0x2] =	stream.linear.gather [hbm4b:s22+s2], $0x1F8, $0x38;
	[tilespmem:$0x9700] =	vst v63  }
0x12d: {  	s22 =	simm.s32 @!p0 $0x7  }
0x12e: {  	_ =	swait.ge @!p0 [sflag:s22], $0x1F80  }
0x12f: {  	[sflag:s22] =	ssyncset.done @!p0 $0x0  }
0x130: {  	[sflag:s22] =	ssyncadd.s32 @!p0 $0xFFFFE080  }
0x131: {  	v4 =	vld [tilespmem:s20+$0x0];
	_ =	sdelay $0x4  }
0x132: {  	v5 =	vnsel vm0, $0x0, v4  }
0x133: {  	(xrf0) =	vadd.scan.msk.s32 $0xffff, v5;
	_ =	sdelay $0x4  }
0x134: {  	v6 =	vsel vm1, $0x0, v4  }
0x135: {  	v7, _, _ =	vpop (xrf0);
	(xrf0) =	vadd.scan.msk.s32 $0xffff, v6  }
0x136: {  	(v2sf) =	vpush v7, $0xF;
	_ =	sdelay $0x3  }
0x137: {  	v8 =	vsel vm2, $0x0, v4  }
0x138: {  	v9, _, _ =	vpop (xrf0);
	(xrf0) =	vadd.scan.msk.s32 $0xffff, v8  }
0x139: {  	(v2sf) =	vpush v9, $0xF;
	_ =	sdelay $0x3  }
0x13a: {  	v10 =	vsel vm3, $0x0, v4  }
0x13b: {  	v11, _, _ =	vpop (xrf0);
	(xrf0) =	vadd.scan.msk.s32 $0xffff, v10  }
0x13c: {  	(v2sf) =	vpush v11, $0xF;
	_ =	sdelay $0x2  }
0x13d: {  	s29 =	spop (v2sf)  }
0x13e: {  	v12 =	vsel vm4, $0x0, v4;
	s22 =	smul.u32 $0x1F8, s29  }
0x13f: {  	v13, _, _ =	vpop (xrf0);
	(xrf0) =	vadd.scan.msk.s32 $0xffff, v12  }
0x140: {  	s22 =	sshrl.u32 s22, $0x3;
	(v2sf) =	vpush v13, $0xF  }
0x141: {  	s22 =	sadd.s32 s3, s22  }
0x142: {  	[tilespmem:s9], [sflag:$0x3] =	stream.linear.gather [hbm4b:s22+s2], $0x1F8, $0x38;
	[tilespmem:$0x9700] =	vst v63  }
0x143: {  	s30 =	spop (v2sf)  }
0x144: {  	v14 =	vsel vm5, $0x0, v4;
	s22 =	smul.u32 $0x1F8, s30  }
0x145: {  	s31 =	sld [smem:$0x7E0];
	v15, _, _ =	vpop (xrf0);
	(xrf0) =	vadd.scan.msk.s32 $0xffff, v14  }
0x146: {  	s22 =	sshrl.u32 s22, $0x3;
	(v2sf) =	vpush v15, $0xF  }
0x147: {  	s22 =	sadd.s32 s3, s22  }
0x148: {  	[tilespmem:s31], [sflag:$0x3] =	stream.linear.gather [hbm4b:s22+s2], $0x1F8, $0x38;
	[tilespmem:$0x9700] =	vst v63  }
0x149: {  	s23 =	spop (v2sf)  }
0x14a: {  	v16 =	vsel vm6, $0x0, v4;
	s22 =	smul.u32 $0x1F8, s23  }
0x14b: {  	s24 =	sld [smem:$0x7E1];
	v17, _, _ =	vpop (xrf0);
	(xrf0) =	vadd.scan.msk.s32 $0xffff, v16  }
0x14c: {  	s22 =	sshrl.u32 s22, $0x3;
	(v2sf) =	vpush v17, $0xF  }
0x14d: {  	s22 =	sadd.s32 s3, s22  }
0x14e: {  	[tilespmem:s24], [sflag:$0x3] =	stream.linear.gather [hbm4b:s22+s2], $0x1F8, $0x38;
	[tilespmem:$0x9700] =	vst v63  }
0x14f: {  	s25 =	spop (v2sf)  }
0x150: {  	v18 =	vsel vm7, $0x0, v4;
	s22 =	smul.u32 $0x1F8, s25  }
0x151: {  	s26 =	sld [smem:$0x7E2];
	v19, _, _ =	vpop (xrf0);
	(xrf0) =	vadd.scan.msk.s32 $0xffff, v18  }
0x152: {  	s22 =	sshrl.u32 s22, $0x3;
	(v2sf) =	vpush v19, $0xF  }
0x153: {  	s22 =	sadd.s32 s3, s22  }
0x154: {  	[tilespmem:s26], [sflag:$0x3] =	stream.linear.gather [hbm4b:s22+s2], $0x1F8, $0x38;
	[tilespmem:$0x9700] =	vst v63  }
0x155: {  	s28 =	spop (v2sf)  }
0x156: {  	v20 =	vsel vm8, $0x0, v4;
	s22 =	smul.u32 $0x1F8, s28  }
0x157: {  	s29 =	sld [smem:$0x7E3];
	v21, _, _ =	vpop (xrf0);
	(xrf0) =	vadd.scan.msk.s32 $0xffff, v20  }
0x158: {  	s22 =	sshrl.u32 s22, $0x3;
	(v2sf) =	vpush v21, $0xF  }
0x159: {  	s22 =	sadd.s32 s3, s22  }
0x15a: {  	[tilespmem:s29], [sflag:$0x3] =	stream.linear.gather [hbm4b:s22+s2], $0x1F8, $0x38;
	[tilespmem:$0x9700] =	vst v63  }
0x15b: {  	s30 =	spop (v2sf)  }
0x15c: {  	v22 =	vsel vm9, $0x0, v4;
	s22 =	smul.u32 $0x1F8, s30  }
0x15d: {  	s31 =	sld [smem:$0x7E4];
	v23, _, _ =	vpop (xrf0);
	(xrf0) =	vadd.scan.msk.s32 $0xffff, v22  }
0x15e: {  	s22 =	sshrl.u32 s22, $0x3;
	(v2sf) =	vpush v23, $0xF  }
0x15f: {  	s22 =	sadd.s32 s3, s22  }
0x160: {  	[tilespmem:s31], [sflag:$0x3] =	stream.linear.gather [hbm4b:s22+s2], $0x1F8, $0x38;
	[tilespmem:$0x9700] =	vst v63  }
0x161: {  	s23 =	spop (v2sf)  }
0x162: {  	v24 =	vsel vm10, $0x0, v4;
	s22 =	smul.u32 $0x1F8, s23  }
0x163: {  	s24 =	sld [smem:$0x7E5];
	v25, _, _ =	vpop (xrf0);
	(xrf0) =	vadd.scan.msk.s32 $0xffff, v24  }
0x164: {  	s22 =	sshrl.u32 s22, $0x3;
	(v2sf) =	vpush v25, $0xF  }
0x165: {  	s22 =	sadd.s32 s3, s22  }
0x166: {  	[tilespmem:s24], [sflag:$0x3] =	stream.linear.gather [hbm4b:s22+s2], $0x1F8, $0x38;
	[tilespmem:$0x9700] =	vst v63  }
0x167: {  	s25 =	spop (v2sf)  }
0x168: {  	v26 =	vsel vm11, $0x0, v4;
	s22 =	smul.u32 $0x1F8, s25  }
0x169: {  	s26 =	sld [smem:$0x7E6];
	v27, _, _ =	vpop (xrf0);
	(xrf0) =	vadd.scan.msk.s32 $0xffff, v26  }
0x16a: {  	s22 =	sshrl.u32 s22, $0x3;
	(v2sf) =	vpush v27, $0xF  }
0x16b: {  	s22 =	sadd.s32 s3, s22  }
0x16c: {  	[tilespmem:s26], [sflag:$0x3] =	stream.linear.gather [hbm4b:s22+s2], $0x1F8, $0x38;
	[tilespmem:$0x9700] =	vst v63  }
0x16d: {  	s28 =	spop (v2sf)  }
0x16e: {  	v28 =	vsel vm12, $0x0, v4;
	s22 =	smul.u32 $0x1F8, s28  }
0x16f: {  	s29 =	sld [smem:$0x7E7];
	v29, _, _ =	vpop (xrf0);
	(xrf0) =	vadd.scan.msk.s32 $0xffff, v28  }
0x170: {  	s22 =	sshrl.u32 s22, $0x3;
	(v2sf) =	vpush v29, $0xF  }
0x171: {  	s22 =	sadd.s32 s3, s22  }
0x172: {  	[tilespmem:s29], [sflag:$0x3] =	stream.linear.gather [hbm4b:s22+s2], $0x1F8, $0x38;
	[tilespmem:$0x9700] =	vst v63  }
0x173: {  	s30 =	spop (v2sf)  }
0x174: {  	v30 =	vsel vm13, $0x0, v4;
	s22 =	smul.u32 $0x1F8, s30  }
0x175: {  	s31 =	sld [smem:$0x7E8];
	v31, _, _ =	vpop (xrf0);
	(xrf0) =	vadd.scan.msk.s32 $0xffff, v30  }
0x176: {  	s22 =	sshrl.u32 s22, $0x3;
	(v2sf) =	vpush v31, $0xF  }
0x177: {  	s22 =	sadd.s32 s3, s22  }
0x178: {  	[tilespmem:s31], [sflag:$0x3] =	stream.linear.gather [hbm4b:s22+s2], $0x1F8, $0x38;
	[tilespmem:$0x9700] =	vst v63  }
0x179: {  	s23 =	spop (v2sf)  }
0x17a: {  	v32 =	vsel vm14, $0x0, v4;
	s22 =	smul.u32 $0x1F8, s23  }
0x17b: {  	s24 =	sld [smem:$0x7E9];
	v33, _, _ =	vpop (xrf0);
	(xrf0) =	vadd.scan.msk.s32 $0xffff, v32  }
0x17c: {  	s22 =	sshrl.u32 s22, $0x3;
	(v2sf) =	vpush v33, $0xF  }
0x17d: {  	s22 =	sadd.s32 s3, s22  }
0x17e: {  	[tilespmem:s24], [sflag:$0x3] =	stream.linear.gather [hbm4b:s22+s2], $0x1F8, $0x38;
	[tilespmem:$0x9700] =	vst v63  }
0x17f: {  	s25 =	spop (v2sf)  }
0x180: {  	v0 =	vsel vm15, $0x0, v4;
	s22 =	smul.u32 $0x1F8, s25  }
0x181: {  	s26 =	sld [smem:$0x7EA];
	v1, _, _ =	vpop (xrf0);
	(xrf0) =	vadd.scan.msk.s32 $0xffff, v0  }
0x182: {  	s22 =	sshrl.u32 s22, $0x3;
	(v2sf) =	vpush v1, $0xF  }
0x183: {  	s22 =	sadd.s32 s3, s22  }
0x184: {  	[tilespmem:s26], [sflag:$0x3] =	stream.linear.gather [hbm4b:s22+s2], $0x1F8, $0x38;
	[tilespmem:$0x9700] =	vst v63  }
0x185: {  	s28 =	spop (v2sf)  }
0x186: {  	s22 =	smul.u32 $0x1F8, s28  }
0x187: {  	s29 =	sld [smem:$0x7EB];
	v0, _, _ =	vpop (xrf0)  }
0x188: {  	s22 =	sshrl.u32 s22, $0x3;
	(v2sf) =	vpush v0, $0xF  }
0x189: {  	s22 =	sadd.s32 s3, s22  }
0x18a: {  	[tilespmem:s29], [sflag:$0x3] =	stream.linear.gather [hbm4b:s22+s2], $0x1F8, $0x38;
	[tilespmem:$0x9700] =	vst v63  }
0x18b: {  	s30 =	spop (v2sf)  }
0x18c: {  	s22 =	smul.u32 $0x1F8, s30  }
0x18d: {  	s31 =	sld [smem:$0x7EC]  }
0x18e: {  	s22 =	sshrl.u32 s22, $0x3  }
0x18f: {  	s22 =	sadd.s32 s3, s22  }
0x190: {  	[tilespmem:s31], [sflag:$0x3] =	stream.linear.gather [hbm4b:s22+s2], $0x1F8, $0x38;
	[tilespmem:$0x9700] =	vst v63  }
0x191: {  	s24 =	spop (v2sf)  }
0x192: {  	s22 =	smul.u32 $0x1F8, s24  }
0x193: {  	s25 =	sld [smem:$0x7ED]  }
0x194: {  	s22 =	sshrl.u32 s22, $0x3  }
0x195: {  	s22 =	sadd.s32 s3, s22  }
0x196: {  	[tilespmem:s25], [sflag:$0x3] =	stream.linear.gather [hbm4b:s22+s2], $0x1F8, $0x38;
	[tilespmem:$0x9700] =	vst v63  }
0x197: {  	s26 =	spop (v2sf)  }
0x198: {  	s22 =	smul.u32 $0x1F8, s26  }
0x199: {  	s28 =	sld [smem:$0x7EE]  }
0x19a: {  	s22 =	sshrl.u32 s22, $0x3  }
0x19b: {  	s22 =	sadd.s32 s3, s22  }
0x19c: {  	[tilespmem:s28], [sflag:$0x3] =	stream.linear.gather [hbm4b:s22+s2], $0x1F8, $0x38;
	[tilespmem:$0x9700] =	vst v63  }
0x19d: {  	s22 =	simm.s32 @!p0 $0x8  }
0x19e: {  	_ =	swait.ge @!p0 [sflag:s22], $0x1F80  }
0x19f: {  	[sflag:s22] =	ssyncset.done @!p0 $0x0  }
0x1a0: {  	[sflag:s22] =	ssyncadd.s32 @!p0 $0xFFFFE080  }
0x1a1: {  	v34 =	vld [tilespmem:s20+$0x10];
	_ =	sdelay $0x4  }
0x1a2: {  	v35 =	vnsel vm0, $0x0, v34  }
0x1a3: {  	(xrf0) =	vadd.scan.msk.s32 $0xffff, v35;
	_ =	sdelay $0x4  }
0x1a4: {  	v36 =	vsel vm1, $0x0, v34  }
0x1a5: {  	v37, _, _ =	vpop (xrf0);
	(xrf0) =	vadd.scan.msk.s32 $0xffff, v36  }
0x1a6: {  	(v2sf) =	vpush v37, $0xF;
	_ =	sdelay $0x3  }
0x1a7: {  	v38 =	vsel vm2, $0x0, v34  }
0x1a8: {  	v39, _, _ =	vpop (xrf0);
	(xrf0) =	vadd.scan.msk.s32 $0xffff, v38  }
0x1a9: {  	(v2sf) =	vpush v39, $0xF;
	_ =	sdelay $0x3  }
0x1aa: {  	v40 =	vsel vm3, $0x0, v34  }
0x1ab: {  	v41, _, _ =	vpop (xrf0);
	(xrf0) =	vadd.scan.msk.s32 $0xffff, v40  }
0x1ac: {  	(v2sf) =	vpush v41, $0xF;
	_ =	sdelay $0x2  }
0x1ad: {  	s29 =	spop (v2sf)  }
0x1ae: {  	v42 =	vsel vm4, $0x0, v34;
	s22 =	smul.u32 $0x1F8, s29  }
0x1af: {  	v43, _, _ =	vpop (xrf0);
	(xrf0) =	vadd.scan.msk.s32 $0xffff, v42  }
0x1b0: {  	s22 =	sshrl.u32 s22, $0x3;
	(v2sf) =	vpush v43, $0xF  }
0x1b1: {  	s22 =	sadd.s32 s3, s22  }
0x1b2: {  	[tilespmem:s10], [sflag:$0x4] =	stream.linear.gather [hbm4b:s22+s2], $0x1F8, $0x38;
	[tilespmem:$0x9700] =	vst v63  }
0x1b3: {  	s30 =	spop (v2sf)  }
0x1b4: {  	v44 =	vsel vm5, $0x0, v34;
	s22 =	smul.u32 $0x1F8, s30  }
0x1b5: {  	s31 =	sld [smem:$0x7EF];
	v45, _, _ =	vpop (xrf0);
	(xrf0) =	vadd.scan.msk.s32 $0xffff, v44  }
0x1b6: {  	s22 =	sshrl.u32 s22, $0x3;
	(v2sf) =	vpush v45, $0xF  }
0x1b7: {  	s22 =	sadd.s32 s3, s22  }
0x1b8: {  	[tilespmem:s31], [sflag:$0x4] =	stream.linear.gather [hbm4b:s22+s2], $0x1F8, $0x38;
	[tilespmem:$0x9700] =	vst v63  }
0x1b9: {  	s23 =	spop (v2sf)  }
0x1ba: {  	v46 =	vsel vm6, $0x0, v34;
	s22 =	smul.u32 $0x1F8, s23  }
0x1bb: {  	s24 =	sld [smem:$0x7F0];
	v47, _, _ =	vpop (xrf0);
	(xrf0) =	vadd.scan.msk.s32 $0xffff, v46  }
0x1bc: {  	s22 =	sshrl.u32 s22, $0x3;
	(v2sf) =	vpush v47, $0xF  }
0x1bd: {  	s22 =	sadd.s32 s3, s22  }
0x1be: {  	[tilespmem:s24], [sflag:$0x4] =	stream.linear.gather [hbm4b:s22+s2], $0x1F8, $0x38;
	[tilespmem:$0x9700] =	vst v63  }
0x1bf: {  	s25 =	spop (v2sf)  }
0x1c0: {  	v48 =	vsel vm7, $0x0, v34;
	s22 =	smul.u32 $0x1F8, s25  }
0x1c1: {  	s26 =	sld [smem:$0x7F1];
	v49, _, _ =	vpop (xrf0);
	(xrf0) =	vadd.scan.msk.s32 $0xffff, v48  }
0x1c2: {  	s22 =	sshrl.u32 s22, $0x3;
	(v2sf) =	vpush v49, $0xF  }
0x1c3: {  	s22 =	sadd.s32 s3, s22  }
0x1c4: {  	[tilespmem:s26], [sflag:$0x4] =	stream.linear.gather [hbm4b:s22+s2], $0x1F8, $0x38;
	[tilespmem:$0x9700] =	vst v63  }
0x1c5: {  	s28 =	spop (v2sf)  }
0x1c6: {  	v50 =	vsel vm8, $0x0, v34;
	s22 =	smul.u32 $0x1F8, s28  }
0x1c7: {  	s29 =	sld [smem:$0x7F2];
	v51, _, _ =	vpop (xrf0);
	(xrf0) =	vadd.scan.msk.s32 $0xffff, v50  }
0x1c8: {  	s22 =	sshrl.u32 s22, $0x3;
	(v2sf) =	vpush v51, $0xF  }
0x1c9: {  	s22 =	sadd.s32 s3, s22  }
0x1ca: {  	[tilespmem:s29], [sflag:$0x4] =	stream.linear.gather [hbm4b:s22+s2], $0x1F8, $0x38;
	[tilespmem:$0x9700] =	vst v63  }
0x1cb: {  	s30 =	spop (v2sf)  }
0x1cc: {  	v52 =	vsel vm9, $0x0, v34;
	s22 =	smul.u32 $0x1F8, s30  }
0x1cd: {  	s31 =	sld [smem:$0x7F3];
	v53, _, _ =	vpop (xrf0);
	(xrf0) =	vadd.scan.msk.s32 $0xffff, v52  }
0x1ce: {  	s22 =	sshrl.u32 s22, $0x3;
	(v2sf) =	vpush v53, $0xF  }
0x1cf: {  	s22 =	sadd.s32 s3, s22  }
0x1d0: {  	[tilespmem:s31], [sflag:$0x4] =	stream.linear.gather [hbm4b:s22+s2], $0x1F8, $0x38;
	[tilespmem:$0x9700] =	vst v63  }
0x1d1: {  	s23 =	spop (v2sf)  }
0x1d2: {  	v54 =	vsel vm10, $0x0, v34;
	s22 =	smul.u32 $0x1F8, s23  }
0x1d3: {  	s24 =	sld [smem:$0x7F4];
	v55, _, _ =	vpop (xrf0);
	(xrf0) =	vadd.scan.msk.s32 $0xffff, v54  }
0x1d4: {  	s22 =	sshrl.u32 s22, $0x3;
	(v2sf) =	vpush v55, $0xF  }
0x1d5: {  	s22 =	sadd.s32 s3, s22  }
0x1d6: {  	[tilespmem:s24], [sflag:$0x4] =	stream.linear.gather [hbm4b:s22+s2], $0x1F8, $0x38;
	[tilespmem:$0x9700] =	vst v63  }
0x1d7: {  	s25 =	spop (v2sf)  }
0x1d8: {  	v56 =	vsel vm11, $0x0, v34;
	s22 =	smul.u32 $0x1F8, s25  }
0x1d9: {  	s26 =	sld [smem:$0x7F5];
	v57, _, _ =	vpop (xrf0);
	(xrf0) =	vadd.scan.msk.s32 $0xffff, v56  }
0x1da: {  	s22 =	sshrl.u32 s22, $0x3;
	(v2sf) =	vpush v57, $0xF  }
0x1db: {  	s22 =	sadd.s32 s3, s22  }
0x1dc: {  	[tilespmem:s26], [sflag:$0x4] =	stream.linear.gather [hbm4b:s22+s2], $0x1F8, $0x38;
	[tilespmem:$0x9700] =	vst v63  }
0x1dd: {  	s28 =	spop (v2sf)  }
0x1de: {  	v58 =	vsel vm12, $0x0, v34;
	s22 =	smul.u32 $0x1F8, s28  }
0x1df: {  	s29 =	sld [smem:$0x7F6];
	v59, _, _ =	vpop (xrf0);
	(xrf0) =	vadd.scan.msk.s32 $0xffff, v58  }
0x1e0: {  	s22 =	sshrl.u32 s22, $0x3;
	(v2sf) =	vpush v59, $0xF  }
0x1e1: {  	s22 =	sadd.s32 s3, s22  }
0x1e2: {  	[tilespmem:s29], [sflag:$0x4] =	stream.linear.gather [hbm4b:s22+s2], $0x1F8, $0x38;
	[tilespmem:$0x9700] =	vst v63  }
0x1e3: {  	s30 =	spop (v2sf)  }
0x1e4: {  	v60 =	vsel vm13, $0x0, v34;
	s22 =	smul.u32 $0x1F8, s30  }
0x1e5: {  	s31 =	sld [smem:$0x7F7];
	v61, _, _ =	vpop (xrf0);
	(xrf0) =	vadd.scan.msk.s32 $0xffff, v60  }
0x1e6: {  	s22 =	sshrl.u32 s22, $0x3;
	(v2sf) =	vpush v61, $0xF  }
0x1e7: {  	s22 =	sadd.s32 s3, s22  }
0x1e8: {  	[tilespmem:s31], [sflag:$0x4] =	stream.linear.gather [hbm4b:s22+s2], $0x1F8, $0x38;
	[tilespmem:$0x9700] =	vst v63  }
0x1e9: {  	s23 =	spop (v2sf)  }
0x1ea: {  	v62 =	vsel vm14, $0x0, v34;
	s22 =	smul.u32 $0x1F8, s23  }
0x1eb: {  	s24 =	sld [smem:$0x7F8];
	v63, _, _ =	vpop (xrf0);
	(xrf0) =	vadd.scan.msk.s32 $0xffff, v62  }
0x1ec: {  	s22 =	sshrl.u32 s22, $0x3;
	(v2sf) =	vpush v63, $0xF  }
0x1ed: {  	s22 =	sadd.s32 s3, s22  }
0x1ee: {  	[tilespmem:s24], [sflag:$0x4] =	stream.linear.gather [hbm4b:s22+s2], $0x1F8, $0x38;
	[tilespmem:$0x9700] =	vst v63  }
0x1ef: {  	s25 =	spop (v2sf)  }
0x1f0: {  	v0 =	vsel vm15, $0x0, v34;
	s22 =	smul.u32 $0x1F8, s25  }
0x1f1: {  	s26 =	sld [smem:$0x7F9];
	v1, _, _ =	vpop (xrf0);
	(xrf0) =	vadd.scan.msk.s32 $0xffff, v0  }
0x1f2: {  	s22 =	sshrl.u32 s22, $0x3;
	(v2sf) =	vpush v1, $0xF  }
0x1f3: {  	s22 =	sadd.s32 s3, s22  }
0x1f4: {  	[tilespmem:s26], [sflag:$0x4] =	stream.linear.gather [hbm4b:s22+s2], $0x1F8, $0x38;
	[tilespmem:$0x9700] =	vst v63  }
0x1f5: {  	s28 =	spop (v2sf)  }
0x1f6: {  	s22 =	smul.u32 $0x1F8, s28  }
0x1f7: {  	s29 =	sld [smem:$0x7FA];
	v0, _, _ =	vpop (xrf0)  }
0x1f8: {  	s22 =	sshrl.u32 s22, $0x3;
	(v2sf) =	vpush v0, $0xF  }
0x1f9: {  	s22 =	sadd.s32 s3, s22  }
0x1fa: {  	[tilespmem:s29], [sflag:$0x4] =	stream.linear.gather [hbm4b:s22+s2], $0x1F8, $0x38;
	[tilespmem:$0x9700] =	vst v63  }
0x1fb: {  	s30 =	spop (v2sf)  }
0x1fc: {  	s22 =	smul.u32 $0x1F8, s30  }
0x1fd: {  	s31 =	sld [smem:$0x7FB]  }
0x1fe: {  	s22 =	sshrl.u32 s22, $0x3  }
0x1ff: {  	s22 =	sadd.s32 s3, s22  }
0x200: {  	[tilespmem:s31], [sflag:$0x4] =	stream.linear.gather [hbm4b:s22+s2], $0x1F8, $0x38;
	[tilespmem:$0x9700] =	vst v63  }
0x201: {  	s24 =	spop (v2sf)  }
0x202: {  	s22 =	smul.u32 $0x1F8, s24  }
0x203: {  	s25 =	sld [smem:$0x7FC]  }
0x204: {  	s22 =	sshrl.u32 s22, $0x3  }
0x205: {  	s22 =	sadd.s32 s3, s22  }
0x206: {  	[tilespmem:s25], [sflag:$0x4] =	stream.linear.gather [hbm4b:s22+s2], $0x1F8, $0x38;
	[tilespmem:$0x9700] =	vst v63  }
0x207: {  	s26 =	spop (v2sf)  }
0x208: {  	s22 =	smul.u32 $0x1F8, s26  }
0x209: {  	s28 =	sld [smem:$0x7FD]  }
0x20a: {  	s22 =	sshrl.u32 s22, $0x3  }
0x20b: {  	s22 =	sadd.s32 s3, s22  }
0x20c: {  	[tilespmem:s28], [sflag:$0x4] =	stream.linear.gather [hbm4b:s22+s2], $0x1F8, $0x38;
	[tilespmem:$0x9700] =	vst v63  }
0x20d: {  	_ =	swait.ge [sflag:s11], $0x1F8  }
0x20e: {  	[sflag:s11] =	ssyncset.done $0x0  }
0x20f: {  	[sflag:s11] =	ssyncadd.s32 $0xFFFFFE08  }
0x210: {  	_ =	swait.ge [sflag:s11], $0x1F8  }
0x211: {  	[sflag:s11] =	ssyncset.done $0x0  }
0x212: {  	[sflag:s11] =	ssyncadd.s32 $0xFFFFFE08  }
0x213: {  	_ =	swait.ge [sflag:s11], $0x1F8  }
0x214: {  	[sflag:s11] =	ssyncset.done $0x0  }
0x215: {  	[sflag:s11] =	ssyncadd.s32 $0xFFFFFE08  }
0x216: {  	_ =	swait.ge [sflag:s11], $0x1F8  }
0x217: {  	[sflag:s11] =	ssyncset.done $0x0  }
0x218: {  	[sflag:s11] =	ssyncadd.s32 $0xFFFFFE08  }
0x219: {  	_ =	swait.ge [sflag:s11], $0x1F8  }
0x21a: {  	[sflag:s11] =	ssyncset.done $0x0  }
0x21b: {  	[sflag:s11] =	ssyncadd.s32 $0xFFFFFE08  }
0x21c: {  	_ =	swait.ge [sflag:s11], $0x1F8  }
0x21d: {  	[sflag:s11] =	ssyncset.done $0x0  }
0x21e: {  	[sflag:s11] =	ssyncadd.s32 $0xFFFFFE08  }
0x21f: {  	_ =	swait.ge [sflag:s11], $0x1F8  }
0x220: {  	[sflag:s11] =	ssyncset.done $0x0  }
0x221: {  	[sflag:s11] =	ssyncadd.s32 $0xFFFFFE08  }
0x222: {  	_ =	swait.ge [sflag:s11], $0x1F8  }
0x223: {  	[sflag:s11] =	ssyncset.done $0x0  }
0x224: {  	[sflag:s11] =	ssyncadd.s32 $0xFFFFFE08  }
0x225: {  	_ =	swait.ge [sflag:s11], $0x1F8  }
0x226: {  	[sflag:s11] =	ssyncset.done $0x0  }
0x227: {  	[sflag:s11] =	ssyncadd.s32 $0xFFFFFE08  }
0x228: {  	_ =	swait.ge [sflag:s11], $0x1F8  }
0x229: {  	[sflag:s11] =	ssyncset.done $0x0  }
0x22a: {  	[sflag:s11] =	ssyncadd.s32 $0xFFFFFE08  }
0x22b: {  	_ =	swait.ge [sflag:s11], $0x1F8  }
0x22c: {  	[sflag:s11] =	ssyncset.done $0x0  }
0x22d: {  	[sflag:s11] =	ssyncadd.s32 $0xFFFFFE08  }
0x22e: {  	_ =	swait.ge [sflag:s11], $0x1F8  }
0x22f: {  	[sflag:s11] =	ssyncset.done $0x0  }
0x230: {  	[sflag:s11] =	ssyncadd.s32 $0xFFFFFE08  }
0x231: {  	_ =	swait.ge [sflag:s11], $0x1F8  }
0x232: {  	[sflag:s11] =	ssyncset.done $0x0  }
0x233: {  	[sflag:s11] =	ssyncadd.s32 $0xFFFFFE08  }
0x234: {  	_ =	swait.ge [sflag:s11], $0x1F8  }
0x235: {  	[sflag:s11] =	ssyncset.done $0x0  }
0x236: {  	[sflag:s11] =	ssyncadd.s32 $0xFFFFFE08  }
0x237: {  	_ =	swait.ge [sflag:s11], $0x1F8  }
0x238: {  	[sflag:s11] =	ssyncset.done $0x0  }
0x239: {  	[sflag:s11] =	ssyncadd.s32 $0xFFFFFE08  }
0x23a: {  	_ =	swait.ge [sflag:s11], $0x1F8  }
0x23b: {  	s29 =	rddreg [dreg:$0x3];
	[sflag:s11] =	ssyncset.done $0x0  }
0x23c: {  	[sflag:s11] =	ssyncadd.s32 $0xFFFFFE08;
	s22 =	sadd.s32 s21, s29  }
0x23d: {  	[hbm4b:s22+s2] =	stream.linear.scatter [tilespmem:s7], [sflag:$0x5], $0x1F80, $0x38;
	[tilespmem:$0x9700] =	vst v63  }
0x23e: {  	_ =	swait.ge [sflag:s12], $0x1F8  }
0x23f: {  	[sflag:s12] =	ssyncset.done $0x0  }
0x240: {  	[sflag:s12] =	ssyncadd.s32 $0xFFFFFE08  }
0x241: {  	_ =	swait.ge [sflag:s12], $0x1F8  }
0x242: {  	[sflag:s12] =	ssyncset.done $0x0  }
0x243: {  	[sflag:s12] =	ssyncadd.s32 $0xFFFFFE08  }
0x244: {  	_ =	swait.ge [sflag:s12], $0x1F8  }
0x245: {  	[sflag:s12] =	ssyncset.done $0x0  }
0x246: {  	[sflag:s12] =	ssyncadd.s32 $0xFFFFFE08  }
0x247: {  	_ =	swait.ge [sflag:s12], $0x1F8  }
0x248: {  	[sflag:s12] =	ssyncset.done $0x0  }
0x249: {  	[sflag:s12] =	ssyncadd.s32 $0xFFFFFE08  }
0x24a: {  	_ =	swait.ge [sflag:s12], $0x1F8  }
0x24b: {  	[sflag:s12] =	ssyncset.done $0x0  }
0x24c: {  	[sflag:s12] =	ssyncadd.s32 $0xFFFFFE08  }
0x24d: {  	_ =	swait.ge [sflag:s12], $0x1F8  }
0x24e: {  	[sflag:s12] =	ssyncset.done $0x0  }
0x24f: {  	[sflag:s12] =	ssyncadd.s32 $0xFFFFFE08  }
0x250: {  	_ =	swait.ge [sflag:s12], $0x1F8  }
0x251: {  	[sflag:s12] =	ssyncset.done $0x0  }
0x252: {  	[sflag:s12] =	ssyncadd.s32 $0xFFFFFE08  }
0x253: {  	_ =	swait.ge [sflag:s12], $0x1F8  }
0x254: {  	[sflag:s12] =	ssyncset.done $0x0  }
0x255: {  	[sflag:s12] =	ssyncadd.s32 $0xFFFFFE08  }
0x256: {  	_ =	swait.ge [sflag:s12], $0x1F8  }
0x257: {  	[sflag:s12] =	ssyncset.done $0x0  }
0x258: {  	[sflag:s12] =	ssyncadd.s32 $0xFFFFFE08  }
0x259: {  	_ =	swait.ge [sflag:s12], $0x1F8  }
0x25a: {  	[sflag:s12] =	ssyncset.done $0x0  }
0x25b: {  	[sflag:s12] =	ssyncadd.s32 $0xFFFFFE08  }
0x25c: {  	_ =	swait.ge [sflag:s12], $0x1F8  }
0x25d: {  	[sflag:s12] =	ssyncset.done $0x0  }
0x25e: {  	[sflag:s12] =	ssyncadd.s32 $0xFFFFFE08  }
0x25f: {  	_ =	swait.ge [sflag:s12], $0x1F8  }
0x260: {  	[sflag:s12] =	ssyncset.done $0x0  }
0x261: {  	[sflag:s12] =	ssyncadd.s32 $0xFFFFFE08  }
0x262: {  	_ =	swait.ge [sflag:s12], $0x1F8  }
0x263: {  	[sflag:s12] =	ssyncset.done $0x0  }
0x264: {  	[sflag:s12] =	ssyncadd.s32 $0xFFFFFE08  }
0x265: {  	_ =	swait.ge [sflag:s12], $0x1F8  }
0x266: {  	[sflag:s12] =	ssyncset.done $0x0  }
0x267: {  	[sflag:s12] =	ssyncadd.s32 $0xFFFFFE08  }
0x268: {  	_ =	swait.ge [sflag:s12], $0x1F8  }
0x269: {  	[sflag:s12] =	ssyncset.done $0x0  }
0x26a: {  	[sflag:s12] =	ssyncadd.s32 $0xFFFFFE08  }
0x26b: {  	_ =	swait.ge [sflag:s12], $0x1F8  }
0x26c: {  	[sflag:s12] =	ssyncset.done $0x0  }
0x26d: {  	s30 =	sadd.s32 $0x3F0, s22;
	[sflag:s12] =	ssyncadd.s32 $0xFFFFFE08  }
0x26e: {  	[hbm4b:s30+s2] =	stream.linear.scatter [tilespmem:s8], [sflag:$0x6], $0x1F80, $0x38;
	[tilespmem:$0x9700] =	vst v63  }
0x26f: {  	_ =	swait.ge [sflag:s13], $0x1F8  }
0x270: {  	[sflag:s13] =	ssyncset.done $0x0  }
0x271: {  	[sflag:s13] =	ssyncadd.s32 $0xFFFFFE08  }
0x272: {  	_ =	swait.ge [sflag:s13], $0x1F8  }
0x273: {  	[sflag:s13] =	ssyncset.done $0x0  }
0x274: {  	[sflag:s13] =	ssyncadd.s32 $0xFFFFFE08  }
0x275: {  	_ =	swait.ge [sflag:s13], $0x1F8  }
0x276: {  	[sflag:s13] =	ssyncset.done $0x0  }
0x277: {  	[sflag:s13] =	ssyncadd.s32 $0xFFFFFE08  }
0x278: {  	_ =	swait.ge [sflag:s13], $0x1F8  }
0x279: {  	[sflag:s13] =	ssyncset.done $0x0  }
0x27a: {  	[sflag:s13] =	ssyncadd.s32 $0xFFFFFE08  }
0x27b: {  	_ =	swait.ge [sflag:s13], $0x1F8  }
0x27c: {  	[sflag:s13] =	ssyncset.done $0x0  }
0x27d: {  	[sflag:s13] =	ssyncadd.s32 $0xFFFFFE08  }
0x27e: {  	_ =	swait.ge [sflag:s13], $0x1F8  }
0x27f: {  	[sflag:s13] =	ssyncset.done $0x0  }
0x280: {  	[sflag:s13] =	ssyncadd.s32 $0xFFFFFE08  }
0x281: {  	_ =	swait.ge [sflag:s13], $0x1F8  }
0x282: {  	[sflag:s13] =	ssyncset.done $0x0  }
0x283: {  	[sflag:s13] =	ssyncadd.s32 $0xFFFFFE08  }
0x284: {  	_ =	swait.ge [sflag:s13], $0x1F8  }
0x285: {  	[sflag:s13] =	ssyncset.done $0x0  }
0x286: {  	[sflag:s13] =	ssyncadd.s32 $0xFFFFFE08  }
0x287: {  	_ =	swait.ge [sflag:s13], $0x1F8  }
0x288: {  	[sflag:s13] =	ssyncset.done $0x0  }
0x289: {  	[sflag:s13] =	ssyncadd.s32 $0xFFFFFE08  }
0x28a: {  	_ =	swait.ge [sflag:s13], $0x1F8  }
0x28b: {  	[sflag:s13] =	ssyncset.done $0x0  }
0x28c: {  	[sflag:s13] =	ssyncadd.s32 $0xFFFFFE08  }
0x28d: {  	_ =	swait.ge [sflag:s13], $0x1F8  }
0x28e: {  	[sflag:s13] =	ssyncset.done $0x0  }
0x28f: {  	[sflag:s13] =	ssyncadd.s32 $0xFFFFFE08  }
0x290: {  	_ =	swait.ge [sflag:s13], $0x1F8  }
0x291: {  	[sflag:s13] =	ssyncset.done $0x0  }
0x292: {  	[sflag:s13] =	ssyncadd.s32 $0xFFFFFE08  }
0x293: {  	_ =	swait.ge [sflag:s13], $0x1F8  }
0x294: {  	[sflag:s13] =	ssyncset.done $0x0  }
0x295: {  	[sflag:s13] =	ssyncadd.s32 $0xFFFFFE08  }
0x296: {  	_ =	swait.ge [sflag:s13], $0x1F8  }
0x297: {  	[sflag:s13] =	ssyncset.done $0x0  }
0x298: {  	[sflag:s13] =	ssyncadd.s32 $0xFFFFFE08  }
0x299: {  	_ =	swait.ge [sflag:s13], $0x1F8  }
0x29a: {  	[sflag:s13] =	ssyncset.done $0x0  }
0x29b: {  	[sflag:s13] =	ssyncadd.s32 $0xFFFFFE08  }
0x29c: {  	_ =	swait.ge [sflag:s13], $0x1F8  }
0x29d: {  	[sflag:s13] =	ssyncset.done $0x0  }
0x29e: {  	s31 =	sadd.s32 $0x7E0, s22;
	[sflag:s13] =	ssyncadd.s32 $0xFFFFFE08  }
0x29f: {  	[hbm4b:s31+s2] =	stream.linear.scatter [tilespmem:s9], [sflag:$0x7], $0x1F80, $0x38;
	[tilespmem:$0x9700] =	vst v63  }
0x2a0: {  	_ =	swait.ge [sflag:s14], $0x1F8  }
0x2a1: {  	[sflag:s14] =	ssyncset.done $0x0  }
0x2a2: {  	[sflag:s14] =	ssyncadd.s32 $0xFFFFFE08  }
0x2a3: {  	_ =	swait.ge [sflag:s14], $0x1F8  }
0x2a4: {  	[sflag:s14] =	ssyncset.done $0x0  }
0x2a5: {  	[sflag:s14] =	ssyncadd.s32 $0xFFFFFE08  }
0x2a6: {  	_ =	swait.ge [sflag:s14], $0x1F8  }
0x2a7: {  	[sflag:s14] =	ssyncset.done $0x0  }
0x2a8: {  	[sflag:s14] =	ssyncadd.s32 $0xFFFFFE08  }
0x2a9: {  	_ =	swait.ge [sflag:s14], $0x1F8  }
0x2aa: {  	[sflag:s14] =	ssyncset.done $0x0  }
0x2ab: {  	[sflag:s14] =	ssyncadd.s32 $0xFFFFFE08  }
0x2ac: {  	_ =	swait.ge [sflag:s14], $0x1F8  }
0x2ad: {  	[sflag:s14] =	ssyncset.done $0x0  }
0x2ae: {  	[sflag:s14] =	ssyncadd.s32 $0xFFFFFE08  }
0x2af: {  	_ =	swait.ge [sflag:s14], $0x1F8  }
0x2b0: {  	[sflag:s14] =	ssyncset.done $0x0  }
0x2b1: {  	[sflag:s14] =	ssyncadd.s32 $0xFFFFFE08  }
0x2b2: {  	_ =	swait.ge [sflag:s14], $0x1F8  }
0x2b3: {  	[sflag:s14] =	ssyncset.done $0x0  }
0x2b4: {  	[sflag:s14] =	ssyncadd.s32 $0xFFFFFE08  }
0x2b5: {  	_ =	swait.ge [sflag:s14], $0x1F8  }
0x2b6: {  	[sflag:s14] =	ssyncset.done $0x0  }
0x2b7: {  	[sflag:s14] =	ssyncadd.s32 $0xFFFFFE08  }
0x2b8: {  	_ =	swait.ge [sflag:s14], $0x1F8  }
0x2b9: {  	[sflag:s14] =	ssyncset.done $0x0  }
0x2ba: {  	[sflag:s14] =	ssyncadd.s32 $0xFFFFFE08  }
0x2bb: {  	_ =	swait.ge [sflag:s14], $0x1F8  }
0x2bc: {  	[sflag:s14] =	ssyncset.done $0x0  }
0x2bd: {  	[sflag:s14] =	ssyncadd.s32 $0xFFFFFE08  }
0x2be: {  	_ =	swait.ge [sflag:s14], $0x1F8  }
0x2bf: {  	[sflag:s14] =	ssyncset.done $0x0  }
0x2c0: {  	[sflag:s14] =	ssyncadd.s32 $0xFFFFFE08  }
0x2c1: {  	_ =	swait.ge [sflag:s14], $0x1F8  }
0x2c2: {  	[sflag:s14] =	ssyncset.done $0x0  }
0x2c3: {  	[sflag:s14] =	ssyncadd.s32 $0xFFFFFE08  }
0x2c4: {  	_ =	swait.ge [sflag:s14], $0x1F8  }
0x2c5: {  	[sflag:s14] =	ssyncset.done $0x0  }
0x2c6: {  	[sflag:s14] =	ssyncadd.s32 $0xFFFFFE08  }
0x2c7: {  	_ =	swait.ge [sflag:s14], $0x1F8  }
0x2c8: {  	[sflag:s14] =	ssyncset.done $0x0  }
0x2c9: {  	[sflag:s14] =	ssyncadd.s32 $0xFFFFFE08  }
0x2ca: {  	s21 =	sadd.s32 $0xFC0, s21;
	_ =	swait.ge [sflag:s14], $0x1F8  }
0x2cb: {  	p0 =	sne.s32 s21, $0x62700;
	[sflag:s14] =	ssyncset.done $0x0  }
.Ltmp0:
0x2cc: {  	[sflag:s14] =	ssyncadd.s32 $0xFFFFFE08;
	(pc) =	sbr.rel @p0 .LBB2_2-.Ltmp0, $4  }
0x2cd: {  	_ =	swait.ge [sflag:s14], $0x1F8  }
0x2ce: {  	[sflag:s14] =	ssyncset.done $0x0  }
0x2cf: {  	s20 =	sadd.s32 $0x40, s20;
	s22 =	sadd.s32 $0xBD0, s22;
	[sflag:s14] =	ssyncadd.s32 $0xFFFFFE08  }
0x2d0: {  	[hbm4b:s22+s2] =	stream.linear.scatter [tilespmem:s10], [sflag:$0x8], $0x1F80, $0x38;
	[tilespmem:$0x9700] =	vst v63  }
0x2d1: {  	_ =	swait.ge [sflag:s15], $0x1F80  }
0x2d2: {  	[sflag:s15] =	ssyncset.done $0x0  }
0x2d3: {  	[sflag:s15] =	ssyncadd.s32 $0xFFFFE080  }
0x2d4: {  	_ =	swait.ge [sflag:s16], $0x1F80  }
0x2d5: {  	[sflag:s16] =	ssyncset.done $0x0  }
0x2d6: {  	s19 =	sadd.s32 $0x1, s19;
	[sflag:s16] =	ssyncadd.s32 $0xFFFFE080  }
0x2d7: {  	p0 =	sne.s32 s19, s5;
	_ =	swait.ge [sflag:s17], $0x1F80  }
.Ltmp1:
0x2d8: {  	[sflag:s17] =	ssyncset.done $0x0;
	(pc) =	sbr.rel @p0 .LBB2_1-.Ltmp1, $4  }
0x2d9: {  	[sflag:s17] =	ssyncadd.s32 $0xFFFFE080  }
0x2da: {  	_ =	swait.ge [sflag:s18], $0x1F80  }
0x2db: {  	[sflag:s18] =	ssyncset.done $0x0  }
0x2dc: {  	[sflag:s18] =	ssyncadd.s32 $0xFFFFE080  }
0x2dd: {  	_ =	sfence.sel $0x180000  }
0x2de: {  	[bflag:$0x0] =	sbarrier.arrive $0xFFFF  }
0x2df: {  	p0 =	sne.s32 s0, $0x0;
	_ =	strace $0x90000047  }
0x2e0: {  	s0 =	sadd.s32 @!p0 $0x100000, s1;
	[bflag:$0x2] =	sbarrier.arrive $0xFFFF  }
0x2e1: {  	[sflag:s0] =	ssyncadd.tile.s32 @!p0 $0x1;
	_ =	shalt  }
.Lfunc_end2:
_tile_overlayer_lowered:
.L_overlay_start_2:
0x2e2: {  	(tag) =	ssettag $0x2  }
0x2e3: {  	s0 =	rddreg [dreg:$0x0];
	s2 =	stileid.u32  }
0x2e4: {  	s1 =	rddreg [dreg:$0x1];
	p0 =	sne.s32 s2, $0x0  }
0x2e5: {  	s3 =	rddreg [dreg:$0x2];
	[bflag:$0x3] =	sbarrier.arrive $0xFFFF;
	s2 =	simm.s32 @!p0 $0x1C09  }
0x2e6: {  	[timem:s3], [sflag:s2] =	dma.local @!p0 [hbm:s0], s1  }
0x2e7: {  	s0 =	simm.s32 @!p0 $0x9  }
0x2e8: {  	_ =	swait.ge @!p0 [sflag:s0], s1  }
0x2e9: {  	s1 =	ssub.s32 @!p0 $0x0, s1;
	[sflag:s0] =	ssyncset.done @!p0 $0x0  }
0x2ea: {  	[sflag:s0] =	ssyncadd.s32 @!p0 s1  }
0x2eb: {  	[bflag:$0x3] =	sbarrier.arrive $0xFFFF  }
0x2ec: {  	_ =	shalt  }

// kernel: sparse-core-data-format-call.cloned.1.call-start
scs
called_computation_lowered:
.L_overlay_start_0:
0x0: {  	s2 =	sld [smem:$0x3FD9]  }
0x1: {  	s3 =	sld [smem:$0x3FFE];
	_ =	sdelay $0x1  }
0x2: {  	s1 =	srdreg.scid  }
0x3: {  	s0 =	sand.u32 $0x1, s1  }
0x4: {  	s18 =	sshll.u32 s0, $0xA;
	s2 =	sadd.s32 s3, s2  }
0x5: {  	s2 =	sadd.s32 s2, s18  }
0x6: {  	[smem:$0x3FC6] =	sst s2  }
0x7: {  	_ = 	snop  }
0x8: {  	s2 =	sld [smem:$0x3FD0];
	(tm) =	ssettm $0x1  }
0x9: {  	s19 =	sld [smem:$0x3FFB];
	_ =	sdelay $0x3  }
0xa: {  	_ =	strace s19  }
0xb: {  	s3 =	sld [smem:$0x3FFC];
	_ =	sdelay $0x3  }
0xc: {  	_ =	strace s3  }
0xd: {  	s3 =	sld [smem:$0x3FFD];
	_ =	sdelay $0x3  }
0xe: {  	_ =	strace s3  }
0xf: {  	_ =	strace $0x8FFFFFFF  }
0x10: {  	s20 =	sld [smem:$0x3FDB];
	_ =	sdelay $0x1  }
0x11: {  	s4 =	simm.s32 $_scs_section_size  }
0x12: {  	s5 =	simm.s32 $_size__tile_overlayer_lowered;
	s6 =	simm.s32 $_tile_overlayer_lowered  }
0x13: {  	s23 =	simm.s32 $0x1BFF;
	s22 =	sshll.u32 s6, $0x1;
	s3 =	sadd.s32 s4, s20  }
0x14: {  	s7 =	simm.s32 $0x0;
	s21 =	sshll.u32 s5, $0x1;
	s5 =	sadd.s32 s22, s3  }
0x15: {  	[timem:s7], [sflag:s23] =	dma.local [hbm:s5], s21  }
0x16: {  	_ =	swait.ge [sflag:s23], s21  }
0x17: {  	s4 =	ssub.s32 $0x0, s21;
	[sflag:s23] =	ssyncset.done $0x0  }
0x18: {  	[sflag:s23] =	ssyncadd.s32 s4;
	_ =	sdelay $0x1  }
0x19: {  	s24 =	simm.s32 $0x1B8B  }
0x1a: {  	_ =	swait.ge [sflag:s24], $0x1  }
0x1b: {  	[sflag:s24] =	ssyncset.done $0x0  }
0x1c: {  	s26 =	simm.s32 $0x1B8E;
	s25 =	sld [smem:$0x3FFE];
	[sflag:s24] =	ssyncadd.s32 $0xFFFFFFFF  }
0x1d: {  	s27 =	simm.s32 $execute0_lowered;
	[smem:$0x3FD2] =	sst s26  }
0x1e: {  	s5 =	sshll.u32 s27, $0x1;
	_ =	strace $0x80000049;
	[dreg:$0x1] =	wrdreg $0xFFFFFFFF  }
0x1f: {  	s28 =	simm.s32 $_size_execute0_lowered;
	s3 =	sadd.s32 s3, s5;
	[dreg:$0x0] =	wrdreg $0x0  }
0x20: {  	s5 =	sshll.u32 s28, $0x1;
	[dreg:$0x2] =	wrdreg s3  }
0x21: {  	[dreg:$0x3] =	wrdreg s5  }
0x22: {  	[dreg:$0x4] =	wrdreg $0xC0  }
0x23: {  	_ =	task [dreg:s7], $0x5FFFF  }
0x24: {  	[dreg:$0x1] =	wrdreg $0xFFFFFFFF  }
0x25: {  	[dreg:$0x0] =	wrdreg $0x60  }
0x26: {  	[dreg:$0x2] =	wrdreg s25  }
0x27: {  	[dreg:$0x3] =	wrdreg s2  }
0x28: {  	[dreg:$0x4] =	wrdreg $0x9  }
0x29: {  	_ =	task.clear_ibuf [dreg:s7], $0x5FFFF;
	_ =	strace $0x90000049  }
0x2a: {  	s29 =	simm.s32 $0x9;
	_ =	strace $0x8000004B  }
0x2b: {  	_ =	swait.ge [sflag:s29], $0x1  }
0x2c: {  	[sflag:s29] =	ssyncadd.s32 $0xFFFFFFFF  }
0x2d: {  	_ =	strace $0x9000004B  }
0x2e: {  	_ =	sfence  }
0x2f: {  	s30 =	sld [smem:$0x0];
	_ =	sdelay $0x2  }
0x30: {  	s31 =	sshll.u32 s1, $0xD;
	s1 =	sshrl.u32 s1, $0x2  }
0x31: {  	s3 =	sand.u32 $0x4000, s31;
	s1 =	sadd.s32 s1, s30  }
0x32: {  	s0 =	sor.u32 s3, s0;
	s1 =	sshll.u32 s1, $0x11  }
0x33: {  	s0 =	sor.u32 s1, s0  }
0x34: {  	s0 =	sadd.s32 $0x8F2B, s0  }
0x35: {  	[sflag:s0] =	ssyncadd.remote.s32 $0x1  }
0x36: {  	_ =	sfence.sel $0xFFFF  }
0x37: {  	[dreg:$0x0] =	wrdreg $0xFFFFFFFF;
	(pc) =	sbr.abs _section_cstart, $3  }
0x38: {  	[dreg:$0x1] =	wrdreg $0xFFFFFFFF  }
0x39: {  	_ =	task.clear_ibuf [dreg:s7], $0x2FFFF;
	_ =	strace $0x9FFFFFFF  }
0x3a: {  	(tm) =	ssettm $0x7FFFFFFF  }
0x3b: {  	_ =	shalt  }
tec
execute0_lowered:
.L_overlay_start_1:
0x0: {  	(tag) =	ssettag $0x1  }
0x1: {  	s0 =	srdreg.scid;
	s6 =	rddreg [dreg:$0x0]  }
0x2: {  	s3 =	rddreg [dreg:$0x1];
	s1 =	sshll.u32 s0, $0x4  }
0x3: {  	s5 =	simm.s32 $0x1;
	s0 =	stileid.u32;
	s1 =	sand.u32 $0x10, s1  }
0x4: {  	s31 =	simm.s32 $0x2;
	s16 =	simm.s32 $0x0;
	s1 =	sor.u32 s0, s1  }
0x5: {  	s8 =	simm.s32 $0x8000;
	s18 =	simm.s32 $0x0;
	s2 =	sshll.u32 s1, $0x7  }
0x6: {  	s17 =	simm.s32 $0x0;
	s9 =	simm.s32 $0x0;
	s4 =	ssub.s32 $0x1000, s2  }
0x7: {  	s10 =	simm.s32 $0x0;
	s11 =	simm.s32 $0x0;
	s30 =	sand.u32 $0xF80, s4  }
0x8: {  	s12 =	simm.s32 $0x0;
	s13 =	simm.s32 $0x0;
	p0 =	sne.s32 s30, $0x0  }
.Ltmp0:
0x9: {  	s7 =	sshrl.u32 s4, $0xC;
	s5 =	simm.s32 @!p0 $0x0;
	(pc) =	sbr.rel .LBB1_1-.Ltmp0, $4  }
0xa: {  	s15 =	simm.s32 $0x0;
	s1 =	rddreg [dreg:$0x2];
	s5 =	sadd.s32 s5, s7  }
0xb: {  	_ =	strace $0x8000004A;
	s4 =	simm.s32 $0x1;
	s5 =	smul.u32 $0xC8, s5  }
0xc: {  	s6 =	sadd.s32 $0xC80800, s6;
	s14 =	smov.u32 s2;
	[sflag:s4] =	ssyncpa.u1 $0x0  }
0xd: {  	[sflag:s31] =	ssyncpa.u1 $0x0;
	p0 =	por $0x0, $0x0;
	s7 =	sor.u32 $0x1, s5  }
.LBB1_4:
0xe: {  	s23 =	sshra.s32 s23, $0x2;
	s30 =	sshll.u32 s9, $0xC  }
0xf: {  	p1 =	sgt.s32 s10, $0x31;
	s24 =	smov.u32 s10;
	s25 =	sshra.s32 s10, $0x1F  }
0x10: {  	s26 =	sshll.u32 s11, $0x3;
	s28 =	smov.u32 s11;
	s29 =	sshra.s32 s11, $0x1F  }
0x11: {  	s22 =	sadd.s32 s23, s22;
	s24 =	simm.s32 @!p1 $0x31;
	s25 =	sand.u32 s25, s10  }
0x12: {  	s23 =	sand.u32 $0xFFFF8000, s30;
	s27 =	sand.u32 $0xFFFFFC00, s26;
	p1 =	sgt.s32 s9, $0x178  }
0x13: {  	s31 =	sand.u32 s29, s11;
	s29 =	sshll.u32 s9, $0x7;
	s30 =	sshra.s32 s9, $0x1F  }
0x14: {  	[tilespmem:s21+$0x2040 ss:$0x81] =	vst.msk $0xffff, v4;
	s24 =	ssub.s32 s24, s25;
	s23 =	sadd.s32 s27, s23;
	s27 =	smov.u32 s9  }
0x15: {  	[tilespmem:s21+$0x2850 ss:$0x81] =	vst.msk $0xffff, v3;
	s29 =	sand.u32 $0x380, s29;
	s25 =	sadd.s32 $0xFFFFFFCF, s24;
	s27 =	simm.s32 @!p1 $0x178  }
0x16: {  	v5 =	vld [tilespmem:s20+$0xFFFFFFD0];
	[tilespmem:s21+$0x3060 ss:$0x81] =	vst.msk $0xffff, v2;
	p1 =	sgt.s32 s11, $0xF80;
	s23 =	sshrl.u32 s23, $0xC;
	s24 =	ssub.s32 $0x32, s24  }
0x17: {  	v58 =	vld [tilespmem:s20+$0xFFFFFFE0];
	[tilespmem:s21+$0x0 ss:$0x81] =	vst.msk $0xffff, v1;
	s28 =	simm.s32 @!p1 $0xF80;
	p1 =	sgt.s32 s25, $0x0;
	s21 =	smulhi.u32 $0x820821, s23  }
0x18: {  	v59 =	vld [tilespmem:s20+$0xFFFFFFF0];
	s25 =	ssub.s32 s28, s31;
	s28 =	sand.u32 s30, s9;
	s24 =	simm.s32 @p1 $0x0  }
0x19: {  	v60 =	vld [tilespmem:s20+$0x0];
	s27 =	ssub.s32 s27, s28;
	s31 =	sadd.s32 $0xFFFFF080, s25;
	s25 =	ssub.s32 $0x1000, s25  }
0x1a: {  	v61 =	vld [tilespmem:s20+$0x10];
	[tilespmem:s22+$0x3870 ss:$0x81] =	vst.msk $0xffff, v0;
	s21 =	smul.u32 $0x1F8, s21;
	s28 =	sand.u32 $0x7, s11;
	p1 =	sgt.s32 s31, $0x7F  }
0x1b: {  	v62 =	vld [tilespmem:s20+$0x20];
	[tilespmem:s22+$0x810 ss:$0x81] =	vst.msk $0xffff, v5;
	s30 =	sadd.s32 $0xFFFFFE88, s27;
	s31 =	sand.u32 $0x78, s11;
	s25 =	simm.s32 @p1 $0x0  }
0x1c: {  	v63 =	vld [tilespmem:s20+$0xFFFFFFC0];
	[tilespmem:s22+$0x1020 ss:$0x81] =	vst.msk $0xffff, v58;
	p1 =	sgt.s32 s30, $0x7F;
	s30 =	sand.u32 $0xC00, s26;
	s24 =	smul.u32 s25, s24  }
0x1d: {  	[tilespmem:s22+$0x1830 ss:$0x81] =	vst.msk $0xffff, v59;
	s26 =	ssub.s32 $0x1F8, s27;
	s20 =	sor.u32 s31, s30;
	s31 =	smul.u32 $0x3F000, s10  }
0x1e: {  	[tilespmem:s22+$0x2040 ss:$0x81] =	vst.msk $0xffff, v60;
	s21 =	ssub.s32 s23, s21;
	s26 =	simm.s32 @p1 $0x0;
	s20 =	sor.u32 s29, s20  }
0x1f: {  	[tilespmem:s22+$0x2850 ss:$0x81] =	vst.msk $0xffff, v61;
	s26 =	smul.u32 s26, s24;
	s20 =	sshrl.u32 s20, $0x3;
	s27 =	sadd.s32 s3, s31  }
0x20: {  	[tilespmem:s22+$0x3060 ss:$0x81] =	vst.msk $0xffff, v62;
	s21 =	sshll.u32 s21, $0x9;
	s29 =	sshll.u32 s28, $0x12;
	s20 =	sadd.s32 s20, s27  }
0x21: {  	[tilespmem:s22+$0x0 ss:$0x81] =	vst.msk $0xffff, v63;
	s31 =	sor.u32 $0x400, s29;
	s30 =	sand.u32 $0x3FFFFFFF, s26;
	s20 =	sadd.s32 s21, s20  }
0x22: {  	[hbm4b:s20+s31] =	stream.strided.scatter [tilespmem:s19], [sflag:$0x2], s30, s8, s31, $0x20;
	[tilespmem:$0x10100] =	vst v63  }
.LBB1_5:
0x23: {  	p1 =	slt.u32 s15, $0x2  }
0x24: {  	p2 =	sgt.s32 @!p1 s18, $0x31  }
0x25: {  	s19 =	smov.u32 s18;
	s20 =	sshra.s32 @!p1 s18, $0x1F;
	p2 =	por !p2, p1  }
0x26: {  	s18 =	sand.u32 @!p1 s20, s18;
	s19 =	simm.s32 @p2 $0x31  }
0x27: {  	p3 =	sgt.s32 @!p1 s16, $0x178;
	s18 =	ssub.s32 @!p1 s19, s18  }
0x28: {  	p4 =	sgt.s32 @!p1 s17, $0xF80;
	s21 =	sshra.s32 @!p1 s17, $0x1F;
	s19 =	sadd.s32 @!p1 $0xFFFFFFCF, s18  }
0x29: {  	s20 =	smov.u32 s16;
	p2 =	sgt.s32 @!p1 s19, $0x0;
	s19 =	sshra.s32 @!p1 s16, $0x1F  }
0x2a: {  	p4 =	por !p4, p1;
	s16 =	sand.u32 @!p1 s19, s16;
	s19 =	smov.u32 s17  }
0x2b: {  	p3 =	por !p3, p1;
	s17 =	sand.u32 @!p1 s21, s17;
	s19 =	simm.s32 @p4 $0xF80  }
0x2c: {  	s20 =	simm.s32 @p3 $0x178;
	s18 =	ssub.s32 @!p1 $0x32, s18;
	s17 =	ssub.s32 @!p1 s19, s17  }
0x2d: {  	p2 =	por !p2, p1;
	s16 =	ssub.s32 @!p1 s20, s16;
	s20 =	sadd.s32 @!p1 $0xFFFFF080, s17  }
0x2e: {  	s18 =	simm.s32 @!p2 $0x0;
	p3 =	sgt.s32 @!p1 s20, $0x7F  }
0x2f: {  	s19 =	sadd.s32 @!p1 $0xFFFFFE88, s16;
	s17 =	ssub.s32 @!p1 $0x1000, s17;
	p3 =	por !p3, p1  }
0x30: {  	p2 =	sgt.s32 @!p1 s19, $0x7F;
	s19 =	sadd.s32 $0x80, s12;
	s17 =	simm.s32 @!p3 $0x0  }
0x31: {  	p3 =	sgt.s32 s19, $0x1F3;
	s17 =	smul.u32 @!p1 s17, s18;
	s18 =	simm.s32 $0x1  }
0x32: {  	s16 =	ssub.s32 @!p1 $0x1F8, s16;
	p2 =	por !p2, p1;
	s18 =	simm.s32 @!p3 $0x0  }
0x33: {  	s21 =	smov.u32 s14;
	s16 =	simm.s32 @!p2 $0x0;
	s20 =	sadd.s32 s18, s13  }
0x34: {  	s16 =	smul.u32 @!p1 s16, s17;
	s17 =	sadd.s32 $0x1000, s14;
	p2 =	sgt.s32 s20, $0x31  }
0x35: {  	p0 =	por !p0, !p0;
	s22 =	simm.s32 @!p1 $0x2;
	s21 =	smov.u32 @p2 s17  }
0x36: {  	s19 =	simm.s32 @p3 $0x0;
	s20 =	simm.s32 @p2 $0x0;
	p2 =	sgt.s32 s21, $0xFFF  }
0x37: {  	s18 =	smov.u32 s10;
	s21 =	smov.u32 @p2 s2;
	p2 =	sne.s32 s15, s7  }
.Ltmp1:
0x38: {  	s10 =	smov.u32 s13;
	s16 =	sand.u32 @!p1 $0x3FFFFFFF, s16;
	(pc) =	sbr.rel @!p2 .LBB1_6-.Ltmp1, $4  }
0x39: {  	s17 =	smov.u32 s11;
	s11 =	smov.u32 s14;
	_ =	swait.ge @!p1 [sflag:s22], s16  }
0x3a: {  	s23 =	ssub.s32 @!p1 $0x0, s16;
	s16 =	smov.u32 s9;
	s9 =	smov.u32 s12  }
0x3b: {  	s12 =	smov.u32 s19;
	s13 =	smov.u32 s20;
	[sflag:s22] =	ssyncset.done @!p1 $0x0  }
0x3c: {  	s15 =	sadd.s32 $0x1, s15;
	[sflag:s22] =	ssyncadd.s32 @!p1 s23;
	s14 =	smov.u32 s21  }
.LBB1_1:
0x3d: {  	p1 =	sge.u32 s15, s5  }
0x3e: {  	s19 =	sshll.u32 @!p1 s13, $0x9;
	s20 =	sshll.u32 @!p1 s12, $0x3  }
0x3f: {  	s21 =	sshll.u32 @!p1 s13, $0x7;
	s19 =	sand.u32 @!p1 $0xFFFFF000, s19;
	s20 =	sand.u32 @!p1 $0xFFFFFC00, s20  }
0x40: {  	s19 =	sadd.s32 @!p1 s19, s20;
	s20 =	sand.u32 @!p1 $0x200, s21  }
0x41: {  	s19 =	sor.u32 @!p1 s20, s19  }
0x42: {  	s19 =	sshrl.u32 @!p1 s19, $0x9  }
0x43: {  	s31 =	sadd.s32 $0xFFFFFFFF, s15;
	s20 =	smulhi.u32 @!p1 $0x4924925, s19  }
0x44: {  	s22 =	sxor.u32 @!p1 $0xFFFFFFFF, s15;
	s23 =	sand.u32 @!p1 $0x78, s12;
	s24 =	smul.u32 @!p1 $0xE00, s14  }
0x45: {  	s22 =	sshll.u32 @!p1 s22, $0xE;
	s21 =	sand.u32 @!p1 $0x180, s21;
	s20 =	smul.u32 @!p1 $0x38, s20  }
0x46: {  	s22 =	sand.u32 @!p1 $0x4000, s22;
	s21 =	sor.u32 @!p1 s23, s21;
	s23 =	sand.u32 @!p1 $0x7, s12  }
0x47: {  	s19 =	ssub.s32 @!p1 s19, s20;
	s20 =	sshrl.u32 @!p1 s21, $0x3;
	s21 =	sadd.s32 @!p1 s6, s24  }
0x48: {  	s19 =	sshll.u32 @!p1 s19, $0x6;
	s20 =	sadd.s32 @!p1 s20, s21;
	s21 =	sshll.u32 @!p1 s23, $0x12  }
0x49: {  	s19 =	sadd.s32 @!p1 s19, s20;
	s20 =	sor.u32 @!p1 $0x80, s21;
	s21 =	simm.s32 @!p1 $0x7000  }
0x4a: {  	[tilespmem:s22], [sflag:$0x1] =	stream.strided.gather @!p1 [hbm4b:s19+s20], $0x4000, s21, s20, $0x38;
	[tilespmem:$0x10100] =	vst v63  }
0x4b: {  	p1 =	sge.u32 s31, s5  }
.Ltmp2:
0x4c: {  	_ = 	snop;
	(pc) =	sbr.rel @p1 .LBB1_5-.Ltmp2, $1  }
0x4d: {  	_ =	sdelay $0x3  }
0x4e: {  	s19 =	simm.s32 $0x1  }
0x4f: {  	_ =	swait.ge [sflag:s4], $0x4000;
	s19 =	simm.s32 @!p0 $0x0  }
0x50: {  	[sflag:s4] =	ssyncset.done $0x0;
	s20 =	sshll.u32 s19, $0xE  }
0x51: {  	[sflag:s4] =	ssyncadd.s32 $0xFFFFC000;
	s20 =	sor.u32 $0x40, s20  }
0x52: {  	s19 =	smul.u32 $0x10200, s19;
	v0 =	vld [tilespmem:s20+$0x30]  }
0x53: {  	v1 =	vld [tilespmem:s20+$0xFFFFFFD0]  }
0x54: {  	s19 =	sshrl.u32 s19, $0x2;
	v5 =	vld [tilespmem:s20+$0xFFFFFFE0]  }
0x55: {  	v6 =	vld [tilespmem:s20+$0xFFFFFFF0];
	s22 =	sor.u32 $0x8000, s19  }
0x56: {  	s31 =	sand.u32 $0x1, s15;
	v4 =	vld [tilespmem:s20+$0x0];
	s21 =	sadd.s32 $0x0, s22  }
0x57: {  	v3 =	vld [tilespmem:s20+$0x10];
	s19 =	smul.u32 $0x10200, s31;
	[tilespmem:s21+$0x3870 ss:$0x81] =	vst.msk $0xffff, v0  }
0x58: {  	v2 =	vld [tilespmem:s20+$0x20];
	[tilespmem:s21+$0x810 ss:$0x81] =	vst.msk $0xffff, v1  }
0x59: {  	s19 =	sshrl.u32 s19, $0x2;
	v1 =	vld [tilespmem:s20+$0xFFFFFFC0];
	[tilespmem:s21+$0x1020 ss:$0x81] =	vst.msk $0xffff, v5;
	s20 =	sadd.s32 $0x80, s20  }
0x5a: {  	s23 =	simm.s32 $0x4;
	s24 =	simm.s32 $0x8;
	s19 =	sor.u32 $0x8000, s19;
	[tilespmem:s21+$0x1830 ss:$0x81] =	vst.msk $0xffff, v6;
	v0 =	vld [tilespmem:s20+$0x30]  }
.LBB1_3:
0x5b: {  	p1 =	sne.s32 s24, $0x1FC;
	v5 =	vld [tilespmem:s20+$0xFFFFFFD0];
	[tilespmem:s21+$0x2040 ss:$0x81] =	vst.msk $0xffff, v4  }
0x5c: {  	v6 =	vld [tilespmem:s20+$0xFFFFFFE0];
	[tilespmem:s21+$0x2850 ss:$0x81] =	vst.msk $0xffff, v3  }
0x5d: {  	s25 =	sshra.s32 s23, $0x2;
	s23 =	smov.u32 s24;
	v7 =	vld [tilespmem:s20+$0xFFFFFFF0];
	[tilespmem:s21+$0x3060 ss:$0x81] =	vst.msk $0xffff, v2  }
.Ltmp3:
0x5e: {  	v4 =	vld [tilespmem:s20+$0x0];
	[tilespmem:s21+$0x0 ss:$0x81] =	vst.msk $0xffff, v1;
	s21 =	sadd.s32 s25, s22;
	(pc) =	sbr.rel @p1 .LBB1_3-.Ltmp3, $4  }
0x5f: {  	v3 =	vld [tilespmem:s20+$0x10];
	[tilespmem:s21+$0x3870 ss:$0x81] =	vst.msk $0xffff, v0  }
0x60: {  	[tilespmem:s21+$0x810 ss:$0x81] =	vst.msk $0xffff, v5;
	v2 =	vld [tilespmem:s20+$0x20]  }
0x61: {  	v1 =	vld [tilespmem:s20+$0xFFFFFFC0];
	[tilespmem:s21+$0x1020 ss:$0x81] =	vst.msk $0xffff, v6;
	s20 =	sadd.s32 $0x80, s20  }
0x62: {  	s24 =	sadd.s32 $0x4, s24;
	v0 =	vld [tilespmem:s20+$0x30];
	[tilespmem:s21+$0x1830 ss:$0x81] =	vst.msk $0xffff, v7  }
.Ltmp4:
0x63: {  	_ = 	snop;
	(pc) =	sbr.rel .LBB1_4-.Ltmp4, $1  }
0x64: {  	_ =	sdelay $0x3  }
.LBB1_6:
0x65: {  	_ =	sfence.sel $0x180000  }
0x66: {  	s2 =	simm.s32 $0x1;
	[bflag:$0x0] =	sbarrier.arrive $0xFFFF  }
0x67: {  	s31 =	simm.s32 $0x2;
	[sflag:s2] =	ssyncpa.u1 $0x1  }
0x68: {  	[sflag:s31] =	ssyncpa.u1 $0x1  }
0x69: {  	p0 =	sne.s32 s0, $0x0;
	_ =	strace $0x9000004A  }
0x6a: {  	s0 =	sadd.s32 @!p0 $0x100000, s1;
	[bflag:$0x2] =	sbarrier.arrive $0xFFFF  }
0x6b: {  	[sflag:s0] =	ssyncadd.tile.s32 @!p0 $0x1;
	_ =	shalt  }
.Lfunc_end1:
_tile_overlayer_lowered:
.L_overlay_start_2:
0x6c: {  	(tag) =	ssettag $0x2  }
0x6d: {  	s0 =	rddreg [dreg:$0x0];
	s2 =	stileid.u32  }
0x6e: {  	s1 =	rddreg [dreg:$0x1];
	p0 =	sne.s32 s2, $0x0  }
0x6f: {  	s3 =	rddreg [dreg:$0x2];
	[bflag:$0x3] =	sbarrier.arrive $0xFFFF;
	s2 =	simm.s32 @!p0 $0x1C01  }
0x70: {  	[timem:s3], [sflag:s2] =	dma.local @!p0 [hbm:s0], s1  }
0x71: {  	s0 =	simm.s32 @!p0 $0x1  }
0x72: {  	_ =	swait.ge @!p0 [sflag:s0], s1  }
0x73: {  	s1 =	ssub.s32 @!p0 $0x0, s1;
	[sflag:s0] =	ssyncset.done @!p0 $0x0  }
0x74: {  	[sflag:s0] =	ssyncadd.s32 @!p0 s1  }
0x75: {  	[bflag:$0x3] =	sbarrier.arrive $0xFFFF  }
0x76: {  	_ =	shalt  }

</sc_bundles>
